<compile_context>
chip_gen: v7x
topology: tpu7x:2x2x1
jax: 0.10.2.dev20260603
libtpu: 0.0.44.dev20260713+nightly
codegen_flags: <defaults>
</compile_context>

<pallas_src>
import functools

import jax
import jax.numpy as jnp
from jax import lax
from jax.experimental import pallas as pl
from jax.experimental.pallas import tpu as pltpu
from jax.experimental.pallas import tpu_sc as plsc

N = 10000
E = 320000
D_IN = 128
HID = 256
HALF = 128
NCLS = 64

C = 128
NT = 16
NSC = 2
NPAD = 10240
ROWS_PT = NPAD // NT
DEGW = 128
E_PAD = 327680
BUF_CH = 40

_mesh = plsc.VectorSubcoreMesh(core_axis_name="c", subcore_axis_name="s")


_DEG_NCH = E_PAD // (NSC * NT * C)


@functools.partial(
    pl.kernel,
    out_type=jax.ShapeDtypeStruct((NSC * NPAD, DEGW), jnp.float32),
    mesh=_mesh,
    scratch_types=[
        pltpu.VMEM_SHARED((NPAD, DEGW), jnp.float32),
        pltpu.VMEM((_DEG_NCH, C), jnp.int32),
        pltpu.VMEM((C, DEGW), jnp.float32),
        pltpu.SemaphoreType.DMA,
    ],
)
def _deg_kernel(dst3d, ones, zeros, deg_out, deg_sh, dstb, ones_v, sem):
    cid = lax.axis_index("c")
    sid = lax.axis_index("s")
    wid = cid * NT + sid
    rs = pl.ds(sid * ROWS_PT, ROWS_PT)
    pltpu.sync_copy(zeros, deg_sh.at[rs])
    pltpu.sync_copy(ones, ones_v)
    pltpu.sync_copy(dst3d.at[wid], dstb)
    plsc.subcore_barrier()

    G = 8

    def body(g, carry):
        for t in range(G):
            pltpu.async_copy(ones_v, deg_sh.at[dstb.at[g * G + t]], sem,
                             add=True)
        for t in range(G):
            pltpu.make_async_copy(ones_v, deg_sh.at[dstb.at[g * G + t]],
                                  sem).wait()
        return carry

    lax.fori_loop(0, _DEG_NCH // G, body, 0)
    plsc.subcore_barrier()
    pltpu.sync_copy(deg_sh.at[rs],
                    deg_out.at[pl.ds(cid * NPAD + sid * ROWS_PT, ROWS_PT)])


def _make_scatter(width, split_edges, acc_rows=NPAD):
    nch = E_PAD // (NT * C) // (NSC if split_edges else 1)
    rounds = nch // BUF_CH if nch > BUF_CH else 1
    buf_ch = nch // rounds
    npairs = buf_ch // 2
    rows_pt = acc_rows // NT

    @functools.partial(
        pl.kernel,
        out_type=[jax.ShapeDtypeStruct((acc_rows, width), jnp.float32),
                  jax.ShapeDtypeStruct((acc_rows, width), jnp.float32)],
        mesh=_mesh,
        scratch_types=[
            pltpu.VMEM_SHARED((acc_rows, width), jnp.float32),
            pltpu.VMEM((buf_ch, C), jnp.int32),
            pltpu.VMEM((buf_ch, C), jnp.int32),
            pltpu.VMEM((C, width), jnp.float32),
            pltpu.VMEM((C, width), jnp.float32),
            pltpu.SemaphoreType.DMA,
            pltpu.SemaphoreType.DMA,
        ],
    )
    def k(src3d, dst3d, tabA, tabB, zeros, outA, outB,
          acc_sh, srcb, dstb, rv0, rv1, sem0, sem1):
        cid = lax.axis_index("c")
        sid = lax.axis_index("s")
        if split_edges:
            tile0 = cid * NT + sid
        else:
            tile0 = sid
        rs = pl.ds(sid * rows_pt, rows_pt)
        pltpu.sync_copy(zeros, acc_sh.at[rs])
        plsc.subcore_barrier()

        def run(tab):
            for r in range(rounds):
                pltpu.sync_copy(src3d.at[tile0, pl.ds(r * buf_ch, buf_ch)], srcb)
                pltpu.sync_copy(dst3d.at[tile0, pl.ds(r * buf_ch, buf_ch)], dstb)
                pltpu.async_copy(tab.at[srcb.at[0]], rv0, sem0)

                def body(k_, carry):
                    j0 = 2 * k_
                    pltpu.async_copy(tab.at[srcb.at[j0 + 1]], rv1, sem1)
                    pltpu.make_async_copy(tab.at[srcb.at[j0]], rv0, sem0).wait()
                    pltpu.sync_copy(rv0, acc_sh.at[dstb.at[j0]], add=True)

                    @pl.when(k_ < npairs - 1)
                    def _():
                        pltpu.async_copy(tab.at[srcb.at[j0 + 2]], rv0, sem0)

                    pltpu.make_async_copy(tab.at[srcb.at[j0 + 1]], rv1, sem1).wait()
                    pltpu.sync_copy(rv1, acc_sh.at[dstb.at[j0 + 1]], add=True)
                    return carry

                lax.fori_loop(0, npairs, body, 0)

        @pl.when(cid == 0)
        def _():
            run(tabA)

        @pl.when(cid == 1)
        def _():
            run(tabB)

        plsc.subcore_barrier()

        @pl.when(cid == 0)
        def _():
            pltpu.sync_copy(acc_sh.at[rs], outA.at[rs])

        @pl.when(cid == 1)
        def _():
            pltpu.sync_copy(acc_sh.at[rs], outB.at[rs])

    return k


_scatter_h = _make_scatter(HALF, split_edges=False)
_scatter_o = _make_scatter(HALF, split_edges=True, acc_rows=NPAD // 2)


def _mm1_body(x_ref, w_ref, dA, dB, lo_ref, hi_ref, isd_ref):
    deg = dA[...][:, 0] + dB[...][:, 0]
    isd = lax.rsqrt(jnp.maximum(deg, 1.0))
    isd_ref[...] = jnp.broadcast_to(isd[:, None], isd_ref.shape)
    s = jnp.dot(x_ref[...] * isd[:, None], w_ref[...],
                preferred_element_type=jnp.float32,
                precision=lax.Precision.HIGHEST)
    lo_ref[...] = s[:, :HALF]
    hi_ref[...] = s[:, HALF:]


def _mm2_body(lo_ref, hi_ref, isd8, b1_ref, w2_ref, out_ref):
    isd = isd8[...][:, :1]
    b = b1_ref[...]
    h_lo = jnp.maximum(lo_ref[...] * isd + b[:, :HALF], 0.0) * isd
    h_hi = jnp.maximum(hi_ref[...] * isd + b[:, HALF:], 0.0) * isd
    w2 = w2_ref[...]
    s2 = (jnp.dot(h_lo, w2[:HALF], preferred_element_type=jnp.float32,
                  precision=lax.Precision.HIGHEST)
          + jnp.dot(h_hi, w2[HALF:], preferred_element_type=jnp.float32,
                    precision=lax.Precision.HIGHEST))
    z = jnp.zeros_like(s2)
    top = jnp.concatenate([s2, z], axis=1)
    bot = jnp.concatenate([z, s2], axis=1)
    out_ref[...] = jnp.stack([top, bot], axis=1).reshape(2 * s2.shape[0], HALF)


def _ls64(t):
    m = jnp.max(t, axis=1, keepdims=True)
    y = t - m
    return y - jnp.log(jnp.sum(jnp.exp(y), axis=1, keepdims=True))


def _out_body(aA, aB, ipk_ref, b2_ref, o_ref):
    o = (aA[...] + aB[...]) * ipk_ref[...] + b2_ref[...]
    o_ref[...] = jnp.concatenate([_ls64(o[:, :NCLS]), _ls64(o[:, NCLS:])],
                                 axis=1)


_R = 2048


def _row_spec(w):
    return pl.BlockSpec((_R, w), lambda i: (i, 0))


def _full_spec(a, b):
    return pl.BlockSpec((a, b), lambda i: (0, 0))


def kernel(x, adj, W1, b1, W2, b2):
    src = adj[0].astype(jnp.int32)
    dst = adj[1].astype(jnp.int32)
    pad = N + jnp.arange(E_PAD - E, dtype=jnp.int32) % (NPAD - N)
    src_p = jnp.concatenate([src, pad])
    dst_p = jnp.concatenate([dst, pad])
    src3d_16 = src_p.reshape(NT, E_PAD // (NT * C), C)
    dst3d_16 = dst_p.reshape(NT, E_PAD // (NT * C), C)
    src3d_32 = src_p.reshape(NSC * NT, _DEG_NCH, C)
    dst3d_32 = dst_p.reshape(NSC * NT, _DEG_NCH, C)
    ones128 = jnp.ones((C, DEGW), jnp.float32)
    zer128 = jnp.zeros((ROWS_PT, HALF), jnp.float32)

    deg2 = _deg_kernel(dst3d_32, ones128, zer128)

    grid = (NPAD // _R,)
    s_lo, s_hi, isd8 = pl.pallas_call(
        _mm1_body,
        grid=grid,
        in_specs=[_row_spec(D_IN), _full_spec(D_IN, HID),
                  pl.BlockSpec((_R, DEGW), lambda i: (i, 0)),
                  pl.BlockSpec((_R, DEGW), lambda i: (i + NPAD // _R, 0))],
        out_specs=[_row_spec(HALF), _row_spec(HALF), _row_spec(8)],
        out_shape=[jax.ShapeDtypeStruct((NPAD, HALF), jnp.float32),
                   jax.ShapeDtypeStruct((NPAD, HALF), jnp.float32),
                   jax.ShapeDtypeStruct((NPAD, 8), jnp.float32)],
    )(x, W1, deg2, deg2)

    acc_lo, acc_hi = _scatter_h(src3d_16, dst3d_16, s_lo, s_hi, zer128)

    s2d = pl.pallas_call(
        _mm2_body,
        grid=grid,
        in_specs=[_row_spec(HALF), _row_spec(HALF), _row_spec(8),
                  _full_spec(1, HID), _full_spec(HID, NCLS)],
        out_specs=pl.BlockSpec((2 * _R, HALF), lambda i: (i, 0)),
        out_shape=jax.ShapeDtypeStruct((2 * NPAD, HALF), jnp.float32),
    )(acc_lo, acc_hi, isd8, b1.reshape(1, HID), W2)

    srcD = (src_p * 2 + (dst_p & 1)).reshape(NSC * NT, _DEG_NCH, C)
    dstD = (dst_p >> 1).reshape(NSC * NT, _DEG_NCH, C)
    zer320 = jnp.zeros((NPAD // 2 // NT, HALF), jnp.float32)
    acc2A, acc2B = _scatter_o(srcD, dstD, s2d, s2d, zer320)

    isd_pk = jnp.repeat(isd8[:, 0], NCLS).reshape(NPAD // 2, HALF)
    b2pk = jnp.concatenate([b2, b2]).reshape(1, HALF)
    out_pk = pl.pallas_call(
        _out_body,
        grid=grid,
        in_specs=[pl.BlockSpec((_R // 2, HALF), lambda i: (i, 0)),
                  pl.BlockSpec((_R // 2, HALF), lambda i: (i, 0)),
                  pl.BlockSpec((_R // 2, HALF), lambda i: (i, 0)),
                  _full_spec(1, HALF)],
        out_specs=pl.BlockSpec((_R // 2, HALF), lambda i: (i, 0)),
        out_shape=jax.ShapeDtypeStruct((N // 2, HALF), jnp.float32),
    )(acc2A, acc2B, isd_pk, b2pk)
    return out_pk.reshape(N, NCLS)

# --- scband reference (transcript-rebuilt; emitter-appended) ---
"""Pipeline reference for scband-gcnlayer-58171037057806 (READ-ONLY COPY).

The authoritative reference and input builder live on the scoring server;
editing this copy changes nothing except your own understanding.
"""

import jax, jax.numpy as jnp
import numpy as np

N = 10000
E = 320000
D_IN = 128
HIDDEN = 256
N_CLASSES = 64


def setup_inputs(seed: int = 0) -> dict:
    key = jax.random.key(seed)
    k1, k2, k3, k4 = jax.random.split(key, 4)
    x = jax.random.normal(k1, (N, D_IN), dtype=jnp.float32)
    adj = jax.random.randint(k2, (2, E), 0, N, dtype=jnp.int64)
    W1 = jax.random.normal(k3, (D_IN, HIDDEN), dtype=jnp.float32) * (1.0 / np.sqrt(D_IN))
    b1 = jnp.zeros((HIDDEN,), dtype=jnp.float32)
    W2 = jax.random.normal(k4, (HIDDEN, N_CLASSES), dtype=jnp.float32) * (1.0 / np.sqrt(HIDDEN))
    b2 = jnp.zeros((N_CLASSES,), dtype=jnp.float32)
    return {"x": x, "adj": adj, "W1": W1, "b1": b1, "W2": W2, "b2": b2}


def _gcn_conv(x, W, b, src, dst, n_nodes):
    # GraphConvolution: out = A_norm @ (x @ W) + b, realized as gather/scatter-add
    deg = jnp.bincount(dst, length=n_nodes).astype(jnp.float32)
    deg = jnp.clip(deg, 1.0, None)
    inv_sqrt_deg = jax.lax.rsqrt(deg)
    norm = inv_sqrt_deg[src] * inv_sqrt_deg[dst]  # symmetric GCN normalization
    support = x @ W
    msgs = jnp.take(support, src, axis=0) * norm[:, None]
    out = jnp.zeros((n_nodes, W.shape[1]), dtype=x.dtype).at[dst].add(msgs)
    return out + b


def reference(x, adj, W1, b1, W2, b2):
    src = adj[0]
    dst = adj[1]
    h = jax.nn.relu(_gcn_conv(x, W1, b1, src, dst, N))
    # F.dropout with training=False is identity (inference mode)
    o = _gcn_conv(h, W2, b2, src, dst, N)
    return jax.nn.log_softmax(o, axis=1)

if __name__ == "__main__":
    import jax
    _d = setup_inputs()
    print(jax.jit(kernel)(*tuple(_d.values())))

</pallas_src>

<mosaic_0001>
#map = affine_map<(d0, d1) -> (0, 0, 0)>
#map1 = affine_map<(d0, d1) -> (0, 0)>
module attributes {stable_mosaic.version = 14 : i64} {
  func.func @k(%arg0: i32, %arg1: i32, %arg2: memref<32x80x128xi32, #tpu.memory_space<hbm>>, %arg3: memref<32x80x128xi32, #tpu.memory_space<hbm>>, %arg4: memref<20480x128xf32, #tpu.memory_space<hbm>>, %arg5: memref<20480x128xf32, #tpu.memory_space<hbm>>, %arg6: memref<320x128xf32, #tpu.memory_space<hbm>>, %arg7: memref<5120x128xf32, #tpu.memory_space<hbm>>, %arg8: memref<5120x128xf32, #tpu.memory_space<hbm>>, %arg9: memref<5120x128xf32, #tpu.memory_space<vmem_shared>>, %arg10: memref<40x128xi32, #tpu.memory_space<vmem>>, %arg11: memref<40x128xi32, #tpu.memory_space<vmem>>, %arg12: memref<128x128xf32, #tpu.memory_space<vmem>>, %arg13: memref<128x128xf32, #tpu.memory_space<vmem>>, %arg14: memref<!tpu.dma_semaphore, #tpu.memory_space<semaphore_mem>>, %arg15: memref<!tpu.dma_semaphore, #tpu.memory_space<semaphore_mem>>) attributes {dimension_semantics = [#tpu.dimension_semantics<core_parallel>, #tpu.dimension_semantics<subcore_parallel>], iteration_bounds = array<i64: 2, 16>, scalar_prefetch = 0 : i64, scratch_operands = 7 : i64, tpu.core_type = #tpu.core_type<sc_vector_subcore>, window_params = [{transform_indices = #map}, {transform_indices = #map}, {transform_indices = #map1}, {transform_indices = #map1}, {transform_indices = #map1}, {transform_indices = #map1}, {transform_indices = #map1}]} {
    %mul3A = arith.constant 16 : i32
    %mul3A_0 = arith.muli %arg0, %mul3A : i32
    %add3A = arith.addi %mul3A_0, %arg1 : i32
    %mul3A_1 = arith.constant 320 : i32
    %mul3A_2 = arith.muli %arg1, %mul3A_1 : i32
    "tpu.region"() ({
      %run_scoped3A = tpu.sem_alloc : memref<!tpu.dma_semaphore, #tpu.memory_space<semaphore_mem>>
      %dma_start3A = arith.constant 0 : i32
      %dma_start3A_21 = tpu.memref_slice %arg9[%mul3A_2, %dma_start3A] : memref<5120x128xf32, #tpu.memory_space<vmem_shared>> -> memref<320x128xf32, #tpu.memory_space<vmem_shared>>
      tpu.enqueue_dma source(%arg6 : memref<320x128xf32, #tpu.memory_space<hbm>>) target(%dma_start3A_21 : memref<320x128xf32, #tpu.memory_space<vmem_shared>>) target_semaphore(%run_scoped3A : memref<!tpu.dma_semaphore, #tpu.memory_space<semaphore_mem>>)
      %dma_wait3A = arith.constant 0 : i32
      %dma_wait3A_22 = tpu.memref_slice %arg9[%mul3A_2, %dma_wait3A] : memref<5120x128xf32, #tpu.memory_space<vmem_shared>> -> memref<320x128xf32, #tpu.memory_space<vmem_shared>>
      tpu.wait_dma2 semaphore(%run_scoped3A : memref<!tpu.dma_semaphore, #tpu.memory_space<semaphore_mem>>) src(%arg6 : memref<320x128xf32, #tpu.memory_space<hbm>>) dst(%dma_wait3A_22 : memref<320x128xf32, #tpu.memory_space<vmem_shared>>)
      tpu.yield
    }) : () -> ()
    %barrier3A = arith.constant 0 : index
    tpu.barrier barrier_id(%barrier3A)
    %eq3A = arith.constant 0 : i32
    %eq3A_3 = arith.cmpi eq, %arg0, %eq3A : i32
    %convert_element_type3A = arith.extui %eq3A_3 : i1 to i32
    %cond3A = arith.constant 0 : i32
    %cond3A_4 = arith.cmpi ne, %convert_element_type3A, %cond3A : i32
    scf.if %cond3A_4 {
      "tpu.region"() ({
        %run_scoped3A = tpu.sem_alloc : memref<!tpu.dma_semaphore, #tpu.memory_space<semaphore_mem>>
        %dma_start3A_45 = arith.constant 0 : i32
        %dma_start3A_46 = arith.constant 0 : i32
        %dma_start3A_47 = tpu.memref_slice %arg2[%add3A, %dma_start3A_45, %dma_start3A_46] : memref<32x80x128xi32, #tpu.memory_space<hbm>> -> memref<1x40x128xi32, #tpu.memory_space<hbm>>
        %dma_start3A_48 = tpu.memref_squeeze %dma_start3A_47 : memref<1x40x128xi32, #tpu.memory_space<hbm>> -> memref<40x128xi32, #tpu.memory_space<hbm>>
        %dma_start3A_49 = arith.constant 0 : i32
        %dma_start3A_50 = arith.constant 0 : i32
        %dma_start3A_51 = tpu.memref_slice %arg2[%add3A, %dma_start3A_49, %dma_start3A_50] : memref<32x80x128xi32, #tpu.memory_space<hbm>> -> memref<1x40x128xi32, #tpu.memory_space<hbm>>
        %dma_start3A_52 = tpu.memref_squeeze %dma_start3A_51 : memref<1x40x128xi32, #tpu.memory_space<hbm>> -> memref<40x128xi32, #tpu.memory_space<hbm>>
        tpu.enqueue_dma source(%dma_start3A_52 : memref<40x128xi32, #tpu.memory_space<hbm>>) target(%arg10 : memref<40x128xi32, #tpu.memory_space<vmem>>) target_semaphore(%run_scoped3A : memref<!tpu.dma_semaphore, #tpu.memory_space<semaphore_mem>>)
        %dma_wait3A = arith.constant 0 : i32
        %dma_wait3A_53 = arith.constant 0 : i32
        %dma_wait3A_54 = tpu.memref_slice %arg2[%add3A, %dma_wait3A, %dma_wait3A_53] : memref<32x80x128xi32, #tpu.memory_space<hbm>> -> memref<1x40x128xi32, #tpu.memory_space<hbm>>
        %dma_wait3A_55 = tpu.memref_squeeze %dma_wait3A_54 : memref<1x40x128xi32, #tpu.memory_space<hbm>> -> memref<40x128xi32, #tpu.memory_space<hbm>>
        %dma_wait3A_56 = arith.constant 0 : i32
        %dma_wait3A_57 = arith.constant 0 : i32
        %dma_wait3A_58 = tpu.memref_slice %arg2[%add3A, %dma_wait3A_56, %dma_wait3A_57] : memref<32x80x128xi32, #tpu.memory_space<hbm>> -> memref<1x40x128xi32, #tpu.memory_space<hbm>>
        %dma_wait3A_59 = tpu.memref_squeeze %dma_wait3A_58 : memref<1x40x128xi32, #tpu.memory_space<hbm>> -> memref<40x128xi32, #tpu.memory_space<hbm>>
        tpu.wait_dma2 semaphore(%run_scoped3A : memref<!tpu.dma_semaphore, #tpu.memory_space<semaphore_mem>>) src(%dma_wait3A_59 : memref<40x128xi32, #tpu.memory_space<hbm>>) dst(%arg10 : memref<40x128xi32, #tpu.memory_space<vmem>>)
        tpu.yield
      }) : () -> ()
      "tpu.region"() ({
        %run_scoped3A = tpu.sem_alloc : memref<!tpu.dma_semaphore, #tpu.memory_space<semaphore_mem>>
        %dma_start3A_45 = arith.constant 0 : i32
        %dma_start3A_46 = arith.constant 0 : i32
        %dma_start3A_47 = tpu.memref_slice %arg3[%add3A, %dma_start3A_45, %dma_start3A_46] : memref<32x80x128xi32, #tpu.memory_space<hbm>> -> memref<1x40x128xi32, #tpu.memory_space<hbm>>
        %dma_start3A_48 = tpu.memref_squeeze %dma_start3A_47 : memref<1x40x128xi32, #tpu.memory_space<hbm>> -> memref<40x128xi32, #tpu.memory_space<hbm>>
        %dma_start3A_49 = arith.constant 0 : i32
        %dma_start3A_50 = arith.constant 0 : i32
        %dma_start3A_51 = tpu.memref_slice %arg3[%add3A, %dma_start3A_49, %dma_start3A_50] : memref<32x80x128xi32, #tpu.memory_space<hbm>> -> memref<1x40x128xi32, #tpu.memory_space<hbm>>
        %dma_start3A_52 = tpu.memref_squeeze %dma_start3A_51 : memref<1x40x128xi32, #tpu.memory_space<hbm>> -> memref<40x128xi32, #tpu.memory_space<hbm>>
        tpu.enqueue_dma source(%dma_start3A_52 : memref<40x128xi32, #tpu.memory_space<hbm>>) target(%arg11 : memref<40x128xi32, #tpu.memory_space<vmem>>) target_semaphore(%run_scoped3A : memref<!tpu.dma_semaphore, #tpu.memory_space<semaphore_mem>>)
        %dma_wait3A = arith.constant 0 : i32
        %dma_wait3A_53 = arith.constant 0 : i32
        %dma_wait3A_54 = tpu.memref_slice %arg3[%add3A, %dma_wait3A, %dma_wait3A_53] : memref<32x80x128xi32, #tpu.memory_space<hbm>> -> memref<1x40x128xi32, #tpu.memory_space<hbm>>
        %dma_wait3A_55 = tpu.memref_squeeze %dma_wait3A_54 : memref<1x40x128xi32, #tpu.memory_space<hbm>> -> memref<40x128xi32, #tpu.memory_space<hbm>>
        %dma_wait3A_56 = arith.constant 0 : i32
        %dma_wait3A_57 = arith.constant 0 : i32
        %dma_wait3A_58 = tpu.memref_slice %arg3[%add3A, %dma_wait3A_56, %dma_wait3A_57] : memref<32x80x128xi32, #tpu.memory_space<hbm>> -> memref<1x40x128xi32, #tpu.memory_space<hbm>>
        %dma_wait3A_59 = tpu.memref_squeeze %dma_wait3A_58 : memref<1x40x128xi32, #tpu.memory_space<hbm>> -> memref<40x128xi32, #tpu.memory_space<hbm>>
        tpu.wait_dma2 semaphore(%run_scoped3A : memref<!tpu.dma_semaphore, #tpu.memory_space<semaphore_mem>>) src(%dma_wait3A_59 : memref<40x128xi32, #tpu.memory_space<hbm>>) dst(%arg11 : memref<40x128xi32, #tpu.memory_space<vmem>>)
        tpu.yield
      }) : () -> ()
      %dma_start3A = arith.constant 0 : i32
      %dma_start3A_21 = arith.constant 0 : i32
      %dma_start3A_22 = tpu.memref_slice %arg10[%dma_start3A, %dma_start3A_21] : memref<40x128xi32, #tpu.memory_space<vmem>> -> memref<1x128xi32, #tpu.memory_space<vmem>>
      %dma_start3A_23 = tpu.memref_squeeze %dma_start3A_22 : memref<1x128xi32, #tpu.memory_space<vmem>> -> memref<128xi32, #tpu.memory_space<vmem>>
      %dma_start3A_24 = arith.constant 0 : i32
      %dma_start3A_25 = arith.constant 0 : i32
      %dma_start3A_26 = tpu.memref_slice %arg4[%dma_start3A_24, %dma_start3A_25] : memref<20480x128xf32, #tpu.memory_space<hbm>> -> memref<20480x128xf32, #tpu.memory_space<hbm>>
      tpu.enqueue_indirect_dma source(%dma_start3A_26 : memref<20480x128xf32, #tpu.memory_space<hbm>>) target(%arg12 : memref<128x128xf32, #tpu.memory_space<vmem>>) offsets(%dma_start3A_23 : memref<128xi32, #tpu.memory_space<vmem>>) semaphore(%arg14 : memref<!tpu.dma_semaphore, #tpu.memory_space<semaphore_mem>>)
      %scan3A = arith.constant 0 : i32
      %scan3A_27 = arith.constant 0 : i32
      %scan3A_28 = arith.constant 20 : i32
      %scan3A_29 = arith.addi %scan3A_27, %scan3A_28 : i32
      %scan3A_30 = arith.constant 1 : i32
      scf.for %scan3A_45 = %scan3A_27 to %scan3A_29 step %scan3A_30  : i32 {
        %mul3A_46 = arith.constant 2 : i32
        %mul3A_47 = arith.muli %mul3A_46, %scan3A_45 : i32
        %add3A_48 = arith.constant 1 : i32
        %add3A_49 = arith.addi %mul3A_47, %add3A_48 : i32
        %dma_start3A_50 = arith.constant 0 : i32
        %dma_start3A_51 = tpu.memref_slice %arg10[%add3A_49, %dma_start3A_50] : memref<40x128xi32, #tpu.memory_space<vmem>> -> memref<1x128xi32, #tpu.memory_space<vmem>>
        %dma_start3A_52 = tpu.memref_squeeze %dma_start3A_51 : memref<1x128xi32, #tpu.memory_space<vmem>> -> memref<128xi32, #tpu.memory_space<vmem>>
        %dma_start3A_53 = arith.constant 0 : i32
        %dma_start3A_54 = arith.constant 0 : i32
        %dma_start3A_55 = tpu.memref_slice %arg4[%dma_start3A_53, %dma_start3A_54] : memref<20480x128xf32, #tpu.memory_space<hbm>> -> memref<20480x128xf32, #tpu.memory_space<hbm>>
        tpu.enqueue_indirect_dma source(%dma_start3A_55 : memref<20480x128xf32, #tpu.memory_space<hbm>>) target(%arg13 : memref<128x128xf32, #tpu.memory_space<vmem>>) offsets(%dma_start3A_52 : memref<128xi32, #tpu.memory_space<vmem>>) semaphore(%arg15 : memref<!tpu.dma_semaphore, #tpu.memory_space<semaphore_mem>>)
        %dma_wait3A = arith.constant 0 : i32
        %dma_wait3A_56 = tpu.memref_slice %arg10[%mul3A_47, %dma_wait3A] : memref<40x128xi32, #tpu.memory_space<vmem>> -> memref<1x128xi32, #tpu.memory_space<vmem>>
        %dma_wait3A_57 = tpu.memref_squeeze %dma_wait3A_56 : memref<1x128xi32, #tpu.memory_space<vmem>> -> memref<128xi32, #tpu.memory_space<vmem>>
        %dma_wait3A_58 = arith.constant 0 : i32
        %dma_wait3A_59 = arith.constant 0 : i32
        %dma_wait3A_60 = tpu.memref_slice %arg4[%dma_wait3A_58, %dma_wait3A_59] : memref<20480x128xf32, #tpu.memory_space<hbm>> -> memref<20480x128xf32, #tpu.memory_space<hbm>>
        tpu.wait_indirect_dma semaphore(%arg14 : memref<!tpu.dma_semaphore, #tpu.memory_space<semaphore_mem>>) src(%dma_wait3A_60 : memref<20480x128xf32, #tpu.memory_space<hbm>>) dst(%arg12 : memref<128x128xf32, #tpu.memory_space<vmem>>)
        "tpu.region"() ({
          %run_scoped3A = tpu.sem_alloc : memref<!tpu.dma_semaphore, #tpu.memory_space<semaphore_mem>>
          %dma_start3A_75 = arith.constant 0 : i32
          %dma_start3A_76 = tpu.memref_slice %arg11[%mul3A_47, %dma_start3A_75] : memref<40x128xi32, #tpu.memory_space<vmem>> -> memref<1x128xi32, #tpu.memory_space<vmem>>
          %dma_start3A_77 = tpu.memref_squeeze %dma_start3A_76 : memref<1x128xi32, #tpu.memory_space<vmem>> -> memref<128xi32, #tpu.memory_space<vmem>>
          %dma_start3A_78 = arith.constant 0 : i32
          %dma_start3A_79 = arith.constant 0 : i32
          %dma_start3A_80 = tpu.memref_slice %arg9[%dma_start3A_78, %dma_start3A_79] : memref<5120x128xf32, #tpu.memory_space<vmem_shared>> -> memref<5120x128xf32, #tpu.memory_space<vmem_shared>>
          tpu.enqueue_indirect_dma source(%arg12 : memref<128x128xf32, #tpu.memory_space<vmem>>) target(%dma_start3A_80 : memref<5120x128xf32, #tpu.memory_space<vmem_shared>>) offsets(%dma_start3A_77 : memref<128xi32, #tpu.memory_space<vmem>>) semaphore(%run_scoped3A : memref<!tpu.dma_semaphore, #tpu.memory_space<semaphore_mem>>) {add = true}
          %dma_wait3A_81 = arith.constant 0 : i32
          %dma_wait3A_82 = tpu.memref_slice %arg11[%mul3A_47, %dma_wait3A_81] : memref<40x128xi32, #tpu.memory_space<vmem>> -> memref<1x128xi32, #tpu.memory_space<vmem>>
          %dma_wait3A_83 = tpu.memref_squeeze %dma_wait3A_82 : memref<1x128xi32, #tpu.memory_space<vmem>> -> memref<128xi32, #tpu.memory_space<vmem>>
          %dma_wait3A_84 = arith.constant 0 : i32
          %dma_wait3A_85 = arith.constant 0 : i32
          %dma_wait3A_86 = tpu.memref_slice %arg9[%dma_wait3A_84, %dma_wait3A_85] : memref<5120x128xf32, #tpu.memory_space<vmem_shared>> -> memref<5120x128xf32, #tpu.memory_space<vmem_shared>>
          tpu.wait_indirect_dma semaphore(%run_scoped3A : memref<!tpu.dma_semaphore, #tpu.memory_space<semaphore_mem>>) src(%arg12 : memref<128x128xf32, #tpu.memory_space<vmem>>) dst(%dma_wait3A_86 : memref<5120x128xf32, #tpu.memory_space<vmem_shared>>)
          tpu.yield
        }) : () -> ()
        %lt3A = arith.constant 19 : i32
        %lt3A_61 = arith.cmpi slt, %scan3A_45, %lt3A : i32
        %convert_element_type3A_62 = arith.extui %lt3A_61 : i1 to i32
        %cond3A_63 = arith.constant 0 : i32
        %cond3A_64 = arith.cmpi ne, %convert_element_type3A_62, %cond3A_63 : i32
        scf.if %cond3A_64 {
          %add3A_75 = arith.constant 2 : i32
          %add3A_76 = arith.addi %mul3A_47, %add3A_75 : i32
          %dma_start3A_77 = arith.constant 0 : i32
          %dma_start3A_78 = tpu.memref_slice %arg10[%add3A_76, %dma_start3A_77] : memref<40x128xi32, #tpu.memory_space<vmem>> -> memref<1x128xi32, #tpu.memory_space<vmem>>
          %dma_start3A_79 = tpu.memref_squeeze %dma_start3A_78 : memref<1x128xi32, #tpu.memory_space<vmem>> -> memref<128xi32, #tpu.memory_space<vmem>>
          %dma_start3A_80 = arith.constant 0 : i32
          %dma_start3A_81 = arith.constant 0 : i32
          %dma_start3A_82 = tpu.memref_slice %arg4[%dma_start3A_80, %dma_start3A_81] : memref<20480x128xf32, #tpu.memory_space<hbm>> -> memref<20480x128xf32, #tpu.memory_space<hbm>>
          tpu.enqueue_indirect_dma source(%dma_start3A_82 : memref<20480x128xf32, #tpu.memory_space<hbm>>) target(%arg12 : memref<128x128xf32, #tpu.memory_space<vmem>>) offsets(%dma_start3A_79 : memref<128xi32, #tpu.memory_space<vmem>>) semaphore(%arg14 : memref<!tpu.dma_semaphore, #tpu.memory_space<semaphore_mem>>)
        } else {
        }
        %add3A_65 = arith.constant 1 : i32
        %add3A_66 = arith.addi %mul3A_47, %add3A_65 : i32
        %dma_wait3A_67 = arith.constant 0 : i32
        %dma_wait3A_68 = tpu.memref_slice %arg10[%add3A_66, %dma_wait3A_67] : memref<40x128xi32, #tpu.memory_space<vmem>> -> memref<1x128xi32, #tpu.memory_space<vmem>>
        %dma_wait3A_69 = tpu.memref_squeeze %dma_wait3A_68 : memref<1x128xi32, #tpu.memory_space<vmem>> -> memref<128xi32, #tpu.memory_space<vmem>>
        %dma_wait3A_70 = arith.constant 0 : i32
        %dma_wait3A_71 = arith.constant 0 : i32
        %dma_wait3A_72 = tpu.memref_slice %arg4[%dma_wait3A_70, %dma_wait3A_71] : memref<20480x128xf32, #tpu.memory_space<hbm>> -> memref<20480x128xf32, #tpu.memory_space<hbm>>
        tpu.wait_indirect_dma semaphore(%arg15 : memref<!tpu.dma_semaphore, #tpu.memory_space<semaphore_mem>>) src(%dma_wait3A_72 : memref<20480x128xf32, #tpu.memory_space<hbm>>) dst(%arg13 : memref<128x128xf32, #tpu.memory_space<vmem>>)
        %add3A_73 = arith.constant 1 : i32
        %add3A_74 = arith.addi %mul3A_47, %add3A_73 : i32
        "tpu.region"() ({
          %run_scoped3A = tpu.sem_alloc : memref<!tpu.dma_semaphore, #tpu.memory_space<semaphore_mem>>
          %dma_start3A_75 = arith.constant 0 : i32
          %dma_start3A_76 = tpu.memref_slice %arg11[%add3A_74, %dma_start3A_75] : memref<40x128xi32, #tpu.memory_space<vmem>> -> memref<1x128xi32, #tpu.memory_space<vmem>>
          %dma_start3A_77 = tpu.memref_squeeze %dma_start3A_76 : memref<1x128xi32, #tpu.memory_space<vmem>> -> memref<128xi32, #tpu.memory_space<vmem>>
          %dma_start3A_78 = arith.constant 0 : i32
          %dma_start3A_79 = arith.constant 0 : i32
          %dma_start3A_80 = tpu.memref_slice %arg9[%dma_start3A_78, %dma_start3A_79] : memref<5120x128xf32, #tpu.memory_space<vmem_shared>> -> memref<5120x128xf32, #tpu.memory_space<vmem_shared>>
          tpu.enqueue_indirect_dma source(%arg13 : memref<128x128xf32, #tpu.memory_space<vmem>>) target(%dma_start3A_80 : memref<5120x128xf32, #tpu.memory_space<vmem_shared>>) offsets(%dma_start3A_77 : memref<128xi32, #tpu.memory_space<vmem>>) semaphore(%run_scoped3A : memref<!tpu.dma_semaphore, #tpu.memory_space<semaphore_mem>>) {add = true}
          %dma_wait3A_81 = arith.constant 0 : i32
          %dma_wait3A_82 = tpu.memref_slice %arg11[%add3A_74, %dma_wait3A_81] : memref<40x128xi32, #tpu.memory_space<vmem>> -> memref<1x128xi32, #tpu.memory_space<vmem>>
          %dma_wait3A_83 = tpu.memref_squeeze %dma_wait3A_82 : memref<1x128xi32, #tpu.memory_space<vmem>> -> memref<128xi32, #tpu.memory_space<vmem>>
          %dma_wait3A_84 = arith.constant 0 : i32
          %dma_wait3A_85 = arith.constant 0 : i32
          %dma_wait3A_86 = tpu.memref_slice %arg9[%dma_wait3A_84, %dma_wait3A_85] : memref<5120x128xf32, #tpu.memory_space<vmem_shared>> -> memref<5120x128xf32, #tpu.memory_space<vmem_shared>>
          tpu.wait_indirect_dma semaphore(%run_scoped3A : memref<!tpu.dma_semaphore, #tpu.memory_space<semaphore_mem>>) src(%arg13 : memref<128x128xf32, #tpu.memory_space<vmem>>) dst(%dma_wait3A_86 : memref<5120x128xf32, #tpu.memory_space<vmem_shared>>)
          tpu.yield
        }) : () -> ()
      }
      %scan3A_31 = arith.constant 20 : i32
      "tpu.region"() ({
        %run_scoped3A = tpu.sem_alloc : memref<!tpu.dma_semaphore, #tpu.memory_space<semaphore_mem>>
        %dma_start3A_45 = arith.constant 40 : i32
        %dma_start3A_46 = arith.constant 0 : i32
        %dma_start3A_47 = tpu.memref_slice %arg2[%add3A, %dma_start3A_45, %dma_start3A_46] : memref<32x80x128xi32, #tpu.memory_space<hbm>> -> memref<1x40x128xi32, #tpu.memory_space<hbm>>
        %dma_start3A_48 = tpu.memref_squeeze %dma_start3A_47 : memref<1x40x128xi32, #tpu.memory_space<hbm>> -> memref<40x128xi32, #tpu.memory_space<hbm>>
        %dma_start3A_49 = arith.constant 40 : i32
        %dma_start3A_50 = arith.constant 0 : i32
        %dma_start3A_51 = tpu.memref_slice %arg2[%add3A, %dma_start3A_49, %dma_start3A_50] : memref<32x80x128xi32, #tpu.memory_space<hbm>> -> memref<1x40x128xi32, #tpu.memory_space<hbm>>
        %dma_start3A_52 = tpu.memref_squeeze %dma_start3A_51 : memref<1x40x128xi32, #tpu.memory_space<hbm>> -> memref<40x128xi32, #tpu.memory_space<hbm>>
        tpu.enqueue_dma source(%dma_start3A_52 : memref<40x128xi32, #tpu.memory_space<hbm>>) target(%arg10 : memref<40x128xi32, #tpu.memory_space<vmem>>) target_semaphore(%run_scoped3A : memref<!tpu.dma_semaphore, #tpu.memory_space<semaphore_mem>>)
        %dma_wait3A = arith.constant 40 : i32
        %dma_wait3A_53 = arith.constant 0 : i32
        %dma_wait3A_54 = tpu.memref_slice %arg2[%add3A, %dma_wait3A, %dma_wait3A_53] : memref<32x80x128xi32, #tpu.memory_space<hbm>> -> memref<1x40x128xi32, #tpu.memory_space<hbm>>
        %dma_wait3A_55 = tpu.memref_squeeze %dma_wait3A_54 : memref<1x40x128xi32, #tpu.memory_space<hbm>> -> memref<40x128xi32, #tpu.memory_space<hbm>>
        %dma_wait3A_56 = arith.constant 40 : i32
        %dma_wait3A_57 = arith.constant 0 : i32
        %dma_wait3A_58 = tpu.memref_slice %arg2[%add3A, %dma_wait3A_56, %dma_wait3A_57] : memref<32x80x128xi32, #tpu.memory_space<hbm>> -> memref<1x40x128xi32, #tpu.memory_space<hbm>>
        %dma_wait3A_59 = tpu.memref_squeeze %dma_wait3A_58 : memref<1x40x128xi32, #tpu.memory_space<hbm>> -> memref<40x128xi32, #tpu.memory_space<hbm>>
        tpu.wait_dma2 semaphore(%run_scoped3A : memref<!tpu.dma_semaphore, #tpu.memory_space<semaphore_mem>>) src(%dma_wait3A_59 : memref<40x128xi32, #tpu.memory_space<hbm>>) dst(%arg10 : memref<40x128xi32, #tpu.memory_space<vmem>>)
        tpu.yield
      }) : () -> ()
      "tpu.region"() ({
        %run_scoped3A = tpu.sem_alloc : memref<!tpu.dma_semaphore, #tpu.memory_space<semaphore_mem>>
        %dma_start3A_45 = arith.constant 40 : i32
        %dma_start3A_46 = arith.constant 0 : i32
        %dma_start3A_47 = tpu.memref_slice %arg3[%add3A, %dma_start3A_45, %dma_start3A_46] : memref<32x80x128xi32, #tpu.memory_space<hbm>> -> memref<1x40x128xi32, #tpu.memory_space<hbm>>
        %dma_start3A_48 = tpu.memref_squeeze %dma_start3A_47 : memref<1x40x128xi32, #tpu.memory_space<hbm>> -> memref<40x128xi32, #tpu.memory_space<hbm>>
        %dma_start3A_49 = arith.constant 40 : i32
        %dma_start3A_50 = arith.constant 0 : i32
        %dma_start3A_51 = tpu.memref_slice %arg3[%add3A, %dma_start3A_49, %dma_start3A_50] : memref<32x80x128xi32, #tpu.memory_space<hbm>> -> memref<1x40x128xi32, #tpu.memory_space<hbm>>
        %dma_start3A_52 = tpu.memref_squeeze %dma_start3A_51 : memref<1x40x128xi32, #tpu.memory_space<hbm>> -> memref<40x128xi32, #tpu.memory_space<hbm>>
        tpu.enqueue_dma source(%dma_start3A_52 : memref<40x128xi32, #tpu.memory_space<hbm>>) target(%arg11 : memref<40x128xi32, #tpu.memory_space<vmem>>) target_semaphore(%run_scoped3A : memref<!tpu.dma_semaphore, #tpu.memory_space<semaphore_mem>>)
        %dma_wait3A = arith.constant 40 : i32
        %dma_wait3A_53 = arith.constant 0 : i32
        %dma_wait3A_54 = tpu.memref_slice %arg3[%add3A, %dma_wait3A, %dma_wait3A_53] : memref<32x80x128xi32, #tpu.memory_space<hbm>> -> memref<1x40x128xi32, #tpu.memory_space<hbm>>
        %dma_wait3A_55 = tpu.memref_squeeze %dma_wait3A_54 : memref<1x40x128xi32, #tpu.memory_space<hbm>> -> memref<40x128xi32, #tpu.memory_space<hbm>>
        %dma_wait3A_56 = arith.constant 40 : i32
        %dma_wait3A_57 = arith.constant 0 : i32
        %dma_wait3A_58 = tpu.memref_slice %arg3[%add3A, %dma_wait3A_56, %dma_wait3A_57] : memref<32x80x128xi32, #tpu.memory_space<hbm>> -> memref<1x40x128xi32, #tpu.memory_space<hbm>>
        %dma_wait3A_59 = tpu.memref_squeeze %dma_wait3A_58 : memref<1x40x128xi32, #tpu.memory_space<hbm>> -> memref<40x128xi32, #tpu.memory_space<hbm>>
        tpu.wait_dma2 semaphore(%run_scoped3A : memref<!tpu.dma_semaphore, #tpu.memory_space<semaphore_mem>>) src(%dma_wait3A_59 : memref<40x128xi32, #tpu.memory_space<hbm>>) dst(%arg11 : memref<40x128xi32, #tpu.memory_space<vmem>>)
        tpu.yield
      }) : () -> ()
      %dma_start3A_32 = arith.constant 0 : i32
      %dma_start3A_33 = arith.constant 0 : i32
      %dma_start3A_34 = tpu.memref_slice %arg10[%dma_start3A_32, %dma_start3A_33] : memref<40x128xi32, #tpu.memory_space<vmem>> -> memref<1x128xi32, #tpu.memory_space<vmem>>
      %dma_start3A_35 = tpu.memref_squeeze %dma_start3A_34 : memref<1x128xi32, #tpu.memory_space<vmem>> -> memref<128xi32, #tpu.memory_space<vmem>>
      %dma_start3A_36 = arith.constant 0 : i32
      %dma_start3A_37 = arith.constant 0 : i32
      %dma_start3A_38 = tpu.memref_slice %arg4[%dma_start3A_36, %dma_start3A_37] : memref<20480x128xf32, #tpu.memory_space<hbm>> -> memref<20480x128xf32, #tpu.memory_space<hbm>>
      tpu.enqueue_indirect_dma source(%dma_start3A_38 : memref<20480x128xf32, #tpu.memory_space<hbm>>) target(%arg12 : memref<128x128xf32, #tpu.memory_space<vmem>>) offsets(%dma_start3A_35 : memref<128xi32, #tpu.memory_space<vmem>>) semaphore(%arg14 : memref<!tpu.dma_semaphore, #tpu.memory_space<semaphore_mem>>)
      %scan3A_39 = arith.constant 0 : i32
      %scan3A_40 = arith.constant 0 : i32
      %scan3A_41 = arith.constant 20 : i32
      %scan3A_42 = arith.addi %scan3A_40, %scan3A_41 : i32
      %scan3A_43 = arith.constant 1 : i32
      scf.for %scan3A_45 = %scan3A_40 to %scan3A_42 step %scan3A_43  : i32 {
        %mul3A_46 = arith.constant 2 : i32
        %mul3A_47 = arith.muli %mul3A_46, %scan3A_45 : i32
        %add3A_48 = arith.constant 1 : i32
        %add3A_49 = arith.addi %mul3A_47, %add3A_48 : i32
        %dma_start3A_50 = arith.constant 0 : i32
        %dma_start3A_51 = tpu.memref_slice %arg10[%add3A_49, %dma_start3A_50] : memref<40x128xi32, #tpu.memory_space<vmem>> -> memref<1x128xi32, #tpu.memory_space<vmem>>
        %dma_start3A_52 = tpu.memref_squeeze %dma_start3A_51 : memref<1x128xi32, #tpu.memory_space<vmem>> -> memref<128xi32, #tpu.memory_space<vmem>>
        %dma_start3A_53 = arith.constant 0 : i32
        %dma_start3A_54 = arith.constant 0 : i32
        %dma_start3A_55 = tpu.memref_slice %arg4[%dma_start3A_53, %dma_start3A_54] : memref<20480x128xf32, #tpu.memory_space<hbm>> -> memref<20480x128xf32, #tpu.memory_space<hbm>>
        tpu.enqueue_indirect_dma source(%dma_start3A_55 : memref<20480x128xf32, #tpu.memory_space<hbm>>) target(%arg13 : memref<128x128xf32, #tpu.memory_space<vmem>>) offsets(%dma_start3A_52 : memref<128xi32, #tpu.memory_space<vmem>>) semaphore(%arg15 : memref<!tpu.dma_semaphore, #tpu.memory_space<semaphore_mem>>)
        %dma_wait3A = arith.constant 0 : i32
        %dma_wait3A_56 = tpu.memref_slice %arg10[%mul3A_47, %dma_wait3A] : memref<40x128xi32, #tpu.memory_space<vmem>> -> memref<1x128xi32, #tpu.memory_space<vmem>>
        %dma_wait3A_57 = tpu.memref_squeeze %dma_wait3A_56 : memref<1x128xi32, #tpu.memory_space<vmem>> -> memref<128xi32, #tpu.memory_space<vmem>>
        %dma_wait3A_58 = arith.constant 0 : i32
        %dma_wait3A_59 = arith.constant 0 : i32
        %dma_wait3A_60 = tpu.memref_slice %arg4[%dma_wait3A_58, %dma_wait3A_59] : memref<20480x128xf32, #tpu.memory_space<hbm>> -> memref<20480x128xf32, #tpu.memory_space<hbm>>
        tpu.wait_indirect_dma semaphore(%arg14 : memref<!tpu.dma_semaphore, #tpu.memory_space<semaphore_mem>>) src(%dma_wait3A_60 : memref<20480x128xf32, #tpu.memory_space<hbm>>) dst(%arg12 : memref<128x128xf32, #tpu.memory_space<vmem>>)
        "tpu.region"() ({
          %run_scoped3A = tpu.sem_alloc : memref<!tpu.dma_semaphore, #tpu.memory_space<semaphore_mem>>
          %dma_start3A_75 = arith.constant 0 : i32
          %dma_start3A_76 = tpu.memref_slice %arg11[%mul3A_47, %dma_start3A_75] : memref<40x128xi32, #tpu.memory_space<vmem>> -> memref<1x128xi32, #tpu.memory_space<vmem>>
          %dma_start3A_77 = tpu.memref_squeeze %dma_start3A_76 : memref<1x128xi32, #tpu.memory_space<vmem>> -> memref<128xi32, #tpu.memory_space<vmem>>
          %dma_start3A_78 = arith.constant 0 : i32
          %dma_start3A_79 = arith.constant 0 : i32
          %dma_start3A_80 = tpu.memref_slice %arg9[%dma_start3A_78, %dma_start3A_79] : memref<5120x128xf32, #tpu.memory_space<vmem_shared>> -> memref<5120x128xf32, #tpu.memory_space<vmem_shared>>
          tpu.enqueue_indirect_dma source(%arg12 : memref<128x128xf32, #tpu.memory_space<vmem>>) target(%dma_start3A_80 : memref<5120x128xf32, #tpu.memory_space<vmem_shared>>) offsets(%dma_start3A_77 : memref<128xi32, #tpu.memory_space<vmem>>) semaphore(%run_scoped3A : memref<!tpu.dma_semaphore, #tpu.memory_space<semaphore_mem>>) {add = true}
          %dma_wait3A_81 = arith.constant 0 : i32
          %dma_wait3A_82 = tpu.memref_slice %arg11[%mul3A_47, %dma_wait3A_81] : memref<40x128xi32, #tpu.memory_space<vmem>> -> memref<1x128xi32, #tpu.memory_space<vmem>>
          %dma_wait3A_83 = tpu.memref_squeeze %dma_wait3A_82 : memref<1x128xi32, #tpu.memory_space<vmem>> -> memref<128xi32, #tpu.memory_space<vmem>>
          %dma_wait3A_84 = arith.constant 0 : i32
          %dma_wait3A_85 = arith.constant 0 : i32
          %dma_wait3A_86 = tpu.memref_slice %arg9[%dma_wait3A_84, %dma_wait3A_85] : memref<5120x128xf32, #tpu.memory_space<vmem_shared>> -> memref<5120x128xf32, #tpu.memory_space<vmem_shared>>
          tpu.wait_indirect_dma semaphore(%run_scoped3A : memref<!tpu.dma_semaphore, #tpu.memory_space<semaphore_mem>>) src(%arg12 : memref<128x128xf32, #tpu.memory_space<vmem>>) dst(%dma_wait3A_86 : memref<5120x128xf32, #tpu.memory_space<vmem_shared>>)
          tpu.yield
        }) : () -> ()
        %lt3A = arith.constant 19 : i32
        %lt3A_61 = arith.cmpi slt, %scan3A_45, %lt3A : i32
        %convert_element_type3A_62 = arith.extui %lt3A_61 : i1 to i32
        %cond3A_63 = arith.constant 0 : i32
        %cond3A_64 = arith.cmpi ne, %convert_element_type3A_62, %cond3A_63 : i32
        scf.if %cond3A_64 {
          %add3A_75 = arith.constant 2 : i32
          %add3A_76 = arith.addi %mul3A_47, %add3A_75 : i32
          %dma_start3A_77 = arith.constant 0 : i32
          %dma_start3A_78 = tpu.memref_slice %arg10[%add3A_76, %dma_start3A_77] : memref<40x128xi32, #tpu.memory_space<vmem>> -> memref<1x128xi32, #tpu.memory_space<vmem>>
          %dma_start3A_79 = tpu.memref_squeeze %dma_start3A_78 : memref<1x128xi32, #tpu.memory_space<vmem>> -> memref<128xi32, #tpu.memory_space<vmem>>
          %dma_start3A_80 = arith.constant 0 : i32
          %dma_start3A_81 = arith.constant 0 : i32
          %dma_start3A_82 = tpu.memref_slice %arg4[%dma_start3A_80, %dma_start3A_81] : memref<20480x128xf32, #tpu.memory_space<hbm>> -> memref<20480x128xf32, #tpu.memory_space<hbm>>
          tpu.enqueue_indirect_dma source(%dma_start3A_82 : memref<20480x128xf32, #tpu.memory_space<hbm>>) target(%arg12 : memref<128x128xf32, #tpu.memory_space<vmem>>) offsets(%dma_start3A_79 : memref<128xi32, #tpu.memory_space<vmem>>) semaphore(%arg14 : memref<!tpu.dma_semaphore, #tpu.memory_space<semaphore_mem>>)
        } else {
        }
        %add3A_65 = arith.constant 1 : i32
        %add3A_66 = arith.addi %mul3A_47, %add3A_65 : i32
        %dma_wait3A_67 = arith.constant 0 : i32
        %dma_wait3A_68 = tpu.memref_slice %arg10[%add3A_66, %dma_wait3A_67] : memref<40x128xi32, #tpu.memory_space<vmem>> -> memref<1x128xi32, #tpu.memory_space<vmem>>
        %dma_wait3A_69 = tpu.memref_squeeze %dma_wait3A_68 : memref<1x128xi32, #tpu.memory_space<vmem>> -> memref<128xi32, #tpu.memory_space<vmem>>
        %dma_wait3A_70 = arith.constant 0 : i32
        %dma_wait3A_71 = arith.constant 0 : i32
        %dma_wait3A_72 = tpu.memref_slice %arg4[%dma_wait3A_70, %dma_wait3A_71] : memref<20480x128xf32, #tpu.memory_space<hbm>> -> memref<20480x128xf32, #tpu.memory_space<hbm>>
        tpu.wait_indirect_dma semaphore(%arg15 : memref<!tpu.dma_semaphore, #tpu.memory_space<semaphore_mem>>) src(%dma_wait3A_72 : memref<20480x128xf32, #tpu.memory_space<hbm>>) dst(%arg13 : memref<128x128xf32, #tpu.memory_space<vmem>>)
        %add3A_73 = arith.constant 1 : i32
        %add3A_74 = arith.addi %mul3A_47, %add3A_73 : i32
        "tpu.region"() ({
          %run_scoped3A = tpu.sem_alloc : memref<!tpu.dma_semaphore, #tpu.memory_space<semaphore_mem>>
          %dma_start3A_75 = arith.constant 0 : i32
          %dma_start3A_76 = tpu.memref_slice %arg11[%add3A_74, %dma_start3A_75] : memref<40x128xi32, #tpu.memory_space<vmem>> -> memref<1x128xi32, #tpu.memory_space<vmem>>
          %dma_start3A_77 = tpu.memref_squeeze %dma_start3A_76 : memref<1x128xi32, #tpu.memory_space<vmem>> -> memref<128xi32, #tpu.memory_space<vmem>>
          %dma_start3A_78 = arith.constant 0 : i32
          %dma_start3A_79 = arith.constant 0 : i32
          %dma_start3A_80 = tpu.memref_slice %arg9[%dma_start3A_78, %dma_start3A_79] : memref<5120x128xf32, #tpu.memory_space<vmem_shared>> -> memref<5120x128xf32, #tpu.memory_space<vmem_shared>>
          tpu.enqueue_indirect_dma source(%arg13 : memref<128x128xf32, #tpu.memory_space<vmem>>) target(%dma_start3A_80 : memref<5120x128xf32, #tpu.memory_space<vmem_shared>>) offsets(%dma_start3A_77 : memref<128xi32, #tpu.memory_space<vmem>>) semaphore(%run_scoped3A : memref<!tpu.dma_semaphore, #tpu.memory_space<semaphore_mem>>) {add = true}
          %dma_wait3A_81 = arith.constant 0 : i32
          %dma_wait3A_82 = tpu.memref_slice %arg11[%add3A_74, %dma_wait3A_81] : memref<40x128xi32, #tpu.memory_space<vmem>> -> memref<1x128xi32, #tpu.memory_space<vmem>>
          %dma_wait3A_83 = tpu.memref_squeeze %dma_wait3A_82 : memref<1x128xi32, #tpu.memory_space<vmem>> -> memref<128xi32, #tpu.memory_space<vmem>>
          %dma_wait3A_84 = arith.constant 0 : i32
          %dma_wait3A_85 = arith.constant 0 : i32
          %dma_wait3A_86 = tpu.memref_slice %arg9[%dma_wait3A_84, %dma_wait3A_85] : memref<5120x128xf32, #tpu.memory_space<vmem_shared>> -> memref<5120x128xf32, #tpu.memory_space<vmem_shared>>
          tpu.wait_indirect_dma semaphore(%run_scoped3A : memref<!tpu.dma_semaphore, #tpu.memory_space<semaphore_mem>>) src(%arg13 : memref<128x128xf32, #tpu.memory_space<vmem>>) dst(%dma_wait3A_86 : memref<5120x128xf32, #tpu.memory_space<vmem_shared>>)
          tpu.yield
        }) : () -> ()
      }
      %scan3A_44 = arith.constant 20 : i32
    } else {
    }
    %eq3A_5 = arith.constant 1 : i32
    %eq3A_6 = arith.cmpi eq, %arg0, %eq3A_5 : i32
    %convert_element_type3A_7 = arith.extui %eq3A_6 : i1 to i32
    %cond3A_8 = arith.constant 0 : i32
    %cond3A_9 = arith.cmpi ne, %convert_element_type3A_7, %cond3A_8 : i32
    scf.if %cond3A_9 {
      "tpu.region"() ({
        %run_scoped3A = tpu.sem_alloc : memref<!tpu.dma_semaphore, #tpu.memory_space<semaphore_mem>>
        %dma_start3A_45 = arith.constant 0 : i32
        %dma_start3A_46 = arith.constant 0 : i32
        %dma_start3A_47 = tpu.memref_slice %arg2[%add3A, %dma_start3A_45, %dma_start3A_46] : memref<32x80x128xi32, #tpu.memory_space<hbm>> -> memref<1x40x128xi32, #tpu.memory_space<hbm>>
        %dma_start3A_48 = tpu.memref_squeeze %dma_start3A_47 : memref<1x40x128xi32, #tpu.memory_space<hbm>> -> memref<40x128xi32, #tpu.memory_space<hbm>>
        %dma_start3A_49 = arith.constant 0 : i32
        %dma_start3A_50 = arith.constant 0 : i32
        %dma_start3A_51 = tpu.memref_slice %arg2[%add3A, %dma_start3A_49, %dma_start3A_50] : memref<32x80x128xi32, #tpu.memory_space<hbm>> -> memref<1x40x128xi32, #tpu.memory_space<hbm>>
        %dma_start3A_52 = tpu.memref_squeeze %dma_start3A_51 : memref<1x40x128xi32, #tpu.memory_space<hbm>> -> memref<40x128xi32, #tpu.memory_space<hbm>>
        tpu.enqueue_dma source(%dma_start3A_52 : memref<40x128xi32, #tpu.memory_space<hbm>>) target(%arg10 : memref<40x128xi32, #tpu.memory_space<vmem>>) target_semaphore(%run_scoped3A : memref<!tpu.dma_semaphore, #tpu.memory_space<semaphore_mem>>)
        %dma_wait3A = arith.constant 0 : i32
        %dma_wait3A_53 = arith.constant 0 : i32
        %dma_wait3A_54 = tpu.memref_slice %arg2[%add3A, %dma_wait3A, %dma_wait3A_53] : memref<32x80x128xi32, #tpu.memory_space<hbm>> -> memref<1x40x128xi32, #tpu.memory_space<hbm>>
        %dma_wait3A_55 = tpu.memref_squeeze %dma_wait3A_54 : memref<1x40x128xi32, #tpu.memory_space<hbm>> -> memref<40x128xi32, #tpu.memory_space<hbm>>
        %dma_wait3A_56 = arith.constant 0 : i32
        %dma_wait3A_57 = arith.constant 0 : i32
        %dma_wait3A_58 = tpu.memref_slice %arg2[%add3A, %dma_wait3A_56, %dma_wait3A_57] : memref<32x80x128xi32, #tpu.memory_space<hbm>> -> memref<1x40x128xi32, #tpu.memory_space<hbm>>
        %dma_wait3A_59 = tpu.memref_squeeze %dma_wait3A_58 : memref<1x40x128xi32, #tpu.memory_space<hbm>> -> memref<40x128xi32, #tpu.memory_space<hbm>>
        tpu.wait_dma2 semaphore(%run_scoped3A : memref<!tpu.dma_semaphore, #tpu.memory_space<semaphore_mem>>) src(%dma_wait3A_59 : memref<40x128xi32, #tpu.memory_space<hbm>>) dst(%arg10 : memref<40x128xi32, #tpu.memory_space<vmem>>)
        tpu.yield
      }) : () -> ()
      "tpu.region"() ({
        %run_scoped3A = tpu.sem_alloc : memref<!tpu.dma_semaphore, #tpu.memory_space<semaphore_mem>>
        %dma_start3A_45 = arith.constant 0 : i32
        %dma_start3A_46 = arith.constant 0 : i32
        %dma_start3A_47 = tpu.memref_slice %arg3[%add3A, %dma_start3A_45, %dma_start3A_46] : memref<32x80x128xi32, #tpu.memory_space<hbm>> -> memref<1x40x128xi32, #tpu.memory_space<hbm>>
        %dma_start3A_48 = tpu.memref_squeeze %dma_start3A_47 : memref<1x40x128xi32, #tpu.memory_space<hbm>> -> memref<40x128xi32, #tpu.memory_space<hbm>>
        %dma_start3A_49 = arith.constant 0 : i32
        %dma_start3A_50 = arith.constant 0 : i32
        %dma_start3A_51 = tpu.memref_slice %arg3[%add3A, %dma_start3A_49, %dma_start3A_50] : memref<32x80x128xi32, #tpu.memory_space<hbm>> -> memref<1x40x128xi32, #tpu.memory_space<hbm>>
        %dma_start3A_52 = tpu.memref_squeeze %dma_start3A_51 : memref<1x40x128xi32, #tpu.memory_space<hbm>> -> memref<40x128xi32, #tpu.memory_space<hbm>>
        tpu.enqueue_dma source(%dma_start3A_52 : memref<40x128xi32, #tpu.memory_space<hbm>>) target(%arg11 : memref<40x128xi32, #tpu.memory_space<vmem>>) target_semaphore(%run_scoped3A : memref<!tpu.dma_semaphore, #tpu.memory_space<semaphore_mem>>)
        %dma_wait3A = arith.constant 0 : i32
        %dma_wait3A_53 = arith.constant 0 : i32
        %dma_wait3A_54 = tpu.memref_slice %arg3[%add3A, %dma_wait3A, %dma_wait3A_53] : memref<32x80x128xi32, #tpu.memory_space<hbm>> -> memref<1x40x128xi32, #tpu.memory_space<hbm>>
        %dma_wait3A_55 = tpu.memref_squeeze %dma_wait3A_54 : memref<1x40x128xi32, #tpu.memory_space<hbm>> -> memref<40x128xi32, #tpu.memory_space<hbm>>
        %dma_wait3A_56 = arith.constant 0 : i32
        %dma_wait3A_57 = arith.constant 0 : i32
        %dma_wait3A_58 = tpu.memref_slice %arg3[%add3A, %dma_wait3A_56, %dma_wait3A_57] : memref<32x80x128xi32, #tpu.memory_space<hbm>> -> memref<1x40x128xi32, #tpu.memory_space<hbm>>
        %dma_wait3A_59 = tpu.memref_squeeze %dma_wait3A_58 : memref<1x40x128xi32, #tpu.memory_space<hbm>> -> memref<40x128xi32, #tpu.memory_space<hbm>>
        tpu.wait_dma2 semaphore(%run_scoped3A : memref<!tpu.dma_semaphore, #tpu.memory_space<semaphore_mem>>) src(%dma_wait3A_59 : memref<40x128xi32, #tpu.memory_space<hbm>>) dst(%arg11 : memref<40x128xi32, #tpu.memory_space<vmem>>)
        tpu.yield
      }) : () -> ()
      %dma_start3A = arith.constant 0 : i32
      %dma_start3A_21 = arith.constant 0 : i32
      %dma_start3A_22 = tpu.memref_slice %arg10[%dma_start3A, %dma_start3A_21] : memref<40x128xi32, #tpu.memory_space<vmem>> -> memref<1x128xi32, #tpu.memory_space<vmem>>
      %dma_start3A_23 = tpu.memref_squeeze %dma_start3A_22 : memref<1x128xi32, #tpu.memory_space<vmem>> -> memref<128xi32, #tpu.memory_space<vmem>>
      %dma_start3A_24 = arith.constant 0 : i32
      %dma_start3A_25 = arith.constant 0 : i32
      %dma_start3A_26 = tpu.memref_slice %arg5[%dma_start3A_24, %dma_start3A_25] : memref<20480x128xf32, #tpu.memory_space<hbm>> -> memref<20480x128xf32, #tpu.memory_space<hbm>>
      tpu.enqueue_indirect_dma source(%dma_start3A_26 : memref<20480x128xf32, #tpu.memory_space<hbm>>) target(%arg12 : memref<128x128xf32, #tpu.memory_space<vmem>>) offsets(%dma_start3A_23 : memref<128xi32, #tpu.memory_space<vmem>>) semaphore(%arg14 : memref<!tpu.dma_semaphore, #tpu.memory_space<semaphore_mem>>)
      %scan3A = arith.constant 0 : i32
      %scan3A_27 = arith.constant 0 : i32
      %scan3A_28 = arith.constant 20 : i32
      %scan3A_29 = arith.addi %scan3A_27, %scan3A_28 : i32
      %scan3A_30 = arith.constant 1 : i32
      scf.for %scan3A_45 = %scan3A_27 to %scan3A_29 step %scan3A_30  : i32 {
        %mul3A_46 = arith.constant 2 : i32
        %mul3A_47 = arith.muli %mul3A_46, %scan3A_45 : i32
        %add3A_48 = arith.constant 1 : i32
        %add3A_49 = arith.addi %mul3A_47, %add3A_48 : i32
        %dma_start3A_50 = arith.constant 0 : i32
        %dma_start3A_51 = tpu.memref_slice %arg10[%add3A_49, %dma_start3A_50] : memref<40x128xi32, #tpu.memory_space<vmem>> -> memref<1x128xi32, #tpu.memory_space<vmem>>
        %dma_start3A_52 = tpu.memref_squeeze %dma_start3A_51 : memref<1x128xi32, #tpu.memory_space<vmem>> -> memref<128xi32, #tpu.memory_space<vmem>>
        %dma_start3A_53 = arith.constant 0 : i32
        %dma_start3A_54 = arith.constant 0 : i32
        %dma_start3A_55 = tpu.memref_slice %arg5[%dma_start3A_53, %dma_start3A_54] : memref<20480x128xf32, #tpu.memory_space<hbm>> -> memref<20480x128xf32, #tpu.memory_space<hbm>>
        tpu.enqueue_indirect_dma source(%dma_start3A_55 : memref<20480x128xf32, #tpu.memory_space<hbm>>) target(%arg13 : memref<128x128xf32, #tpu.memory_space<vmem>>) offsets(%dma_start3A_52 : memref<128xi32, #tpu.memory_space<vmem>>) semaphore(%arg15 : memref<!tpu.dma_semaphore, #tpu.memory_space<semaphore_mem>>)
        %dma_wait3A = arith.constant 0 : i32
        %dma_wait3A_56 = tpu.memref_slice %arg10[%mul3A_47, %dma_wait3A] : memref<40x128xi32, #tpu.memory_space<vmem>> -> memref<1x128xi32, #tpu.memory_space<vmem>>
        %dma_wait3A_57 = tpu.memref_squeeze %dma_wait3A_56 : memref<1x128xi32, #tpu.memory_space<vmem>> -> memref<128xi32, #tpu.memory_space<vmem>>
        %dma_wait3A_58 = arith.constant 0 : i32
        %dma_wait3A_59 = arith.constant 0 : i32
        %dma_wait3A_60 = tpu.memref_slice %arg5[%dma_wait3A_58, %dma_wait3A_59] : memref<20480x128xf32, #tpu.memory_space<hbm>> -> memref<20480x128xf32, #tpu.memory_space<hbm>>
        tpu.wait_indirect_dma semaphore(%arg14 : memref<!tpu.dma_semaphore, #tpu.memory_space<semaphore_mem>>) src(%dma_wait3A_60 : memref<20480x128xf32, #tpu.memory_space<hbm>>) dst(%arg12 : memref<128x128xf32, #tpu.memory_space<vmem>>)
        "tpu.region"() ({
          %run_scoped3A = tpu.sem_alloc : memref<!tpu.dma_semaphore, #tpu.memory_space<semaphore_mem>>
          %dma_start3A_75 = arith.constant 0 : i32
          %dma_start3A_76 = tpu.memref_slice %arg11[%mul3A_47, %dma_start3A_75] : memref<40x128xi32, #tpu.memory_space<vmem>> -> memref<1x128xi32, #tpu.memory_space<vmem>>
          %dma_start3A_77 = tpu.memref_squeeze %dma_start3A_76 : memref<1x128xi32, #tpu.memory_space<vmem>> -> memref<128xi32, #tpu.memory_space<vmem>>
          %dma_start3A_78 = arith.constant 0 : i32
          %dma_start3A_79 = arith.constant 0 : i32
          %dma_start3A_80 = tpu.memref_slice %arg9[%dma_start3A_78, %dma_start3A_79] : memref<5120x128xf32, #tpu.memory_space<vmem_shared>> -> memref<5120x128xf32, #tpu.memory_space<vmem_shared>>
          tpu.enqueue_indirect_dma source(%arg12 : memref<128x128xf32, #tpu.memory_space<vmem>>) target(%dma_start3A_80 : memref<5120x128xf32, #tpu.memory_space<vmem_shared>>) offsets(%dma_start3A_77 : memref<128xi32, #tpu.memory_space<vmem>>) semaphore(%run_scoped3A : memref<!tpu.dma_semaphore, #tpu.memory_space<semaphore_mem>>) {add = true}
          %dma_wait3A_81 = arith.constant 0 : i32
          %dma_wait3A_82 = tpu.memref_slice %arg11[%mul3A_47, %dma_wait3A_81] : memref<40x128xi32, #tpu.memory_space<vmem>> -> memref<1x128xi32, #tpu.memory_space<vmem>>
          %dma_wait3A_83 = tpu.memref_squeeze %dma_wait3A_82 : memref<1x128xi32, #tpu.memory_space<vmem>> -> memref<128xi32, #tpu.memory_space<vmem>>
          %dma_wait3A_84 = arith.constant 0 : i32
          %dma_wait3A_85 = arith.constant 0 : i32
          %dma_wait3A_86 = tpu.memref_slice %arg9[%dma_wait3A_84, %dma_wait3A_85] : memref<5120x128xf32, #tpu.memory_space<vmem_shared>> -> memref<5120x128xf32, #tpu.memory_space<vmem_shared>>
          tpu.wait_indirect_dma semaphore(%run_scoped3A : memref<!tpu.dma_semaphore, #tpu.memory_space<semaphore_mem>>) src(%arg12 : memref<128x128xf32, #tpu.memory_space<vmem>>) dst(%dma_wait3A_86 : memref<5120x128xf32, #tpu.memory_space<vmem_shared>>)
          tpu.yield
        }) : () -> ()
        %lt3A = arith.constant 19 : i32
        %lt3A_61 = arith.cmpi slt, %scan3A_45, %lt3A : i32
        %convert_element_type3A_62 = arith.extui %lt3A_61 : i1 to i32
        %cond3A_63 = arith.constant 0 : i32
        %cond3A_64 = arith.cmpi ne, %convert_element_type3A_62, %cond3A_63 : i32
        scf.if %cond3A_64 {
          %add3A_75 = arith.constant 2 : i32
          %add3A_76 = arith.addi %mul3A_47, %add3A_75 : i32
          %dma_start3A_77 = arith.constant 0 : i32
          %dma_start3A_78 = tpu.memref_slice %arg10[%add3A_76, %dma_start3A_77] : memref<40x128xi32, #tpu.memory_space<vmem>> -> memref<1x128xi32, #tpu.memory_space<vmem>>
          %dma_start3A_79 = tpu.memref_squeeze %dma_start3A_78 : memref<1x128xi32, #tpu.memory_space<vmem>> -> memref<128xi32, #tpu.memory_space<vmem>>
          %dma_start3A_80 = arith.constant 0 : i32
          %dma_start3A_81 = arith.constant 0 : i32
          %dma_start3A_82 = tpu.memref_slice %arg5[%dma_start3A_80, %dma_start3A_81] : memref<20480x128xf32, #tpu.memory_space<hbm>> -> memref<20480x128xf32, #tpu.memory_space<hbm>>
          tpu.enqueue_indirect_dma source(%dma_start3A_82 : memref<20480x128xf32, #tpu.memory_space<hbm>>) target(%arg12 : memref<128x128xf32, #tpu.memory_space<vmem>>) offsets(%dma_start3A_79 : memref<128xi32, #tpu.memory_space<vmem>>) semaphore(%arg14 : memref<!tpu.dma_semaphore, #tpu.memory_space<semaphore_mem>>)
        } else {
        }
        %add3A_65 = arith.constant 1 : i32
        %add3A_66 = arith.addi %mul3A_47, %add3A_65 : i32
        %dma_wait3A_67 = arith.constant 0 : i32
        %dma_wait3A_68 = tpu.memref_slice %arg10[%add3A_66, %dma_wait3A_67] : memref<40x128xi32, #tpu.memory_space<vmem>> -> memref<1x128xi32, #tpu.memory_space<vmem>>
        %dma_wait3A_69 = tpu.memref_squeeze %dma_wait3A_68 : memref<1x128xi32, #tpu.memory_space<vmem>> -> memref<128xi32, #tpu.memory_space<vmem>>
        %dma_wait3A_70 = arith.constant 0 : i32
        %dma_wait3A_71 = arith.constant 0 : i32
        %dma_wait3A_72 = tpu.memref_slice %arg5[%dma_wait3A_70, %dma_wait3A_71] : memref<20480x128xf32, #tpu.memory_space<hbm>> -> memref<20480x128xf32, #tpu.memory_space<hbm>>
        tpu.wait_indirect_dma semaphore(%arg15 : memref<!tpu.dma_semaphore, #tpu.memory_space<semaphore_mem>>) src(%dma_wait3A_72 : memref<20480x128xf32, #tpu.memory_space<hbm>>) dst(%arg13 : memref<128x128xf32, #tpu.memory_space<vmem>>)
        %add3A_73 = arith.constant 1 : i32
        %add3A_74 = arith.addi %mul3A_47, %add3A_73 : i32
        "tpu.region"() ({
          %run_scoped3A = tpu.sem_alloc : memref<!tpu.dma_semaphore, #tpu.memory_space<semaphore_mem>>
          %dma_start3A_75 = arith.constant 0 : i32
          %dma_start3A_76 = tpu.memref_slice %arg11[%add3A_74, %dma_start3A_75] : memref<40x128xi32, #tpu.memory_space<vmem>> -> memref<1x128xi32, #tpu.memory_space<vmem>>
          %dma_start3A_77 = tpu.memref_squeeze %dma_start3A_76 : memref<1x128xi32, #tpu.memory_space<vmem>> -> memref<128xi32, #tpu.memory_space<vmem>>
          %dma_start3A_78 = arith.constant 0 : i32
          %dma_start3A_79 = arith.constant 0 : i32
          %dma_start3A_80 = tpu.memref_slice %arg9[%dma_start3A_78, %dma_start3A_79] : memref<5120x128xf32, #tpu.memory_space<vmem_shared>> -> memref<5120x128xf32, #tpu.memory_space<vmem_shared>>
          tpu.enqueue_indirect_dma source(%arg13 : memref<128x128xf32, #tpu.memory_space<vmem>>) target(%dma_start3A_80 : memref<5120x128xf32, #tpu.memory_space<vmem_shared>>) offsets(%dma_start3A_77 : memref<128xi32, #tpu.memory_space<vmem>>) semaphore(%run_scoped3A : memref<!tpu.dma_semaphore, #tpu.memory_space<semaphore_mem>>) {add = true}
          %dma_wait3A_81 = arith.constant 0 : i32
          %dma_wait3A_82 = tpu.memref_slice %arg11[%add3A_74, %dma_wait3A_81] : memref<40x128xi32, #tpu.memory_space<vmem>> -> memref<1x128xi32, #tpu.memory_space<vmem>>
          %dma_wait3A_83 = tpu.memref_squeeze %dma_wait3A_82 : memref<1x128xi32, #tpu.memory_space<vmem>> -> memref<128xi32, #tpu.memory_space<vmem>>
          %dma_wait3A_84 = arith.constant 0 : i32
          %dma_wait3A_85 = arith.constant 0 : i32
          %dma_wait3A_86 = tpu.memref_slice %arg9[%dma_wait3A_84, %dma_wait3A_85] : memref<5120x128xf32, #tpu.memory_space<vmem_shared>> -> memref<5120x128xf32, #tpu.memory_space<vmem_shared>>
          tpu.wait_indirect_dma semaphore(%run_scoped3A : memref<!tpu.dma_semaphore, #tpu.memory_space<semaphore_mem>>) src(%arg13 : memref<128x128xf32, #tpu.memory_space<vmem>>) dst(%dma_wait3A_86 : memref<5120x128xf32, #tpu.memory_space<vmem_shared>>)
          tpu.yield
        }) : () -> ()
      }
      %scan3A_31 = arith.constant 20 : i32
      "tpu.region"() ({
        %run_scoped3A = tpu.sem_alloc : memref<!tpu.dma_semaphore, #tpu.memory_space<semaphore_mem>>
        %dma_start3A_45 = arith.constant 40 : i32
        %dma_start3A_46 = arith.constant 0 : i32
        %dma_start3A_47 = tpu.memref_slice %arg2[%add3A, %dma_start3A_45, %dma_start3A_46] : memref<32x80x128xi32, #tpu.memory_space<hbm>> -> memref<1x40x128xi32, #tpu.memory_space<hbm>>
        %dma_start3A_48 = tpu.memref_squeeze %dma_start3A_47 : memref<1x40x128xi32, #tpu.memory_space<hbm>> -> memref<40x128xi32, #tpu.memory_space<hbm>>
        %dma_start3A_49 = arith.constant 40 : i32
        %dma_start3A_50 = arith.constant 0 : i32
        %dma_start3A_51 = tpu.memref_slice %arg2[%add3A, %dma_start3A_49, %dma_start3A_50] : memref<32x80x128xi32, #tpu.memory_space<hbm>> -> memref<1x40x128xi32, #tpu.memory_space<hbm>>
        %dma_start3A_52 = tpu.memref_squeeze %dma_start3A_51 : memref<1x40x128xi32, #tpu.memory_space<hbm>> -> memref<40x128xi32, #tpu.memory_space<hbm>>
        tpu.enqueue_dma source(%dma_start3A_52 : memref<40x128xi32, #tpu.memory_space<hbm>>) target(%arg10 : memref<40x128xi32, #tpu.memory_space<vmem>>) target_semaphore(%run_scoped3A : memref<!tpu.dma_semaphore, #tpu.memory_space<semaphore_mem>>)
        %dma_wait3A = arith.constant 40 : i32
        %dma_wait3A_53 = arith.constant 0 : i32
        %dma_wait3A_54 = tpu.memref_slice %arg2[%add3A, %dma_wait3A, %dma_wait3A_53] : memref<32x80x128xi32, #tpu.memory_space<hbm>> -> memref<1x40x128xi32, #tpu.memory_space<hbm>>
        %dma_wait3A_55 = tpu.memref_squeeze %dma_wait3A_54 : memref<1x40x128xi32, #tpu.memory_space<hbm>> -> memref<40x128xi32, #tpu.memory_space<hbm>>
        %dma_wait3A_56 = arith.constant 40 : i32
        %dma_wait3A_57 = arith.constant 0 : i32
        %dma_wait3A_58 = tpu.memref_slice %arg2[%add3A, %dma_wait3A_56, %dma_wait3A_57] : memref<32x80x128xi32, #tpu.memory_space<hbm>> -> memref<1x40x128xi32, #tpu.memory_space<hbm>>
        %dma_wait3A_59 = tpu.memref_squeeze %dma_wait3A_58 : memref<1x40x128xi32, #tpu.memory_space<hbm>> -> memref<40x128xi32, #tpu.memory_space<hbm>>
        tpu.wait_dma2 semaphore(%run_scoped3A : memref<!tpu.dma_semaphore, #tpu.memory_space<semaphore_mem>>) src(%dma_wait3A_59 : memref<40x128xi32, #tpu.memory_space<hbm>>) dst(%arg10 : memref<40x128xi32, #tpu.memory_space<vmem>>)
        tpu.yield
      }) : () -> ()
      "tpu.region"() ({
        %run_scoped3A = tpu.sem_alloc : memref<!tpu.dma_semaphore, #tpu.memory_space<semaphore_mem>>
        %dma_start3A_45 = arith.constant 40 : i32
        %dma_start3A_46 = arith.constant 0 : i32
        %dma_start3A_47 = tpu.memref_slice %arg3[%add3A, %dma_start3A_45, %dma_start3A_46] : memref<32x80x128xi32, #tpu.memory_space<hbm>> -> memref<1x40x128xi32, #tpu.memory_space<hbm>>
        %dma_start3A_48 = tpu.memref_squeeze %dma_start3A_47 : memref<1x40x128xi32, #tpu.memory_space<hbm>> -> memref<40x128xi32, #tpu.memory_space<hbm>>
        %dma_start3A_49 = arith.constant 40 : i32
        %dma_start3A_50 = arith.constant 0 : i32
        %dma_start3A_51 = tpu.memref_slice %arg3[%add3A, %dma_start3A_49, %dma_start3A_50] : memref<32x80x128xi32, #tpu.memory_space<hbm>> -> memref<1x40x128xi32, #tpu.memory_space<hbm>>
        %dma_start3A_52 = tpu.memref_squeeze %dma_start3A_51 : memref<1x40x128xi32, #tpu.memory_space<hbm>> -> memref<40x128xi32, #tpu.memory_space<hbm>>
        tpu.enqueue_dma source(%dma_start3A_52 : memref<40x128xi32, #tpu.memory_space<hbm>>) target(%arg11 : memref<40x128xi32, #tpu.memory_space<vmem>>) target_semaphore(%run_scoped3A : memref<!tpu.dma_semaphore, #tpu.memory_space<semaphore_mem>>)
        %dma_wait3A = arith.constant 40 : i32
        %dma_wait3A_53 = arith.constant 0 : i32
        %dma_wait3A_54 = tpu.memref_slice %arg3[%add3A, %dma_wait3A, %dma_wait3A_53] : memref<32x80x128xi32, #tpu.memory_space<hbm>> -> memref<1x40x128xi32, #tpu.memory_space<hbm>>
        %dma_wait3A_55 = tpu.memref_squeeze %dma_wait3A_54 : memref<1x40x128xi32, #tpu.memory_space<hbm>> -> memref<40x128xi32, #tpu.memory_space<hbm>>
        %dma_wait3A_56 = arith.constant 40 : i32
        %dma_wait3A_57 = arith.constant 0 : i32
        %dma_wait3A_58 = tpu.memref_slice %arg3[%add3A, %dma_wait3A_56, %dma_wait3A_57] : memref<32x80x128xi32, #tpu.memory_space<hbm>> -> memref<1x40x128xi32, #tpu.memory_space<hbm>>
        %dma_wait3A_59 = tpu.memref_squeeze %dma_wait3A_58 : memref<1x40x128xi32, #tpu.memory_space<hbm>> -> memref<40x128xi32, #tpu.memory_space<hbm>>
        tpu.wait_dma2 semaphore(%run_scoped3A : memref<!tpu.dma_semaphore, #tpu.memory_space<semaphore_mem>>) src(%dma_wait3A_59 : memref<40x128xi32, #tpu.memory_space<hbm>>) dst(%arg11 : memref<40x128xi32, #tpu.memory_space<vmem>>)
        tpu.yield
      }) : () -> ()
      %dma_start3A_32 = arith.constant 0 : i32
      %dma_start3A_33 = arith.constant 0 : i32
      %dma_start3A_34 = tpu.memref_slice %arg10[%dma_start3A_32, %dma_start3A_33] : memref<40x128xi32, #tpu.memory_space<vmem>> -> memref<1x128xi32, #tpu.memory_space<vmem>>
      %dma_start3A_35 = tpu.memref_squeeze %dma_start3A_34 : memref<1x128xi32, #tpu.memory_space<vmem>> -> memref<128xi32, #tpu.memory_space<vmem>>
      %dma_start3A_36 = arith.constant 0 : i32
      %dma_start3A_37 = arith.constant 0 : i32
      %dma_start3A_38 = tpu.memref_slice %arg5[%dma_start3A_36, %dma_start3A_37] : memref<20480x128xf32, #tpu.memory_space<hbm>> -> memref<20480x128xf32, #tpu.memory_space<hbm>>
      tpu.enqueue_indirect_dma source(%dma_start3A_38 : memref<20480x128xf32, #tpu.memory_space<hbm>>) target(%arg12 : memref<128x128xf32, #tpu.memory_space<vmem>>) offsets(%dma_start3A_35 : memref<128xi32, #tpu.memory_space<vmem>>) semaphore(%arg14 : memref<!tpu.dma_semaphore, #tpu.memory_space<semaphore_mem>>)
      %scan3A_39 = arith.constant 0 : i32
      %scan3A_40 = arith.constant 0 : i32
      %scan3A_41 = arith.constant 20 : i32
      %scan3A_42 = arith.addi %scan3A_40, %scan3A_41 : i32
      %scan3A_43 = arith.constant 1 : i32
      scf.for %scan3A_45 = %scan3A_40 to %scan3A_42 step %scan3A_43  : i32 {
        %mul3A_46 = arith.constant 2 : i32
        %mul3A_47 = arith.muli %mul3A_46, %scan3A_45 : i32
        %add3A_48 = arith.constant 1 : i32
        %add3A_49 = arith.addi %mul3A_47, %add3A_48 : i32
        %dma_start3A_50 = arith.constant 0 : i32
        %dma_start3A_51 = tpu.memref_slice %arg10[%add3A_49, %dma_start3A_50] : memref<40x128xi32, #tpu.memory_space<vmem>> -> memref<1x128xi32, #tpu.memory_space<vmem>>
        %dma_start3A_52 = tpu.memref_squeeze %dma_start3A_51 : memref<1x128xi32, #tpu.memory_space<vmem>> -> memref<128xi32, #tpu.memory_space<vmem>>
        %dma_start3A_53 = arith.constant 0 : i32
        %dma_start3A_54 = arith.constant 0 : i32
        %dma_start3A_55 = tpu.memref_slice %arg5[%dma_start3A_53, %dma_start3A_54] : memref<20480x128xf32, #tpu.memory_space<hbm>> -> memref<20480x128xf32, #tpu.memory_space<hbm>>
        tpu.enqueue_indirect_dma source(%dma_start3A_55 : memref<20480x128xf32, #tpu.memory_space<hbm>>) target(%arg13 : memref<128x128xf32, #tpu.memory_space<vmem>>) offsets(%dma_start3A_52 : memref<128xi32, #tpu.memory_space<vmem>>) semaphore(%arg15 : memref<!tpu.dma_semaphore, #tpu.memory_space<semaphore_mem>>)
        %dma_wait3A = arith.constant 0 : i32
        %dma_wait3A_56 = tpu.memref_slice %arg10[%mul3A_47, %dma_wait3A] : memref<40x128xi32, #tpu.memory_space<vmem>> -> memref<1x128xi32, #tpu.memory_space<vmem>>
        %dma_wait3A_57 = tpu.memref_squeeze %dma_wait3A_56 : memref<1x128xi32, #tpu.memory_space<vmem>> -> memref<128xi32, #tpu.memory_space<vmem>>
        %dma_wait3A_58 = arith.constant 0 : i32
        %dma_wait3A_59 = arith.constant 0 : i32
        %dma_wait3A_60 = tpu.memref_slice %arg5[%dma_wait3A_58, %dma_wait3A_59] : memref<20480x128xf32, #tpu.memory_space<hbm>> -> memref<20480x128xf32, #tpu.memory_space<hbm>>
        tpu.wait_indirect_dma semaphore(%arg14 : memref<!tpu.dma_semaphore, #tpu.memory_space<semaphore_mem>>) src(%dma_wait3A_60 : memref<20480x128xf32, #tpu.memory_space<hbm>>) dst(%arg12 : memref<128x128xf32, #tpu.memory_space<vmem>>)
        "tpu.region"() ({
          %run_scoped3A = tpu.sem_alloc : memref<!tpu.dma_semaphore, #tpu.memory_space<semaphore_mem>>
          %dma_start3A_75 = arith.constant 0 : i32
          %dma_start3A_76 = tpu.memref_slice %arg11[%mul3A_47, %dma_start3A_75] : memref<40x128xi32, #tpu.memory_space<vmem>> -> memref<1x128xi32, #tpu.memory_space<vmem>>
          %dma_start3A_77 = tpu.memref_squeeze %dma_start3A_76 : memref<1x128xi32, #tpu.memory_space<vmem>> -> memref<128xi32, #tpu.memory_space<vmem>>
          %dma_start3A_78 = arith.constant 0 : i32
          %dma_start3A_79 = arith.constant 0 : i32
          %dma_start3A_80 = tpu.memref_slice %arg9[%dma_start3A_78, %dma_start3A_79] : memref<5120x128xf32, #tpu.memory_space<vmem_shared>> -> memref<5120x128xf32, #tpu.memory_space<vmem_shared>>
          tpu.enqueue_indirect_dma source(%arg12 : memref<128x128xf32, #tpu.memory_space<vmem>>) target(%dma_start3A_80 : memref<5120x128xf32, #tpu.memory_space<vmem_shared>>) offsets(%dma_start3A_77 : memref<128xi32, #tpu.memory_space<vmem>>) semaphore(%run_scoped3A : memref<!tpu.dma_semaphore, #tpu.memory_space<semaphore_mem>>) {add = true}
          %dma_wait3A_81 = arith.constant 0 : i32
          %dma_wait3A_82 = tpu.memref_slice %arg11[%mul3A_47, %dma_wait3A_81] : memref<40x128xi32, #tpu.memory_space<vmem>> -> memref<1x128xi32, #tpu.memory_space<vmem>>
          %dma_wait3A_83 = tpu.memref_squeeze %dma_wait3A_82 : memref<1x128xi32, #tpu.memory_space<vmem>> -> memref<128xi32, #tpu.memory_space<vmem>>
          %dma_wait3A_84 = arith.constant 0 : i32
          %dma_wait3A_85 = arith.constant 0 : i32
          %dma_wait3A_86 = tpu.memref_slice %arg9[%dma_wait3A_84, %dma_wait3A_85] : memref<5120x128xf32, #tpu.memory_space<vmem_shared>> -> memref<5120x128xf32, #tpu.memory_space<vmem_shared>>
          tpu.wait_indirect_dma semaphore(%run_scoped3A : memref<!tpu.dma_semaphore, #tpu.memory_space<semaphore_mem>>) src(%arg12 : memref<128x128xf32, #tpu.memory_space<vmem>>) dst(%dma_wait3A_86 : memref<5120x128xf32, #tpu.memory_space<vmem_shared>>)
          tpu.yield
        }) : () -> ()
        %lt3A = arith.constant 19 : i32
        %lt3A_61 = arith.cmpi slt, %scan3A_45, %lt3A : i32
        %convert_element_type3A_62 = arith.extui %lt3A_61 : i1 to i32
        %cond3A_63 = arith.constant 0 : i32
        %cond3A_64 = arith.cmpi ne, %convert_element_type3A_62, %cond3A_63 : i32
        scf.if %cond3A_64 {
          %add3A_75 = arith.constant 2 : i32
          %add3A_76 = arith.addi %mul3A_47, %add3A_75 : i32
          %dma_start3A_77 = arith.constant 0 : i32
          %dma_start3A_78 = tpu.memref_slice %arg10[%add3A_76, %dma_start3A_77] : memref<40x128xi32, #tpu.memory_space<vmem>> -> memref<1x128xi32, #tpu.memory_space<vmem>>
          %dma_start3A_79 = tpu.memref_squeeze %dma_start3A_78 : memref<1x128xi32, #tpu.memory_space<vmem>> -> memref<128xi32, #tpu.memory_space<vmem>>
          %dma_start3A_80 = arith.constant 0 : i32
          %dma_start3A_81 = arith.constant 0 : i32
          %dma_start3A_82 = tpu.memref_slice %arg5[%dma_start3A_80, %dma_start3A_81] : memref<20480x128xf32, #tpu.memory_space<hbm>> -> memref<20480x128xf32, #tpu.memory_space<hbm>>
          tpu.enqueue_indirect_dma source(%dma_start3A_82 : memref<20480x128xf32, #tpu.memory_space<hbm>>) target(%arg12 : memref<128x128xf32, #tpu.memory_space<vmem>>) offsets(%dma_start3A_79 : memref<128xi32, #tpu.memory_space<vmem>>) semaphore(%arg14 : memref<!tpu.dma_semaphore, #tpu.memory_space<semaphore_mem>>)
        } else {
        }
        %add3A_65 = arith.constant 1 : i32
        %add3A_66 = arith.addi %mul3A_47, %add3A_65 : i32
        %dma_wait3A_67 = arith.constant 0 : i32
        %dma_wait3A_68 = tpu.memref_slice %arg10[%add3A_66, %dma_wait3A_67] : memref<40x128xi32, #tpu.memory_space<vmem>> -> memref<1x128xi32, #tpu.memory_space<vmem>>
        %dma_wait3A_69 = tpu.memref_squeeze %dma_wait3A_68 : memref<1x128xi32, #tpu.memory_space<vmem>> -> memref<128xi32, #tpu.memory_space<vmem>>
        %dma_wait3A_70 = arith.constant 0 : i32
        %dma_wait3A_71 = arith.constant 0 : i32
        %dma_wait3A_72 = tpu.memref_slice %arg5[%dma_wait3A_70, %dma_wait3A_71] : memref<20480x128xf32, #tpu.memory_space<hbm>> -> memref<20480x128xf32, #tpu.memory_space<hbm>>
        tpu.wait_indirect_dma semaphore(%arg15 : memref<!tpu.dma_semaphore, #tpu.memory_space<semaphore_mem>>) src(%dma_wait3A_72 : memref<20480x128xf32, #tpu.memory_space<hbm>>) dst(%arg13 : memref<128x128xf32, #tpu.memory_space<vmem>>)
        %add3A_73 = arith.constant 1 : i32
        %add3A_74 = arith.addi %mul3A_47, %add3A_73 : i32
        "tpu.region"() ({
          %run_scoped3A = tpu.sem_alloc : memref<!tpu.dma_semaphore, #tpu.memory_space<semaphore_mem>>
          %dma_start3A_75 = arith.constant 0 : i32
          %dma_start3A_76 = tpu.memref_slice %arg11[%add3A_74, %dma_start3A_75] : memref<40x128xi32, #tpu.memory_space<vmem>> -> memref<1x128xi32, #tpu.memory_space<vmem>>
          %dma_start3A_77 = tpu.memref_squeeze %dma_start3A_76 : memref<1x128xi32, #tpu.memory_space<vmem>> -> memref<128xi32, #tpu.memory_space<vmem>>
          %dma_start3A_78 = arith.constant 0 : i32
          %dma_start3A_79 = arith.constant 0 : i32
          %dma_start3A_80 = tpu.memref_slice %arg9[%dma_start3A_78, %dma_start3A_79] : memref<5120x128xf32, #tpu.memory_space<vmem_shared>> -> memref<5120x128xf32, #tpu.memory_space<vmem_shared>>
          tpu.enqueue_indirect_dma source(%arg13 : memref<128x128xf32, #tpu.memory_space<vmem>>) target(%dma_start3A_80 : memref<5120x128xf32, #tpu.memory_space<vmem_shared>>) offsets(%dma_start3A_77 : memref<128xi32, #tpu.memory_space<vmem>>) semaphore(%run_scoped3A : memref<!tpu.dma_semaphore, #tpu.memory_space<semaphore_mem>>) {add = true}
          %dma_wait3A_81 = arith.constant 0 : i32
          %dma_wait3A_82 = tpu.memref_slice %arg11[%add3A_74, %dma_wait3A_81] : memref<40x128xi32, #tpu.memory_space<vmem>> -> memref<1x128xi32, #tpu.memory_space<vmem>>
          %dma_wait3A_83 = tpu.memref_squeeze %dma_wait3A_82 : memref<1x128xi32, #tpu.memory_space<vmem>> -> memref<128xi32, #tpu.memory_space<vmem>>
          %dma_wait3A_84 = arith.constant 0 : i32
          %dma_wait3A_85 = arith.constant 0 : i32
          %dma_wait3A_86 = tpu.memref_slice %arg9[%dma_wait3A_84, %dma_wait3A_85] : memref<5120x128xf32, #tpu.memory_space<vmem_shared>> -> memref<5120x128xf32, #tpu.memory_space<vmem_shared>>
          tpu.wait_indirect_dma semaphore(%run_scoped3A : memref<!tpu.dma_semaphore, #tpu.memory_space<semaphore_mem>>) src(%arg13 : memref<128x128xf32, #tpu.memory_space<vmem>>) dst(%dma_wait3A_86 : memref<5120x128xf32, #tpu.memory_space<vmem_shared>>)
          tpu.yield
        }) : () -> ()
      }
      %scan3A_44 = arith.constant 20 : i32
    } else {
    }
    %barrier3A_10 = arith.constant 0 : index
    tpu.barrier barrier_id(%barrier3A_10)
    %eq3A_11 = arith.constant 0 : i32
    %eq3A_12 = arith.cmpi eq, %arg0, %eq3A_11 : i32
    %convert_element_type3A_13 = arith.extui %eq3A_12 : i1 to i32
    %cond3A_14 = arith.constant 0 : i32
    %cond3A_15 = arith.cmpi ne, %convert_element_type3A_13, %cond3A_14 : i32
    scf.if %cond3A_15 {
      "tpu.region"() ({
        %run_scoped3A = tpu.sem_alloc : memref<!tpu.dma_semaphore, #tpu.memory_space<semaphore_mem>>
        %dma_start3A = arith.constant 0 : i32
        %dma_start3A_21 = tpu.memref_slice %arg7[%mul3A_2, %dma_start3A] : memref<5120x128xf32, #tpu.memory_space<hbm>> -> memref<320x128xf32, #tpu.memory_space<hbm>>
        %dma_start3A_22 = arith.constant 0 : i32
        %dma_start3A_23 = tpu.memref_slice %arg9[%mul3A_2, %dma_start3A_22] : memref<5120x128xf32, #tpu.memory_space<vmem_shared>> -> memref<320x128xf32, #tpu.memory_space<vmem_shared>>
        tpu.enqueue_dma source(%dma_start3A_23 : memref<320x128xf32, #tpu.memory_space<vmem_shared>>) target(%dma_start3A_21 : memref<320x128xf32, #tpu.memory_space<hbm>>) target_semaphore(%run_scoped3A : memref<!tpu.dma_semaphore, #tpu.memory_space<semaphore_mem>>)
        %dma_wait3A = arith.constant 0 : i32
        %dma_wait3A_24 = tpu.memref_slice %arg7[%mul3A_2, %dma_wait3A] : memref<5120x128xf32, #tpu.memory_space<hbm>> -> memref<320x128xf32, #tpu.memory_space<hbm>>
        %dma_wait3A_25 = arith.constant 0 : i32
        %dma_wait3A_26 = tpu.memref_slice %arg9[%mul3A_2, %dma_wait3A_25] : memref<5120x128xf32, #tpu.memory_space<vmem_shared>> -> memref<320x128xf32, #tpu.memory_space<vmem_shared>>
        tpu.wait_dma2 semaphore(%run_scoped3A : memref<!tpu.dma_semaphore, #tpu.memory_space<semaphore_mem>>) src(%dma_wait3A_26 : memref<320x128xf32, #tpu.memory_space<vmem_shared>>) dst(%dma_wait3A_24 : memref<320x128xf32, #tpu.memory_space<hbm>>)
        tpu.yield
      }) : () -> ()
    } else {
    }
    %eq3A_16 = arith.constant 1 : i32
    %eq3A_17 = arith.cmpi eq, %arg0, %eq3A_16 : i32
    %convert_element_type3A_18 = arith.extui %eq3A_17 : i1 to i32
    %cond3A_19 = arith.constant 0 : i32
    %cond3A_20 = arith.cmpi ne, %convert_element_type3A_18, %cond3A_19 : i32
    scf.if %cond3A_20 {
      "tpu.region"() ({
        %run_scoped3A = tpu.sem_alloc : memref<!tpu.dma_semaphore, #tpu.memory_space<semaphore_mem>>
        %dma_start3A = arith.constant 0 : i32
        %dma_start3A_21 = tpu.memref_slice %arg8[%mul3A_2, %dma_start3A] : memref<5120x128xf32, #tpu.memory_space<hbm>> -> memref<320x128xf32, #tpu.memory_space<hbm>>
        %dma_start3A_22 = arith.constant 0 : i32
        %dma_start3A_23 = tpu.memref_slice %arg9[%mul3A_2, %dma_start3A_22] : memref<5120x128xf32, #tpu.memory_space<vmem_shared>> -> memref<320x128xf32, #tpu.memory_space<vmem_shared>>
        tpu.enqueue_dma source(%dma_start3A_23 : memref<320x128xf32, #tpu.memory_space<vmem_shared>>) target(%dma_start3A_21 : memref<320x128xf32, #tpu.memory_space<hbm>>) target_semaphore(%run_scoped3A : memref<!tpu.dma_semaphore, #tpu.memory_space<semaphore_mem>>)
        %dma_wait3A = arith.constant 0 : i32
        %dma_wait3A_24 = tpu.memref_slice %arg8[%mul3A_2, %dma_wait3A] : memref<5120x128xf32, #tpu.memory_space<hbm>> -> memref<320x128xf32, #tpu.memory_space<hbm>>
        %dma_wait3A_25 = arith.constant 0 : i32
        %dma_wait3A_26 = tpu.memref_slice %arg9[%mul3A_2, %dma_wait3A_25] : memref<5120x128xf32, #tpu.memory_space<vmem_shared>> -> memref<320x128xf32, #tpu.memory_space<vmem_shared>>
        tpu.wait_dma2 semaphore(%run_scoped3A : memref<!tpu.dma_semaphore, #tpu.memory_space<semaphore_mem>>) src(%dma_wait3A_26 : memref<320x128xf32, #tpu.memory_space<vmem_shared>>) dst(%dma_wait3A_24 : memref<320x128xf32, #tpu.memory_space<hbm>>)
        tpu.yield
      }) : () -> ()
    } else {
    }
    return
  }
}

#map = affine_map<(d0, d1) -> (0, 0, 0)>
#map1 = affine_map<(d0, d1) -> (0, 0)>
module attributes {stable_mosaic.version = 14 : i64} {
  func.func @_deg_kernel(%arg0: i32, %arg1: i32, %arg2: memref<32x80x128xi32, #tpu.memory_space<hbm>>, %arg3: memref<128x128xf32, #tpu.memory_space<hbm>>, %arg4: memref<640x128xf32, #tpu.memory_space<hbm>>, %arg5: memref<20480x128xf32, #tpu.memory_space<hbm>>, %arg6: memref<10240x128xf32, #tpu.memory_space<vmem_shared>>, %arg7: memref<80x128xi32, #tpu.memory_space<vmem>>, %arg8: memref<128x128xf32, #tpu.memory_space<vmem>>, %arg9: memref<!tpu.dma_semaphore, #tpu.memory_space<semaphore_mem>>) attributes {dimension_semantics = [#tpu.dimension_semantics<core_parallel>, #tpu.dimension_semantics<subcore_parallel>], iteration_bounds = array<i64: 2, 16>, scalar_prefetch = 0 : i64, scratch_operands = 4 : i64, tpu.core_type = #tpu.core_type<sc_vector_subcore>, window_params = [{transform_indices = #map}, {transform_indices = #map1}, {transform_indices = #map1}, {transform_indices = #map1}]} {
    %mul3A = arith.constant 16 : i32
    %mul3A_0 = arith.muli %arg0, %mul3A : i32
    %add3A = arith.addi %mul3A_0, %arg1 : i32
    %mul3A_1 = arith.constant 640 : i32
    %mul3A_2 = arith.muli %arg1, %mul3A_1 : i32
    "tpu.region"() ({
      %run_scoped3A = tpu.sem_alloc : memref<!tpu.dma_semaphore, #tpu.memory_space<semaphore_mem>>
      %dma_start3A = arith.constant 0 : i32
      %dma_start3A_14 = tpu.memref_slice %arg6[%mul3A_2, %dma_start3A] : memref<10240x128xf32, #tpu.memory_space<vmem_shared>> -> memref<640x128xf32, #tpu.memory_space<vmem_shared>>
      tpu.enqueue_dma source(%arg4 : memref<640x128xf32, #tpu.memory_space<hbm>>) target(%dma_start3A_14 : memref<640x128xf32, #tpu.memory_space<vmem_shared>>) target_semaphore(%run_scoped3A : memref<!tpu.dma_semaphore, #tpu.memory_space<semaphore_mem>>)
      %dma_wait3A = arith.constant 0 : i32
      %dma_wait3A_15 = tpu.memref_slice %arg6[%mul3A_2, %dma_wait3A] : memref<10240x128xf32, #tpu.memory_space<vmem_shared>> -> memref<640x128xf32, #tpu.memory_space<vmem_shared>>
      tpu.wait_dma2 semaphore(%run_scoped3A : memref<!tpu.dma_semaphore, #tpu.memory_space<semaphore_mem>>) src(%arg4 : memref<640x128xf32, #tpu.memory_space<hbm>>) dst(%dma_wait3A_15 : memref<640x128xf32, #tpu.memory_space<vmem_shared>>)
      tpu.yield
    }) : () -> ()
    "tpu.region"() ({
      %run_scoped3A = tpu.sem_alloc : memref<!tpu.dma_semaphore, #tpu.memory_space<semaphore_mem>>
      tpu.enqueue_dma source(%arg3 : memref<128x128xf32, #tpu.memory_space<hbm>>) target(%arg8 : memref<128x128xf32, #tpu.memory_space<vmem>>) target_semaphore(%run_scoped3A : memref<!tpu.dma_semaphore, #tpu.memory_space<semaphore_mem>>)
      tpu.wait_dma2 semaphore(%run_scoped3A : memref<!tpu.dma_semaphore, #tpu.memory_space<semaphore_mem>>) src(%arg3 : memref<128x128xf32, #tpu.memory_space<hbm>>) dst(%arg8 : memref<128x128xf32, #tpu.memory_space<vmem>>)
      tpu.yield
    }) : () -> ()
    "tpu.region"() ({
      %run_scoped3A = tpu.sem_alloc : memref<!tpu.dma_semaphore, #tpu.memory_space<semaphore_mem>>
      %dma_start3A = arith.constant 0 : i32
      %dma_start3A_14 = arith.constant 0 : i32
      %dma_start3A_15 = tpu.memref_slice %arg2[%add3A, %dma_start3A, %dma_start3A_14] : memref<32x80x128xi32, #tpu.memory_space<hbm>> -> memref<1x80x128xi32, #tpu.memory_space<hbm>>
      %dma_start3A_16 = tpu.memref_squeeze %dma_start3A_15 : memref<1x80x128xi32, #tpu.memory_space<hbm>> -> memref<80x128xi32, #tpu.memory_space<hbm>>
      %dma_start3A_17 = arith.constant 0 : i32
      %dma_start3A_18 = arith.constant 0 : i32
      %dma_start3A_19 = tpu.memref_slice %arg2[%add3A, %dma_start3A_17, %dma_start3A_18] : memref<32x80x128xi32, #tpu.memory_space<hbm>> -> memref<1x80x128xi32, #tpu.memory_space<hbm>>
      %dma_start3A_20 = tpu.memref_squeeze %dma_start3A_19 : memref<1x80x128xi32, #tpu.memory_space<hbm>> -> memref<80x128xi32, #tpu.memory_space<hbm>>
      tpu.enqueue_dma source(%dma_start3A_20 : memref<80x128xi32, #tpu.memory_space<hbm>>) target(%arg7 : memref<80x128xi32, #tpu.memory_space<vmem>>) target_semaphore(%run_scoped3A : memref<!tpu.dma_semaphore, #tpu.memory_space<semaphore_mem>>)
      %dma_wait3A = arith.constant 0 : i32
      %dma_wait3A_21 = arith.constant 0 : i32
      %dma_wait3A_22 = tpu.memref_slice %arg2[%add3A, %dma_wait3A, %dma_wait3A_21] : memref<32x80x128xi32, #tpu.memory_space<hbm>> -> memref<1x80x128xi32, #tpu.memory_space<hbm>>
      %dma_wait3A_23 = tpu.memref_squeeze %dma_wait3A_22 : memref<1x80x128xi32, #tpu.memory_space<hbm>> -> memref<80x128xi32, #tpu.memory_space<hbm>>
      %dma_wait3A_24 = arith.constant 0 : i32
      %dma_wait3A_25 = arith.constant 0 : i32
      %dma_wait3A_26 = tpu.memref_slice %arg2[%add3A, %dma_wait3A_24, %dma_wait3A_25] : memref<32x80x128xi32, #tpu.memory_space<hbm>> -> memref<1x80x128xi32, #tpu.memory_space<hbm>>
      %dma_wait3A_27 = tpu.memref_squeeze %dma_wait3A_26 : memref<1x80x128xi32, #tpu.memory_space<hbm>> -> memref<80x128xi32, #tpu.memory_space<hbm>>
      tpu.wait_dma2 semaphore(%run_scoped3A : memref<!tpu.dma_semaphore, #tpu.memory_space<semaphore_mem>>) src(%dma_wait3A_27 : memref<80x128xi32, #tpu.memory_space<hbm>>) dst(%arg7 : memref<80x128xi32, #tpu.memory_space<vmem>>)
      tpu.yield
    }) : () -> ()
    %barrier3A = arith.constant 0 : index
    tpu.barrier barrier_id(%barrier3A)
    %scan3A = arith.constant 0 : i32
    %scan3A_3 = arith.constant 0 : i32
    %scan3A_4 = arith.constant 10 : i32
    %scan3A_5 = arith.addi %scan3A_3, %scan3A_4 : i32
    %scan3A_6 = arith.constant 1 : i32
    scf.for %scan3A_14 = %scan3A_3 to %scan3A_5 step %scan3A_6  : i32 {
      %mul3A_15 = arith.constant 8 : i32
      %mul3A_16 = arith.muli %scan3A_14, %mul3A_15 : i32
      %add3A_17 = arith.constant 0 : i32
      %add3A_18 = arith.addi %mul3A_16, %add3A_17 : i32
      %dma_start3A = arith.constant 0 : i32
      %dma_start3A_19 = tpu.memref_slice %arg7[%add3A_18, %dma_start3A] : memref<80x128xi32, #tpu.memory_space<vmem>> -> memref<1x128xi32, #tpu.memory_space<vmem>>
      %dma_start3A_20 = tpu.memref_squeeze %dma_start3A_19 : memref<1x128xi32, #tpu.memory_space<vmem>> -> memref<128xi32, #tpu.memory_space<vmem>>
      %dma_start3A_21 = arith.constant 0 : i32
      %dma_start3A_22 = arith.constant 0 : i32
      %dma_start3A_23 = tpu.memref_slice %arg6[%dma_start3A_21, %dma_start3A_22] : memref<10240x128xf32, #tpu.memory_space<vmem_shared>> -> memref<10240x128xf32, #tpu.memory_space<vmem_shared>>
      tpu.enqueue_indirect_dma source(%arg8 : memref<128x128xf32, #tpu.memory_space<vmem>>) target(%dma_start3A_23 : memref<10240x128xf32, #tpu.memory_space<vmem_shared>>) offsets(%dma_start3A_20 : memref<128xi32, #tpu.memory_space<vmem>>) semaphore(%arg9 : memref<!tpu.dma_semaphore, #tpu.memory_space<semaphore_mem>>) {add = true}
      %mul3A_24 = arith.constant 8 : i32
      %mul3A_25 = arith.muli %scan3A_14, %mul3A_24 : i32
      %add3A_26 = arith.constant 1 : i32
      %add3A_27 = arith.addi %mul3A_25, %add3A_26 : i32
      %dma_start3A_28 = arith.constant 0 : i32
      %dma_start3A_29 = tpu.memref_slice %arg7[%add3A_27, %dma_start3A_28] : memref<80x128xi32, #tpu.memory_space<vmem>> -> memref<1x128xi32, #tpu.memory_space<vmem>>
      %dma_start3A_30 = tpu.memref_squeeze %dma_start3A_29 : memref<1x128xi32, #tpu.memory_space<vmem>> -> memref<128xi32, #tpu.memory_space<vmem>>
      %dma_start3A_31 = arith.constant 0 : i32
      %dma_start3A_32 = arith.constant 0 : i32
      %dma_start3A_33 = tpu.memref_slice %arg6[%dma_start3A_31, %dma_start3A_32] : memref<10240x128xf32, #tpu.memory_space<vmem_shared>> -> memref<10240x128xf32, #tpu.memory_space<vmem_shared>>
      tpu.enqueue_indirect_dma source(%arg8 : memref<128x128xf32, #tpu.memory_space<vmem>>) target(%dma_start3A_33 : memref<10240x128xf32, #tpu.memory_space<vmem_shared>>) offsets(%dma_start3A_30 : memref<128xi32, #tpu.memory_space<vmem>>) semaphore(%arg9 : memref<!tpu.dma_semaphore, #tpu.memory_space<semaphore_mem>>) {add = true}
      %mul3A_34 = arith.constant 8 : i32
      %mul3A_35 = arith.muli %scan3A_14, %mul3A_34 : i32
      %add3A_36 = arith.constant 2 : i32
      %add3A_37 = arith.addi %mul3A_35, %add3A_36 : i32
      %dma_start3A_38 = arith.constant 0 : i32
      %dma_start3A_39 = tpu.memref_slice %arg7[%add3A_37, %dma_start3A_38] : memref<80x128xi32, #tpu.memory_space<vmem>> -> memref<1x128xi32, #tpu.memory_space<vmem>>
      %dma_start3A_40 = tpu.memref_squeeze %dma_start3A_39 : memref<1x128xi32, #tpu.memory_space<vmem>> -> memref<128xi32, #tpu.memory_space<vmem>>
      %dma_start3A_41 = arith.constant 0 : i32
      %dma_start3A_42 = arith.constant 0 : i32
      %dma_start3A_43 = tpu.memref_slice %arg6[%dma_start3A_41, %dma_start3A_42] : memref<10240x128xf32, #tpu.memory_space<vmem_shared>> -> memref<10240x128xf32, #tpu.memory_space<vmem_shared>>
      tpu.enqueue_indirect_dma source(%arg8 : memref<128x128xf32, #tpu.memory_space<vmem>>) target(%dma_start3A_43 : memref<10240x128xf32, #tpu.memory_space<vmem_shared>>) offsets(%dma_start3A_40 : memref<128xi32, #tpu.memory_space<vmem>>) semaphore(%arg9 : memref<!tpu.dma_semaphore, #tpu.memory_space<semaphore_mem>>) {add = true}
      %mul3A_44 = arith.constant 8 : i32
      %mul3A_45 = arith.muli %scan3A_14, %mul3A_44 : i32
      %add3A_46 = arith.constant 3 : i32
      %add3A_47 = arith.addi %mul3A_45, %add3A_46 : i32
      %dma_start3A_48 = arith.constant 0 : i32
      %dma_start3A_49 = tpu.memref_slice %arg7[%add3A_47, %dma_start3A_48] : memref<80x128xi32, #tpu.memory_space<vmem>> -> memref<1x128xi32, #tpu.memory_space<vmem>>
      %dma_start3A_50 = tpu.memref_squeeze %dma_start3A_49 : memref<1x128xi32, #tpu.memory_space<vmem>> -> memref<128xi32, #tpu.memory_space<vmem>>
      %dma_start3A_51 = arith.constant 0 : i32
      %dma_start3A_52 = arith.constant 0 : i32
      %dma_start3A_53 = tpu.memref_slice %arg6[%dma_start3A_51, %dma_start3A_52] : memref<10240x128xf32, #tpu.memory_space<vmem_shared>> -> memref<10240x128xf32, #tpu.memory_space<vmem_shared>>
      tpu.enqueue_indirect_dma source(%arg8 : memref<128x128xf32, #tpu.memory_space<vmem>>) target(%dma_start3A_53 : memref<10240x128xf32, #tpu.memory_space<vmem_shared>>) offsets(%dma_start3A_50 : memref<128xi32, #tpu.memory_space<vmem>>) semaphore(%arg9 : memref<!tpu.dma_semaphore, #tpu.memory_space<semaphore_mem>>) {add = true}
      %mul3A_54 = arith.constant 8 : i32
      %mul3A_55 = arith.muli %scan3A_14, %mul3A_54 : i32
      %add3A_56 = arith.constant 4 : i32
      %add3A_57 = arith.addi %mul3A_55, %add3A_56 : i32
      %dma_start3A_58 = arith.constant 0 : i32
      %dma_start3A_59 = tpu.memref_slice %arg7[%add3A_57, %dma_start3A_58] : memref<80x128xi32, #tpu.memory_space<vmem>> -> memref<1x128xi32, #tpu.memory_space<vmem>>
      %dma_start3A_60 = tpu.memref_squeeze %dma_start3A_59 : memref<1x128xi32, #tpu.memory_space<vmem>> -> memref<128xi32, #tpu.memory_space<vmem>>
      %dma_start3A_61 = arith.constant 0 : i32
      %dma_start3A_62 = arith.constant 0 : i32
      %dma_start3A_63 = tpu.memref_slice %arg6[%dma_start3A_61, %dma_start3A_62] : memref<10240x128xf32, #tpu.memory_space<vmem_shared>> -> memref<10240x128xf32, #tpu.memory_space<vmem_shared>>
      tpu.enqueue_indirect_dma source(%arg8 : memref<128x128xf32, #tpu.memory_space<vmem>>) target(%dma_start3A_63 : memref<10240x128xf32, #tpu.memory_space<vmem_shared>>) offsets(%dma_start3A_60 : memref<128xi32, #tpu.memory_space<vmem>>) semaphore(%arg9 : memref<!tpu.dma_semaphore, #tpu.memory_space<semaphore_mem>>) {add = true}
      %mul3A_64 = arith.constant 8 : i32
      %mul3A_65 = arith.muli %scan3A_14, %mul3A_64 : i32
      %add3A_66 = arith.constant 5 : i32
      %add3A_67 = arith.addi %mul3A_65, %add3A_66 : i32
      %dma_start3A_68 = arith.constant 0 : i32
      %dma_start3A_69 = tpu.memref_slice %arg7[%add3A_67, %dma_start3A_68] : memref<80x128xi32, #tpu.memory_space<vmem>> -> memref<1x128xi32, #tpu.memory_space<vmem>>
      %dma_start3A_70 = tpu.memref_squeeze %dma_start3A_69 : memref<1x128xi32, #tpu.memory_space<vmem>> -> memref<128xi32, #tpu.memory_space<vmem>>
      %dma_start3A_71 = arith.constant 0 : i32
      %dma_start3A_72 = arith.constant 0 : i32
      %dma_start3A_73 = tpu.memref_slice %arg6[%dma_start3A_71, %dma_start3A_72] : memref<10240x128xf32, #tpu.memory_space<vmem_shared>> -> memref<10240x128xf32, #tpu.memory_space<vmem_shared>>
      tpu.enqueue_indirect_dma source(%arg8 : memref<128x128xf32, #tpu.memory_space<vmem>>) target(%dma_start3A_73 : memref<10240x128xf32, #tpu.memory_space<vmem_shared>>) offsets(%dma_start3A_70 : memref<128xi32, #tpu.memory_space<vmem>>) semaphore(%arg9 : memref<!tpu.dma_semaphore, #tpu.memory_space<semaphore_mem>>) {add = true}
      %mul3A_74 = arith.constant 8 : i32
      %mul3A_75 = arith.muli %scan3A_14, %mul3A_74 : i32
      %add3A_76 = arith.constant 6 : i32
      %add3A_77 = arith.addi %mul3A_75, %add3A_76 : i32
      %dma_start3A_78 = arith.constant 0 : i32
      %dma_start3A_79 = tpu.memref_slice %arg7[%add3A_77, %dma_start3A_78] : memref<80x128xi32, #tpu.memory_space<vmem>> -> memref<1x128xi32, #tpu.memory_space<vmem>>
      %dma_start3A_80 = tpu.memref_squeeze %dma_start3A_79 : memref<1x128xi32, #tpu.memory_space<vmem>> -> memref<128xi32, #tpu.memory_space<vmem>>
      %dma_start3A_81 = arith.constant 0 : i32
      %dma_start3A_82 = arith.constant 0 : i32
      %dma_start3A_83 = tpu.memref_slice %arg6[%dma_start3A_81, %dma_start3A_82] : memref<10240x128xf32, #tpu.memory_space<vmem_shared>> -> memref<10240x128xf32, #tpu.memory_space<vmem_shared>>
      tpu.enqueue_indirect_dma source(%arg8 : memref<128x128xf32, #tpu.memory_space<vmem>>) target(%dma_start3A_83 : memref<10240x128xf32, #tpu.memory_space<vmem_shared>>) offsets(%dma_start3A_80 : memref<128xi32, #tpu.memory_space<vmem>>) semaphore(%arg9 : memref<!tpu.dma_semaphore, #tpu.memory_space<semaphore_mem>>) {add = true}
      %mul3A_84 = arith.constant 8 : i32
      %mul3A_85 = arith.muli %scan3A_14, %mul3A_84 : i32
      %add3A_86 = arith.constant 7 : i32
      %add3A_87 = arith.addi %mul3A_85, %add3A_86 : i32
      %dma_start3A_88 = arith.constant 0 : i32
      %dma_start3A_89 = tpu.memref_slice %arg7[%add3A_87, %dma_start3A_88] : memref<80x128xi32, #tpu.memory_space<vmem>> -> memref<1x128xi32, #tpu.memory_space<vmem>>
      %dma_start3A_90 = tpu.memref_squeeze %dma_start3A_89 : memref<1x128xi32, #tpu.memory_space<vmem>> -> memref<128xi32, #tpu.memory_space<vmem>>
      %dma_start3A_91 = arith.constant 0 : i32
      %dma_start3A_92 = arith.constant 0 : i32
      %dma_start3A_93 = tpu.memref_slice %arg6[%dma_start3A_91, %dma_start3A_92] : memref<10240x128xf32, #tpu.memory_space<vmem_shared>> -> memref<10240x128xf32, #tpu.memory_space<vmem_shared>>
      tpu.enqueue_indirect_dma source(%arg8 : memref<128x128xf32, #tpu.memory_space<vmem>>) target(%dma_start3A_93 : memref<10240x128xf32, #tpu.memory_space<vmem_shared>>) offsets(%dma_start3A_90 : memref<128xi32, #tpu.memory_space<vmem>>) semaphore(%arg9 : memref<!tpu.dma_semaphore, #tpu.memory_space<semaphore_mem>>) {add = true}
      %mul3A_94 = arith.constant 8 : i32
      %mul3A_95 = arith.muli %scan3A_14, %mul3A_94 : i32
      %add3A_96 = arith.constant 0 : i32
      %add3A_97 = arith.addi %mul3A_95, %add3A_96 : i32
      %dma_wait3A = arith.constant 0 : i32
      %dma_wait3A_98 = tpu.memref_slice %arg7[%add3A_97, %dma_wait3A] : memref<80x128xi32, #tpu.memory_space<vmem>> -> memref<1x128xi32, #tpu.memory_space<vmem>>
      %dma_wait3A_99 = tpu.memref_squeeze %dma_wait3A_98 : memref<1x128xi32, #tpu.memory_space<vmem>> -> memref<128xi32, #tpu.memory_space<vmem>>
      %dma_wait3A_100 = arith.constant 0 : i32
      %dma_wait3A_101 = arith.constant 0 : i32
      %dma_wait3A_102 = tpu.memref_slice %arg6[%dma_wait3A_100, %dma_wait3A_101] : memref<10240x128xf32, #tpu.memory_space<vmem_shared>> -> memref<10240x128xf32, #tpu.memory_space<vmem_shared>>
      tpu.wait_indirect_dma semaphore(%arg9 : memref<!tpu.dma_semaphore, #tpu.memory_space<semaphore_mem>>) src(%arg8 : memref<128x128xf32, #tpu.memory_space<vmem>>) dst(%dma_wait3A_102 : memref<10240x128xf32, #tpu.memory_space<vmem_shared>>)
      %mul3A_103 = arith.constant 8 : i32
      %mul3A_104 = arith.muli %scan3A_14, %mul3A_103 : i32
      %add3A_105 = arith.constant 1 : i32
      %add3A_106 = arith.addi %mul3A_104, %add3A_105 : i32
      %dma_wait3A_107 = arith.constant 0 : i32
      %dma_wait3A_108 = tpu.memref_slice %arg7[%add3A_106, %dma_wait3A_107] : memref<80x128xi32, #tpu.memory_space<vmem>> -> memref<1x128xi32, #tpu.memory_space<vmem>>
      %dma_wait3A_109 = tpu.memref_squeeze %dma_wait3A_108 : memref<1x128xi32, #tpu.memory_space<vmem>> -> memref<128xi32, #tpu.memory_space<vmem>>
      %dma_wait3A_110 = arith.constant 0 : i32
      %dma_wait3A_111 = arith.constant 0 : i32
      %dma_wait3A_112 = tpu.memref_slice %arg6[%dma_wait3A_110, %dma_wait3A_111] : memref<10240x128xf32, #tpu.memory_space<vmem_shared>> -> memref<10240x128xf32, #tpu.memory_space<vmem_shared>>
      tpu.wait_indirect_dma semaphore(%arg9 : memref<!tpu.dma_semaphore, #tpu.memory_space<semaphore_mem>>) src(%arg8 : memref<128x128xf32, #tpu.memory_space<vmem>>) dst(%dma_wait3A_112 : memref<10240x128xf32, #tpu.memory_space<vmem_shared>>)
      %mul3A_113 = arith.constant 8 : i32
      %mul3A_114 = arith.muli %scan3A_14, %mul3A_113 : i32
      %add3A_115 = arith.constant 2 : i32
      %add3A_116 = arith.addi %mul3A_114, %add3A_115 : i32
      %dma_wait3A_117 = arith.constant 0 : i32
      %dma_wait3A_118 = tpu.memref_slice %arg7[%add3A_116, %dma_wait3A_117] : memref<80x128xi32, #tpu.memory_space<vmem>> -> memref<1x128xi32, #tpu.memory_space<vmem>>
      %dma_wait3A_119 = tpu.memref_squeeze %dma_wait3A_118 : memref<1x128xi32, #tpu.memory_space<vmem>> -> memref<128xi32, #tpu.memory_space<vmem>>
      %dma_wait3A_120 = arith.constant 0 : i32
      %dma_wait3A_121 = arith.constant 0 : i32
      %dma_wait3A_122 = tpu.memref_slice %arg6[%dma_wait3A_120, %dma_wait3A_121] : memref<10240x128xf32, #tpu.memory_space<vmem_shared>> -> memref<10240x128xf32, #tpu.memory_space<vmem_shared>>
      tpu.wait_indirect_dma semaphore(%arg9 : memref<!tpu.dma_semaphore, #tpu.memory_space<semaphore_mem>>) src(%arg8 : memref<128x128xf32, #tpu.memory_space<vmem>>) dst(%dma_wait3A_122 : memref<10240x128xf32, #tpu.memory_space<vmem_shared>>)
      %mul3A_123 = arith.constant 8 : i32
      %mul3A_124 = arith.muli %scan3A_14, %mul3A_123 : i32
      %add3A_125 = arith.constant 3 : i32
      %add3A_126 = arith.addi %mul3A_124, %add3A_125 : i32
      %dma_wait3A_127 = arith.constant 0 : i32
      %dma_wait3A_128 = tpu.memref_slice %arg7[%add3A_126, %dma_wait3A_127] : memref<80x128xi32, #tpu.memory_space<vmem>> -> memref<1x128xi32, #tpu.memory_space<vmem>>
      %dma_wait3A_129 = tpu.memref_squeeze %dma_wait3A_128 : memref<1x128xi32, #tpu.memory_space<vmem>> -> memref<128xi32, #tpu.memory_space<vmem>>
      %dma_wait3A_130 = arith.constant 0 : i32
      %dma_wait3A_131 = arith.constant 0 : i32
      %dma_wait3A_132 = tpu.memref_slice %arg6[%dma_wait3A_130, %dma_wait3A_131] : memref<10240x128xf32, #tpu.memory_space<vmem_shared>> -> memref<10240x128xf32, #tpu.memory_space<vmem_shared>>
      tpu.wait_indirect_dma semaphore(%arg9 : memref<!tpu.dma_semaphore, #tpu.memory_space<semaphore_mem>>) src(%arg8 : memref<128x128xf32, #tpu.memory_space<vmem>>) dst(%dma_wait3A_132 : memref<10240x128xf32, #tpu.memory_space<vmem_shared>>)
      %mul3A_133 = arith.constant 8 : i32
      %mul3A_134 = arith.muli %scan3A_14, %mul3A_133 : i32
      %add3A_135 = arith.constant 4 : i32
      %add3A_136 = arith.addi %mul3A_134, %add3A_135 : i32
      %dma_wait3A_137 = arith.constant 0 : i32
      %dma_wait3A_138 = tpu.memref_slice %arg7[%add3A_136, %dma_wait3A_137] : memref<80x128xi32, #tpu.memory_space<vmem>> -> memref<1x128xi32, #tpu.memory_space<vmem>>
      %dma_wait3A_139 = tpu.memref_squeeze %dma_wait3A_138 : memref<1x128xi32, #tpu.memory_space<vmem>> -> memref<128xi32, #tpu.memory_space<vmem>>
      %dma_wait3A_140 = arith.constant 0 : i32
      %dma_wait3A_141 = arith.constant 0 : i32
      %dma_wait3A_142 = tpu.memref_slice %arg6[%dma_wait3A_140, %dma_wait3A_141] : memref<10240x128xf32, #tpu.memory_space<vmem_shared>> -> memref<10240x128xf32, #tpu.memory_space<vmem_shared>>
      tpu.wait_indirect_dma semaphore(%arg9 : memref<!tpu.dma_semaphore, #tpu.memory_space<semaphore_mem>>) src(%arg8 : memref<128x128xf32, #tpu.memory_space<vmem>>) dst(%dma_wait3A_142 : memref<10240x128xf32, #tpu.memory_space<vmem_shared>>)
      %mul3A_143 = arith.constant 8 : i32
      %mul3A_144 = arith.muli %scan3A_14, %mul3A_143 : i32
      %add3A_145 = arith.constant 5 : i32
      %add3A_146 = arith.addi %mul3A_144, %add3A_145 : i32
      %dma_wait3A_147 = arith.constant 0 : i32
      %dma_wait3A_148 = tpu.memref_slice %arg7[%add3A_146, %dma_wait3A_147] : memref<80x128xi32, #tpu.memory_space<vmem>> -> memref<1x128xi32, #tpu.memory_space<vmem>>
      %dma_wait3A_149 = tpu.memref_squeeze %dma_wait3A_148 : memref<1x128xi32, #tpu.memory_space<vmem>> -> memref<128xi32, #tpu.memory_space<vmem>>
      %dma_wait3A_150 = arith.constant 0 : i32
      %dma_wait3A_151 = arith.constant 0 : i32
      %dma_wait3A_152 = tpu.memref_slice %arg6[%dma_wait3A_150, %dma_wait3A_151] : memref<10240x128xf32, #tpu.memory_space<vmem_shared>> -> memref<10240x128xf32, #tpu.memory_space<vmem_shared>>
      tpu.wait_indirect_dma semaphore(%arg9 : memref<!tpu.dma_semaphore, #tpu.memory_space<semaphore_mem>>) src(%arg8 : memref<128x128xf32, #tpu.memory_space<vmem>>) dst(%dma_wait3A_152 : memref<10240x128xf32, #tpu.memory_space<vmem_shared>>)
      %mul3A_153 = arith.constant 8 : i32
      %mul3A_154 = arith.muli %scan3A_14, %mul3A_153 : i32
      %add3A_155 = arith.constant 6 : i32
      %add3A_156 = arith.addi %mul3A_154, %add3A_155 : i32
      %dma_wait3A_157 = arith.constant 0 : i32
      %dma_wait3A_158 = tpu.memref_slice %arg7[%add3A_156, %dma_wait3A_157] : memref<80x128xi32, #tpu.memory_space<vmem>> -> memref<1x128xi32, #tpu.memory_space<vmem>>
      %dma_wait3A_159 = tpu.memref_squeeze %dma_wait3A_158 : memref<1x128xi32, #tpu.memory_space<vmem>> -> memref<128xi32, #tpu.memory_space<vmem>>
      %dma_wait3A_160 = arith.constant 0 : i32
      %dma_wait3A_161 = arith.constant 0 : i32
      %dma_wait3A_162 = tpu.memref_slice %arg6[%dma_wait3A_160, %dma_wait3A_161] : memref<10240x128xf32, #tpu.memory_space<vmem_shared>> -> memref<10240x128xf32, #tpu.memory_space<vmem_shared>>
      tpu.wait_indirect_dma semaphore(%arg9 : memref<!tpu.dma_semaphore, #tpu.memory_space<semaphore_mem>>) src(%arg8 : memref<128x128xf32, #tpu.memory_space<vmem>>) dst(%dma_wait3A_162 : memref<10240x128xf32, #tpu.memory_space<vmem_shared>>)
      %mul3A_163 = arith.constant 8 : i32
      %mul3A_164 = arith.muli %scan3A_14, %mul3A_163 : i32
      %add3A_165 = arith.constant 7 : i32
      %add3A_166 = arith.addi %mul3A_164, %add3A_165 : i32
      %dma_wait3A_167 = arith.constant 0 : i32
      %dma_wait3A_168 = tpu.memref_slice %arg7[%add3A_166, %dma_wait3A_167] : memref<80x128xi32, #tpu.memory_space<vmem>> -> memref<1x128xi32, #tpu.memory_space<vmem>>
      %dma_wait3A_169 = tpu.memref_squeeze %dma_wait3A_168 : memref<1x128xi32, #tpu.memory_space<vmem>> -> memref<128xi32, #tpu.memory_space<vmem>>
      %dma_wait3A_170 = arith.constant 0 : i32
      %dma_wait3A_171 = arith.constant 0 : i32
      %dma_wait3A_172 = tpu.memref_slice %arg6[%dma_wait3A_170, %dma_wait3A_171] : memref<10240x128xf32, #tpu.memory_space<vmem_shared>> -> memref<10240x128xf32, #tpu.memory_space<vmem_shared>>
      tpu.wait_indirect_dma semaphore(%arg9 : memref<!tpu.dma_semaphore, #tpu.memory_space<semaphore_mem>>) src(%arg8 : memref<128x128xf32, #tpu.memory_space<vmem>>) dst(%dma_wait3A_172 : memref<10240x128xf32, #tpu.memory_space<vmem_shared>>)
    }
    %scan3A_7 = arith.constant 10 : i32
    %barrier3A_8 = arith.constant 0 : index
    tpu.barrier barrier_id(%barrier3A_8)
    %mul3A_9 = arith.constant 10240 : i32
    %mul3A_10 = arith.muli %arg0, %mul3A_9 : i32
    %mul3A_11 = arith.constant 640 : i32
    %mul3A_12 = arith.muli %arg1, %mul3A_11 : i32
    %add3A_13 = arith.addi %mul3A_10, %mul3A_12 : i32
    "tpu.region"() ({
      %run_scoped3A = tpu.sem_alloc : memref<!tpu.dma_semaphore, #tpu.memory_space<semaphore_mem>>
      %dma_start3A = arith.constant 0 : i32
      %dma_start3A_14 = tpu.memref_slice %arg5[%add3A_13, %dma_start3A] : memref<20480x128xf32, #tpu.memory_space<hbm>> -> memref<640x128xf32, #tpu.memory_space<hbm>>
      %dma_start3A_15 = arith.constant 0 : i32
      %dma_start3A_16 = tpu.memref_slice %arg6[%mul3A_2, %dma_start3A_15] : memref<10240x128xf32, #tpu.memory_space<vmem_shared>> -> memref<640x128xf32, #tpu.memory_space<vmem_shared>>
      tpu.enqueue_dma source(%dma_start3A_16 : memref<640x128xf32, #tpu.memory_space<vmem_shared>>) target(%dma_start3A_14 : memref<640x128xf32, #tpu.memory_space<hbm>>) target_semaphore(%run_scoped3A : memref<!tpu.dma_semaphore, #tpu.memory_space<semaphore_mem>>)
      %dma_wait3A = arith.constant 0 : i32
      %dma_wait3A_17 = tpu.memref_slice %arg5[%add3A_13, %dma_wait3A] : memref<20480x128xf32, #tpu.memory_space<hbm>> -> memref<640x128xf32, #tpu.memory_space<hbm>>
      %dma_wait3A_18 = arith.constant 0 : i32
      %dma_wait3A_19 = tpu.memref_slice %arg6[%mul3A_2, %dma_wait3A_18] : memref<10240x128xf32, #tpu.memory_space<vmem_shared>> -> memref<640x128xf32, #tpu.memory_space<vmem_shared>>
      tpu.wait_dma2 semaphore(%run_scoped3A : memref<!tpu.dma_semaphore, #tpu.memory_space<semaphore_mem>>) src(%dma_wait3A_19 : memref<640x128xf32, #tpu.memory_space<vmem_shared>>) dst(%dma_wait3A_17 : memref<640x128xf32, #tpu.memory_space<hbm>>)
      tpu.yield
    }) : () -> ()
    return
  }
}

#map = affine_map<(d0, d1) -> (0, 0, 0)>
#map1 = affine_map<(d0, d1) -> (0, 0)>
module attributes {stable_mosaic.version = 14 : i64} {
  func.func @k(%arg0: i32, %arg1: i32, %arg2: memref<16x160x128xi32, #tpu.memory_space<hbm>>, %arg3: memref<16x160x128xi32, #tpu.memory_space<hbm>>, %arg4: memref<10240x128xf32, #tpu.memory_space<hbm>>, %arg5: memref<10240x128xf32, #tpu.memory_space<hbm>>, %arg6: memref<640x128xf32, #tpu.memory_space<hbm>>, %arg7: memref<10240x128xf32, #tpu.memory_space<hbm>>, %arg8: memref<10240x128xf32, #tpu.memory_space<hbm>>, %arg9: memref<10240x128xf32, #tpu.memory_space<vmem_shared>>, %arg10: memref<40x128xi32, #tpu.memory_space<vmem>>, %arg11: memref<40x128xi32, #tpu.memory_space<vmem>>, %arg12: memref<128x128xf32, #tpu.memory_space<vmem>>, %arg13: memref<128x128xf32, #tpu.memory_space<vmem>>, %arg14: memref<!tpu.dma_semaphore, #tpu.memory_space<semaphore_mem>>, %arg15: memref<!tpu.dma_semaphore, #tpu.memory_space<semaphore_mem>>) attributes {dimension_semantics = [#tpu.dimension_semantics<core_parallel>, #tpu.dimension_semantics<subcore_parallel>], iteration_bounds = array<i64: 2, 16>, scalar_prefetch = 0 : i64, scratch_operands = 7 : i64, tpu.core_type = #tpu.core_type<sc_vector_subcore>, window_params = [{transform_indices = #map}, {transform_indices = #map}, {transform_indices = #map1}, {transform_indices = #map1}, {transform_indices = #map1}, {transform_indices = #map1}, {transform_indices = #map1}]} {
    %mul3A = arith.constant 640 : i32
    %mul3A_0 = arith.muli %arg1, %mul3A : i32
    "tpu.region"() ({
      %run_scoped3A = tpu.sem_alloc : memref<!tpu.dma_semaphore, #tpu.memory_space<semaphore_mem>>
      %dma_start3A = arith.constant 0 : i32
      %dma_start3A_19 = tpu.memref_slice %arg9[%mul3A_0, %dma_start3A] : memref<10240x128xf32, #tpu.memory_space<vmem_shared>> -> memref<640x128xf32, #tpu.memory_space<vmem_shared>>
      tpu.enqueue_dma source(%arg6 : memref<640x128xf32, #tpu.memory_space<hbm>>) target(%dma_start3A_19 : memref<640x128xf32, #tpu.memory_space<vmem_shared>>) target_semaphore(%run_scoped3A : memref<!tpu.dma_semaphore, #tpu.memory_space<semaphore_mem>>)
      %dma_wait3A = arith.constant 0 : i32
      %dma_wait3A_20 = tpu.memref_slice %arg9[%mul3A_0, %dma_wait3A] : memref<10240x128xf32, #tpu.memory_space<vmem_shared>> -> memref<640x128xf32, #tpu.memory_space<vmem_shared>>
      tpu.wait_dma2 semaphore(%run_scoped3A : memref<!tpu.dma_semaphore, #tpu.memory_space<semaphore_mem>>) src(%arg6 : memref<640x128xf32, #tpu.memory_space<hbm>>) dst(%dma_wait3A_20 : memref<640x128xf32, #tpu.memory_space<vmem_shared>>)
      tpu.yield
    }) : () -> ()
    %barrier3A = arith.constant 0 : index
    tpu.barrier barrier_id(%barrier3A)
    %eq3A = arith.constant 0 : i32
    %eq3A_1 = arith.cmpi eq, %arg0, %eq3A : i32
    %convert_element_type3A = arith.extui %eq3A_1 : i1 to i32
    %cond3A = arith.constant 0 : i32
    %cond3A_2 = arith.cmpi ne, %convert_element_type3A, %cond3A : i32
    scf.if %cond3A_2 {
      "tpu.region"() ({
        %run_scoped3A = tpu.sem_alloc : memref<!tpu.dma_semaphore, #tpu.memory_space<semaphore_mem>>
        %dma_start3A_69 = arith.constant 0 : i32
        %dma_start3A_70 = arith.constant 0 : i32
        %dma_start3A_71 = tpu.memref_slice %arg2[%arg1, %dma_start3A_69, %dma_start3A_70] : memref<16x160x128xi32, #tpu.memory_space<hbm>> -> memref<1x40x128xi32, #tpu.memory_space<hbm>>
        %dma_start3A_72 = tpu.memref_squeeze %dma_start3A_71 : memref<1x40x128xi32, #tpu.memory_space<hbm>> -> memref<40x128xi32, #tpu.memory_space<hbm>>
        %dma_start3A_73 = arith.constant 0 : i32
        %dma_start3A_74 = arith.constant 0 : i32
        %dma_start3A_75 = tpu.memref_slice %arg2[%arg1, %dma_start3A_73, %dma_start3A_74] : memref<16x160x128xi32, #tpu.memory_space<hbm>> -> memref<1x40x128xi32, #tpu.memory_space<hbm>>
        %dma_start3A_76 = tpu.memref_squeeze %dma_start3A_75 : memref<1x40x128xi32, #tpu.memory_space<hbm>> -> memref<40x128xi32, #tpu.memory_space<hbm>>
        tpu.enqueue_dma source(%dma_start3A_76 : memref<40x128xi32, #tpu.memory_space<hbm>>) target(%arg10 : memref<40x128xi32, #tpu.memory_space<vmem>>) target_semaphore(%run_scoped3A : memref<!tpu.dma_semaphore, #tpu.memory_space<semaphore_mem>>)
        %dma_wait3A = arith.constant 0 : i32
        %dma_wait3A_77 = arith.constant 0 : i32
        %dma_wait3A_78 = tpu.memref_slice %arg2[%arg1, %dma_wait3A, %dma_wait3A_77] : memref<16x160x128xi32, #tpu.memory_space<hbm>> -> memref<1x40x128xi32, #tpu.memory_space<hbm>>
        %dma_wait3A_79 = tpu.memref_squeeze %dma_wait3A_78 : memref<1x40x128xi32, #tpu.memory_space<hbm>> -> memref<40x128xi32, #tpu.memory_space<hbm>>
        %dma_wait3A_80 = arith.constant 0 : i32
        %dma_wait3A_81 = arith.constant 0 : i32
        %dma_wait3A_82 = tpu.memref_slice %arg2[%arg1, %dma_wait3A_80, %dma_wait3A_81] : memref<16x160x128xi32, #tpu.memory_space<hbm>> -> memref<1x40x128xi32, #tpu.memory_space<hbm>>
        %dma_wait3A_83 = tpu.memref_squeeze %dma_wait3A_82 : memref<1x40x128xi32, #tpu.memory_space<hbm>> -> memref<40x128xi32, #tpu.memory_space<hbm>>
        tpu.wait_dma2 semaphore(%run_scoped3A : memref<!tpu.dma_semaphore, #tpu.memory_space<semaphore_mem>>) src(%dma_wait3A_83 : memref<40x128xi32, #tpu.memory_space<hbm>>) dst(%arg10 : memref<40x128xi32, #tpu.memory_space<vmem>>)
        tpu.yield
      }) : () -> ()
      "tpu.region"() ({
        %run_scoped3A = tpu.sem_alloc : memref<!tpu.dma_semaphore, #tpu.memory_space<semaphore_mem>>
        %dma_start3A_69 = arith.constant 0 : i32
        %dma_start3A_70 = arith.constant 0 : i32
        %dma_start3A_71 = tpu.memref_slice %arg3[%arg1, %dma_start3A_69, %dma_start3A_70] : memref<16x160x128xi32, #tpu.memory_space<hbm>> -> memref<1x40x128xi32, #tpu.memory_space<hbm>>
        %dma_start3A_72 = tpu.memref_squeeze %dma_start3A_71 : memref<1x40x128xi32, #tpu.memory_space<hbm>> -> memref<40x128xi32, #tpu.memory_space<hbm>>
        %dma_start3A_73 = arith.constant 0 : i32
        %dma_start3A_74 = arith.constant 0 : i32
        %dma_start3A_75 = tpu.memref_slice %arg3[%arg1, %dma_start3A_73, %dma_start3A_74] : memref<16x160x128xi32, #tpu.memory_space<hbm>> -> memref<1x40x128xi32, #tpu.memory_space<hbm>>
        %dma_start3A_76 = tpu.memref_squeeze %dma_start3A_75 : memref<1x40x128xi32, #tpu.memory_space<hbm>> -> memref<40x128xi32, #tpu.memory_space<hbm>>
        tpu.enqueue_dma source(%dma_start3A_76 : memref<40x128xi32, #tpu.memory_space<hbm>>) target(%arg11 : memref<40x128xi32, #tpu.memory_space<vmem>>) target_semaphore(%run_scoped3A : memref<!tpu.dma_semaphore, #tpu.memory_space<semaphore_mem>>)
        %dma_wait3A = arith.constant 0 : i32
        %dma_wait3A_77 = arith.constant 0 : i32
        %dma_wait3A_78 = tpu.memref_slice %arg3[%arg1, %dma_wait3A, %dma_wait3A_77] : memref<16x160x128xi32, #tpu.memory_space<hbm>> -> memref<1x40x128xi32, #tpu.memory_space<hbm>>
        %dma_wait3A_79 = tpu.memref_squeeze %dma_wait3A_78 : memref<1x40x128xi32, #tpu.memory_space<hbm>> -> memref<40x128xi32, #tpu.memory_space<hbm>>
        %dma_wait3A_80 = arith.constant 0 : i32
        %dma_wait3A_81 = arith.constant 0 : i32
        %dma_wait3A_82 = tpu.memref_slice %arg3[%arg1, %dma_wait3A_80, %dma_wait3A_81] : memref<16x160x128xi32, #tpu.memory_space<hbm>> -> memref<1x40x128xi32, #tpu.memory_space<hbm>>
        %dma_wait3A_83 = tpu.memref_squeeze %dma_wait3A_82 : memref<1x40x128xi32, #tpu.memory_space<hbm>> -> memref<40x128xi32, #tpu.memory_space<hbm>>
        tpu.wait_dma2 semaphore(%run_scoped3A : memref<!tpu.dma_semaphore, #tpu.memory_space<semaphore_mem>>) src(%dma_wait3A_83 : memref<40x128xi32, #tpu.memory_space<hbm>>) dst(%arg11 : memref<40x128xi32, #tpu.memory_space<vmem>>)
        tpu.yield
      }) : () -> ()
      %dma_start3A = arith.constant 0 : i32
      %dma_start3A_19 = arith.constant 0 : i32
      %dma_start3A_20 = tpu.memref_slice %arg10[%dma_start3A, %dma_start3A_19] : memref<40x128xi32, #tpu.memory_space<vmem>> -> memref<1x128xi32, #tpu.memory_space<vmem>>
      %dma_start3A_21 = tpu.memref_squeeze %dma_start3A_20 : memref<1x128xi32, #tpu.memory_space<vmem>> -> memref<128xi32, #tpu.memory_space<vmem>>
      %dma_start3A_22 = arith.constant 0 : i32
      %dma_start3A_23 = arith.constant 0 : i32
      %dma_start3A_24 = tpu.memref_slice %arg4[%dma_start3A_22, %dma_start3A_23] : memref<10240x128xf32, #tpu.memory_space<hbm>> -> memref<10240x128xf32, #tpu.memory_space<hbm>>
      tpu.enqueue_indirect_dma source(%dma_start3A_24 : memref<10240x128xf32, #tpu.memory_space<hbm>>) target(%arg12 : memref<128x128xf32, #tpu.memory_space<vmem>>) offsets(%dma_start3A_21 : memref<128xi32, #tpu.memory_space<vmem>>) semaphore(%arg14 : memref<!tpu.dma_semaphore, #tpu.memory_space<semaphore_mem>>)
      %scan3A = arith.constant 0 : i32
      %scan3A_25 = arith.constant 0 : i32
      %scan3A_26 = arith.constant 20 : i32
      %scan3A_27 = arith.addi %scan3A_25, %scan3A_26 : i32
      %scan3A_28 = arith.constant 1 : i32
      scf.for %scan3A_69 = %scan3A_25 to %scan3A_27 step %scan3A_28  : i32 {
        %mul3A_70 = arith.constant 2 : i32
        %mul3A_71 = arith.muli %mul3A_70, %scan3A_69 : i32
        %add3A = arith.constant 1 : i32
        %add3A_72 = arith.addi %mul3A_71, %add3A : i32
        %dma_start3A_73 = arith.constant 0 : i32
        %dma_start3A_74 = tpu.memref_slice %arg10[%add3A_72, %dma_start3A_73] : memref<40x128xi32, #tpu.memory_space<vmem>> -> memref<1x128xi32, #tpu.memory_space<vmem>>
        %dma_start3A_75 = tpu.memref_squeeze %dma_start3A_74 : memref<1x128xi32, #tpu.memory_space<vmem>> -> memref<128xi32, #tpu.memory_space<vmem>>
        %dma_start3A_76 = arith.constant 0 : i32
        %dma_start3A_77 = arith.constant 0 : i32
        %dma_start3A_78 = tpu.memref_slice %arg4[%dma_start3A_76, %dma_start3A_77] : memref<10240x128xf32, #tpu.memory_space<hbm>> -> memref<10240x128xf32, #tpu.memory_space<hbm>>
        tpu.enqueue_indirect_dma source(%dma_start3A_78 : memref<10240x128xf32, #tpu.memory_space<hbm>>) target(%arg13 : memref<128x128xf32, #tpu.memory_space<vmem>>) offsets(%dma_start3A_75 : memref<128xi32, #tpu.memory_space<vmem>>) semaphore(%arg15 : memref<!tpu.dma_semaphore, #tpu.memory_space<semaphore_mem>>)
        %dma_wait3A = arith.constant 0 : i32
        %dma_wait3A_79 = tpu.memref_slice %arg10[%mul3A_71, %dma_wait3A] : memref<40x128xi32, #tpu.memory_space<vmem>> -> memref<1x128xi32, #tpu.memory_space<vmem>>
        %dma_wait3A_80 = tpu.memref_squeeze %dma_wait3A_79 : memref<1x128xi32, #tpu.memory_space<vmem>> -> memref<128xi32, #tpu.memory_space<vmem>>
        %dma_wait3A_81 = arith.constant 0 : i32
        %dma_wait3A_82 = arith.constant 0 : i32
        %dma_wait3A_83 = tpu.memref_slice %arg4[%dma_wait3A_81, %dma_wait3A_82] : memref<10240x128xf32, #tpu.memory_space<hbm>> -> memref<10240x128xf32, #tpu.memory_space<hbm>>
        tpu.wait_indirect_dma semaphore(%arg14 : memref<!tpu.dma_semaphore, #tpu.memory_space<semaphore_mem>>) src(%dma_wait3A_83 : memref<10240x128xf32, #tpu.memory_space<hbm>>) dst(%arg12 : memref<128x128xf32, #tpu.memory_space<vmem>>)
        "tpu.region"() ({
          %run_scoped3A = tpu.sem_alloc : memref<!tpu.dma_semaphore, #tpu.memory_space<semaphore_mem>>
          %dma_start3A_98 = arith.constant 0 : i32
          %dma_start3A_99 = tpu.memref_slice %arg11[%mul3A_71, %dma_start3A_98] : memref<40x128xi32, #tpu.memory_space<vmem>> -> memref<1x128xi32, #tpu.memory_space<vmem>>
          %dma_start3A_100 = tpu.memref_squeeze %dma_start3A_99 : memref<1x128xi32, #tpu.memory_space<vmem>> -> memref<128xi32, #tpu.memory_space<vmem>>
          %dma_start3A_101 = arith.constant 0 : i32
          %dma_start3A_102 = arith.constant 0 : i32
          %dma_start3A_103 = tpu.memref_slice %arg9[%dma_start3A_101, %dma_start3A_102] : memref<10240x128xf32, #tpu.memory_space<vmem_shared>> -> memref<10240x128xf32, #tpu.memory_space<vmem_shared>>
          tpu.enqueue_indirect_dma source(%arg12 : memref<128x128xf32, #tpu.memory_space<vmem>>) target(%dma_start3A_103 : memref<10240x128xf32, #tpu.memory_space<vmem_shared>>) offsets(%dma_start3A_100 : memref<128xi32, #tpu.memory_space<vmem>>) semaphore(%run_scoped3A : memref<!tpu.dma_semaphore, #tpu.memory_space<semaphore_mem>>) {add = true}
          %dma_wait3A_104 = arith.constant 0 : i32
          %dma_wait3A_105 = tpu.memref_slice %arg11[%mul3A_71, %dma_wait3A_104] : memref<40x128xi32, #tpu.memory_space<vmem>> -> memref<1x128xi32, #tpu.memory_space<vmem>>
          %dma_wait3A_106 = tpu.memref_squeeze %dma_wait3A_105 : memref<1x128xi32, #tpu.memory_space<vmem>> -> memref<128xi32, #tpu.memory_space<vmem>>
          %dma_wait3A_107 = arith.constant 0 : i32
          %dma_wait3A_108 = arith.constant 0 : i32
          %dma_wait3A_109 = tpu.memref_slice %arg9[%dma_wait3A_107, %dma_wait3A_108] : memref<10240x128xf32, #tpu.memory_space<vmem_shared>> -> memref<10240x128xf32, #tpu.memory_space<vmem_shared>>
          tpu.wait_indirect_dma semaphore(%run_scoped3A : memref<!tpu.dma_semaphore, #tpu.memory_space<semaphore_mem>>) src(%arg12 : memref<128x128xf32, #tpu.memory_space<vmem>>) dst(%dma_wait3A_109 : memref<10240x128xf32, #tpu.memory_space<vmem_shared>>)
          tpu.yield
        }) : () -> ()
        %lt3A = arith.constant 19 : i32
        %lt3A_84 = arith.cmpi slt, %scan3A_69, %lt3A : i32
        %convert_element_type3A_85 = arith.extui %lt3A_84 : i1 to i32
        %cond3A_86 = arith.constant 0 : i32
        %cond3A_87 = arith.cmpi ne, %convert_element_type3A_85, %cond3A_86 : i32
        scf.if %cond3A_87 {
          %add3A_98 = arith.constant 2 : i32
          %add3A_99 = arith.addi %mul3A_71, %add3A_98 : i32
          %dma_start3A_100 = arith.constant 0 : i32
          %dma_start3A_101 = tpu.memref_slice %arg10[%add3A_99, %dma_start3A_100] : memref<40x128xi32, #tpu.memory_space<vmem>> -> memref<1x128xi32, #tpu.memory_space<vmem>>
          %dma_start3A_102 = tpu.memref_squeeze %dma_start3A_101 : memref<1x128xi32, #tpu.memory_space<vmem>> -> memref<128xi32, #tpu.memory_space<vmem>>
          %dma_start3A_103 = arith.constant 0 : i32
          %dma_start3A_104 = arith.constant 0 : i32
          %dma_start3A_105 = tpu.memref_slice %arg4[%dma_start3A_103, %dma_start3A_104] : memref<10240x128xf32, #tpu.memory_space<hbm>> -> memref<10240x128xf32, #tpu.memory_space<hbm>>
          tpu.enqueue_indirect_dma source(%dma_start3A_105 : memref<10240x128xf32, #tpu.memory_space<hbm>>) target(%arg12 : memref<128x128xf32, #tpu.memory_space<vmem>>) offsets(%dma_start3A_102 : memref<128xi32, #tpu.memory_space<vmem>>) semaphore(%arg14 : memref<!tpu.dma_semaphore, #tpu.memory_space<semaphore_mem>>)
        } else {
        }
        %add3A_88 = arith.constant 1 : i32
        %add3A_89 = arith.addi %mul3A_71, %add3A_88 : i32
        %dma_wait3A_90 = arith.constant 0 : i32
        %dma_wait3A_91 = tpu.memref_slice %arg10[%add3A_89, %dma_wait3A_90] : memref<40x128xi32, #tpu.memory_space<vmem>> -> memref<1x128xi32, #tpu.memory_space<vmem>>
        %dma_wait3A_92 = tpu.memref_squeeze %dma_wait3A_91 : memref<1x128xi32, #tpu.memory_space<vmem>> -> memref<128xi32, #tpu.memory_space<vmem>>
        %dma_wait3A_93 = arith.constant 0 : i32
        %dma_wait3A_94 = arith.constant 0 : i32
        %dma_wait3A_95 = tpu.memref_slice %arg4[%dma_wait3A_93, %dma_wait3A_94] : memref<10240x128xf32, #tpu.memory_space<hbm>> -> memref<10240x128xf32, #tpu.memory_space<hbm>>
        tpu.wait_indirect_dma semaphore(%arg15 : memref<!tpu.dma_semaphore, #tpu.memory_space<semaphore_mem>>) src(%dma_wait3A_95 : memref<10240x128xf32, #tpu.memory_space<hbm>>) dst(%arg13 : memref<128x128xf32, #tpu.memory_space<vmem>>)
        %add3A_96 = arith.constant 1 : i32
        %add3A_97 = arith.addi %mul3A_71, %add3A_96 : i32
        "tpu.region"() ({
          %run_scoped3A = tpu.sem_alloc : memref<!tpu.dma_semaphore, #tpu.memory_space<semaphore_mem>>
          %dma_start3A_98 = arith.constant 0 : i32
          %dma_start3A_99 = tpu.memref_slice %arg11[%add3A_97, %dma_start3A_98] : memref<40x128xi32, #tpu.memory_space<vmem>> -> memref<1x128xi32, #tpu.memory_space<vmem>>
          %dma_start3A_100 = tpu.memref_squeeze %dma_start3A_99 : memref<1x128xi32, #tpu.memory_space<vmem>> -> memref<128xi32, #tpu.memory_space<vmem>>
          %dma_start3A_101 = arith.constant 0 : i32
          %dma_start3A_102 = arith.constant 0 : i32
          %dma_start3A_103 = tpu.memref_slice %arg9[%dma_start3A_101, %dma_start3A_102] : memref<10240x128xf32, #tpu.memory_space<vmem_shared>> -> memref<10240x128xf32, #tpu.memory_space<vmem_shared>>
          tpu.enqueue_indirect_dma source(%arg13 : memref<128x128xf32, #tpu.memory_space<vmem>>) target(%dma_start3A_103 : memref<10240x128xf32, #tpu.memory_space<vmem_shared>>) offsets(%dma_start3A_100 : memref<128xi32, #tpu.memory_space<vmem>>) semaphore(%run_scoped3A : memref<!tpu.dma_semaphore, #tpu.memory_space<semaphore_mem>>) {add = true}
          %dma_wait3A_104 = arith.constant 0 : i32
          %dma_wait3A_105 = tpu.memref_slice %arg11[%add3A_97, %dma_wait3A_104] : memref<40x128xi32, #tpu.memory_space<vmem>> -> memref<1x128xi32, #tpu.memory_space<vmem>>
          %dma_wait3A_106 = tpu.memref_squeeze %dma_wait3A_105 : memref<1x128xi32, #tpu.memory_space<vmem>> -> memref<128xi32, #tpu.memory_space<vmem>>
          %dma_wait3A_107 = arith.constant 0 : i32
          %dma_wait3A_108 = arith.constant 0 : i32
          %dma_wait3A_109 = tpu.memref_slice %arg9[%dma_wait3A_107, %dma_wait3A_108] : memref<10240x128xf32, #tpu.memory_space<vmem_shared>> -> memref<10240x128xf32, #tpu.memory_space<vmem_shared>>
          tpu.wait_indirect_dma semaphore(%run_scoped3A : memref<!tpu.dma_semaphore, #tpu.memory_space<semaphore_mem>>) src(%arg13 : memref<128x128xf32, #tpu.memory_space<vmem>>) dst(%dma_wait3A_109 : memref<10240x128xf32, #tpu.memory_space<vmem_shared>>)
          tpu.yield
        }) : () -> ()
      }
      %scan3A_29 = arith.constant 20 : i32
      "tpu.region"() ({
        %run_scoped3A = tpu.sem_alloc : memref<!tpu.dma_semaphore, #tpu.memory_space<semaphore_mem>>
        %dma_start3A_69 = arith.constant 40 : i32
        %dma_start3A_70 = arith.constant 0 : i32
        %dma_start3A_71 = tpu.memref_slice %arg2[%arg1, %dma_start3A_69, %dma_start3A_70] : memref<16x160x128xi32, #tpu.memory_space<hbm>> -> memref<1x40x128xi32, #tpu.memory_space<hbm>>
        %dma_start3A_72 = tpu.memref_squeeze %dma_start3A_71 : memref<1x40x128xi32, #tpu.memory_space<hbm>> -> memref<40x128xi32, #tpu.memory_space<hbm>>
        %dma_start3A_73 = arith.constant 40 : i32
        %dma_start3A_74 = arith.constant 0 : i32
        %dma_start3A_75 = tpu.memref_slice %arg2[%arg1, %dma_start3A_73, %dma_start3A_74] : memref<16x160x128xi32, #tpu.memory_space<hbm>> -> memref<1x40x128xi32, #tpu.memory_space<hbm>>
        %dma_start3A_76 = tpu.memref_squeeze %dma_start3A_75 : memref<1x40x128xi32, #tpu.memory_space<hbm>> -> memref<40x128xi32, #tpu.memory_space<hbm>>
        tpu.enqueue_dma source(%dma_start3A_76 : memref<40x128xi32, #tpu.memory_space<hbm>>) target(%arg10 : memref<40x128xi32, #tpu.memory_space<vmem>>) target_semaphore(%run_scoped3A : memref<!tpu.dma_semaphore, #tpu.memory_space<semaphore_mem>>)
        %dma_wait3A = arith.constant 40 : i32
        %dma_wait3A_77 = arith.constant 0 : i32
        %dma_wait3A_78 = tpu.memref_slice %arg2[%arg1, %dma_wait3A, %dma_wait3A_77] : memref<16x160x128xi32, #tpu.memory_space<hbm>> -> memref<1x40x128xi32, #tpu.memory_space<hbm>>
        %dma_wait3A_79 = tpu.memref_squeeze %dma_wait3A_78 : memref<1x40x128xi32, #tpu.memory_space<hbm>> -> memref<40x128xi32, #tpu.memory_space<hbm>>
        %dma_wait3A_80 = arith.constant 40 : i32
        %dma_wait3A_81 = arith.constant 0 : i32
        %dma_wait3A_82 = tpu.memref_slice %arg2[%arg1, %dma_wait3A_80, %dma_wait3A_81] : memref<16x160x128xi32, #tpu.memory_space<hbm>> -> memref<1x40x128xi32, #tpu.memory_space<hbm>>
        %dma_wait3A_83 = tpu.memref_squeeze %dma_wait3A_82 : memref<1x40x128xi32, #tpu.memory_space<hbm>> -> memref<40x128xi32, #tpu.memory_space<hbm>>
        tpu.wait_dma2 semaphore(%run_scoped3A : memref<!tpu.dma_semaphore, #tpu.memory_space<semaphore_mem>>) src(%dma_wait3A_83 : memref<40x128xi32, #tpu.memory_space<hbm>>) dst(%arg10 : memref<40x128xi32, #tpu.memory_space<vmem>>)
        tpu.yield
      }) : () -> ()
      "tpu.region"() ({
        %run_scoped3A = tpu.sem_alloc : memref<!tpu.dma_semaphore, #tpu.memory_space<semaphore_mem>>
        %dma_start3A_69 = arith.constant 40 : i32
        %dma_start3A_70 = arith.constant 0 : i32
        %dma_start3A_71 = tpu.memref_slice %arg3[%arg1, %dma_start3A_69, %dma_start3A_70] : memref<16x160x128xi32, #tpu.memory_space<hbm>> -> memref<1x40x128xi32, #tpu.memory_space<hbm>>
        %dma_start3A_72 = tpu.memref_squeeze %dma_start3A_71 : memref<1x40x128xi32, #tpu.memory_space<hbm>> -> memref<40x128xi32, #tpu.memory_space<hbm>>
        %dma_start3A_73 = arith.constant 40 : i32
        %dma_start3A_74 = arith.constant 0 : i32
        %dma_start3A_75 = tpu.memref_slice %arg3[%arg1, %dma_start3A_73, %dma_start3A_74] : memref<16x160x128xi32, #tpu.memory_space<hbm>> -> memref<1x40x128xi32, #tpu.memory_space<hbm>>
        %dma_start3A_76 = tpu.memref_squeeze %dma_start3A_75 : memref<1x40x128xi32, #tpu.memory_space<hbm>> -> memref<40x128xi32, #tpu.memory_space<hbm>>
        tpu.enqueue_dma source(%dma_start3A_76 : memref<40x128xi32, #tpu.memory_space<hbm>>) target(%arg11 : memref<40x128xi32, #tpu.memory_space<vmem>>) target_semaphore(%run_scoped3A : memref<!tpu.dma_semaphore, #tpu.memory_space<semaphore_mem>>)
        %dma_wait3A = arith.constant 40 : i32
        %dma_wait3A_77 = arith.constant 0 : i32
        %dma_wait3A_78 = tpu.memref_slice %arg3[%arg1, %dma_wait3A, %dma_wait3A_77] : memref<16x160x128xi32, #tpu.memory_space<hbm>> -> memref<1x40x128xi32, #tpu.memory_space<hbm>>
        %dma_wait3A_79 = tpu.memref_squeeze %dma_wait3A_78 : memref<1x40x128xi32, #tpu.memory_space<hbm>> -> memref<40x128xi32, #tpu.memory_space<hbm>>
        %dma_wait3A_80 = arith.constant 40 : i32
        %dma_wait3A_81 = arith.constant 0 : i32
        %dma_wait3A_82 = tpu.memref_slice %arg3[%arg1, %dma_wait3A_80, %dma_wait3A_81] : memref<16x160x128xi32, #tpu.memory_space<hbm>> -> memref<1x40x128xi32, #tpu.memory_space<hbm>>
        %dma_wait3A_83 = tpu.memref_squeeze %dma_wait3A_82 : memref<1x40x128xi32, #tpu.memory_space<hbm>> -> memref<40x128xi32, #tpu.memory_space<hbm>>
        tpu.wait_dma2 semaphore(%run_scoped3A : memref<!tpu.dma_semaphore, #tpu.memory_space<semaphore_mem>>) src(%dma_wait3A_83 : memref<40x128xi32, #tpu.memory_space<hbm>>) dst(%arg11 : memref<40x128xi32, #tpu.memory_space<vmem>>)
        tpu.yield
      }) : () -> ()
      %dma_start3A_30 = arith.constant 0 : i32
      %dma_start3A_31 = arith.constant 0 : i32
      %dma_start3A_32 = tpu.memref_slice %arg10[%dma_start3A_30, %dma_start3A_31] : memref<40x128xi32, #tpu.memory_space<vmem>> -> memref<1x128xi32, #tpu.memory_space<vmem>>
      %dma_start3A_33 = tpu.memref_squeeze %dma_start3A_32 : memref<1x128xi32, #tpu.memory_space<vmem>> -> memref<128xi32, #tpu.memory_space<vmem>>
      %dma_start3A_34 = arith.constant 0 : i32
      %dma_start3A_35 = arith.constant 0 : i32
      %dma_start3A_36 = tpu.memref_slice %arg4[%dma_start3A_34, %dma_start3A_35] : memref<10240x128xf32, #tpu.memory_space<hbm>> -> memref<10240x128xf32, #tpu.memory_space<hbm>>
      tpu.enqueue_indirect_dma source(%dma_start3A_36 : memref<10240x128xf32, #tpu.memory_space<hbm>>) target(%arg12 : memref<128x128xf32, #tpu.memory_space<vmem>>) offsets(%dma_start3A_33 : memref<128xi32, #tpu.memory_space<vmem>>) semaphore(%arg14 : memref<!tpu.dma_semaphore, #tpu.memory_space<semaphore_mem>>)
      %scan3A_37 = arith.constant 0 : i32
      %scan3A_38 = arith.constant 0 : i32
      %scan3A_39 = arith.constant 20 : i32
      %scan3A_40 = arith.addi %scan3A_38, %scan3A_39 : i32
      %scan3A_41 = arith.constant 1 : i32
      scf.for %scan3A_69 = %scan3A_38 to %scan3A_40 step %scan3A_41  : i32 {
        %mul3A_70 = arith.constant 2 : i32
        %mul3A_71 = arith.muli %mul3A_70, %scan3A_69 : i32
        %add3A = arith.constant 1 : i32
        %add3A_72 = arith.addi %mul3A_71, %add3A : i32
        %dma_start3A_73 = arith.constant 0 : i32
        %dma_start3A_74 = tpu.memref_slice %arg10[%add3A_72, %dma_start3A_73] : memref<40x128xi32, #tpu.memory_space<vmem>> -> memref<1x128xi32, #tpu.memory_space<vmem>>
        %dma_start3A_75 = tpu.memref_squeeze %dma_start3A_74 : memref<1x128xi32, #tpu.memory_space<vmem>> -> memref<128xi32, #tpu.memory_space<vmem>>
        %dma_start3A_76 = arith.constant 0 : i32
        %dma_start3A_77 = arith.constant 0 : i32
        %dma_start3A_78 = tpu.memref_slice %arg4[%dma_start3A_76, %dma_start3A_77] : memref<10240x128xf32, #tpu.memory_space<hbm>> -> memref<10240x128xf32, #tpu.memory_space<hbm>>
        tpu.enqueue_indirect_dma source(%dma_start3A_78 : memref<10240x128xf32, #tpu.memory_space<hbm>>) target(%arg13 : memref<128x128xf32, #tpu.memory_space<vmem>>) offsets(%dma_start3A_75 : memref<128xi32, #tpu.memory_space<vmem>>) semaphore(%arg15 : memref<!tpu.dma_semaphore, #tpu.memory_space<semaphore_mem>>)
        %dma_wait3A = arith.constant 0 : i32
        %dma_wait3A_79 = tpu.memref_slice %arg10[%mul3A_71, %dma_wait3A] : memref<40x128xi32, #tpu.memory_space<vmem>> -> memref<1x128xi32, #tpu.memory_space<vmem>>
        %dma_wait3A_80 = tpu.memref_squeeze %dma_wait3A_79 : memref<1x128xi32, #tpu.memory_space<vmem>> -> memref<128xi32, #tpu.memory_space<vmem>>
        %dma_wait3A_81 = arith.constant 0 : i32
        %dma_wait3A_82 = arith.constant 0 : i32
        %dma_wait3A_83 = tpu.memref_slice %arg4[%dma_wait3A_81, %dma_wait3A_82] : memref<10240x128xf32, #tpu.memory_space<hbm>> -> memref<10240x128xf32, #tpu.memory_space<hbm>>
        tpu.wait_indirect_dma semaphore(%arg14 : memref<!tpu.dma_semaphore, #tpu.memory_space<semaphore_mem>>) src(%dma_wait3A_83 : memref<10240x128xf32, #tpu.memory_space<hbm>>) dst(%arg12 : memref<128x128xf32, #tpu.memory_space<vmem>>)
        "tpu.region"() ({
          %run_scoped3A = tpu.sem_alloc : memref<!tpu.dma_semaphore, #tpu.memory_space<semaphore_mem>>
          %dma_start3A_98 = arith.constant 0 : i32
          %dma_start3A_99 = tpu.memref_slice %arg11[%mul3A_71, %dma_start3A_98] : memref<40x128xi32, #tpu.memory_space<vmem>> -> memref<1x128xi32, #tpu.memory_space<vmem>>
          %dma_start3A_100 = tpu.memref_squeeze %dma_start3A_99 : memref<1x128xi32, #tpu.memory_space<vmem>> -> memref<128xi32, #tpu.memory_space<vmem>>
          %dma_start3A_101 = arith.constant 0 : i32
          %dma_start3A_102 = arith.constant 0 : i32
          %dma_start3A_103 = tpu.memref_slice %arg9[%dma_start3A_101, %dma_start3A_102] : memref<10240x128xf32, #tpu.memory_space<vmem_shared>> -> memref<10240x128xf32, #tpu.memory_space<vmem_shared>>
          tpu.enqueue_indirect_dma source(%arg12 : memref<128x128xf32, #tpu.memory_space<vmem>>) target(%dma_start3A_103 : memref<10240x128xf32, #tpu.memory_space<vmem_shared>>) offsets(%dma_start3A_100 : memref<128xi32, #tpu.memory_space<vmem>>) semaphore(%run_scoped3A : memref<!tpu.dma_semaphore, #tpu.memory_space<semaphore_mem>>) {add = true}
          %dma_wait3A_104 = arith.constant 0 : i32
          %dma_wait3A_105 = tpu.memref_slice %arg11[%mul3A_71, %dma_wait3A_104] : memref<40x128xi32, #tpu.memory_space<vmem>> -> memref<1x128xi32, #tpu.memory_space<vmem>>
          %dma_wait3A_106 = tpu.memref_squeeze %dma_wait3A_105 : memref<1x128xi32, #tpu.memory_space<vmem>> -> memref<128xi32, #tpu.memory_space<vmem>>
          %dma_wait3A_107 = arith.constant 0 : i32
          %dma_wait3A_108 = arith.constant 0 : i32
          %dma_wait3A_109 = tpu.memref_slice %arg9[%dma_wait3A_107, %dma_wait3A_108] : memref<10240x128xf32, #tpu.memory_space<vmem_shared>> -> memref<10240x128xf32, #tpu.memory_space<vmem_shared>>
          tpu.wait_indirect_dma semaphore(%run_scoped3A : memref<!tpu.dma_semaphore, #tpu.memory_space<semaphore_mem>>) src(%arg12 : memref<128x128xf32, #tpu.memory_space<vmem>>) dst(%dma_wait3A_109 : memref<10240x128xf32, #tpu.memory_space<vmem_shared>>)
          tpu.yield
        }) : () -> ()
        %lt3A = arith.constant 19 : i32
        %lt3A_84 = arith.cmpi slt, %scan3A_69, %lt3A : i32
        %convert_element_type3A_85 = arith.extui %lt3A_84 : i1 to i32
        %cond3A_86 = arith.constant 0 : i32
        %cond3A_87 = arith.cmpi ne, %convert_element_type3A_85, %cond3A_86 : i32
        scf.if %cond3A_87 {
          %add3A_98 = arith.constant 2 : i32
          %add3A_99 = arith.addi %mul3A_71, %add3A_98 : i32
          %dma_start3A_100 = arith.constant 0 : i32
          %dma_start3A_101 = tpu.memref_slice %arg10[%add3A_99, %dma_start3A_100] : memref<40x128xi32, #tpu.memory_space<vmem>> -> memref<1x128xi32, #tpu.memory_space<vmem>>
          %dma_start3A_102 = tpu.memref_squeeze %dma_start3A_101 : memref<1x128xi32, #tpu.memory_space<vmem>> -> memref<128xi32, #tpu.memory_space<vmem>>
          %dma_start3A_103 = arith.constant 0 : i32
          %dma_start3A_104 = arith.constant 0 : i32
          %dma_start3A_105 = tpu.memref_slice %arg4[%dma_start3A_103, %dma_start3A_104] : memref<10240x128xf32, #tpu.memory_space<hbm>> -> memref<10240x128xf32, #tpu.memory_space<hbm>>
          tpu.enqueue_indirect_dma source(%dma_start3A_105 : memref<10240x128xf32, #tpu.memory_space<hbm>>) target(%arg12 : memref<128x128xf32, #tpu.memory_space<vmem>>) offsets(%dma_start3A_102 : memref<128xi32, #tpu.memory_space<vmem>>) semaphore(%arg14 : memref<!tpu.dma_semaphore, #tpu.memory_space<semaphore_mem>>)
        } else {
        }
        %add3A_88 = arith.constant 1 : i32
        %add3A_89 = arith.addi %mul3A_71, %add3A_88 : i32
        %dma_wait3A_90 = arith.constant 0 : i32
        %dma_wait3A_91 = tpu.memref_slice %arg10[%add3A_89, %dma_wait3A_90] : memref<40x128xi32, #tpu.memory_space<vmem>> -> memref<1x128xi32, #tpu.memory_space<vmem>>
        %dma_wait3A_92 = tpu.memref_squeeze %dma_wait3A_91 : memref<1x128xi32, #tpu.memory_space<vmem>> -> memref<128xi32, #tpu.memory_space<vmem>>
        %dma_wait3A_93 = arith.constant 0 : i32
        %dma_wait3A_94 = arith.constant 0 : i32
        %dma_wait3A_95 = tpu.memref_slice %arg4[%dma_wait3A_93, %dma_wait3A_94] : memref<10240x128xf32, #tpu.memory_space<hbm>> -> memref<10240x128xf32, #tpu.memory_space<hbm>>
        tpu.wait_indirect_dma semaphore(%arg15 : memref<!tpu.dma_semaphore, #tpu.memory_space<semaphore_mem>>) src(%dma_wait3A_95 : memref<10240x128xf32, #tpu.memory_space<hbm>>) dst(%arg13 : memref<128x128xf32, #tpu.memory_space<vmem>>)
        %add3A_96 = arith.constant 1 : i32
        %add3A_97 = arith.addi %mul3A_71, %add3A_96 : i32
        "tpu.region"() ({
          %run_scoped3A = tpu.sem_alloc : memref<!tpu.dma_semaphore, #tpu.memory_space<semaphore_mem>>
          %dma_start3A_98 = arith.constant 0 : i32
          %dma_start3A_99 = tpu.memref_slice %arg11[%add3A_97, %dma_start3A_98] : memref<40x128xi32, #tpu.memory_space<vmem>> -> memref<1x128xi32, #tpu.memory_space<vmem>>
          %dma_start3A_100 = tpu.memref_squeeze %dma_start3A_99 : memref<1x128xi32, #tpu.memory_space<vmem>> -> memref<128xi32, #tpu.memory_space<vmem>>
          %dma_start3A_101 = arith.constant 0 : i32
          %dma_start3A_102 = arith.constant 0 : i32
          %dma_start3A_103 = tpu.memref_slice %arg9[%dma_start3A_101, %dma_start3A_102] : memref<10240x128xf32, #tpu.memory_space<vmem_shared>> -> memref<10240x128xf32, #tpu.memory_space<vmem_shared>>
          tpu.enqueue_indirect_dma source(%arg13 : memref<128x128xf32, #tpu.memory_space<vmem>>) target(%dma_start3A_103 : memref<10240x128xf32, #tpu.memory_space<vmem_shared>>) offsets(%dma_start3A_100 : memref<128xi32, #tpu.memory_space<vmem>>) semaphore(%run_scoped3A : memref<!tpu.dma_semaphore, #tpu.memory_space<semaphore_mem>>) {add = true}
          %dma_wait3A_104 = arith.constant 0 : i32
          %dma_wait3A_105 = tpu.memref_slice %arg11[%add3A_97, %dma_wait3A_104] : memref<40x128xi32, #tpu.memory_space<vmem>> -> memref<1x128xi32, #tpu.memory_space<vmem>>
          %dma_wait3A_106 = tpu.memref_squeeze %dma_wait3A_105 : memref<1x128xi32, #tpu.memory_space<vmem>> -> memref<128xi32, #tpu.memory_space<vmem>>
          %dma_wait3A_107 = arith.constant 0 : i32
          %dma_wait3A_108 = arith.constant 0 : i32
          %dma_wait3A_109 = tpu.memref_slice %arg9[%dma_wait3A_107, %dma_wait3A_108] : memref<10240x128xf32, #tpu.memory_space<vmem_shared>> -> memref<10240x128xf32, #tpu.memory_space<vmem_shared>>
          tpu.wait_indirect_dma semaphore(%run_scoped3A : memref<!tpu.dma_semaphore, #tpu.memory_space<semaphore_mem>>) src(%arg13 : memref<128x128xf32, #tpu.memory_space<vmem>>) dst(%dma_wait3A_109 : memref<10240x128xf32, #tpu.memory_space<vmem_shared>>)
          tpu.yield
        }) : () -> ()
      }
      %scan3A_42 = arith.constant 20 : i32
      "tpu.region"() ({
        %run_scoped3A = tpu.sem_alloc : memref<!tpu.dma_semaphore, #tpu.memory_space<semaphore_mem>>
        %dma_start3A_69 = arith.constant 80 : i32
        %dma_start3A_70 = arith.constant 0 : i32
        %dma_start3A_71 = tpu.memref_slice %arg2[%arg1, %dma_start3A_69, %dma_start3A_70] : memref<16x160x128xi32, #tpu.memory_space<hbm>> -> memref<1x40x128xi32, #tpu.memory_space<hbm>>
        %dma_start3A_72 = tpu.memref_squeeze %dma_start3A_71 : memref<1x40x128xi32, #tpu.memory_space<hbm>> -> memref<40x128xi32, #tpu.memory_space<hbm>>
        %dma_start3A_73 = arith.constant 80 : i32
        %dma_start3A_74 = arith.constant 0 : i32
        %dma_start3A_75 = tpu.memref_slice %arg2[%arg1, %dma_start3A_73, %dma_start3A_74] : memref<16x160x128xi32, #tpu.memory_space<hbm>> -> memref<1x40x128xi32, #tpu.memory_space<hbm>>
        %dma_start3A_76 = tpu.memref_squeeze %dma_start3A_75 : memref<1x40x128xi32, #tpu.memory_space<hbm>> -> memref<40x128xi32, #tpu.memory_space<hbm>>
        tpu.enqueue_dma source(%dma_start3A_76 : memref<40x128xi32, #tpu.memory_space<hbm>>) target(%arg10 : memref<40x128xi32, #tpu.memory_space<vmem>>) target_semaphore(%run_scoped3A : memref<!tpu.dma_semaphore, #tpu.memory_space<semaphore_mem>>)
        %dma_wait3A = arith.constant 80 : i32
        %dma_wait3A_77 = arith.constant 0 : i32
        %dma_wait3A_78 = tpu.memref_slice %arg2[%arg1, %dma_wait3A, %dma_wait3A_77] : memref<16x160x128xi32, #tpu.memory_space<hbm>> -> memref<1x40x128xi32, #tpu.memory_space<hbm>>
        %dma_wait3A_79 = tpu.memref_squeeze %dma_wait3A_78 : memref<1x40x128xi32, #tpu.memory_space<hbm>> -> memref<40x128xi32, #tpu.memory_space<hbm>>
        %dma_wait3A_80 = arith.constant 80 : i32
        %dma_wait3A_81 = arith.constant 0 : i32
        %dma_wait3A_82 = tpu.memref_slice %arg2[%arg1, %dma_wait3A_80, %dma_wait3A_81] : memref<16x160x128xi32, #tpu.memory_space<hbm>> -> memref<1x40x128xi32, #tpu.memory_space<hbm>>
        %dma_wait3A_83 = tpu.memref_squeeze %dma_wait3A_82 : memref<1x40x128xi32, #tpu.memory_space<hbm>> -> memref<40x128xi32, #tpu.memory_space<hbm>>
        tpu.wait_dma2 semaphore(%run_scoped3A : memref<!tpu.dma_semaphore, #tpu.memory_space<semaphore_mem>>) src(%dma_wait3A_83 : memref<40x128xi32, #tpu.memory_space<hbm>>) dst(%arg10 : memref<40x128xi32, #tpu.memory_space<vmem>>)
        tpu.yield
      }) : () -> ()
      "tpu.region"() ({
        %run_scoped3A = tpu.sem_alloc : memref<!tpu.dma_semaphore, #tpu.memory_space<semaphore_mem>>
        %dma_start3A_69 = arith.constant 80 : i32
        %dma_start3A_70 = arith.constant 0 : i32
        %dma_start3A_71 = tpu.memref_slice %arg3[%arg1, %dma_start3A_69, %dma_start3A_70] : memref<16x160x128xi32, #tpu.memory_space<hbm>> -> memref<1x40x128xi32, #tpu.memory_space<hbm>>
        %dma_start3A_72 = tpu.memref_squeeze %dma_start3A_71 : memref<1x40x128xi32, #tpu.memory_space<hbm>> -> memref<40x128xi32, #tpu.memory_space<hbm>>
        %dma_start3A_73 = arith.constant 80 : i32
        %dma_start3A_74 = arith.constant 0 : i32
        %dma_start3A_75 = tpu.memref_slice %arg3[%arg1, %dma_start3A_73, %dma_start3A_74] : memref<16x160x128xi32, #tpu.memory_space<hbm>> -> memref<1x40x128xi32, #tpu.memory_space<hbm>>
        %dma_start3A_76 = tpu.memref_squeeze %dma_start3A_75 : memref<1x40x128xi32, #tpu.memory_space<hbm>> -> memref<40x128xi32, #tpu.memory_space<hbm>>
        tpu.enqueue_dma source(%dma_start3A_76 : memref<40x128xi32, #tpu.memory_space<hbm>>) target(%arg11 : memref<40x128xi32, #tpu.memory_space<vmem>>) target_semaphore(%run_scoped3A : memref<!tpu.dma_semaphore, #tpu.memory_space<semaphore_mem>>)
        %dma_wait3A = arith.constant 80 : i32
        %dma_wait3A_77 = arith.constant 0 : i32
        %dma_wait3A_78 = tpu.memref_slice %arg3[%arg1, %dma_wait3A, %dma_wait3A_77] : memref<16x160x128xi32, #tpu.memory_space<hbm>> -> memref<1x40x128xi32, #tpu.memory_space<hbm>>
        %dma_wait3A_79 = tpu.memref_squeeze %dma_wait3A_78 : memref<1x40x128xi32, #tpu.memory_space<hbm>> -> memref<40x128xi32, #tpu.memory_space<hbm>>
        %dma_wait3A_80 = arith.constant 80 : i32
        %dma_wait3A_81 = arith.constant 0 : i32
        %dma_wait3A_82 = tpu.memref_slice %arg3[%arg1, %dma_wait3A_80, %dma_wait3A_81] : memref<16x160x128xi32, #tpu.memory_space<hbm>> -> memref<1x40x128xi32, #tpu.memory_space<hbm>>
        %dma_wait3A_83 = tpu.memref_squeeze %dma_wait3A_82 : memref<1x40x128xi32, #tpu.memory_space<hbm>> -> memref<40x128xi32, #tpu.memory_space<hbm>>
        tpu.wait_dma2 semaphore(%run_scoped3A : memref<!tpu.dma_semaphore, #tpu.memory_space<semaphore_mem>>) src(%dma_wait3A_83 : memref<40x128xi32, #tpu.memory_space<hbm>>) dst(%arg11 : memref<40x128xi32, #tpu.memory_space<vmem>>)
        tpu.yield
      }) : () -> ()
      %dma_start3A_43 = arith.constant 0 : i32
      %dma_start3A_44 = arith.constant 0 : i32
      %dma_start3A_45 = tpu.memref_slice %arg10[%dma_start3A_43, %dma_start3A_44] : memref<40x128xi32, #tpu.memory_space<vmem>> -> memref<1x128xi32, #tpu.memory_space<vmem>>
      %dma_start3A_46 = tpu.memref_squeeze %dma_start3A_45 : memref<1x128xi32, #tpu.memory_space<vmem>> -> memref<128xi32, #tpu.memory_space<vmem>>
      %dma_start3A_47 = arith.constant 0 : i32
      %dma_start3A_48 = arith.constant 0 : i32
      %dma_start3A_49 = tpu.memref_slice %arg4[%dma_start3A_47, %dma_start3A_48] : memref<10240x128xf32, #tpu.memory_space<hbm>> -> memref<10240x128xf32, #tpu.memory_space<hbm>>
      tpu.enqueue_indirect_dma source(%dma_start3A_49 : memref<10240x128xf32, #tpu.memory_space<hbm>>) target(%arg12 : memref<128x128xf32, #tpu.memory_space<vmem>>) offsets(%dma_start3A_46 : memref<128xi32, #tpu.memory_space<vmem>>) semaphore(%arg14 : memref<!tpu.dma_semaphore, #tpu.memory_space<semaphore_mem>>)
      %scan3A_50 = arith.constant 0 : i32
      %scan3A_51 = arith.constant 0 : i32
      %scan3A_52 = arith.constant 20 : i32
      %scan3A_53 = arith.addi %scan3A_51, %scan3A_52 : i32
      %scan3A_54 = arith.constant 1 : i32
      scf.for %scan3A_69 = %scan3A_51 to %scan3A_53 step %scan3A_54  : i32 {
        %mul3A_70 = arith.constant 2 : i32
        %mul3A_71 = arith.muli %mul3A_70, %scan3A_69 : i32
        %add3A = arith.constant 1 : i32
        %add3A_72 = arith.addi %mul3A_71, %add3A : i32
        %dma_start3A_73 = arith.constant 0 : i32
        %dma_start3A_74 = tpu.memref_slice %arg10[%add3A_72, %dma_start3A_73] : memref<40x128xi32, #tpu.memory_space<vmem>> -> memref<1x128xi32, #tpu.memory_space<vmem>>
        %dma_start3A_75 = tpu.memref_squeeze %dma_start3A_74 : memref<1x128xi32, #tpu.memory_space<vmem>> -> memref<128xi32, #tpu.memory_space<vmem>>
        %dma_start3A_76 = arith.constant 0 : i32
        %dma_start3A_77 = arith.constant 0 : i32
        %dma_start3A_78 = tpu.memref_slice %arg4[%dma_start3A_76, %dma_start3A_77] : memref<10240x128xf32, #tpu.memory_space<hbm>> -> memref<10240x128xf32, #tpu.memory_space<hbm>>
        tpu.enqueue_indirect_dma source(%dma_start3A_78 : memref<10240x128xf32, #tpu.memory_space<hbm>>) target(%arg13 : memref<128x128xf32, #tpu.memory_space<vmem>>) offsets(%dma_start3A_75 : memref<128xi32, #tpu.memory_space<vmem>>) semaphore(%arg15 : memref<!tpu.dma_semaphore, #tpu.memory_space<semaphore_mem>>)
        %dma_wait3A = arith.constant 0 : i32
        %dma_wait3A_79 = tpu.memref_slice %arg10[%mul3A_71, %dma_wait3A] : memref<40x128xi32, #tpu.memory_space<vmem>> -> memref<1x128xi32, #tpu.memory_space<vmem>>
        %dma_wait3A_80 = tpu.memref_squeeze %dma_wait3A_79 : memref<1x128xi32, #tpu.memory_space<vmem>> -> memref<128xi32, #tpu.memory_space<vmem>>
        %dma_wait3A_81 = arith.constant 0 : i32
        %dma_wait3A_82 = arith.constant 0 : i32
        %dma_wait3A_83 = tpu.memref_slice %arg4[%dma_wait3A_81, %dma_wait3A_82] : memref<10240x128xf32, #tpu.memory_space<hbm>> -> memref<10240x128xf32, #tpu.memory_space<hbm>>
        tpu.wait_indirect_dma semaphore(%arg14 : memref<!tpu.dma_semaphore, #tpu.memory_space<semaphore_mem>>) src(%dma_wait3A_83 : memref<10240x128xf32, #tpu.memory_space<hbm>>) dst(%arg12 : memref<128x128xf32, #tpu.memory_space<vmem>>)
        "tpu.region"() ({
          %run_scoped3A = tpu.sem_alloc : memref<!tpu.dma_semaphore, #tpu.memory_space<semaphore_mem>>
          %dma_start3A_98 = arith.constant 0 : i32
          %dma_start3A_99 = tpu.memref_slice %arg11[%mul3A_71, %dma_start3A_98] : memref<40x128xi32, #tpu.memory_space<vmem>> -> memref<1x128xi32, #tpu.memory_space<vmem>>
          %dma_start3A_100 = tpu.memref_squeeze %dma_start3A_99 : memref<1x128xi32, #tpu.memory_space<vmem>> -> memref<128xi32, #tpu.memory_space<vmem>>
          %dma_start3A_101 = arith.constant 0 : i32
          %dma_start3A_102 = arith.constant 0 : i32
          %dma_start3A_103 = tpu.memref_slice %arg9[%dma_start3A_101, %dma_start3A_102] : memref<10240x128xf32, #tpu.memory_space<vmem_shared>> -> memref<10240x128xf32, #tpu.memory_space<vmem_shared>>
          tpu.enqueue_indirect_dma source(%arg12 : memref<128x128xf32, #tpu.memory_space<vmem>>) target(%dma_start3A_103 : memref<10240x128xf32, #tpu.memory_space<vmem_shared>>) offsets(%dma_start3A_100 : memref<128xi32, #tpu.memory_space<vmem>>) semaphore(%run_scoped3A : memref<!tpu.dma_semaphore, #tpu.memory_space<semaphore_mem>>) {add = true}
          %dma_wait3A_104 = arith.constant 0 : i32
          %dma_wait3A_105 = tpu.memref_slice %arg11[%mul3A_71, %dma_wait3A_104] : memref<40x128xi32, #tpu.memory_space<vmem>> -> memref<1x128xi32, #tpu.memory_space<vmem>>
          %dma_wait3A_106 = tpu.memref_squeeze %dma_wait3A_105 : memref<1x128xi32, #tpu.memory_space<vmem>> -> memref<128xi32, #tpu.memory_space<vmem>>
          %dma_wait3A_107 = arith.constant 0 : i32
          %dma_wait3A_108 = arith.constant 0 : i32
          %dma_wait3A_109 = tpu.memref_slice %arg9[%dma_wait3A_107, %dma_wait3A_108] : memref<10240x128xf32, #tpu.memory_space<vmem_shared>> -> memref<10240x128xf32, #tpu.memory_space<vmem_shared>>
          tpu.wait_indirect_dma semaphore(%run_scoped3A : memref<!tpu.dma_semaphore, #tpu.memory_space<semaphore_mem>>) src(%arg12 : memref<128x128xf32, #tpu.memory_space<vmem>>) dst(%dma_wait3A_109 : memref<10240x128xf32, #tpu.memory_space<vmem_shared>>)
          tpu.yield
        }) : () -> ()
        %lt3A = arith.constant 19 : i32
        %lt3A_84 = arith.cmpi slt, %scan3A_69, %lt3A : i32
        %convert_element_type3A_85 = arith.extui %lt3A_84 : i1 to i32
        %cond3A_86 = arith.constant 0 : i32
        %cond3A_87 = arith.cmpi ne, %convert_element_type3A_85, %cond3A_86 : i32
        scf.if %cond3A_87 {
          %add3A_98 = arith.constant 2 : i32
          %add3A_99 = arith.addi %mul3A_71, %add3A_98 : i32
          %dma_start3A_100 = arith.constant 0 : i32
          %dma_start3A_101 = tpu.memref_slice %arg10[%add3A_99, %dma_start3A_100] : memref<40x128xi32, #tpu.memory_space<vmem>> -> memref<1x128xi32, #tpu.memory_space<vmem>>
          %dma_start3A_102 = tpu.memref_squeeze %dma_start3A_101 : memref<1x128xi32, #tpu.memory_space<vmem>> -> memref<128xi32, #tpu.memory_space<vmem>>
          %dma_start3A_103 = arith.constant 0 : i32
          %dma_start3A_104 = arith.constant 0 : i32
          %dma_start3A_105 = tpu.memref_slice %arg4[%dma_start3A_103, %dma_start3A_104] : memref<10240x128xf32, #tpu.memory_space<hbm>> -> memref<10240x128xf32, #tpu.memory_space<hbm>>
          tpu.enqueue_indirect_dma source(%dma_start3A_105 : memref<10240x128xf32, #tpu.memory_space<hbm>>) target(%arg12 : memref<128x128xf32, #tpu.memory_space<vmem>>) offsets(%dma_start3A_102 : memref<128xi32, #tpu.memory_space<vmem>>) semaphore(%arg14 : memref<!tpu.dma_semaphore, #tpu.memory_space<semaphore_mem>>)
        } else {
        }
        %add3A_88 = arith.constant 1 : i32
        %add3A_89 = arith.addi %mul3A_71, %add3A_88 : i32
        %dma_wait3A_90 = arith.constant 0 : i32
        %dma_wait3A_91 = tpu.memref_slice %arg10[%add3A_89, %dma_wait3A_90] : memref<40x128xi32, #tpu.memory_space<vmem>> -> memref<1x128xi32, #tpu.memory_space<vmem>>
        %dma_wait3A_92 = tpu.memref_squeeze %dma_wait3A_91 : memref<1x128xi32, #tpu.memory_space<vmem>> -> memref<128xi32, #tpu.memory_space<vmem>>
        %dma_wait3A_93 = arith.constant 0 : i32
        %dma_wait3A_94 = arith.constant 0 : i32
        %dma_wait3A_95 = tpu.memref_slice %arg4[%dma_wait3A_93, %dma_wait3A_94] : memref<10240x128xf32, #tpu.memory_space<hbm>> -> memref<10240x128xf32, #tpu.memory_space<hbm>>
        tpu.wait_indirect_dma semaphore(%arg15 : memref<!tpu.dma_semaphore, #tpu.memory_space<semaphore_mem>>) src(%dma_wait3A_95 : memref<10240x128xf32, #tpu.memory_space<hbm>>) dst(%arg13 : memref<128x128xf32, #tpu.memory_space<vmem>>)
        %add3A_96 = arith.constant 1 : i32
        %add3A_97 = arith.addi %mul3A_71, %add3A_96 : i32
        "tpu.region"() ({
          %run_scoped3A = tpu.sem_alloc : memref<!tpu.dma_semaphore, #tpu.memory_space<semaphore_mem>>
          %dma_start3A_98 = arith.constant 0 : i32
          %dma_start3A_99 = tpu.memref_slice %arg11[%add3A_97, %dma_start3A_98] : memref<40x128xi32, #tpu.memory_space<vmem>> -> memref<1x128xi32, #tpu.memory_space<vmem>>
          %dma_start3A_100 = tpu.memref_squeeze %dma_start3A_99 : memref<1x128xi32, #tpu.memory_space<vmem>> -> memref<128xi32, #tpu.memory_space<vmem>>
          %dma_start3A_101 = arith.constant 0 : i32
          %dma_start3A_102 = arith.constant 0 : i32
          %dma_start3A_103 = tpu.memref_slice %arg9[%dma_start3A_101, %dma_start3A_102] : memref<10240x128xf32, #tpu.memory_space<vmem_shared>> -> memref<10240x128xf32, #tpu.memory_space<vmem_shared>>
          tpu.enqueue_indirect_dma source(%arg13 : memref<128x128xf32, #tpu.memory_space<vmem>>) target(%dma_start3A_103 : memref<10240x128xf32, #tpu.memory_space<vmem_shared>>) offsets(%dma_start3A_100 : memref<128xi32, #tpu.memory_space<vmem>>) semaphore(%run_scoped3A : memref<!tpu.dma_semaphore, #tpu.memory_space<semaphore_mem>>) {add = true}
          %dma_wait3A_104 = arith.constant 0 : i32
          %dma_wait3A_105 = tpu.memref_slice %arg11[%add3A_97, %dma_wait3A_104] : memref<40x128xi32, #tpu.memory_space<vmem>> -> memref<1x128xi32, #tpu.memory_space<vmem>>
          %dma_wait3A_106 = tpu.memref_squeeze %dma_wait3A_105 : memref<1x128xi32, #tpu.memory_space<vmem>> -> memref<128xi32, #tpu.memory_space<vmem>>
          %dma_wait3A_107 = arith.constant 0 : i32
          %dma_wait3A_108 = arith.constant 0 : i32
          %dma_wait3A_109 = tpu.memref_slice %arg9[%dma_wait3A_107, %dma_wait3A_108] : memref<10240x128xf32, #tpu.memory_space<vmem_shared>> -> memref<10240x128xf32, #tpu.memory_space<vmem_shared>>
          tpu.wait_indirect_dma semaphore(%run_scoped3A : memref<!tpu.dma_semaphore, #tpu.memory_space<semaphore_mem>>) src(%arg13 : memref<128x128xf32, #tpu.memory_space<vmem>>) dst(%dma_wait3A_109 : memref<10240x128xf32, #tpu.memory_space<vmem_shared>>)
          tpu.yield
        }) : () -> ()
      }
      %scan3A_55 = arith.constant 20 : i32
      "tpu.region"() ({
        %run_scoped3A = tpu.sem_alloc : memref<!tpu.dma_semaphore, #tpu.memory_space<semaphore_mem>>
        %dma_start3A_69 = arith.constant 120 : i32
        %dma_start3A_70 = arith.constant 0 : i32
        %dma_start3A_71 = tpu.memref_slice %arg2[%arg1, %dma_start3A_69, %dma_start3A_70] : memref<16x160x128xi32, #tpu.memory_space<hbm>> -> memref<1x40x128xi32, #tpu.memory_space<hbm>>
        %dma_start3A_72 = tpu.memref_squeeze %dma_start3A_71 : memref<1x40x128xi32, #tpu.memory_space<hbm>> -> memref<40x128xi32, #tpu.memory_space<hbm>>
        %dma_start3A_73 = arith.constant 120 : i32
        %dma_start3A_74 = arith.constant 0 : i32
        %dma_start3A_75 = tpu.memref_slice %arg2[%arg1, %dma_start3A_73, %dma_start3A_74] : memref<16x160x128xi32, #tpu.memory_space<hbm>> -> memref<1x40x128xi32, #tpu.memory_space<hbm>>
        %dma_start3A_76 = tpu.memref_squeeze %dma_start3A_75 : memref<1x40x128xi32, #tpu.memory_space<hbm>> -> memref<40x128xi32, #tpu.memory_space<hbm>>
        tpu.enqueue_dma source(%dma_start3A_76 : memref<40x128xi32, #tpu.memory_space<hbm>>) target(%arg10 : memref<40x128xi32, #tpu.memory_space<vmem>>) target_semaphore(%run_scoped3A : memref<!tpu.dma_semaphore, #tpu.memory_space<semaphore_mem>>)
        %dma_wait3A = arith.constant 120 : i32
        %dma_wait3A_77 = arith.constant 0 : i32
        %dma_wait3A_78 = tpu.memref_slice %arg2[%arg1, %dma_wait3A, %dma_wait3A_77] : memref<16x160x128xi32, #tpu.memory_space<hbm>> -> memref<1x40x128xi32, #tpu.memory_space<hbm>>
        %dma_wait3A_79 = tpu.memref_squeeze %dma_wait3A_78 : memref<1x40x128xi32, #tpu.memory_space<hbm>> -> memref<40x128xi32, #tpu.memory_space<hbm>>
        %dma_wait3A_80 = arith.constant 120 : i32
        %dma_wait3A_81 = arith.constant 0 : i32
        %dma_wait3A_82 = tpu.memref_slice %arg2[%arg1, %dma_wait3A_80, %dma_wait3A_81] : memref<16x160x128xi32, #tpu.memory_space<hbm>> -> memref<1x40x128xi32, #tpu.memory_space<hbm>>
        %dma_wait3A_83 = tpu.memref_squeeze %dma_wait3A_82 : memref<1x40x128xi32, #tpu.memory_space<hbm>> -> memref<40x128xi32, #tpu.memory_space<hbm>>
        tpu.wait_dma2 semaphore(%run_scoped3A : memref<!tpu.dma_semaphore, #tpu.memory_space<semaphore_mem>>) src(%dma_wait3A_83 : memref<40x128xi32, #tpu.memory_space<hbm>>) dst(%arg10 : memref<40x128xi32, #tpu.memory_space<vmem>>)
        tpu.yield
      }) : () -> ()
      "tpu.region"() ({
        %run_scoped3A = tpu.sem_alloc : memref<!tpu.dma_semaphore, #tpu.memory_space<semaphore_mem>>
        %dma_start3A_69 = arith.constant 120 : i32
        %dma_start3A_70 = arith.constant 0 : i32
        %dma_start3A_71 = tpu.memref_slice %arg3[%arg1, %dma_start3A_69, %dma_start3A_70] : memref<16x160x128xi32, #tpu.memory_space<hbm>> -> memref<1x40x128xi32, #tpu.memory_space<hbm>>
        %dma_start3A_72 = tpu.memref_squeeze %dma_start3A_71 : memref<1x40x128xi32, #tpu.memory_space<hbm>> -> memref<40x128xi32, #tpu.memory_space<hbm>>
        %dma_start3A_73 = arith.constant 120 : i32
        %dma_start3A_74 = arith.constant 0 : i32
        %dma_start3A_75 = tpu.memref_slice %arg3[%arg1, %dma_start3A_73, %dma_start3A_74] : memref<16x160x128xi32, #tpu.memory_space<hbm>> -> memref<1x40x128xi32, #tpu.memory_space<hbm>>
        %dma_start3A_76 = tpu.memref_squeeze %dma_start3A_75 : memref<1x40x128xi32, #tpu.memory_space<hbm>> -> memref<40x128xi32, #tpu.memory_space<hbm>>
        tpu.enqueue_dma source(%dma_start3A_76 : memref<40x128xi32, #tpu.memory_space<hbm>>) target(%arg11 : memref<40x128xi32, #tpu.memory_space<vmem>>) target_semaphore(%run_scoped3A : memref<!tpu.dma_semaphore, #tpu.memory_space<semaphore_mem>>)
        %dma_wait3A = arith.constant 120 : i32
        %dma_wait3A_77 = arith.constant 0 : i32
        %dma_wait3A_78 = tpu.memref_slice %arg3[%arg1, %dma_wait3A, %dma_wait3A_77] : memref<16x160x128xi32, #tpu.memory_space<hbm>> -> memref<1x40x128xi32, #tpu.memory_space<hbm>>
        %dma_wait3A_79 = tpu.memref_squeeze %dma_wait3A_78 : memref<1x40x128xi32, #tpu.memory_space<hbm>> -> memref<40x128xi32, #tpu.memory_space<hbm>>
        %dma_wait3A_80 = arith.constant 120 : i32
        %dma_wait3A_81 = arith.constant 0 : i32
        %dma_wait3A_82 = tpu.memref_slice %arg3[%arg1, %dma_wait3A_80, %dma_wait3A_81] : memref<16x160x128xi32, #tpu.memory_space<hbm>> -> memref<1x40x128xi32, #tpu.memory_space<hbm>>
        %dma_wait3A_83 = tpu.memref_squeeze %dma_wait3A_82 : memref<1x40x128xi32, #tpu.memory_space<hbm>> -> memref<40x128xi32, #tpu.memory_space<hbm>>
        tpu.wait_dma2 semaphore(%run_scoped3A : memref<!tpu.dma_semaphore, #tpu.memory_space<semaphore_mem>>) src(%dma_wait3A_83 : memref<40x128xi32, #tpu.memory_space<hbm>>) dst(%arg11 : memref<40x128xi32, #tpu.memory_space<vmem>>)
        tpu.yield
      }) : () -> ()
      %dma_start3A_56 = arith.constant 0 : i32
      %dma_start3A_57 = arith.constant 0 : i32
      %dma_start3A_58 = tpu.memref_slice %arg10[%dma_start3A_56, %dma_start3A_57] : memref<40x128xi32, #tpu.memory_space<vmem>> -> memref<1x128xi32, #tpu.memory_space<vmem>>
      %dma_start3A_59 = tpu.memref_squeeze %dma_start3A_58 : memref<1x128xi32, #tpu.memory_space<vmem>> -> memref<128xi32, #tpu.memory_space<vmem>>
      %dma_start3A_60 = arith.constant 0 : i32
      %dma_start3A_61 = arith.constant 0 : i32
      %dma_start3A_62 = tpu.memref_slice %arg4[%dma_start3A_60, %dma_start3A_61] : memref<10240x128xf32, #tpu.memory_space<hbm>> -> memref<10240x128xf32, #tpu.memory_space<hbm>>
      tpu.enqueue_indirect_dma source(%dma_start3A_62 : memref<10240x128xf32, #tpu.memory_space<hbm>>) target(%arg12 : memref<128x128xf32, #tpu.memory_space<vmem>>) offsets(%dma_start3A_59 : memref<128xi32, #tpu.memory_space<vmem>>) semaphore(%arg14 : memref<!tpu.dma_semaphore, #tpu.memory_space<semaphore_mem>>)
      %scan3A_63 = arith.constant 0 : i32
      %scan3A_64 = arith.constant 0 : i32
      %scan3A_65 = arith.constant 20 : i32
      %scan3A_66 = arith.addi %scan3A_64, %scan3A_65 : i32
      %scan3A_67 = arith.constant 1 : i32
      scf.for %scan3A_69 = %scan3A_64 to %scan3A_66 step %scan3A_67  : i32 {
        %mul3A_70 = arith.constant 2 : i32
        %mul3A_71 = arith.muli %mul3A_70, %scan3A_69 : i32
        %add3A = arith.constant 1 : i32
        %add3A_72 = arith.addi %mul3A_71, %add3A : i32
        %dma_start3A_73 = arith.constant 0 : i32
        %dma_start3A_74 = tpu.memref_slice %arg10[%add3A_72, %dma_start3A_73] : memref<40x128xi32, #tpu.memory_space<vmem>> -> memref<1x128xi32, #tpu.memory_space<vmem>>
        %dma_start3A_75 = tpu.memref_squeeze %dma_start3A_74 : memref<1x128xi32, #tpu.memory_space<vmem>> -> memref<128xi32, #tpu.memory_space<vmem>>
        %dma_start3A_76 = arith.constant 0 : i32
        %dma_start3A_77 = arith.constant 0 : i32
        %dma_start3A_78 = tpu.memref_slice %arg4[%dma_start3A_76, %dma_start3A_77] : memref<10240x128xf32, #tpu.memory_space<hbm>> -> memref<10240x128xf32, #tpu.memory_space<hbm>>
        tpu.enqueue_indirect_dma source(%dma_start3A_78 : memref<10240x128xf32, #tpu.memory_space<hbm>>) target(%arg13 : memref<128x128xf32, #tpu.memory_space<vmem>>) offsets(%dma_start3A_75 : memref<128xi32, #tpu.memory_space<vmem>>) semaphore(%arg15 : memref<!tpu.dma_semaphore, #tpu.memory_space<semaphore_mem>>)
        %dma_wait3A = arith.constant 0 : i32
        %dma_wait3A_79 = tpu.memref_slice %arg10[%mul3A_71, %dma_wait3A] : memref<40x128xi32, #tpu.memory_space<vmem>> -> memref<1x128xi32, #tpu.memory_space<vmem>>
        %dma_wait3A_80 = tpu.memref_squeeze %dma_wait3A_79 : memref<1x128xi32, #tpu.memory_space<vmem>> -> memref<128xi32, #tpu.memory_space<vmem>>
        %dma_wait3A_81 = arith.constant 0 : i32
        %dma_wait3A_82 = arith.constant 0 : i32
        %dma_wait3A_83 = tpu.memref_slice %arg4[%dma_wait3A_81, %dma_wait3A_82] : memref<10240x128xf32, #tpu.memory_space<hbm>> -> memref<10240x128xf32, #tpu.memory_space<hbm>>
        tpu.wait_indirect_dma semaphore(%arg14 : memref<!tpu.dma_semaphore, #tpu.memory_space<semaphore_mem>>) src(%dma_wait3A_83 : memref<10240x128xf32, #tpu.memory_space<hbm>>) dst(%arg12 : memref<128x128xf32, #tpu.memory_space<vmem>>)
        "tpu.region"() ({
          %run_scoped3A = tpu.sem_alloc : memref<!tpu.dma_semaphore, #tpu.memory_space<semaphore_mem>>
          %dma_start3A_98 = arith.constant 0 : i32
          %dma_start3A_99 = tpu.memref_slice %arg11[%mul3A_71, %dma_start3A_98] : memref<40x128xi32, #tpu.memory_space<vmem>> -> memref<1x128xi32, #tpu.memory_space<vmem>>
          %dma_start3A_100 = tpu.memref_squeeze %dma_start3A_99 : memref<1x128xi32, #tpu.memory_space<vmem>> -> memref<128xi32, #tpu.memory_space<vmem>>
          %dma_start3A_101 = arith.constant 0 : i32
          %dma_start3A_102 = arith.constant 0 : i32
          %dma_start3A_103 = tpu.memref_slice %arg9[%dma_start3A_101, %dma_start3A_102] : memref<10240x128xf32, #tpu.memory_space<vmem_shared>> -> memref<10240x128xf32, #tpu.memory_space<vmem_shared>>
          tpu.enqueue_indirect_dma source(%arg12 : memref<128x128xf32, #tpu.memory_space<vmem>>) target(%dma_start3A_103 : memref<10240x128xf32, #tpu.memory_space<vmem_shared>>) offsets(%dma_start3A_100 : memref<128xi32, #tpu.memory_space<vmem>>) semaphore(%run_scoped3A : memref<!tpu.dma_semaphore, #tpu.memory_space<semaphore_mem>>) {add = true}
          %dma_wait3A_104 = arith.constant 0 : i32
          %dma_wait3A_105 = tpu.memref_slice %arg11[%mul3A_71, %dma_wait3A_104] : memref<40x128xi32, #tpu.memory_space<vmem>> -> memref<1x128xi32, #tpu.memory_space<vmem>>
          %dma_wait3A_106 = tpu.memref_squeeze %dma_wait3A_105 : memref<1x128xi32, #tpu.memory_space<vmem>> -> memref<128xi32, #tpu.memory_space<vmem>>
          %dma_wait3A_107 = arith.constant 0 : i32
          %dma_wait3A_108 = arith.constant 0 : i32
          %dma_wait3A_109 = tpu.memref_slice %arg9[%dma_wait3A_107, %dma_wait3A_108] : memref<10240x128xf32, #tpu.memory_space<vmem_shared>> -> memref<10240x128xf32, #tpu.memory_space<vmem_shared>>
          tpu.wait_indirect_dma semaphore(%run_scoped3A : memref<!tpu.dma_semaphore, #tpu.memory_space<semaphore_mem>>) src(%arg12 : memref<128x128xf32, #tpu.memory_space<vmem>>) dst(%dma_wait3A_109 : memref<10240x128xf32, #tpu.memory_space<vmem_shared>>)
          tpu.yield
        }) : () -> ()
        %lt3A = arith.constant 19 : i32
        %lt3A_84 = arith.cmpi slt, %scan3A_69, %lt3A : i32
        %convert_element_type3A_85 = arith.extui %lt3A_84 : i1 to i32
        %cond3A_86 = arith.constant 0 : i32
        %cond3A_87 = arith.cmpi ne, %convert_element_type3A_85, %cond3A_86 : i32
        scf.if %cond3A_87 {
          %add3A_98 = arith.constant 2 : i32
          %add3A_99 = arith.addi %mul3A_71, %add3A_98 : i32
          %dma_start3A_100 = arith.constant 0 : i32
          %dma_start3A_101 = tpu.memref_slice %arg10[%add3A_99, %dma_start3A_100] : memref<40x128xi32, #tpu.memory_space<vmem>> -> memref<1x128xi32, #tpu.memory_space<vmem>>
          %dma_start3A_102 = tpu.memref_squeeze %dma_start3A_101 : memref<1x128xi32, #tpu.memory_space<vmem>> -> memref<128xi32, #tpu.memory_space<vmem>>
          %dma_start3A_103 = arith.constant 0 : i32
          %dma_start3A_104 = arith.constant 0 : i32
          %dma_start3A_105 = tpu.memref_slice %arg4[%dma_start3A_103, %dma_start3A_104] : memref<10240x128xf32, #tpu.memory_space<hbm>> -> memref<10240x128xf32, #tpu.memory_space<hbm>>
          tpu.enqueue_indirect_dma source(%dma_start3A_105 : memref<10240x128xf32, #tpu.memory_space<hbm>>) target(%arg12 : memref<128x128xf32, #tpu.memory_space<vmem>>) offsets(%dma_start3A_102 : memref<128xi32, #tpu.memory_space<vmem>>) semaphore(%arg14 : memref<!tpu.dma_semaphore, #tpu.memory_space<semaphore_mem>>)
        } else {
        }
        %add3A_88 = arith.constant 1 : i32
        %add3A_89 = arith.addi %mul3A_71, %add3A_88 : i32
        %dma_wait3A_90 = arith.constant 0 : i32
        %dma_wait3A_91 = tpu.memref_slice %arg10[%add3A_89, %dma_wait3A_90] : memref<40x128xi32, #tpu.memory_space<vmem>> -> memref<1x128xi32, #tpu.memory_space<vmem>>
        %dma_wait3A_92 = tpu.memref_squeeze %dma_wait3A_91 : memref<1x128xi32, #tpu.memory_space<vmem>> -> memref<128xi32, #tpu.memory_space<vmem>>
        %dma_wait3A_93 = arith.constant 0 : i32
        %dma_wait3A_94 = arith.constant 0 : i32
        %dma_wait3A_95 = tpu.memref_slice %arg4[%dma_wait3A_93, %dma_wait3A_94] : memref<10240x128xf32, #tpu.memory_space<hbm>> -> memref<10240x128xf32, #tpu.memory_space<hbm>>
        tpu.wait_indirect_dma semaphore(%arg15 : memref<!tpu.dma_semaphore, #tpu.memory_space<semaphore_mem>>) src(%dma_wait3A_95 : memref<10240x128xf32, #tpu.memory_space<hbm>>) dst(%arg13 : memref<128x128xf32, #tpu.memory_space<vmem>>)
        %add3A_96 = arith.constant 1 : i32
        %add3A_97 = arith.addi %mul3A_71, %add3A_96 : i32
        "tpu.region"() ({
          %run_scoped3A = tpu.sem_alloc : memref<!tpu.dma_semaphore, #tpu.memory_space<semaphore_mem>>
          %dma_start3A_98 = arith.constant 0 : i32
          %dma_start3A_99 = tpu.memref_slice %arg11[%add3A_97, %dma_start3A_98] : memref<40x128xi32, #tpu.memory_space<vmem>> -> memref<1x128xi32, #tpu.memory_space<vmem>>
          %dma_start3A_100 = tpu.memref_squeeze %dma_start3A_99 : memref<1x128xi32, #tpu.memory_space<vmem>> -> memref<128xi32, #tpu.memory_space<vmem>>
          %dma_start3A_101 = arith.constant 0 : i32
          %dma_start3A_102 = arith.constant 0 : i32
          %dma_start3A_103 = tpu.memref_slice %arg9[%dma_start3A_101, %dma_start3A_102] : memref<10240x128xf32, #tpu.memory_space<vmem_shared>> -> memref<10240x128xf32, #tpu.memory_space<vmem_shared>>
          tpu.enqueue_indirect_dma source(%arg13 : memref<128x128xf32, #tpu.memory_space<vmem>>) target(%dma_start3A_103 : memref<10240x128xf32, #tpu.memory_space<vmem_shared>>) offsets(%dma_start3A_100 : memref<128xi32, #tpu.memory_space<vmem>>) semaphore(%run_scoped3A : memref<!tpu.dma_semaphore, #tpu.memory_space<semaphore_mem>>) {add = true}
          %dma_wait3A_104 = arith.constant 0 : i32
          %dma_wait3A_105 = tpu.memref_slice %arg11[%add3A_97, %dma_wait3A_104] : memref<40x128xi32, #tpu.memory_space<vmem>> -> memref<1x128xi32, #tpu.memory_space<vmem>>
          %dma_wait3A_106 = tpu.memref_squeeze %dma_wait3A_105 : memref<1x128xi32, #tpu.memory_space<vmem>> -> memref<128xi32, #tpu.memory_space<vmem>>
          %dma_wait3A_107 = arith.constant 0 : i32
          %dma_wait3A_108 = arith.constant 0 : i32
          %dma_wait3A_109 = tpu.memref_slice %arg9[%dma_wait3A_107, %dma_wait3A_108] : memref<10240x128xf32, #tpu.memory_space<vmem_shared>> -> memref<10240x128xf32, #tpu.memory_space<vmem_shared>>
          tpu.wait_indirect_dma semaphore(%run_scoped3A : memref<!tpu.dma_semaphore, #tpu.memory_space<semaphore_mem>>) src(%arg13 : memref<128x128xf32, #tpu.memory_space<vmem>>) dst(%dma_wait3A_109 : memref<10240x128xf32, #tpu.memory_space<vmem_shared>>)
          tpu.yield
        }) : () -> ()
      }
      %scan3A_68 = arith.constant 20 : i32
    } else {
    }
    %eq3A_3 = arith.constant 1 : i32
    %eq3A_4 = arith.cmpi eq, %arg0, %eq3A_3 : i32
    %convert_element_type3A_5 = arith.extui %eq3A_4 : i1 to i32
    %cond3A_6 = arith.constant 0 : i32
    %cond3A_7 = arith.cmpi ne, %convert_element_type3A_5, %cond3A_6 : i32
    scf.if %cond3A_7 {
      "tpu.region"() ({
        %run_scoped3A = tpu.sem_alloc : memref<!tpu.dma_semaphore, #tpu.memory_space<semaphore_mem>>
        %dma_start3A_69 = arith.constant 0 : i32
        %dma_start3A_70 = arith.constant 0 : i32
        %dma_start3A_71 = tpu.memref_slice %arg2[%arg1, %dma_start3A_69, %dma_start3A_70] : memref<16x160x128xi32, #tpu.memory_space<hbm>> -> memref<1x40x128xi32, #tpu.memory_space<hbm>>
        %dma_start3A_72 = tpu.memref_squeeze %dma_start3A_71 : memref<1x40x128xi32, #tpu.memory_space<hbm>> -> memref<40x128xi32, #tpu.memory_space<hbm>>
        %dma_start3A_73 = arith.constant 0 : i32
        %dma_start3A_74 = arith.constant 0 : i32
        %dma_start3A_75 = tpu.memref_slice %arg2[%arg1, %dma_start3A_73, %dma_start3A_74] : memref<16x160x128xi32, #tpu.memory_space<hbm>> -> memref<1x40x128xi32, #tpu.memory_space<hbm>>
        %dma_start3A_76 = tpu.memref_squeeze %dma_start3A_75 : memref<1x40x128xi32, #tpu.memory_space<hbm>> -> memref<40x128xi32, #tpu.memory_space<hbm>>
        tpu.enqueue_dma source(%dma_start3A_76 : memref<40x128xi32, #tpu.memory_space<hbm>>) target(%arg10 : memref<40x128xi32, #tpu.memory_space<vmem>>) target_semaphore(%run_scoped3A : memref<!tpu.dma_semaphore, #tpu.memory_space<semaphore_mem>>)
        %dma_wait3A = arith.constant 0 : i32
        %dma_wait3A_77 = arith.constant 0 : i32
        %dma_wait3A_78 = tpu.memref_slice %arg2[%arg1, %dma_wait3A, %dma_wait3A_77] : memref<16x160x128xi32, #tpu.memory_space<hbm>> -> memref<1x40x128xi32, #tpu.memory_space<hbm>>
        %dma_wait3A_79 = tpu.memref_squeeze %dma_wait3A_78 : memref<1x40x128xi32, #tpu.memory_space<hbm>> -> memref<40x128xi32, #tpu.memory_space<hbm>>
        %dma_wait3A_80 = arith.constant 0 : i32
        %dma_wait3A_81 = arith.constant 0 : i32
        %dma_wait3A_82 = tpu.memref_slice %arg2[%arg1, %dma_wait3A_80, %dma_wait3A_81] : memref<16x160x128xi32, #tpu.memory_space<hbm>> -> memref<1x40x128xi32, #tpu.memory_space<hbm>>
        %dma_wait3A_83 = tpu.memref_squeeze %dma_wait3A_82 : memref<1x40x128xi32, #tpu.memory_space<hbm>> -> memref<40x128xi32, #tpu.memory_space<hbm>>
        tpu.wait_dma2 semaphore(%run_scoped3A : memref<!tpu.dma_semaphore, #tpu.memory_space<semaphore_mem>>) src(%dma_wait3A_83 : memref<40x128xi32, #tpu.memory_space<hbm>>) dst(%arg10 : memref<40x128xi32, #tpu.memory_space<vmem>>)
        tpu.yield
      }) : () -> ()
      "tpu.region"() ({
        %run_scoped3A = tpu.sem_alloc : memref<!tpu.dma_semaphore, #tpu.memory_space<semaphore_mem>>
        %dma_start3A_69 = arith.constant 0 : i32
        %dma_start3A_70 = arith.constant 0 : i32
        %dma_start3A_71 = tpu.memref_slice %arg3[%arg1, %dma_start3A_69, %dma_start3A_70] : memref<16x160x128xi32, #tpu.memory_space<hbm>> -> memref<1x40x128xi32, #tpu.memory_space<hbm>>
        %dma_start3A_72 = tpu.memref_squeeze %dma_start3A_71 : memref<1x40x128xi32, #tpu.memory_space<hbm>> -> memref<40x128xi32, #tpu.memory_space<hbm>>
        %dma_start3A_73 = arith.constant 0 : i32
        %dma_start3A_74 = arith.constant 0 : i32
        %dma_start3A_75 = tpu.memref_slice %arg3[%arg1, %dma_start3A_73, %dma_start3A_74] : memref<16x160x128xi32, #tpu.memory_space<hbm>> -> memref<1x40x128xi32, #tpu.memory_space<hbm>>
        %dma_start3A_76 = tpu.memref_squeeze %dma_start3A_75 : memref<1x40x128xi32, #tpu.memory_space<hbm>> -> memref<40x128xi32, #tpu.memory_space<hbm>>
        tpu.enqueue_dma source(%dma_start3A_76 : memref<40x128xi32, #tpu.memory_space<hbm>>) target(%arg11 : memref<40x128xi32, #tpu.memory_space<vmem>>) target_semaphore(%run_scoped3A : memref<!tpu.dma_semaphore, #tpu.memory_space<semaphore_mem>>)
        %dma_wait3A = arith.constant 0 : i32
        %dma_wait3A_77 = arith.constant 0 : i32
        %dma_wait3A_78 = tpu.memref_slice %arg3[%arg1, %dma_wait3A, %dma_wait3A_77] : memref<16x160x128xi32, #tpu.memory_space<hbm>> -> memref<1x40x128xi32, #tpu.memory_space<hbm>>
        %dma_wait3A_79 = tpu.memref_squeeze %dma_wait3A_78 : memref<1x40x128xi32, #tpu.memory_space<hbm>> -> memref<40x128xi32, #tpu.memory_space<hbm>>
        %dma_wait3A_80 = arith.constant 0 : i32
        %dma_wait3A_81 = arith.constant 0 : i32
        %dma_wait3A_82 = tpu.memref_slice %arg3[%arg1, %dma_wait3A_80, %dma_wait3A_81] : memref<16x160x128xi32, #tpu.memory_space<hbm>> -> memref<1x40x128xi32, #tpu.memory_space<hbm>>
        %dma_wait3A_83 = tpu.memref_squeeze %dma_wait3A_82 : memref<1x40x128xi32, #tpu.memory_space<hbm>> -> memref<40x128xi32, #tpu.memory_space<hbm>>
        tpu.wait_dma2 semaphore(%run_scoped3A : memref<!tpu.dma_semaphore, #tpu.memory_space<semaphore_mem>>) src(%dma_wait3A_83 : memref<40x128xi32, #tpu.memory_space<hbm>>) dst(%arg11 : memref<40x128xi32, #tpu.memory_space<vmem>>)
        tpu.yield
      }) : () -> ()
      %dma_start3A = arith.constant 0 : i32
      %dma_start3A_19 = arith.constant 0 : i32
      %dma_start3A_20 = tpu.memref_slice %arg10[%dma_start3A, %dma_start3A_19] : memref<40x128xi32, #tpu.memory_space<vmem>> -> memref<1x128xi32, #tpu.memory_space<vmem>>
      %dma_start3A_21 = tpu.memref_squeeze %dma_start3A_20 : memref<1x128xi32, #tpu.memory_space<vmem>> -> memref<128xi32, #tpu.memory_space<vmem>>
      %dma_start3A_22 = arith.constant 0 : i32
      %dma_start3A_23 = arith.constant 0 : i32
      %dma_start3A_24 = tpu.memref_slice %arg5[%dma_start3A_22, %dma_start3A_23] : memref<10240x128xf32, #tpu.memory_space<hbm>> -> memref<10240x128xf32, #tpu.memory_space<hbm>>
      tpu.enqueue_indirect_dma source(%dma_start3A_24 : memref<10240x128xf32, #tpu.memory_space<hbm>>) target(%arg12 : memref<128x128xf32, #tpu.memory_space<vmem>>) offsets(%dma_start3A_21 : memref<128xi32, #tpu.memory_space<vmem>>) semaphore(%arg14 : memref<!tpu.dma_semaphore, #tpu.memory_space<semaphore_mem>>)
      %scan3A = arith.constant 0 : i32
      %scan3A_25 = arith.constant 0 : i32
      %scan3A_26 = arith.constant 20 : i32
      %scan3A_27 = arith.addi %scan3A_25, %scan3A_26 : i32
      %scan3A_28 = arith.constant 1 : i32
      scf.for %scan3A_69 = %scan3A_25 to %scan3A_27 step %scan3A_28  : i32 {
        %mul3A_70 = arith.constant 2 : i32
        %mul3A_71 = arith.muli %mul3A_70, %scan3A_69 : i32
        %add3A = arith.constant 1 : i32
        %add3A_72 = arith.addi %mul3A_71, %add3A : i32
        %dma_start3A_73 = arith.constant 0 : i32
        %dma_start3A_74 = tpu.memref_slice %arg10[%add3A_72, %dma_start3A_73] : memref<40x128xi32, #tpu.memory_space<vmem>> -> memref<1x128xi32, #tpu.memory_space<vmem>>
        %dma_start3A_75 = tpu.memref_squeeze %dma_start3A_74 : memref<1x128xi32, #tpu.memory_space<vmem>> -> memref<128xi32, #tpu.memory_space<vmem>>
        %dma_start3A_76 = arith.constant 0 : i32
        %dma_start3A_77 = arith.constant 0 : i32
        %dma_start3A_78 = tpu.memref_slice %arg5[%dma_start3A_76, %dma_start3A_77] : memref<10240x128xf32, #tpu.memory_space<hbm>> -> memref<10240x128xf32, #tpu.memory_space<hbm>>
        tpu.enqueue_indirect_dma source(%dma_start3A_78 : memref<10240x128xf32, #tpu.memory_space<hbm>>) target(%arg13 : memref<128x128xf32, #tpu.memory_space<vmem>>) offsets(%dma_start3A_75 : memref<128xi32, #tpu.memory_space<vmem>>) semaphore(%arg15 : memref<!tpu.dma_semaphore, #tpu.memory_space<semaphore_mem>>)
        %dma_wait3A = arith.constant 0 : i32
        %dma_wait3A_79 = tpu.memref_slice %arg10[%mul3A_71, %dma_wait3A] : memref<40x128xi32, #tpu.memory_space<vmem>> -> memref<1x128xi32, #tpu.memory_space<vmem>>
        %dma_wait3A_80 = tpu.memref_squeeze %dma_wait3A_79 : memref<1x128xi32, #tpu.memory_space<vmem>> -> memref<128xi32, #tpu.memory_space<vmem>>
        %dma_wait3A_81 = arith.constant 0 : i32
        %dma_wait3A_82 = arith.constant 0 : i32
        %dma_wait3A_83 = tpu.memref_slice %arg5[%dma_wait3A_81, %dma_wait3A_82] : memref<10240x128xf32, #tpu.memory_space<hbm>> -> memref<10240x128xf32, #tpu.memory_space<hbm>>
        tpu.wait_indirect_dma semaphore(%arg14 : memref<!tpu.dma_semaphore, #tpu.memory_space<semaphore_mem>>) src(%dma_wait3A_83 : memref<10240x128xf32, #tpu.memory_space<hbm>>) dst(%arg12 : memref<128x128xf32, #tpu.memory_space<vmem>>)
        "tpu.region"() ({
          %run_scoped3A = tpu.sem_alloc : memref<!tpu.dma_semaphore, #tpu.memory_space<semaphore_mem>>
          %dma_start3A_98 = arith.constant 0 : i32
          %dma_start3A_99 = tpu.memref_slice %arg11[%mul3A_71, %dma_start3A_98] : memref<40x128xi32, #tpu.memory_space<vmem>> -> memref<1x128xi32, #tpu.memory_space<vmem>>
          %dma_start3A_100 = tpu.memref_squeeze %dma_start3A_99 : memref<1x128xi32, #tpu.memory_space<vmem>> -> memref<128xi32, #tpu.memory_space<vmem>>
          %dma_start3A_101 = arith.constant 0 : i32
          %dma_start3A_102 = arith.constant 0 : i32
          %dma_start3A_103 = tpu.memref_slice %arg9[%dma_start3A_101, %dma_start3A_102] : memref<10240x128xf32, #tpu.memory_space<vmem_shared>> -> memref<10240x128xf32, #tpu.memory_space<vmem_shared>>
          tpu.enqueue_indirect_dma source(%arg12 : memref<128x128xf32, #tpu.memory_space<vmem>>) target(%dma_start3A_103 : memref<10240x128xf32, #tpu.memory_space<vmem_shared>>) offsets(%dma_start3A_100 : memref<128xi32, #tpu.memory_space<vmem>>) semaphore(%run_scoped3A : memref<!tpu.dma_semaphore, #tpu.memory_space<semaphore_mem>>) {add = true}
          %dma_wait3A_104 = arith.constant 0 : i32
          %dma_wait3A_105 = tpu.memref_slice %arg11[%mul3A_71, %dma_wait3A_104] : memref<40x128xi32, #tpu.memory_space<vmem>> -> memref<1x128xi32, #tpu.memory_space<vmem>>
          %dma_wait3A_106 = tpu.memref_squeeze %dma_wait3A_105 : memref<1x128xi32, #tpu.memory_space<vmem>> -> memref<128xi32, #tpu.memory_space<vmem>>
          %dma_wait3A_107 = arith.constant 0 : i32
          %dma_wait3A_108 = arith.constant 0 : i32
          %dma_wait3A_109 = tpu.memref_slice %arg9[%dma_wait3A_107, %dma_wait3A_108] : memref<10240x128xf32, #tpu.memory_space<vmem_shared>> -> memref<10240x128xf32, #tpu.memory_space<vmem_shared>>
          tpu.wait_indirect_dma semaphore(%run_scoped3A : memref<!tpu.dma_semaphore, #tpu.memory_space<semaphore_mem>>) src(%arg12 : memref<128x128xf32, #tpu.memory_space<vmem>>) dst(%dma_wait3A_109 : memref<10240x128xf32, #tpu.memory_space<vmem_shared>>)
          tpu.yield
        }) : () -> ()
        %lt3A = arith.constant 19 : i32
        %lt3A_84 = arith.cmpi slt, %scan3A_69, %lt3A : i32
        %convert_element_type3A_85 = arith.extui %lt3A_84 : i1 to i32
        %cond3A_86 = arith.constant 0 : i32
        %cond3A_87 = arith.cmpi ne, %convert_element_type3A_85, %cond3A_86 : i32
        scf.if %cond3A_87 {
          %add3A_98 = arith.constant 2 : i32
          %add3A_99 = arith.addi %mul3A_71, %add3A_98 : i32
          %dma_start3A_100 = arith.constant 0 : i32
          %dma_start3A_101 = tpu.memref_slice %arg10[%add3A_99, %dma_start3A_100] : memref<40x128xi32, #tpu.memory_space<vmem>> -> memref<1x128xi32, #tpu.memory_space<vmem>>
          %dma_start3A_102 = tpu.memref_squeeze %dma_start3A_101 : memref<1x128xi32, #tpu.memory_space<vmem>> -> memref<128xi32, #tpu.memory_space<vmem>>
          %dma_start3A_103 = arith.constant 0 : i32
          %dma_start3A_104 = arith.constant 0 : i32
          %dma_start3A_105 = tpu.memref_slice %arg5[%dma_start3A_103, %dma_start3A_104] : memref<10240x128xf32, #tpu.memory_space<hbm>> -> memref<10240x128xf32, #tpu.memory_space<hbm>>
          tpu.enqueue_indirect_dma source(%dma_start3A_105 : memref<10240x128xf32, #tpu.memory_space<hbm>>) target(%arg12 : memref<128x128xf32, #tpu.memory_space<vmem>>) offsets(%dma_start3A_102 : memref<128xi32, #tpu.memory_space<vmem>>) semaphore(%arg14 : memref<!tpu.dma_semaphore, #tpu.memory_space<semaphore_mem>>)
        } else {
        }
        %add3A_88 = arith.constant 1 : i32
        %add3A_89 = arith.addi %mul3A_71, %add3A_88 : i32
        %dma_wait3A_90 = arith.constant 0 : i32
        %dma_wait3A_91 = tpu.memref_slice %arg10[%add3A_89, %dma_wait3A_90] : memref<40x128xi32, #tpu.memory_space<vmem>> -> memref<1x128xi32, #tpu.memory_space<vmem>>
        %dma_wait3A_92 = tpu.memref_squeeze %dma_wait3A_91 : memref<1x128xi32, #tpu.memory_space<vmem>> -> memref<128xi32, #tpu.memory_space<vmem>>
        %dma_wait3A_93 = arith.constant 0 : i32
        %dma_wait3A_94 = arith.constant 0 : i32
        %dma_wait3A_95 = tpu.memref_slice %arg5[%dma_wait3A_93, %dma_wait3A_94] : memref<10240x128xf32, #tpu.memory_space<hbm>> -> memref<10240x128xf32, #tpu.memory_space<hbm>>
        tpu.wait_indirect_dma semaphore(%arg15 : memref<!tpu.dma_semaphore, #tpu.memory_space<semaphore_mem>>) src(%dma_wait3A_95 : memref<10240x128xf32, #tpu.memory_space<hbm>>) dst(%arg13 : memref<128x128xf32, #tpu.memory_space<vmem>>)
        %add3A_96 = arith.constant 1 : i32
        %add3A_97 = arith.addi %mul3A_71, %add3A_96 : i32
        "tpu.region"() ({
          %run_scoped3A = tpu.sem_alloc : memref<!tpu.dma_semaphore, #tpu.memory_space<semaphore_mem>>
          %dma_start3A_98 = arith.constant 0 : i32
          %dma_start3A_99 = tpu.memref_slice %arg11[%add3A_97, %dma_start3A_98] : memref<40x128xi32, #tpu.memory_space<vmem>> -> memref<1x128xi32, #tpu.memory_space<vmem>>
          %dma_start3A_100 = tpu.memref_squeeze %dma_start3A_99 : memref<1x128xi32, #tpu.memory_space<vmem>> -> memref<128xi32, #tpu.memory_space<vmem>>
          %dma_start3A_101 = arith.constant 0 : i32
          %dma_start3A_102 = arith.constant 0 : i32
          %dma_start3A_103 = tpu.memref_slice %arg9[%dma_start3A_101, %dma_start3A_102] : memref<10240x128xf32, #tpu.memory_space<vmem_shared>> -> memref<10240x128xf32, #tpu.memory_space<vmem_shared>>
          tpu.enqueue_indirect_dma source(%arg13 : memref<128x128xf32, #tpu.memory_space<vmem>>) target(%dma_start3A_103 : memref<10240x128xf32, #tpu.memory_space<vmem_shared>>) offsets(%dma_start3A_100 : memref<128xi32, #tpu.memory_space<vmem>>) semaphore(%run_scoped3A : memref<!tpu.dma_semaphore, #tpu.memory_space<semaphore_mem>>) {add = true}
          %dma_wait3A_104 = arith.constant 0 : i32
          %dma_wait3A_105 = tpu.memref_slice %arg11[%add3A_97, %dma_wait3A_104] : memref<40x128xi32, #tpu.memory_space<vmem>> -> memref<1x128xi32, #tpu.memory_space<vmem>>
          %dma_wait3A_106 = tpu.memref_squeeze %dma_wait3A_105 : memref<1x128xi32, #tpu.memory_space<vmem>> -> memref<128xi32, #tpu.memory_space<vmem>>
          %dma_wait3A_107 = arith.constant 0 : i32
          %dma_wait3A_108 = arith.constant 0 : i32
          %dma_wait3A_109 = tpu.memref_slice %arg9[%dma_wait3A_107, %dma_wait3A_108] : memref<10240x128xf32, #tpu.memory_space<vmem_shared>> -> memref<10240x128xf32, #tpu.memory_space<vmem_shared>>
          tpu.wait_indirect_dma semaphore(%run_scoped3A : memref<!tpu.dma_semaphore, #tpu.memory_space<semaphore_mem>>) src(%arg13 : memref<128x128xf32, #tpu.memory_space<vmem>>) dst(%dma_wait3A_109 : memref<10240x128xf32, #tpu.memory_space<vmem_shared>>)
          tpu.yield
        }) : () -> ()
      }
      %scan3A_29 = arith.constant 20 : i32
      "tpu.region"() ({
        %run_scoped3A = tpu.sem_alloc : memref<!tpu.dma_semaphore, #tpu.memory_space<semaphore_mem>>
        %dma_start3A_69 = arith.constant 40 : i32
        %dma_start3A_70 = arith.constant 0 : i32
        %dma_start3A_71 = tpu.memref_slice %arg2[%arg1, %dma_start3A_69, %dma_start3A_70] : memref<16x160x128xi32, #tpu.memory_space<hbm>> -> memref<1x40x128xi32, #tpu.memory_space<hbm>>
        %dma_start3A_72 = tpu.memref_squeeze %dma_start3A_71 : memref<1x40x128xi32, #tpu.memory_space<hbm>> -> memref<40x128xi32, #tpu.memory_space<hbm>>
        %dma_start3A_73 = arith.constant 40 : i32
        %dma_start3A_74 = arith.constant 0 : i32
        %dma_start3A_75 = tpu.memref_slice %arg2[%arg1, %dma_start3A_73, %dma_start3A_74] : memref<16x160x128xi32, #tpu.memory_space<hbm>> -> memref<1x40x128xi32, #tpu.memory_space<hbm>>
        %dma_start3A_76 = tpu.memref_squeeze %dma_start3A_75 : memref<1x40x128xi32, #tpu.memory_space<hbm>> -> memref<40x128xi32, #tpu.memory_space<hbm>>
        tpu.enqueue_dma source(%dma_start3A_76 : memref<40x128xi32, #tpu.memory_space<hbm>>) target(%arg10 : memref<40x128xi32, #tpu.memory_space<vmem>>) target_semaphore(%run_scoped3A : memref<!tpu.dma_semaphore, #tpu.memory_space<semaphore_mem>>)
        %dma_wait3A = arith.constant 40 : i32
        %dma_wait3A_77 = arith.constant 0 : i32
        %dma_wait3A_78 = tpu.memref_slice %arg2[%arg1, %dma_wait3A, %dma_wait3A_77] : memref<16x160x128xi32, #tpu.memory_space<hbm>> -> memref<1x40x128xi32, #tpu.memory_space<hbm>>
        %dma_wait3A_79 = tpu.memref_squeeze %dma_wait3A_78 : memref<1x40x128xi32, #tpu.memory_space<hbm>> -> memref<40x128xi32, #tpu.memory_space<hbm>>
        %dma_wait3A_80 = arith.constant 40 : i32
        %dma_wait3A_81 = arith.constant 0 : i32
        %dma_wait3A_82 = tpu.memref_slice %arg2[%arg1, %dma_wait3A_80, %dma_wait3A_81] : memref<16x160x128xi32, #tpu.memory_space<hbm>> -> memref<1x40x128xi32, #tpu.memory_space<hbm>>
        %dma_wait3A_83 = tpu.memref_squeeze %dma_wait3A_82 : memref<1x40x128xi32, #tpu.memory_space<hbm>> -> memref<40x128xi32, #tpu.memory_space<hbm>>
        tpu.wait_dma2 semaphore(%run_scoped3A : memref<!tpu.dma_semaphore, #tpu.memory_space<semaphore_mem>>) src(%dma_wait3A_83 : memref<40x128xi32, #tpu.memory_space<hbm>>) dst(%arg10 : memref<40x128xi32, #tpu.memory_space<vmem>>)
        tpu.yield
      }) : () -> ()
      "tpu.region"() ({
        %run_scoped3A = tpu.sem_alloc : memref<!tpu.dma_semaphore, #tpu.memory_space<semaphore_mem>>
        %dma_start3A_69 = arith.constant 40 : i32
        %dma_start3A_70 = arith.constant 0 : i32
        %dma_start3A_71 = tpu.memref_slice %arg3[%arg1, %dma_start3A_69, %dma_start3A_70] : memref<16x160x128xi32, #tpu.memory_space<hbm>> -> memref<1x40x128xi32, #tpu.memory_space<hbm>>
        %dma_start3A_72 = tpu.memref_squeeze %dma_start3A_71 : memref<1x40x128xi32, #tpu.memory_space<hbm>> -> memref<40x128xi32, #tpu.memory_space<hbm>>
        %dma_start3A_73 = arith.constant 40 : i32
        %dma_start3A_74 = arith.constant 0 : i32
        %dma_start3A_75 = tpu.memref_slice %arg3[%arg1, %dma_start3A_73, %dma_start3A_74] : memref<16x160x128xi32, #tpu.memory_space<hbm>> -> memref<1x40x128xi32, #tpu.memory_space<hbm>>
        %dma_start3A_76 = tpu.memref_squeeze %dma_start3A_75 : memref<1x40x128xi32, #tpu.memory_space<hbm>> -> memref<40x128xi32, #tpu.memory_space<hbm>>
        tpu.enqueue_dma source(%dma_start3A_76 : memref<40x128xi32, #tpu.memory_space<hbm>>) target(%arg11 : memref<40x128xi32, #tpu.memory_space<vmem>>) target_semaphore(%run_scoped3A : memref<!tpu.dma_semaphore, #tpu.memory_space<semaphore_mem>>)
        %dma_wait3A = arith.constant 40 : i32
        %dma_wait3A_77 = arith.constant 0 : i32
        %dma_wait3A_78 = tpu.memref_slice %arg3[%arg1, %dma_wait3A, %dma_wait3A_77] : memref<16x160x128xi32, #tpu.memory_space<hbm>> -> memref<1x40x128xi32, #tpu.memory_space<hbm>>
        %dma_wait3A_79 = tpu.memref_squeeze %dma_wait3A_78 : memref<1x40x128xi32, #tpu.memory_space<hbm>> -> memref<40x128xi32, #tpu.memory_space<hbm>>
        %dma_wait3A_80 = arith.constant 40 : i32
        %dma_wait3A_81 = arith.constant 0 : i32
        %dma_wait3A_82 = tpu.memref_slice %arg3[%arg1, %dma_wait3A_80, %dma_wait3A_81] : memref<16x160x128xi32, #tpu.memory_space<hbm>> -> memref<1x40x128xi32, #tpu.memory_space<hbm>>
        %dma_wait3A_83 = tpu.memref_squeeze %dma_wait3A_82 : memref<1x40x128xi32, #tpu.memory_space<hbm>> -> memref<40x128xi32, #tpu.memory_space<hbm>>
        tpu.wait_dma2 semaphore(%run_scoped3A : memref<!tpu.dma_semaphore, #tpu.memory_space<semaphore_mem>>) src(%dma_wait3A_83 : memref<40x128xi32, #tpu.memory_space<hbm>>) dst(%arg11 : memref<40x128xi32, #tpu.memory_space<vmem>>)
        tpu.yield
      }) : () -> ()
      %dma_start3A_30 = arith.constant 0 : i32
      %dma_start3A_31 = arith.constant 0 : i32
      %dma_start3A_32 = tpu.memref_slice %arg10[%dma_start3A_30, %dma_start3A_31] : memref<40x128xi32, #tpu.memory_space<vmem>> -> memref<1x128xi32, #tpu.memory_space<vmem>>
      %dma_start3A_33 = tpu.memref_squeeze %dma_start3A_32 : memref<1x128xi32, #tpu.memory_space<vmem>> -> memref<128xi32, #tpu.memory_space<vmem>>
      %dma_start3A_34 = arith.constant 0 : i32
      %dma_start3A_35 = arith.constant 0 : i32
      %dma_start3A_36 = tpu.memref_slice %arg5[%dma_start3A_34, %dma_start3A_35] : memref<10240x128xf32, #tpu.memory_space<hbm>> -> memref<10240x128xf32, #tpu.memory_space<hbm>>
      tpu.enqueue_indirect_dma source(%dma_start3A_36 : memref<10240x128xf32, #tpu.memory_space<hbm>>) target(%arg12 : memref<128x128xf32, #tpu.memory_space<vmem>>) offsets(%dma_start3A_33 : memref<128xi32, #tpu.memory_space<vmem>>) semaphore(%arg14 : memref<!tpu.dma_semaphore, #tpu.memory_space<semaphore_mem>>)
      %scan3A_37 = arith.constant 0 : i32
      %scan3A_38 = arith.constant 0 : i32
      %scan3A_39 = arith.constant 20 : i32
      %scan3A_40 = arith.addi %scan3A_38, %scan3A_39 : i32
      %scan3A_41 = arith.constant 1 : i32
      scf.for %scan3A_69 = %scan3A_38 to %scan3A_40 step %scan3A_41  : i32 {
        %mul3A_70 = arith.constant 2 : i32
        %mul3A_71 = arith.muli %mul3A_70, %scan3A_69 : i32
        %add3A = arith.constant 1 : i32
        %add3A_72 = arith.addi %mul3A_71, %add3A : i32
        %dma_start3A_73 = arith.constant 0 : i32
        %dma_start3A_74 = tpu.memref_slice %arg10[%add3A_72, %dma_start3A_73] : memref<40x128xi32, #tpu.memory_space<vmem>> -> memref<1x128xi32, #tpu.memory_space<vmem>>
        %dma_start3A_75 = tpu.memref_squeeze %dma_start3A_74 : memref<1x128xi32, #tpu.memory_space<vmem>> -> memref<128xi32, #tpu.memory_space<vmem>>
        %dma_start3A_76 = arith.constant 0 : i32
        %dma_start3A_77 = arith.constant 0 : i32
        %dma_start3A_78 = tpu.memref_slice %arg5[%dma_start3A_76, %dma_start3A_77] : memref<10240x128xf32, #tpu.memory_space<hbm>> -> memref<10240x128xf32, #tpu.memory_space<hbm>>
        tpu.enqueue_indirect_dma source(%dma_start3A_78 : memref<10240x128xf32, #tpu.memory_space<hbm>>) target(%arg13 : memref<128x128xf32, #tpu.memory_space<vmem>>) offsets(%dma_start3A_75 : memref<128xi32, #tpu.memory_space<vmem>>) semaphore(%arg15 : memref<!tpu.dma_semaphore, #tpu.memory_space<semaphore_mem>>)
        %dma_wait3A = arith.constant 0 : i32
        %dma_wait3A_79 = tpu.memref_slice %arg10[%mul3A_71, %dma_wait3A] : memref<40x128xi32, #tpu.memory_space<vmem>> -> memref<1x128xi32, #tpu.memory_space<vmem>>
        %dma_wait3A_80 = tpu.memref_squeeze %dma_wait3A_79 : memref<1x128xi32, #tpu.memory_space<vmem>> -> memref<128xi32, #tpu.memory_space<vmem>>
        %dma_wait3A_81 = arith.constant 0 : i32
        %dma_wait3A_82 = arith.constant 0 : i32
        %dma_wait3A_83 = tpu.memref_slice %arg5[%dma_wait3A_81, %dma_wait3A_82] : memref<10240x128xf32, #tpu.memory_space<hbm>> -> memref<10240x128xf32, #tpu.memory_space<hbm>>
        tpu.wait_indirect_dma semaphore(%arg14 : memref<!tpu.dma_semaphore, #tpu.memory_space<semaphore_mem>>) src(%dma_wait3A_83 : memref<10240x128xf32, #tpu.memory_space<hbm>>) dst(%arg12 : memref<128x128xf32, #tpu.memory_space<vmem>>)
        "tpu.region"() ({
          %run_scoped3A = tpu.sem_alloc : memref<!tpu.dma_semaphore, #tpu.memory_space<semaphore_mem>>
          %dma_start3A_98 = arith.constant 0 : i32
          %dma_start3A_99 = tpu.memref_slice %arg11[%mul3A_71, %dma_start3A_98] : memref<40x128xi32, #tpu.memory_space<vmem>> -> memref<1x128xi32, #tpu.memory_space<vmem>>
          %dma_start3A_100 = tpu.memref_squeeze %dma_start3A_99 : memref<1x128xi32, #tpu.memory_space<vmem>> -> memref<128xi32, #tpu.memory_space<vmem>>
          %dma_start3A_101 = arith.constant 0 : i32
          %dma_start3A_102 = arith.constant 0 : i32
          %dma_start3A_103 = tpu.memref_slice %arg9[%dma_start3A_101, %dma_start3A_102] : memref<10240x128xf32, #tpu.memory_space<vmem_shared>> -> memref<10240x128xf32, #tpu.memory_space<vmem_shared>>
          tpu.enqueue_indirect_dma source(%arg12 : memref<128x128xf32, #tpu.memory_space<vmem>>) target(%dma_start3A_103 : memref<10240x128xf32, #tpu.memory_space<vmem_shared>>) offsets(%dma_start3A_100 : memref<128xi32, #tpu.memory_space<vmem>>) semaphore(%run_scoped3A : memref<!tpu.dma_semaphore, #tpu.memory_space<semaphore_mem>>) {add = true}
          %dma_wait3A_104 = arith.constant 0 : i32
          %dma_wait3A_105 = tpu.memref_slice %arg11[%mul3A_71, %dma_wait3A_104] : memref<40x128xi32, #tpu.memory_space<vmem>> -> memref<1x128xi32, #tpu.memory_space<vmem>>
          %dma_wait3A_106 = tpu.memref_squeeze %dma_wait3A_105 : memref<1x128xi32, #tpu.memory_space<vmem>> -> memref<128xi32, #tpu.memory_space<vmem>>
          %dma_wait3A_107 = arith.constant 0 : i32
          %dma_wait3A_108 = arith.constant 0 : i32
          %dma_wait3A_109 = tpu.memref_slice %arg9[%dma_wait3A_107, %dma_wait3A_108] : memref<10240x128xf32, #tpu.memory_space<vmem_shared>> -> memref<10240x128xf32, #tpu.memory_space<vmem_shared>>
          tpu.wait_indirect_dma semaphore(%run_scoped3A : memref<!tpu.dma_semaphore, #tpu.memory_space<semaphore_mem>>) src(%arg12 : memref<128x128xf32, #tpu.memory_space<vmem>>) dst(%dma_wait3A_109 : memref<10240x128xf32, #tpu.memory_space<vmem_shared>>)
          tpu.yield
        }) : () -> ()
        %lt3A = arith.constant 19 : i32
        %lt3A_84 = arith.cmpi slt, %scan3A_69, %lt3A : i32
        %convert_element_type3A_85 = arith.extui %lt3A_84 : i1 to i32
        %cond3A_86 = arith.constant 0 : i32
        %cond3A_87 = arith.cmpi ne, %convert_element_type3A_85, %cond3A_86 : i32
        scf.if %cond3A_87 {
          %add3A_98 = arith.constant 2 : i32
          %add3A_99 = arith.addi %mul3A_71, %add3A_98 : i32
          %dma_start3A_100 = arith.constant 0 : i32
          %dma_start3A_101 = tpu.memref_slice %arg10[%add3A_99, %dma_start3A_100] : memref<40x128xi32, #tpu.memory_space<vmem>> -> memref<1x128xi32, #tpu.memory_space<vmem>>
          %dma_start3A_102 = tpu.memref_squeeze %dma_start3A_101 : memref<1x128xi32, #tpu.memory_space<vmem>> -> memref<128xi32, #tpu.memory_space<vmem>>
          %dma_start3A_103 = arith.constant 0 : i32
          %dma_start3A_104 = arith.constant 0 : i32
          %dma_start3A_105 = tpu.memref_slice %arg5[%dma_start3A_103, %dma_start3A_104] : memref<10240x128xf32, #tpu.memory_space<hbm>> -> memref<10240x128xf32, #tpu.memory_space<hbm>>
          tpu.enqueue_indirect_dma source(%dma_start3A_105 : memref<10240x128xf32, #tpu.memory_space<hbm>>) target(%arg12 : memref<128x128xf32, #tpu.memory_space<vmem>>) offsets(%dma_start3A_102 : memref<128xi32, #tpu.memory_space<vmem>>) semaphore(%arg14 : memref<!tpu.dma_semaphore, #tpu.memory_space<semaphore_mem>>)
        } else {
        }
        %add3A_88 = arith.constant 1 : i32
        %add3A_89 = arith.addi %mul3A_71, %add3A_88 : i32
        %dma_wait3A_90 = arith.constant 0 : i32
        %dma_wait3A_91 = tpu.memref_slice %arg10[%add3A_89, %dma_wait3A_90] : memref<40x128xi32, #tpu.memory_space<vmem>> -> memref<1x128xi32, #tpu.memory_space<vmem>>
        %dma_wait3A_92 = tpu.memref_squeeze %dma_wait3A_91 : memref<1x128xi32, #tpu.memory_space<vmem>> -> memref<128xi32, #tpu.memory_space<vmem>>
        %dma_wait3A_93 = arith.constant 0 : i32
        %dma_wait3A_94 = arith.constant 0 : i32
        %dma_wait3A_95 = tpu.memref_slice %arg5[%dma_wait3A_93, %dma_wait3A_94] : memref<10240x128xf32, #tpu.memory_space<hbm>> -> memref<10240x128xf32, #tpu.memory_space<hbm>>
        tpu.wait_indirect_dma semaphore(%arg15 : memref<!tpu.dma_semaphore, #tpu.memory_space<semaphore_mem>>) src(%dma_wait3A_95 : memref<10240x128xf32, #tpu.memory_space<hbm>>) dst(%arg13 : memref<128x128xf32, #tpu.memory_space<vmem>>)
        %add3A_96 = arith.constant 1 : i32
        %add3A_97 = arith.addi %mul3A_71, %add3A_96 : i32
        "tpu.region"() ({
          %run_scoped3A = tpu.sem_alloc : memref<!tpu.dma_semaphore, #tpu.memory_space<semaphore_mem>>
          %dma_start3A_98 = arith.constant 0 : i32
          %dma_start3A_99 = tpu.memref_slice %arg11[%add3A_97, %dma_start3A_98] : memref<40x128xi32, #tpu.memory_space<vmem>> -> memref<1x128xi32, #tpu.memory_space<vmem>>
          %dma_start3A_100 = tpu.memref_squeeze %dma_start3A_99 : memref<1x128xi32, #tpu.memory_space<vmem>> -> memref<128xi32, #tpu.memory_space<vmem>>
          %dma_start3A_101 = arith.constant 0 : i32
          %dma_start3A_102 = arith.constant 0 : i32
          %dma_start3A_103 = tpu.memref_slice %arg9[%dma_start3A_101, %dma_start3A_102] : memref<10240x128xf32, #tpu.memory_space<vmem_shared>> -> memref<10240x128xf32, #tpu.memory_space<vmem_shared>>
          tpu.enqueue_indirect_dma source(%arg13 : memref<128x128xf32, #tpu.memory_space<vmem>>) target(%dma_start3A_103 : memref<10240x128xf32, #tpu.memory_space<vmem_shared>>) offsets(%dma_start3A_100 : memref<128xi32, #tpu.memory_space<vmem>>) semaphore(%run_scoped3A : memref<!tpu.dma_semaphore, #tpu.memory_space<semaphore_mem>>) {add = true}
          %dma_wait3A_104 = arith.constant 0 : i32
          %dma_wait3A_105 = tpu.memref_slice %arg11[%add3A_97, %dma_wait3A_104] : memref<40x128xi32, #tpu.memory_space<vmem>> -> memref<1x128xi32, #tpu.memory_space<vmem>>
          %dma_wait3A_106 = tpu.memref_squeeze %dma_wait3A_105 : memref<1x128xi32, #tpu.memory_space<vmem>> -> memref<128xi32, #tpu.memory_space<vmem>>
          %dma_wait3A_107 = arith.constant 0 : i32
          %dma_wait3A_108 = arith.constant 0 : i32
          %dma_wait3A_109 = tpu.memref_slice %arg9[%dma_wait3A_107, %dma_wait3A_108] : memref<10240x128xf32, #tpu.memory_space<vmem_shared>> -> memref<10240x128xf32, #tpu.memory_space<vmem_shared>>
          tpu.wait_indirect_dma semaphore(%run_scoped3A : memref<!tpu.dma_semaphore, #tpu.memory_space<semaphore_mem>>) src(%arg13 : memref<128x128xf32, #tpu.memory_space<vmem>>) dst(%dma_wait3A_109 : memref<10240x128xf32, #tpu.memory_space<vmem_shared>>)
          tpu.yield
        }) : () -> ()
      }
      %scan3A_42 = arith.constant 20 : i32
      "tpu.region"() ({
        %run_scoped3A = tpu.sem_alloc : memref<!tpu.dma_semaphore, #tpu.memory_space<semaphore_mem>>
        %dma_start3A_69 = arith.constant 80 : i32
        %dma_start3A_70 = arith.constant 0 : i32
        %dma_start3A_71 = tpu.memref_slice %arg2[%arg1, %dma_start3A_69, %dma_start3A_70] : memref<16x160x128xi32, #tpu.memory_space<hbm>> -> memref<1x40x128xi32, #tpu.memory_space<hbm>>
        %dma_start3A_72 = tpu.memref_squeeze %dma_start3A_71 : memref<1x40x128xi32, #tpu.memory_space<hbm>> -> memref<40x128xi32, #tpu.memory_space<hbm>>
        %dma_start3A_73 = arith.constant 80 : i32
        %dma_start3A_74 = arith.constant 0 : i32
        %dma_start3A_75 = tpu.memref_slice %arg2[%arg1, %dma_start3A_73, %dma_start3A_74] : memref<16x160x128xi32, #tpu.memory_space<hbm>> -> memref<1x40x128xi32, #tpu.memory_space<hbm>>
        %dma_start3A_76 = tpu.memref_squeeze %dma_start3A_75 : memref<1x40x128xi32, #tpu.memory_space<hbm>> -> memref<40x128xi32, #tpu.memory_space<hbm>>
        tpu.enqueue_dma source(%dma_start3A_76 : memref<40x128xi32, #tpu.memory_space<hbm>>) target(%arg10 : memref<40x128xi32, #tpu.memory_space<vmem>>) target_semaphore(%run_scoped3A : memref<!tpu.dma_semaphore, #tpu.memory_space<semaphore_mem>>)
        %dma_wait3A = arith.constant 80 : i32
        %dma_wait3A_77 = arith.constant 0 : i32
        %dma_wait3A_78 = tpu.memref_slice %arg2[%arg1, %dma_wait3A, %dma_wait3A_77] : memref<16x160x128xi32, #tpu.memory_space<hbm>> -> memref<1x40x128xi32, #tpu.memory_space<hbm>>
        %dma_wait3A_79 = tpu.memref_squeeze %dma_wait3A_78 : memref<1x40x128xi32, #tpu.memory_space<hbm>> -> memref<40x128xi32, #tpu.memory_space<hbm>>
        %dma_wait3A_80 = arith.constant 80 : i32
        %dma_wait3A_81 = arith.constant 0 : i32
        %dma_wait3A_82 = tpu.memref_slice %arg2[%arg1, %dma_wait3A_80, %dma_wait3A_81] : memref<16x160x128xi32, #tpu.memory_space<hbm>> -> memref<1x40x128xi32, #tpu.memory_space<hbm>>
        %dma_wait3A_83 = tpu.memref_squeeze %dma_wait3A_82 : memref<1x40x128xi32, #tpu.memory_space<hbm>> -> memref<40x128xi32, #tpu.memory_space<hbm>>
        tpu.wait_dma2 semaphore(%run_scoped3A : memref<!tpu.dma_semaphore, #tpu.memory_space<semaphore_mem>>) src(%dma_wait3A_83 : memref<40x128xi32, #tpu.memory_space<hbm>>) dst(%arg10 : memref<40x128xi32, #tpu.memory_space<vmem>>)
        tpu.yield
      }) : () -> ()
      "tpu.region"() ({
        %run_scoped3A = tpu.sem_alloc : memref<!tpu.dma_semaphore, #tpu.memory_space<semaphore_mem>>
        %dma_start3A_69 = arith.constant 80 : i32
        %dma_start3A_70 = arith.constant 0 : i32
        %dma_start3A_71 = tpu.memref_slice %arg3[%arg1, %dma_start3A_69, %dma_start3A_70] : memref<16x160x128xi32, #tpu.memory_space<hbm>> -> memref<1x40x128xi32, #tpu.memory_space<hbm>>
        %dma_start3A_72 = tpu.memref_squeeze %dma_start3A_71 : memref<1x40x128xi32, #tpu.memory_space<hbm>> -> memref<40x128xi32, #tpu.memory_space<hbm>>
        %dma_start3A_73 = arith.constant 80 : i32
        %dma_start3A_74 = arith.constant 0 : i32
        %dma_start3A_75 = tpu.memref_slice %arg3[%arg1, %dma_start3A_73, %dma_start3A_74] : memref<16x160x128xi32, #tpu.memory_space<hbm>> -> memref<1x40x128xi32, #tpu.memory_space<hbm>>
        %dma_start3A_76 = tpu.memref_squeeze %dma_start3A_75 : memref<1x40x128xi32, #tpu.memory_space<hbm>> -> memref<40x128xi32, #tpu.memory_space<hbm>>
        tpu.enqueue_dma source(%dma_start3A_76 : memref<40x128xi32, #tpu.memory_space<hbm>>) target(%arg11 : memref<40x128xi32, #tpu.memory_space<vmem>>) target_semaphore(%run_scoped3A : memref<!tpu.dma_semaphore, #tpu.memory_space<semaphore_mem>>)
        %dma_wait3A = arith.constant 80 : i32
        %dma_wait3A_77 = arith.constant 0 : i32
        %dma_wait3A_78 = tpu.memref_slice %arg3[%arg1, %dma_wait3A, %dma_wait3A_77] : memref<16x160x128xi32, #tpu.memory_space<hbm>> -> memref<1x40x128xi32, #tpu.memory_space<hbm>>
        %dma_wait3A_79 = tpu.memref_squeeze %dma_wait3A_78 : memref<1x40x128xi32, #tpu.memory_space<hbm>> -> memref<40x128xi32, #tpu.memory_space<hbm>>
        %dma_wait3A_80 = arith.constant 80 : i32
        %dma_wait3A_81 = arith.constant 0 : i32
        %dma_wait3A_82 = tpu.memref_slice %arg3[%arg1, %dma_wait3A_80, %dma_wait3A_81] : memref<16x160x128xi32, #tpu.memory_space<hbm>> -> memref<1x40x128xi32, #tpu.memory_space<hbm>>
        %dma_wait3A_83 = tpu.memref_squeeze %dma_wait3A_82 : memref<1x40x128xi32, #tpu.memory_space<hbm>> -> memref<40x128xi32, #tpu.memory_space<hbm>>
        tpu.wait_dma2 semaphore(%run_scoped3A : memref<!tpu.dma_semaphore, #tpu.memory_space<semaphore_mem>>) src(%dma_wait3A_83 : memref<40x128xi32, #tpu.memory_space<hbm>>) dst(%arg11 : memref<40x128xi32, #tpu.memory_space<vmem>>)
        tpu.yield
      }) : () -> ()
      %dma_start3A_43 = arith.constant 0 : i32
      %dma_start3A_44 = arith.constant 0 : i32
      %dma_start3A_45 = tpu.memref_slice %arg10[%dma_start3A_43, %dma_start3A_44] : memref<40x128xi32, #tpu.memory_space<vmem>> -> memref<1x128xi32, #tpu.memory_space<vmem>>
      %dma_start3A_46 = tpu.memref_squeeze %dma_start3A_45 : memref<1x128xi32, #tpu.memory_space<vmem>> -> memref<128xi32, #tpu.memory_space<vmem>>
      %dma_start3A_47 = arith.constant 0 : i32
      %dma_start3A_48 = arith.constant 0 : i32
      %dma_start3A_49 = tpu.memref_slice %arg5[%dma_start3A_47, %dma_start3A_48] : memref<10240x128xf32, #tpu.memory_space<hbm>> -> memref<10240x128xf32, #tpu.memory_space<hbm>>
      tpu.enqueue_indirect_dma source(%dma_start3A_49 : memref<10240x128xf32, #tpu.memory_space<hbm>>) target(%arg12 : memref<128x128xf32, #tpu.memory_space<vmem>>) offsets(%dma_start3A_46 : memref<128xi32, #tpu.memory_space<vmem>>) semaphore(%arg14 : memref<!tpu.dma_semaphore, #tpu.memory_space<semaphore_mem>>)
      %scan3A_50 = arith.constant 0 : i32
      %scan3A_51 = arith.constant 0 : i32
      %scan3A_52 = arith.constant 20 : i32
      %scan3A_53 = arith.addi %scan3A_51, %scan3A_52 : i32
      %scan3A_54 = arith.constant 1 : i32
      scf.for %scan3A_69 = %scan3A_51 to %scan3A_53 step %scan3A_54  : i32 {
        %mul3A_70 = arith.constant 2 : i32
        %mul3A_71 = arith.muli %mul3A_70, %scan3A_69 : i32
        %add3A = arith.constant 1 : i32
        %add3A_72 = arith.addi %mul3A_71, %add3A : i32
        %dma_start3A_73 = arith.constant 0 : i32
        %dma_start3A_74 = tpu.memref_slice %arg10[%add3A_72, %dma_start3A_73] : memref<40x128xi32, #tpu.memory_space<vmem>> -> memref<1x128xi32, #tpu.memory_space<vmem>>
        %dma_start3A_75 = tpu.memref_squeeze %dma_start3A_74 : memref<1x128xi32, #tpu.memory_space<vmem>> -> memref<128xi32, #tpu.memory_space<vmem>>
        %dma_start3A_76 = arith.constant 0 : i32
        %dma_start3A_77 = arith.constant 0 : i32
        %dma_start3A_78 = tpu.memref_slice %arg5[%dma_start3A_76, %dma_start3A_77] : memref<10240x128xf32, #tpu.memory_space<hbm>> -> memref<10240x128xf32, #tpu.memory_space<hbm>>
        tpu.enqueue_indirect_dma source(%dma_start3A_78 : memref<10240x128xf32, #tpu.memory_space<hbm>>) target(%arg13 : memref<128x128xf32, #tpu.memory_space<vmem>>) offsets(%dma_start3A_75 : memref<128xi32, #tpu.memory_space<vmem>>) semaphore(%arg15 : memref<!tpu.dma_semaphore, #tpu.memory_space<semaphore_mem>>)
        %dma_wait3A = arith.constant 0 : i32
        %dma_wait3A_79 = tpu.memref_slice %arg10[%mul3A_71, %dma_wait3A] : memref<40x128xi32, #tpu.memory_space<vmem>> -> memref<1x128xi32, #tpu.memory_space<vmem>>
        %dma_wait3A_80 = tpu.memref_squeeze %dma_wait3A_79 : memref<1x128xi32, #tpu.memory_space<vmem>> -> memref<128xi32, #tpu.memory_space<vmem>>
        %dma_wait3A_81 = arith.constant 0 : i32
        %dma_wait3A_82 = arith.constant 0 : i32
        %dma_wait3A_83 = tpu.memref_slice %arg5[%dma_wait3A_81, %dma_wait3A_82] : memref<10240x128xf32, #tpu.memory_space<hbm>> -> memref<10240x128xf32, #tpu.memory_space<hbm>>
        tpu.wait_indirect_dma semaphore(%arg14 : memref<!tpu.dma_semaphore, #tpu.memory_space<semaphore_mem>>) src(%dma_wait3A_83 : memref<10240x128xf32, #tpu.memory_space<hbm>>) dst(%arg12 : memref<128x128xf32, #tpu.memory_space<vmem>>)
        "tpu.region"() ({
          %run_scoped3A = tpu.sem_alloc : memref<!tpu.dma_semaphore, #tpu.memory_space<semaphore_mem>>
          %dma_start3A_98 = arith.constant 0 : i32
          %dma_start3A_99 = tpu.memref_slice %arg11[%mul3A_71, %dma_start3A_98] : memref<40x128xi32, #tpu.memory_space<vmem>> -> memref<1x128xi32, #tpu.memory_space<vmem>>
          %dma_start3A_100 = tpu.memref_squeeze %dma_start3A_99 : memref<1x128xi32, #tpu.memory_space<vmem>> -> memref<128xi32, #tpu.memory_space<vmem>>
          %dma_start3A_101 = arith.constant 0 : i32
          %dma_start3A_102 = arith.constant 0 : i32
          %dma_start3A_103 = tpu.memref_slice %arg9[%dma_start3A_101, %dma_start3A_102] : memref<10240x128xf32, #tpu.memory_space<vmem_shared>> -> memref<10240x128xf32, #tpu.memory_space<vmem_shared>>
          tpu.enqueue_indirect_dma source(%arg12 : memref<128x128xf32, #tpu.memory_space<vmem>>) target(%dma_start3A_103 : memref<10240x128xf32, #tpu.memory_space<vmem_shared>>) offsets(%dma_start3A_100 : memref<128xi32, #tpu.memory_space<vmem>>) semaphore(%run_scoped3A : memref<!tpu.dma_semaphore, #tpu.memory_space<semaphore_mem>>) {add = true}
          %dma_wait3A_104 = arith.constant 0 : i32
          %dma_wait3A_105 = tpu.memref_slice %arg11[%mul3A_71, %dma_wait3A_104] : memref<40x128xi32, #tpu.memory_space<vmem>> -> memref<1x128xi32, #tpu.memory_space<vmem>>
          %dma_wait3A_106 = tpu.memref_squeeze %dma_wait3A_105 : memref<1x128xi32, #tpu.memory_space<vmem>> -> memref<128xi32, #tpu.memory_space<vmem>>
          %dma_wait3A_107 = arith.constant 0 : i32
          %dma_wait3A_108 = arith.constant 0 : i32
          %dma_wait3A_109 = tpu.memref_slice %arg9[%dma_wait3A_107, %dma_wait3A_108] : memref<10240x128xf32, #tpu.memory_space<vmem_shared>> -> memref<10240x128xf32, #tpu.memory_space<vmem_shared>>
          tpu.wait_indirect_dma semaphore(%run_scoped3A : memref<!tpu.dma_semaphore, #tpu.memory_space<semaphore_mem>>) src(%arg12 : memref<128x128xf32, #tpu.memory_space<vmem>>) dst(%dma_wait3A_109 : memref<10240x128xf32, #tpu.memory_space<vmem_shared>>)
          tpu.yield
        }) : () -> ()
        %lt3A = arith.constant 19 : i32
        %lt3A_84 = arith.cmpi slt, %scan3A_69, %lt3A : i32
        %convert_element_type3A_85 = arith.extui %lt3A_84 : i1 to i32
        %cond3A_86 = arith.constant 0 : i32
        %cond3A_87 = arith.cmpi ne, %convert_element_type3A_85, %cond3A_86 : i32
        scf.if %cond3A_87 {
          %add3A_98 = arith.constant 2 : i32
          %add3A_99 = arith.addi %mul3A_71, %add3A_98 : i32
          %dma_start3A_100 = arith.constant 0 : i32
          %dma_start3A_101 = tpu.memref_slice %arg10[%add3A_99, %dma_start3A_100] : memref<40x128xi32, #tpu.memory_space<vmem>> -> memref<1x128xi32, #tpu.memory_space<vmem>>
          %dma_start3A_102 = tpu.memref_squeeze %dma_start3A_101 : memref<1x128xi32, #tpu.memory_space<vmem>> -> memref<128xi32, #tpu.memory_space<vmem>>
          %dma_start3A_103 = arith.constant 0 : i32
          %dma_start3A_104 = arith.constant 0 : i32
          %dma_start3A_105 = tpu.memref_slice %arg5[%dma_start3A_103, %dma_start3A_104] : memref<10240x128xf32, #tpu.memory_space<hbm>> -> memref<10240x128xf32, #tpu.memory_space<hbm>>
          tpu.enqueue_indirect_dma source(%dma_start3A_105 : memref<10240x128xf32, #tpu.memory_space<hbm>>) target(%arg12 : memref<128x128xf32, #tpu.memory_space<vmem>>) offsets(%dma_start3A_102 : memref<128xi32, #tpu.memory_space<vmem>>) semaphore(%arg14 : memref<!tpu.dma_semaphore, #tpu.memory_space<semaphore_mem>>)
        } else {
        }
        %add3A_88 = arith.constant 1 : i32
        %add3A_89 = arith.addi %mul3A_71, %add3A_88 : i32
        %dma_wait3A_90 = arith.constant 0 : i32
        %dma_wait3A_91 = tpu.memref_slice %arg10[%add3A_89, %dma_wait3A_90] : memref<40x128xi32, #tpu.memory_space<vmem>> -> memref<1x128xi32, #tpu.memory_space<vmem>>
        %dma_wait3A_92 = tpu.memref_squeeze %dma_wait3A_91 : memref<1x128xi32, #tpu.memory_space<vmem>> -> memref<128xi32, #tpu.memory_space<vmem>>
        %dma_wait3A_93 = arith.constant 0 : i32
        %dma_wait3A_94 = arith.constant 0 : i32
        %dma_wait3A_95 = tpu.memref_slice %arg5[%dma_wait3A_93, %dma_wait3A_94] : memref<10240x128xf32, #tpu.memory_space<hbm>> -> memref<10240x128xf32, #tpu.memory_space<hbm>>
        tpu.wait_indirect_dma semaphore(%arg15 : memref<!tpu.dma_semaphore, #tpu.memory_space<semaphore_mem>>) src(%dma_wait3A_95 : memref<10240x128xf32, #tpu.memory_space<hbm>>) dst(%arg13 : memref<128x128xf32, #tpu.memory_space<vmem>>)
        %add3A_96 = arith.constant 1 : i32
        %add3A_97 = arith.addi %mul3A_71, %add3A_96 : i32
        "tpu.region"() ({
          %run_scoped3A = tpu.sem_alloc : memref<!tpu.dma_semaphore, #tpu.memory_space<semaphore_mem>>
          %dma_start3A_98 = arith.constant 0 : i32
          %dma_start3A_99 = tpu.memref_slice %arg11[%add3A_97, %dma_start3A_98] : memref<40x128xi32, #tpu.memory_space<vmem>> -> memref<1x128xi32, #tpu.memory_space<vmem>>
          %dma_start3A_100 = tpu.memref_squeeze %dma_start3A_99 : memref<1x128xi32, #tpu.memory_space<vmem>> -> memref<128xi32, #tpu.memory_space<vmem>>
          %dma_start3A_101 = arith.constant 0 : i32
          %dma_start3A_102 = arith.constant 0 : i32
          %dma_start3A_103 = tpu.memref_slice %arg9[%dma_start3A_101, %dma_start3A_102] : memref<10240x128xf32, #tpu.memory_space<vmem_shared>> -> memref<10240x128xf32, #tpu.memory_space<vmem_shared>>
          tpu.enqueue_indirect_dma source(%arg13 : memref<128x128xf32, #tpu.memory_space<vmem>>) target(%dma_start3A_103 : memref<10240x128xf32, #tpu.memory_space<vmem_shared>>) offsets(%dma_start3A_100 : memref<128xi32, #tpu.memory_space<vmem>>) semaphore(%run_scoped3A : memref<!tpu.dma_semaphore, #tpu.memory_space<semaphore_mem>>) {add = true}
          %dma_wait3A_104 = arith.constant 0 : i32
          %dma_wait3A_105 = tpu.memref_slice %arg11[%add3A_97, %dma_wait3A_104] : memref<40x128xi32, #tpu.memory_space<vmem>> -> memref<1x128xi32, #tpu.memory_space<vmem>>
          %dma_wait3A_106 = tpu.memref_squeeze %dma_wait3A_105 : memref<1x128xi32, #tpu.memory_space<vmem>> -> memref<128xi32, #tpu.memory_space<vmem>>
          %dma_wait3A_107 = arith.constant 0 : i32
          %dma_wait3A_108 = arith.constant 0 : i32
          %dma_wait3A_109 = tpu.memref_slice %arg9[%dma_wait3A_107, %dma_wait3A_108] : memref<10240x128xf32, #tpu.memory_space<vmem_shared>> -> memref<10240x128xf32, #tpu.memory_space<vmem_shared>>
          tpu.wait_indirect_dma semaphore(%run_scoped3A : memref<!tpu.dma_semaphore, #tpu.memory_space<semaphore_mem>>) src(%arg13 : memref<128x128xf32, #tpu.memory_space<vmem>>) dst(%dma_wait3A_109 : memref<10240x128xf32, #tpu.memory_space<vmem_shared>>)
          tpu.yield
        }) : () -> ()
      }
      %scan3A_55 = arith.constant 20 : i32
      "tpu.region"() ({
        %run_scoped3A = tpu.sem_alloc : memref<!tpu.dma_semaphore, #tpu.memory_space<semaphore_mem>>
        %dma_start3A_69 = arith.constant 120 : i32
        %dma_start3A_70 = arith.constant 0 : i32
        %dma_start3A_71 = tpu.memref_slice %arg2[%arg1, %dma_start3A_69, %dma_start3A_70] : memref<16x160x128xi32, #tpu.memory_space<hbm>> -> memref<1x40x128xi32, #tpu.memory_space<hbm>>
        %dma_start3A_72 = tpu.memref_squeeze %dma_start3A_71 : memref<1x40x128xi32, #tpu.memory_space<hbm>> -> memref<40x128xi32, #tpu.memory_space<hbm>>
        %dma_start3A_73 = arith.constant 120 : i32
        %dma_start3A_74 = arith.constant 0 : i32
        %dma_start3A_75 = tpu.memref_slice %arg2[%arg1, %dma_start3A_73, %dma_start3A_74] : memref<16x160x128xi32, #tpu.memory_space<hbm>> -> memref<1x40x128xi32, #tpu.memory_space<hbm>>
        %dma_start3A_76 = tpu.memref_squeeze %dma_start3A_75 : memref<1x40x128xi32, #tpu.memory_space<hbm>> -> memref<40x128xi32, #tpu.memory_space<hbm>>
        tpu.enqueue_dma source(%dma_start3A_76 : memref<40x128xi32, #tpu.memory_space<hbm>>) target(%arg10 : memref<40x128xi32, #tpu.memory_space<vmem>>) target_semaphore(%run_scoped3A : memref<!tpu.dma_semaphore, #tpu.memory_space<semaphore_mem>>)
        %dma_wait3A = arith.constant 120 : i32
        %dma_wait3A_77 = arith.constant 0 : i32
        %dma_wait3A_78 = tpu.memref_slice %arg2[%arg1, %dma_wait3A, %dma_wait3A_77] : memref<16x160x128xi32, #tpu.memory_space<hbm>> -> memref<1x40x128xi32, #tpu.memory_space<hbm>>
        %dma_wait3A_79 = tpu.memref_squeeze %dma_wait3A_78 : memref<1x40x128xi32, #tpu.memory_space<hbm>> -> memref<40x128xi32, #tpu.memory_space<hbm>>
        %dma_wait3A_80 = arith.constant 120 : i32
        %dma_wait3A_81 = arith.constant 0 : i32
        %dma_wait3A_82 = tpu.memref_slice %arg2[%arg1, %dma_wait3A_80, %dma_wait3A_81] : memref<16x160x128xi32, #tpu.memory_space<hbm>> -> memref<1x40x128xi32, #tpu.memory_space<hbm>>
        %dma_wait3A_83 = tpu.memref_squeeze %dma_wait3A_82 : memref<1x40x128xi32, #tpu.memory_space<hbm>> -> memref<40x128xi32, #tpu.memory_space<hbm>>
        tpu.wait_dma2 semaphore(%run_scoped3A : memref<!tpu.dma_semaphore, #tpu.memory_space<semaphore_mem>>) src(%dma_wait3A_83 : memref<40x128xi32, #tpu.memory_space<hbm>>) dst(%arg10 : memref<40x128xi32, #tpu.memory_space<vmem>>)
        tpu.yield
      }) : () -> ()
      "tpu.region"() ({
        %run_scoped3A = tpu.sem_alloc : memref<!tpu.dma_semaphore, #tpu.memory_space<semaphore_mem>>
        %dma_start3A_69 = arith.constant 120 : i32
        %dma_start3A_70 = arith.constant 0 : i32
        %dma_start3A_71 = tpu.memref_slice %arg3[%arg1, %dma_start3A_69, %dma_start3A_70] : memref<16x160x128xi32, #tpu.memory_space<hbm>> -> memref<1x40x128xi32, #tpu.memory_space<hbm>>
        %dma_start3A_72 = tpu.memref_squeeze %dma_start3A_71 : memref<1x40x128xi32, #tpu.memory_space<hbm>> -> memref<40x128xi32, #tpu.memory_space<hbm>>
        %dma_start3A_73 = arith.constant 120 : i32
        %dma_start3A_74 = arith.constant 0 : i32
        %dma_start3A_75 = tpu.memref_slice %arg3[%arg1, %dma_start3A_73, %dma_start3A_74] : memref<16x160x128xi32, #tpu.memory_space<hbm>> -> memref<1x40x128xi32, #tpu.memory_space<hbm>>
        %dma_start3A_76 = tpu.memref_squeeze %dma_start3A_75 : memref<1x40x128xi32, #tpu.memory_space<hbm>> -> memref<40x128xi32, #tpu.memory_space<hbm>>
        tpu.enqueue_dma source(%dma_start3A_76 : memref<40x128xi32, #tpu.memory_space<hbm>>) target(%arg11 : memref<40x128xi32, #tpu.memory_space<vmem>>) target_semaphore(%run_scoped3A : memref<!tpu.dma_semaphore, #tpu.memory_space<semaphore_mem>>)
        %dma_wait3A = arith.constant 120 : i32
        %dma_wait3A_77 = arith.constant 0 : i32
        %dma_wait3A_78 = tpu.memref_slice %arg3[%arg1, %dma_wait3A, %dma_wait3A_77] : memref<16x160x128xi32, #tpu.memory_space<hbm>> -> memref<1x40x128xi32, #tpu.memory_space<hbm>>
        %dma_wait3A_79 = tpu.memref_squeeze %dma_wait3A_78 : memref<1x40x128xi32, #tpu.memory_space<hbm>> -> memref<40x128xi32, #tpu.memory_space<hbm>>
        %dma_wait3A_80 = arith.constant 120 : i32
        %dma_wait3A_81 = arith.constant 0 : i32
        %dma_wait3A_82 = tpu.memref_slice %arg3[%arg1, %dma_wait3A_80, %dma_wait3A_81] : memref<16x160x128xi32, #tpu.memory_space<hbm>> -> memref<1x40x128xi32, #tpu.memory_space<hbm>>
        %dma_wait3A_83 = tpu.memref_squeeze %dma_wait3A_82 : memref<1x40x128xi32, #tpu.memory_space<hbm>> -> memref<40x128xi32, #tpu.memory_space<hbm>>
        tpu.wait_dma2 semaphore(%run_scoped3A : memref<!tpu.dma_semaphore, #tpu.memory_space<semaphore_mem>>) src(%dma_wait3A_83 : memref<40x128xi32, #tpu.memory_space<hbm>>) dst(%arg11 : memref<40x128xi32, #tpu.memory_space<vmem>>)
        tpu.yield
      }) : () -> ()
      %dma_start3A_56 = arith.constant 0 : i32
      %dma_start3A_57 = arith.constant 0 : i32
      %dma_start3A_58 = tpu.memref_slice %arg10[%dma_start3A_56, %dma_start3A_57] : memref<40x128xi32, #tpu.memory_space<vmem>> -> memref<1x128xi32, #tpu.memory_space<vmem>>
      %dma_start3A_59 = tpu.memref_squeeze %dma_start3A_58 : memref<1x128xi32, #tpu.memory_space<vmem>> -> memref<128xi32, #tpu.memory_space<vmem>>
      %dma_start3A_60 = arith.constant 0 : i32
      %dma_start3A_61 = arith.constant 0 : i32
      %dma_start3A_62 = tpu.memref_slice %arg5[%dma_start3A_60, %dma_start3A_61] : memref<10240x128xf32, #tpu.memory_space<hbm>> -> memref<10240x128xf32, #tpu.memory_space<hbm>>
      tpu.enqueue_indirect_dma source(%dma_start3A_62 : memref<10240x128xf32, #tpu.memory_space<hbm>>) target(%arg12 : memref<128x128xf32, #tpu.memory_space<vmem>>) offsets(%dma_start3A_59 : memref<128xi32, #tpu.memory_space<vmem>>) semaphore(%arg14 : memref<!tpu.dma_semaphore, #tpu.memory_space<semaphore_mem>>)
      %scan3A_63 = arith.constant 0 : i32
      %scan3A_64 = arith.constant 0 : i32
      %scan3A_65 = arith.constant 20 : i32
      %scan3A_66 = arith.addi %scan3A_64, %scan3A_65 : i32
      %scan3A_67 = arith.constant 1 : i32
      scf.for %scan3A_69 = %scan3A_64 to %scan3A_66 step %scan3A_67  : i32 {
        %mul3A_70 = arith.constant 2 : i32
        %mul3A_71 = arith.muli %mul3A_70, %scan3A_69 : i32
        %add3A = arith.constant 1 : i32
        %add3A_72 = arith.addi %mul3A_71, %add3A : i32
        %dma_start3A_73 = arith.constant 0 : i32
        %dma_start3A_74 = tpu.memref_slice %arg10[%add3A_72, %dma_start3A_73] : memref<40x128xi32, #tpu.memory_space<vmem>> -> memref<1x128xi32, #tpu.memory_space<vmem>>
        %dma_start3A_75 = tpu.memref_squeeze %dma_start3A_74 : memref<1x128xi32, #tpu.memory_space<vmem>> -> memref<128xi32, #tpu.memory_space<vmem>>
        %dma_start3A_76 = arith.constant 0 : i32
        %dma_start3A_77 = arith.constant 0 : i32
        %dma_start3A_78 = tpu.memref_slice %arg5[%dma_start3A_76, %dma_start3A_77] : memref<10240x128xf32, #tpu.memory_space<hbm>> -> memref<10240x128xf32, #tpu.memory_space<hbm>>
        tpu.enqueue_indirect_dma source(%dma_start3A_78 : memref<10240x128xf32, #tpu.memory_space<hbm>>) target(%arg13 : memref<128x128xf32, #tpu.memory_space<vmem>>) offsets(%dma_start3A_75 : memref<128xi32, #tpu.memory_space<vmem>>) semaphore(%arg15 : memref<!tpu.dma_semaphore, #tpu.memory_space<semaphore_mem>>)
        %dma_wait3A = arith.constant 0 : i32
        %dma_wait3A_79 = tpu.memref_slice %arg10[%mul3A_71, %dma_wait3A] : memref<40x128xi32, #tpu.memory_space<vmem>> -> memref<1x128xi32, #tpu.memory_space<vmem>>
        %dma_wait3A_80 = tpu.memref_squeeze %dma_wait3A_79 : memref<1x128xi32, #tpu.memory_space<vmem>> -> memref<128xi32, #tpu.memory_space<vmem>>
        %dma_wait3A_81 = arith.constant 0 : i32
        %dma_wait3A_82 = arith.constant 0 : i32
        %dma_wait3A_83 = tpu.memref_slice %arg5[%dma_wait3A_81, %dma_wait3A_82] : memref<10240x128xf32, #tpu.memory_space<hbm>> -> memref<10240x128xf32, #tpu.memory_space<hbm>>
        tpu.wait_indirect_dma semaphore(%arg14 : memref<!tpu.dma_semaphore, #tpu.memory_space<semaphore_mem>>) src(%dma_wait3A_83 : memref<10240x128xf32, #tpu.memory_space<hbm>>) dst(%arg12 : memref<128x128xf32, #tpu.memory_space<vmem>>)
        "tpu.region"() ({
          %run_scoped3A = tpu.sem_alloc : memref<!tpu.dma_semaphore, #tpu.memory_space<semaphore_mem>>
          %dma_start3A_98 = arith.constant 0 : i32
          %dma_start3A_99 = tpu.memref_slice %arg11[%mul3A_71, %dma_start3A_98] : memref<40x128xi32, #tpu.memory_space<vmem>> -> memref<1x128xi32, #tpu.memory_space<vmem>>
          %dma_start3A_100 = tpu.memref_squeeze %dma_start3A_99 : memref<1x128xi32, #tpu.memory_space<vmem>> -> memref<128xi32, #tpu.memory_space<vmem>>
          %dma_start3A_101 = arith.constant 0 : i32
          %dma_start3A_102 = arith.constant 0 : i32
          %dma_start3A_103 = tpu.memref_slice %arg9[%dma_start3A_101, %dma_start3A_102] : memref<10240x128xf32, #tpu.memory_space<vmem_shared>> -> memref<10240x128xf32, #tpu.memory_space<vmem_shared>>
          tpu.enqueue_indirect_dma source(%arg12 : memref<128x128xf32, #tpu.memory_space<vmem>>) target(%dma_start3A_103 : memref<10240x128xf32, #tpu.memory_space<vmem_shared>>) offsets(%dma_start3A_100 : memref<128xi32, #tpu.memory_space<vmem>>) semaphore(%run_scoped3A : memref<!tpu.dma_semaphore, #tpu.memory_space<semaphore_mem>>) {add = true}
          %dma_wait3A_104 = arith.constant 0 : i32
          %dma_wait3A_105 = tpu.memref_slice %arg11[%mul3A_71, %dma_wait3A_104] : memref<40x128xi32, #tpu.memory_space<vmem>> -> memref<1x128xi32, #tpu.memory_space<vmem>>
          %dma_wait3A_106 = tpu.memref_squeeze %dma_wait3A_105 : memref<1x128xi32, #tpu.memory_space<vmem>> -> memref<128xi32, #tpu.memory_space<vmem>>
          %dma_wait3A_107 = arith.constant 0 : i32
          %dma_wait3A_108 = arith.constant 0 : i32
          %dma_wait3A_109 = tpu.memref_slice %arg9[%dma_wait3A_107, %dma_wait3A_108] : memref<10240x128xf32, #tpu.memory_space<vmem_shared>> -> memref<10240x128xf32, #tpu.memory_space<vmem_shared>>
          tpu.wait_indirect_dma semaphore(%run_scoped3A : memref<!tpu.dma_semaphore, #tpu.memory_space<semaphore_mem>>) src(%arg12 : memref<128x128xf32, #tpu.memory_space<vmem>>) dst(%dma_wait3A_109 : memref<10240x128xf32, #tpu.memory_space<vmem_shared>>)
          tpu.yield
        }) : () -> ()
        %lt3A = arith.constant 19 : i32
        %lt3A_84 = arith.cmpi slt, %scan3A_69, %lt3A : i32
        %convert_element_type3A_85 = arith.extui %lt3A_84 : i1 to i32
        %cond3A_86 = arith.constant 0 : i32
        %cond3A_87 = arith.cmpi ne, %convert_element_type3A_85, %cond3A_86 : i32
        scf.if %cond3A_87 {
          %add3A_98 = arith.constant 2 : i32
          %add3A_99 = arith.addi %mul3A_71, %add3A_98 : i32
          %dma_start3A_100 = arith.constant 0 : i32
          %dma_start3A_101 = tpu.memref_slice %arg10[%add3A_99, %dma_start3A_100] : memref<40x128xi32, #tpu.memory_space<vmem>> -> memref<1x128xi32, #tpu.memory_space<vmem>>
          %dma_start3A_102 = tpu.memref_squeeze %dma_start3A_101 : memref<1x128xi32, #tpu.memory_space<vmem>> -> memref<128xi32, #tpu.memory_space<vmem>>
          %dma_start3A_103 = arith.constant 0 : i32
          %dma_start3A_104 = arith.constant 0 : i32
          %dma_start3A_105 = tpu.memref_slice %arg5[%dma_start3A_103, %dma_start3A_104] : memref<10240x128xf32, #tpu.memory_space<hbm>> -> memref<10240x128xf32, #tpu.memory_space<hbm>>
          tpu.enqueue_indirect_dma source(%dma_start3A_105 : memref<10240x128xf32, #tpu.memory_space<hbm>>) target(%arg12 : memref<128x128xf32, #tpu.memory_space<vmem>>) offsets(%dma_start3A_102 : memref<128xi32, #tpu.memory_space<vmem>>) semaphore(%arg14 : memref<!tpu.dma_semaphore, #tpu.memory_space<semaphore_mem>>)
        } else {
        }
        %add3A_88 = arith.constant 1 : i32
        %add3A_89 = arith.addi %mul3A_71, %add3A_88 : i32
        %dma_wait3A_90 = arith.constant 0 : i32
        %dma_wait3A_91 = tpu.memref_slice %arg10[%add3A_89, %dma_wait3A_90] : memref<40x128xi32, #tpu.memory_space<vmem>> -> memref<1x128xi32, #tpu.memory_space<vmem>>
        %dma_wait3A_92 = tpu.memref_squeeze %dma_wait3A_91 : memref<1x128xi32, #tpu.memory_space<vmem>> -> memref<128xi32, #tpu.memory_space<vmem>>
        %dma_wait3A_93 = arith.constant 0 : i32
        %dma_wait3A_94 = arith.constant 0 : i32
        %dma_wait3A_95 = tpu.memref_slice %arg5[%dma_wait3A_93, %dma_wait3A_94] : memref<10240x128xf32, #tpu.memory_space<hbm>> -> memref<10240x128xf32, #tpu.memory_space<hbm>>
        tpu.wait_indirect_dma semaphore(%arg15 : memref<!tpu.dma_semaphore, #tpu.memory_space<semaphore_mem>>) src(%dma_wait3A_95 : memref<10240x128xf32, #tpu.memory_space<hbm>>) dst(%arg13 : memref<128x128xf32, #tpu.memory_space<vmem>>)
        %add3A_96 = arith.constant 1 : i32
        %add3A_97 = arith.addi %mul3A_71, %add3A_96 : i32
        "tpu.region"() ({
          %run_scoped3A = tpu.sem_alloc : memref<!tpu.dma_semaphore, #tpu.memory_space<semaphore_mem>>
          %dma_start3A_98 = arith.constant 0 : i32
          %dma_start3A_99 = tpu.memref_slice %arg11[%add3A_97, %dma_start3A_98] : memref<40x128xi32, #tpu.memory_space<vmem>> -> memref<1x128xi32, #tpu.memory_space<vmem>>
          %dma_start3A_100 = tpu.memref_squeeze %dma_start3A_99 : memref<1x128xi32, #tpu.memory_space<vmem>> -> memref<128xi32, #tpu.memory_space<vmem>>
          %dma_start3A_101 = arith.constant 0 : i32
          %dma_start3A_102 = arith.constant 0 : i32
          %dma_start3A_103 = tpu.memref_slice %arg9[%dma_start3A_101, %dma_start3A_102] : memref<10240x128xf32, #tpu.memory_space<vmem_shared>> -> memref<10240x128xf32, #tpu.memory_space<vmem_shared>>
          tpu.enqueue_indirect_dma source(%arg13 : memref<128x128xf32, #tpu.memory_space<vmem>>) target(%dma_start3A_103 : memref<10240x128xf32, #tpu.memory_space<vmem_shared>>) offsets(%dma_start3A_100 : memref<128xi32, #tpu.memory_space<vmem>>) semaphore(%run_scoped3A : memref<!tpu.dma_semaphore, #tpu.memory_space<semaphore_mem>>) {add = true}
          %dma_wait3A_104 = arith.constant 0 : i32
          %dma_wait3A_105 = tpu.memref_slice %arg11[%add3A_97, %dma_wait3A_104] : memref<40x128xi32, #tpu.memory_space<vmem>> -> memref<1x128xi32, #tpu.memory_space<vmem>>
          %dma_wait3A_106 = tpu.memref_squeeze %dma_wait3A_105 : memref<1x128xi32, #tpu.memory_space<vmem>> -> memref<128xi32, #tpu.memory_space<vmem>>
          %dma_wait3A_107 = arith.constant 0 : i32
          %dma_wait3A_108 = arith.constant 0 : i32
          %dma_wait3A_109 = tpu.memref_slice %arg9[%dma_wait3A_107, %dma_wait3A_108] : memref<10240x128xf32, #tpu.memory_space<vmem_shared>> -> memref<10240x128xf32, #tpu.memory_space<vmem_shared>>
          tpu.wait_indirect_dma semaphore(%run_scoped3A : memref<!tpu.dma_semaphore, #tpu.memory_space<semaphore_mem>>) src(%arg13 : memref<128x128xf32, #tpu.memory_space<vmem>>) dst(%dma_wait3A_109 : memref<10240x128xf32, #tpu.memory_space<vmem_shared>>)
          tpu.yield
        }) : () -> ()
      }
      %scan3A_68 = arith.constant 20 : i32
    } else {
    }
    %barrier3A_8 = arith.constant 0 : index
    tpu.barrier barrier_id(%barrier3A_8)
    %eq3A_9 = arith.constant 0 : i32
    %eq3A_10 = arith.cmpi eq, %arg0, %eq3A_9 : i32
    %convert_element_type3A_11 = arith.extui %eq3A_10 : i1 to i32
    %cond3A_12 = arith.constant 0 : i32
    %cond3A_13 = arith.cmpi ne, %convert_element_type3A_11, %cond3A_12 : i32
    scf.if %cond3A_13 {
      "tpu.region"() ({
        %run_scoped3A = tpu.sem_alloc : memref<!tpu.dma_semaphore, #tpu.memory_space<semaphore_mem>>
        %dma_start3A = arith.constant 0 : i32
        %dma_start3A_19 = tpu.memref_slice %arg7[%mul3A_0, %dma_start3A] : memref<10240x128xf32, #tpu.memory_space<hbm>> -> memref<640x128xf32, #tpu.memory_space<hbm>>
        %dma_start3A_20 = arith.constant 0 : i32
        %dma_start3A_21 = tpu.memref_slice %arg9[%mul3A_0, %dma_start3A_20] : memref<10240x128xf32, #tpu.memory_space<vmem_shared>> -> memref<640x128xf32, #tpu.memory_space<vmem_shared>>
        tpu.enqueue_dma source(%dma_start3A_21 : memref<640x128xf32, #tpu.memory_space<vmem_shared>>) target(%dma_start3A_19 : memref<640x128xf32, #tpu.memory_space<hbm>>) target_semaphore(%run_scoped3A : memref<!tpu.dma_semaphore, #tpu.memory_space<semaphore_mem>>)
        %dma_wait3A = arith.constant 0 : i32
        %dma_wait3A_22 = tpu.memref_slice %arg7[%mul3A_0, %dma_wait3A] : memref<10240x128xf32, #tpu.memory_space<hbm>> -> memref<640x128xf32, #tpu.memory_space<hbm>>
        %dma_wait3A_23 = arith.constant 0 : i32
        %dma_wait3A_24 = tpu.memref_slice %arg9[%mul3A_0, %dma_wait3A_23] : memref<10240x128xf32, #tpu.memory_space<vmem_shared>> -> memref<640x128xf32, #tpu.memory_space<vmem_shared>>
        tpu.wait_dma2 semaphore(%run_scoped3A : memref<!tpu.dma_semaphore, #tpu.memory_space<semaphore_mem>>) src(%dma_wait3A_24 : memref<640x128xf32, #tpu.memory_space<vmem_shared>>) dst(%dma_wait3A_22 : memref<640x128xf32, #tpu.memory_space<hbm>>)
        tpu.yield
      }) : () -> ()
    } else {
    }
    %eq3A_14 = arith.constant 1 : i32
    %eq3A_15 = arith.cmpi eq, %arg0, %eq3A_14 : i32
    %convert_element_type3A_16 = arith.extui %eq3A_15 : i1 to i32
    %cond3A_17 = arith.constant 0 : i32
    %cond3A_18 = arith.cmpi ne, %convert_element_type3A_16, %cond3A_17 : i32
    scf.if %cond3A_18 {
      "tpu.region"() ({
        %run_scoped3A = tpu.sem_alloc : memref<!tpu.dma_semaphore, #tpu.memory_space<semaphore_mem>>
        %dma_start3A = arith.constant 0 : i32
        %dma_start3A_19 = tpu.memref_slice %arg8[%mul3A_0, %dma_start3A] : memref<10240x128xf32, #tpu.memory_space<hbm>> -> memref<640x128xf32, #tpu.memory_space<hbm>>
        %dma_start3A_20 = arith.constant 0 : i32
        %dma_start3A_21 = tpu.memref_slice %arg9[%mul3A_0, %dma_start3A_20] : memref<10240x128xf32, #tpu.memory_space<vmem_shared>> -> memref<640x128xf32, #tpu.memory_space<vmem_shared>>
        tpu.enqueue_dma source(%dma_start3A_21 : memref<640x128xf32, #tpu.memory_space<vmem_shared>>) target(%dma_start3A_19 : memref<640x128xf32, #tpu.memory_space<hbm>>) target_semaphore(%run_scoped3A : memref<!tpu.dma_semaphore, #tpu.memory_space<semaphore_mem>>)
        %dma_wait3A = arith.constant 0 : i32
        %dma_wait3A_22 = tpu.memref_slice %arg8[%mul3A_0, %dma_wait3A] : memref<10240x128xf32, #tpu.memory_space<hbm>> -> memref<640x128xf32, #tpu.memory_space<hbm>>
        %dma_wait3A_23 = arith.constant 0 : i32
        %dma_wait3A_24 = tpu.memref_slice %arg9[%mul3A_0, %dma_wait3A_23] : memref<10240x128xf32, #tpu.memory_space<vmem_shared>> -> memref<640x128xf32, #tpu.memory_space<vmem_shared>>
        tpu.wait_dma2 semaphore(%run_scoped3A : memref<!tpu.dma_semaphore, #tpu.memory_space<semaphore_mem>>) src(%dma_wait3A_24 : memref<640x128xf32, #tpu.memory_space<vmem_shared>>) dst(%dma_wait3A_22 : memref<640x128xf32, #tpu.memory_space<hbm>>)
        tpu.yield
      }) : () -> ()
    } else {
    }
    return
  }
}

module attributes {stable_mosaic.version = 14 : i64} {
  func.func @_mm1_body(%arg0: i32, %arg1: memref<2048x128xf32, #tpu.memory_space<vmem>>, %arg2: memref<128x256xf32, #tpu.memory_space<vmem>>, %arg3: memref<2048x128xf32, #tpu.memory_space<vmem>>, %arg4: memref<2048x128xf32, #tpu.memory_space<vmem>>, %arg5: memref<2048x128xf32, #tpu.memory_space<vmem>>, %arg6: memref<2048x128xf32, #tpu.memory_space<vmem>>, %arg7: memref<2048x8xf32, #tpu.memory_space<vmem>>) attributes {dimension_semantics = [#tpu.dimension_semantics<arbitrary>], iteration_bounds = array<i64: 5>, scalar_prefetch = 0 : i64, scratch_operands = 0 : i64, tpu.core_type = #tpu.core_type<tc>, window_params = [{transform_indices = @transform_0, window_bounds = array<i64: 2048, 128>}, {pipeline_mode = #tpu.pipeline_mode<synchronous>, transform_indices = @transform_1, window_bounds = array<i64: 128, 256>}, {transform_indices = @transform_2, window_bounds = array<i64: 2048, 128>}, {transform_indices = @transform_3, window_bounds = array<i64: 2048, 128>}, {transform_indices = @transform_4, window_bounds = array<i64: 2048, 128>}, {transform_indices = @transform_5, window_bounds = array<i64: 2048, 128>}, {transform_indices = @transform_6, window_bounds = array<i64: 2048, 8>}]} {
    %get3A = arith.constant 0 : index
    %get3A_0 = arith.constant 0 : index
    %get3A_1 = vector.load %arg3[%get3A, %get3A_0] : memref<2048x128xf32, #tpu.memory_space<vmem>>, vector<2048x128xf32>
    %slice3A = vector.extract_strided_slice %get3A_1 {offsets = [0, 0], sizes = [2048, 1], strides = [1, 1]} : vector<2048x128xf32> to vector<2048x1xf32>
    %squeeze3A = vector.shape_cast %slice3A : vector<2048x1xf32> to vector<2048xf32>
    %get3A_2 = arith.constant 0 : index
    %get3A_3 = arith.constant 0 : index
    %get3A_4 = vector.load %arg4[%get3A_2, %get3A_3] : memref<2048x128xf32, #tpu.memory_space<vmem>>, vector<2048x128xf32>
    %slice3A_5 = vector.extract_strided_slice %get3A_4 {offsets = [0, 0], sizes = [2048, 1], strides = [1, 1]} : vector<2048x128xf32> to vector<2048x1xf32>
    %squeeze3A_6 = vector.shape_cast %slice3A_5 : vector<2048x1xf32> to vector<2048xf32>
    %add3A = arith.addf %squeeze3A, %squeeze3A_6 : vector<2048xf32>
    %max3A = arith.constant 1.000000e+00 : f32
    %max3A_7 = vector.broadcast %max3A : f32 to vector<2048xf32>
    %max3A_8 = arith.maximumf %add3A, %max3A_7 : vector<2048xf32>
    %rsqrt3A = math.rsqrt %max3A_8 : vector<2048xf32>
    %broadcast_in_dim3A = vector.shape_cast %rsqrt3A : vector<2048xf32> to vector<2048x1xf32>
    %broadcast_in_dim3A_9 = vector.shape_cast %broadcast_in_dim3A : vector<2048x1xf32> to vector<2048x1xf32>
    %broadcast_in_dim3A_10 = vector.broadcast %broadcast_in_dim3A_9 : vector<2048x1xf32> to vector<2048x8xf32>
    %swap3A = arith.constant 0 : index
    %swap3A_11 = arith.constant 0 : index
    %swap3A_12 = vector.load %arg7[%swap3A, %swap3A_11] : memref<2048x8xf32, #tpu.memory_space<vmem>>, vector<2048x8xf32>
    tpu.vector_store %arg7[%swap3A, %swap3A_11], %broadcast_in_dim3A_10 {strides = array<i32>} : memref<2048x8xf32, #tpu.memory_space<vmem>>, vector<2048x8xf32>,
    %get3A_13 = arith.constant 0 : index
    %get3A_14 = arith.constant 0 : index
    %get3A_15 = vector.load %arg1[%get3A_13, %get3A_14] : memref<2048x128xf32, #tpu.memory_space<vmem>>, vector<2048x128xf32>
    %broadcast_in_dim3A_16 = vector.shape_cast %rsqrt3A : vector<2048xf32> to vector<2048x1xf32>
    %mul3A = vector.broadcast %broadcast_in_dim3A_16 : vector<2048x1xf32> to vector<2048x128xf32>
    %mul3A_17 = arith.mulf %get3A_15, %mul3A : vector<2048x128xf32>
    %get3A_18 = arith.constant 0 : index
    %get3A_19 = arith.constant 0 : index
    %get3A_20 = vector.load %arg2[%get3A_18, %get3A_19] : memref<128x256xf32, #tpu.memory_space<vmem>>, vector<128x256xf32>
    %dot_general3A = arith.constant dense<0.000000e+00> : vector<2048x256xf32>
    %dot_general3A_21 = tpu.matmul %mul3A_17, %get3A_20, %dot_general3A {dimension_numbers = #tpu.dot_dimension_numbers<[1], [0], [0], [1], [0, 0, 1, 1], [], []>, precision = #tpu.contract_precision<fp32>, transpose_lhs_hint = false} : vector<2048x128xf32>, vector<128x256xf32>, vector<2048x256xf32> -> vector<2048x256xf32>
    %slice3A_22 = vector.extract_strided_slice %dot_general3A_21 {offsets = [0, 0], sizes = [2048, 128], strides = [1, 1]} : vector<2048x256xf32> to vector<2048x128xf32>
    %swap3A_23 = arith.constant 0 : index
    %swap3A_24 = arith.constant 0 : index
    %swap3A_25 = vector.load %arg5[%swap3A_23, %swap3A_24] : memref<2048x128xf32, #tpu.memory_space<vmem>>, vector<2048x128xf32>
    tpu.vector_store %arg5[%swap3A_23, %swap3A_24], %slice3A_22 {strides = array<i32>} : memref<2048x128xf32, #tpu.memory_space<vmem>>, vector<2048x128xf32>,
    %slice3A_26 = vector.extract_strided_slice %dot_general3A_21 {offsets = [0, 128], sizes = [2048, 128], strides = [1, 1]} : vector<2048x256xf32> to vector<2048x128xf32>
    %swap3A_27 = arith.constant 0 : index
    %swap3A_28 = arith.constant 0 : index
    %swap3A_29 = vector.load %arg6[%swap3A_27, %swap3A_28] : memref<2048x128xf32, #tpu.memory_space<vmem>>, vector<2048x128xf32>
    tpu.vector_store %arg6[%swap3A_27, %swap3A_28], %slice3A_26 {strides = array<i32>} : memref<2048x128xf32, #tpu.memory_space<vmem>>, vector<2048x128xf32>,
    return
  }
  func.func @transform_0(%arg0: i32) -> (i32, i32) {
    %c0_i32 = arith.constant 0 : i32
    %c0_i32_0 = arith.constant 0 : i32
    return %arg0, %c0_i32 : i32, i32
  }
  func.func @transform_1(%arg0: i32) -> (i32, i32) {
    %c0_i32 = arith.constant 0 : i32
    %c0_i32_0 = arith.constant 0 : i32
    %c0_i32_1 = arith.constant 0 : i32
    return %c0_i32, %c0_i32_0 : i32, i32
  }
  func.func @transform_2(%arg0: i32) -> (i32, i32) {
    %c0_i32 = arith.constant 0 : i32
    %c0_i32_0 = arith.constant 0 : i32
    return %arg0, %c0_i32 : i32, i32
  }
  func.func @transform_3(%arg0: i32) -> (i32, i32) {
    %add3A = arith.constant 5 : i32
    %add3A_0 = arith.addi %arg0, %add3A : i32
    %c0_i32 = arith.constant 0 : i32
    %c0_i32_1 = arith.constant 0 : i32
    return %add3A_0, %c0_i32 : i32, i32
  }
  func.func @transform_4(%arg0: i32) -> (i32, i32) {
    %c0_i32 = arith.constant 0 : i32
    %c0_i32_0 = arith.constant 0 : i32
    return %arg0, %c0_i32 : i32, i32
  }
  func.func @transform_5(%arg0: i32) -> (i32, i32) {
    %c0_i32 = arith.constant 0 : i32
    %c0_i32_0 = arith.constant 0 : i32
    return %arg0, %c0_i32 : i32, i32
  }
  func.func @transform_6(%arg0: i32) -> (i32, i32) {
    %c0_i32 = arith.constant 0 : i32
    %c0_i32_0 = arith.constant 0 : i32
    return %arg0, %c0_i32 : i32, i32
  }
}

module attributes {stable_mosaic.version = 14 : i64} {
  func.func @_mm2_body(%arg0: i32, %arg1: memref<2048x128xf32, #tpu.memory_space<vmem>>, %arg2: memref<2048x128xf32, #tpu.memory_space<vmem>>, %arg3: memref<2048x8xf32, #tpu.memory_space<vmem>>, %arg4: memref<1x256xf32, #tpu.memory_space<vmem>>, %arg5: memref<256x64xf32, #tpu.memory_space<vmem>>, %arg6: memref<4096x128xf32, #tpu.memory_space<vmem>>) attributes {dimension_semantics = [#tpu.dimension_semantics<arbitrary>], iteration_bounds = array<i64: 5>, scalar_prefetch = 0 : i64, scratch_operands = 0 : i64, tpu.core_type = #tpu.core_type<tc>, window_params = [{transform_indices = @transform_0, window_bounds = array<i64: 2048, 128>}, {transform_indices = @transform_1, window_bounds = array<i64: 2048, 128>}, {transform_indices = @transform_2, window_bounds = array<i64: 2048, 8>}, {pipeline_mode = #tpu.pipeline_mode<synchronous>, transform_indices = @transform_3, window_bounds = array<i64: 1, 256>}, {pipeline_mode = #tpu.pipeline_mode<synchronous>, transform_indices = @transform_4, window_bounds = array<i64: 256, 64>}, {transform_indices = @transform_5, window_bounds = array<i64: 4096, 128>}]} {
    %get3A = arith.constant 0 : index
    %get3A_0 = arith.constant 0 : index
    %get3A_1 = vector.load %arg3[%get3A, %get3A_0] : memref<2048x8xf32, #tpu.memory_space<vmem>>, vector<2048x8xf32>
    %slice3A = vector.extract_strided_slice %get3A_1 {offsets = [0, 0], sizes = [2048, 1], strides = [1, 1]} : vector<2048x8xf32> to vector<2048x1xf32>
    %get3A_2 = arith.constant 0 : index
    %get3A_3 = arith.constant 0 : index
    %get3A_4 = vector.load %arg4[%get3A_2, %get3A_3] : memref<1x256xf32, #tpu.memory_space<vmem>>, vector<1x256xf32>
    %get3A_5 = arith.constant 0 : index
    %get3A_6 = arith.constant 0 : index
    %get3A_7 = vector.load %arg1[%get3A_5, %get3A_6] : memref<2048x128xf32, #tpu.memory_space<vmem>>, vector<2048x128xf32>
    %mul3A = vector.broadcast %slice3A : vector<2048x1xf32> to vector<2048x128xf32>
    %mul3A_8 = arith.mulf %get3A_7, %mul3A : vector<2048x128xf32>
    %slice3A_9 = vector.extract_strided_slice %get3A_4 {offsets = [0, 0], sizes = [1, 128], strides = [1, 1]} : vector<1x256xf32> to vector<1x128xf32>
    %add3A = vector.broadcast %slice3A_9 : vector<1x128xf32> to vector<2048x128xf32>
    %add3A_10 = arith.addf %mul3A_8, %add3A : vector<2048x128xf32>
    %max3A = arith.constant 0.000000e+00 : f32
    %max3A_11 = vector.broadcast %max3A : f32 to vector<2048x128xf32>
    %max3A_12 = arith.maximumf %add3A_10, %max3A_11 : vector<2048x128xf32>
    %mul3A_13 = vector.broadcast %slice3A : vector<2048x1xf32> to vector<2048x128xf32>
    %mul3A_14 = arith.mulf %max3A_12, %mul3A_13 : vector<2048x128xf32>
    %get3A_15 = arith.constant 0 : index
    %get3A_16 = arith.constant 0 : index
    %get3A_17 = vector.load %arg2[%get3A_15, %get3A_16] : memref<2048x128xf32, #tpu.memory_space<vmem>>, vector<2048x128xf32>
    %mul3A_18 = vector.broadcast %slice3A : vector<2048x1xf32> to vector<2048x128xf32>
    %mul3A_19 = arith.mulf %get3A_17, %mul3A_18 : vector<2048x128xf32>
    %slice3A_20 = vector.extract_strided_slice %get3A_4 {offsets = [0, 128], sizes = [1, 128], strides = [1, 1]} : vector<1x256xf32> to vector<1x128xf32>
    %add3A_21 = vector.broadcast %slice3A_20 : vector<1x128xf32> to vector<2048x128xf32>
    %add3A_22 = arith.addf %mul3A_19, %add3A_21 : vector<2048x128xf32>
    %max3A_23 = arith.constant 0.000000e+00 : f32
    %max3A_24 = vector.broadcast %max3A_23 : f32 to vector<2048x128xf32>
    %max3A_25 = arith.maximumf %add3A_22, %max3A_24 : vector<2048x128xf32>
    %mul3A_26 = vector.broadcast %slice3A : vector<2048x1xf32> to vector<2048x128xf32>
    %mul3A_27 = arith.mulf %max3A_25, %mul3A_26 : vector<2048x128xf32>
    %get3A_28 = arith.constant 0 : index
    %get3A_29 = arith.constant 0 : index
    %get3A_30 = vector.load %arg5[%get3A_28, %get3A_29] : memref<256x64xf32, #tpu.memory_space<vmem>>, vector<256x64xf32>
    %slice3A_31 = vector.extract_strided_slice %get3A_30 {offsets = [0, 0], sizes = [128, 64], strides = [1, 1]} : vector<256x64xf32> to vector<128x64xf32>
    %dot_general3A = arith.constant dense<0.000000e+00> : vector<2048x64xf32>
    %dot_general3A_32 = tpu.matmul %mul3A_14, %slice3A_31, %dot_general3A {dimension_numbers = #tpu.dot_dimension_numbers<[1], [0], [0], [1], [0, 0, 1, 1], [], []>, precision = #tpu.contract_precision<fp32>, transpose_lhs_hint = false} : vector<2048x128xf32>, vector<128x64xf32>, vector<2048x64xf32> -> vector<2048x64xf32>
    %slice3A_33 = vector.extract_strided_slice %get3A_30 {offsets = [128, 0], sizes = [128, 64], strides = [1, 1]} : vector<256x64xf32> to vector<128x64xf32>
    %dot_general3A_34 = arith.constant dense<0.000000e+00> : vector<2048x64xf32>
    %dot_general3A_35 = tpu.matmul %mul3A_27, %slice3A_33, %dot_general3A_34 {dimension_numbers = #tpu.dot_dimension_numbers<[1], [0], [0], [1], [0, 0, 1, 1], [], []>, precision = #tpu.contract_precision<fp32>, transpose_lhs_hint = false} : vector<2048x128xf32>, vector<128x64xf32>, vector<2048x64xf32> -> vector<2048x64xf32>
    %add3A_36 = arith.addf %dot_general3A_32, %dot_general3A_35 : vector<2048x64xf32>
    %broadcast_in_dim3A = arith.constant 0.000000e+00 : f32
    %broadcast_in_dim3A_37 = vector.broadcast %broadcast_in_dim3A : f32 to vector<2048x64xf32>
    %concatenate3A = tpu.concatenate %add3A_36, %broadcast_in_dim3A_37 in 1 : vector<2048x64xf32>, vector<2048x64xf32> -> vector<2048x128xf32>
    %concatenate3A_38 = tpu.concatenate %broadcast_in_dim3A_37, %add3A_36 in 1 : vector<2048x64xf32>, vector<2048x64xf32> -> vector<2048x128xf32>
    %stack3A = vector.shape_cast %concatenate3A : vector<2048x128xf32> to vector<2048x1x128xf32>
    %stack3A_39 = vector.shape_cast %concatenate3A_38 : vector<2048x128xf32> to vector<2048x1x128xf32>
    %stack3A_40 = tpu.concatenate %stack3A, %stack3A_39 in 1 : vector<2048x1x128xf32>, vector<2048x1x128xf32> -> vector<2048x2x128xf32>
    %reshape3A = vector.shape_cast %stack3A_40 : vector<2048x2x128xf32> to vector<4096x128xf32>
    %swap3A = arith.constant 0 : index
    %swap3A_41 = arith.constant 0 : index
    %swap3A_42 = vector.load %arg6[%swap3A, %swap3A_41] : memref<4096x128xf32, #tpu.memory_space<vmem>>, vector<4096x128xf32>
    tpu.vector_store %arg6[%swap3A, %swap3A_41], %reshape3A {strides = array<i32>} : memref<4096x128xf32, #tpu.memory_space<vmem>>, vector<4096x128xf32>,
    return
  }
  func.func @transform_0(%arg0: i32) -> (i32, i32) {
    %c0_i32 = arith.constant 0 : i32
    %c0_i32_0 = arith.constant 0 : i32
    return %arg0, %c0_i32 : i32, i32
  }
  func.func @transform_1(%arg0: i32) -> (i32, i32) {
    %c0_i32 = arith.constant 0 : i32
    %c0_i32_0 = arith.constant 0 : i32
    return %arg0, %c0_i32 : i32, i32
  }
  func.func @transform_2(%arg0: i32) -> (i32, i32) {
    %c0_i32 = arith.constant 0 : i32
    %c0_i32_0 = arith.constant 0 : i32
    return %arg0, %c0_i32 : i32, i32
  }
  func.func @transform_3(%arg0: i32) -> (i32, i32) {
    %c0_i32 = arith.constant 0 : i32
    %c0_i32_0 = arith.constant 0 : i32
    %c0_i32_1 = arith.constant 0 : i32
    return %c0_i32, %c0_i32_0 : i32, i32
  }
  func.func @transform_4(%arg0: i32) -> (i32, i32) {
    %c0_i32 = arith.constant 0 : i32
    %c0_i32_0 = arith.constant 0 : i32
    %c0_i32_1 = arith.constant 0 : i32
    return %c0_i32, %c0_i32_0 : i32, i32
  }
  func.func @transform_5(%arg0: i32) -> (i32, i32) {
    %c0_i32 = arith.constant 0 : i32
    %c0_i32_0 = arith.constant 0 : i32
    return %arg0, %c0_i32 : i32, i32
  }
}

module attributes {stable_mosaic.version = 14 : i64} {
  func.func @_out_body(%arg0: i32, %arg1: memref<1024x128xf32, #tpu.memory_space<vmem>>, %arg2: memref<1024x128xf32, #tpu.memory_space<vmem>>, %arg3: memref<1024x128xf32, #tpu.memory_space<vmem>>, %arg4: memref<1x128xf32, #tpu.memory_space<vmem>>, %arg5: memref<1024x128xf32, #tpu.memory_space<vmem>>) attributes {dimension_semantics = [#tpu.dimension_semantics<arbitrary>], iteration_bounds = array<i64: 5>, scalar_prefetch = 0 : i64, scratch_operands = 0 : i64, tpu.core_type = #tpu.core_type<tc>, window_params = [{transform_indices = @transform_0, window_bounds = array<i64: 1024, 128>}, {transform_indices = @transform_1, window_bounds = array<i64: 1024, 128>}, {transform_indices = @transform_2, window_bounds = array<i64: 1024, 128>}, {pipeline_mode = #tpu.pipeline_mode<synchronous>, transform_indices = @transform_3, window_bounds = array<i64: 1, 128>}, {transform_indices = @transform_4, window_bounds = array<i64: 1024, 128>}]} {
    %get3A = arith.constant 0 : index
    %get3A_0 = arith.constant 0 : index
    %get3A_1 = vector.load %arg1[%get3A, %get3A_0] : memref<1024x128xf32, #tpu.memory_space<vmem>>, vector<1024x128xf32>
    %get3A_2 = arith.constant 0 : index
    %get3A_3 = arith.constant 0 : index
    %get3A_4 = vector.load %arg2[%get3A_2, %get3A_3] : memref<1024x128xf32, #tpu.memory_space<vmem>>, vector<1024x128xf32>
    %add3A = arith.addf %get3A_1, %get3A_4 : vector<1024x128xf32>
    %get3A_5 = arith.constant 0 : index
    %get3A_6 = arith.constant 0 : index
    %get3A_7 = vector.load %arg3[%get3A_5, %get3A_6] : memref<1024x128xf32, #tpu.memory_space<vmem>>, vector<1024x128xf32>
    %mul3A = arith.mulf %add3A, %get3A_7 : vector<1024x128xf32>
    %get3A_8 = arith.constant 0 : index
    %get3A_9 = arith.constant 0 : index
    %get3A_10 = vector.load %arg4[%get3A_8, %get3A_9] : memref<1x128xf32, #tpu.memory_space<vmem>>, vector<1x128xf32>
    %add3A_11 = vector.broadcast %get3A_10 : vector<1x128xf32> to vector<1024x128xf32>
    %add3A_12 = arith.addf %mul3A, %add3A_11 : vector<1024x128xf32>
    %slice3A = vector.extract_strided_slice %add3A_12 {offsets = [0, 0], sizes = [1024, 64], strides = [1, 1]} : vector<1024x128xf32> to vector<1024x64xf32>
    %reduce_max3A = arith.constant dense<0xFF800000> : vector<1024xf32>
    %reduce_max3A_13 = vector.multi_reduction <maximumf>, %slice3A, %reduce_max3A [1] : vector<1024x64xf32> to vector<1024xf32>
    %broadcast_in_dim3A = vector.shape_cast %reduce_max3A_13 : vector<1024xf32> to vector<1024x1xf32>
    %sub3A = vector.broadcast %broadcast_in_dim3A : vector<1024x1xf32> to vector<1024x64xf32>
    %sub3A_14 = arith.subf %slice3A, %sub3A : vector<1024x64xf32>
    %exp3A = math.exp %sub3A_14 : vector<1024x64xf32>
    %reduce_sum3A = arith.constant dense<0.000000e+00> : vector<1024xf32>
    %reduce_sum3A_15 = vector.multi_reduction <add>, %exp3A, %reduce_sum3A [1] : vector<1024x64xf32> to vector<1024xf32>
    %broadcast_in_dim3A_16 = vector.shape_cast %reduce_sum3A_15 : vector<1024xf32> to vector<1024x1xf32>
    %log3A = math.log %broadcast_in_dim3A_16 : vector<1024x1xf32>
    %sub3A_17 = vector.broadcast %log3A : vector<1024x1xf32> to vector<1024x64xf32>
    %sub3A_18 = arith.subf %sub3A_14, %sub3A_17 : vector<1024x64xf32>
    %slice3A_19 = vector.extract_strided_slice %add3A_12 {offsets = [0, 64], sizes = [1024, 64], strides = [1, 1]} : vector<1024x128xf32> to vector<1024x64xf32>
    %reduce_max3A_20 = arith.constant dense<0xFF800000> : vector<1024xf32>
    %reduce_max3A_21 = vector.multi_reduction <maximumf>, %slice3A_19, %reduce_max3A_20 [1] : vector<1024x64xf32> to vector<1024xf32>
    %broadcast_in_dim3A_22 = vector.shape_cast %reduce_max3A_21 : vector<1024xf32> to vector<1024x1xf32>
    %sub3A_23 = vector.broadcast %broadcast_in_dim3A_22 : vector<1024x1xf32> to vector<1024x64xf32>
    %sub3A_24 = arith.subf %slice3A_19, %sub3A_23 : vector<1024x64xf32>
    %exp3A_25 = math.exp %sub3A_24 : vector<1024x64xf32>
    %reduce_sum3A_26 = arith.constant dense<0.000000e+00> : vector<1024xf32>
    %reduce_sum3A_27 = vector.multi_reduction <add>, %exp3A_25, %reduce_sum3A_26 [1] : vector<1024x64xf32> to vector<1024xf32>
    %broadcast_in_dim3A_28 = vector.shape_cast %reduce_sum3A_27 : vector<1024xf32> to vector<1024x1xf32>
    %log3A_29 = math.log %broadcast_in_dim3A_28 : vector<1024x1xf32>
    %sub3A_30 = vector.broadcast %log3A_29 : vector<1024x1xf32> to vector<1024x64xf32>
    %sub3A_31 = arith.subf %sub3A_24, %sub3A_30 : vector<1024x64xf32>
    %concatenate3A = tpu.concatenate %sub3A_18, %sub3A_31 in 1 : vector<1024x64xf32>, vector<1024x64xf32> -> vector<1024x128xf32>
    %swap3A = arith.constant 0 : index
    %swap3A_32 = arith.constant 0 : index
    %swap3A_33 = vector.load %arg5[%swap3A, %swap3A_32] : memref<1024x128xf32, #tpu.memory_space<vmem>>, vector<1024x128xf32>
    tpu.vector_store %arg5[%swap3A, %swap3A_32], %concatenate3A {strides = array<i32>} : memref<1024x128xf32, #tpu.memory_space<vmem>>, vector<1024x128xf32>,
    return
  }
  func.func @transform_0(%arg0: i32) -> (i32, i32) {
    %c0_i32 = arith.constant 0 : i32
    %c0_i32_0 = arith.constant 0 : i32
    return %arg0, %c0_i32 : i32, i32
  }
  func.func @transform_1(%arg0: i32) -> (i32, i32) {
    %c0_i32 = arith.constant 0 : i32
    %c0_i32_0 = arith.constant 0 : i32
    return %arg0, %c0_i32 : i32, i32
  }
  func.func @transform_2(%arg0: i32) -> (i32, i32) {
    %c0_i32 = arith.constant 0 : i32
    %c0_i32_0 = arith.constant 0 : i32
    return %arg0, %c0_i32 : i32, i32
  }
  func.func @transform_3(%arg0: i32) -> (i32, i32) {
    %c0_i32 = arith.constant 0 : i32
    %c0_i32_0 = arith.constant 0 : i32
    %c0_i32_1 = arith.constant 0 : i32
    return %c0_i32, %c0_i32_0 : i32, i32
  }
  func.func @transform_4(%arg0: i32) -> (i32, i32) {
    %c0_i32 = arith.constant 0 : i32
    %c0_i32_0 = arith.constant 0 : i32
    return %arg0, %c0_i32 : i32, i32
  }
}

</mosaic_0001>

<sc_bundles>
// kernel: kernel.11.cloned.1.call-start
scs
__scs_entry_jumppad:
0x0: {  	(pc) =	sbr.rel $0x88, $3  }
0x1: {  	(tag) =	ssettag $0x0;
	lr =	simm.s32 $0x1  }
0x2: {  	[smem:$0x3F9B] =	sst lr;
	_ =	strace $0xD0000000  }
0x3: {  	_ = 	snop  }
0x4: {  	_ = 	snop  }
0x5: {  	_ = 	snop  }
0x6: {  	_ = 	snop  }
0x7: {  	_ = 	snop  }
__scs_overlays_trampoline_lowered:
0x8: {  	[smem:$0x3FAA] =	sst s0  }
0x9: {  	[smem:$0x3FAB] =	sst s1  }
0xa: {  	[smem:$0x3FAC] =	sst s2  }
0xb: {  	[smem:$0x3FAD] =	sst s3  }
0xc: {  	[smem:$0x3FAE] =	sst s4  }
0xd: {  	[smem:$0x3FAF] =	sst s5  }
0xe: {  	[smem:$0x3FB0] =	sst s6  }
0xf: {  	[smem:$0x3FB1] =	sst s7  }
0x10: {  	[smem:$0x3FB2] =	sst s8  }
0x11: {  	[smem:$0x3FB3] =	sst s9;
	s0 =	simm.s32 @!p0 $0x0  }
0x12: {  	s1 =	sld [smem:$0x3F99];
	s0 =	simm.s32 @p0 $0x1  }
0x13: {  	[smem:$0x3FB4] =	sst s0;
	s0 =	simm.s32 @!p1 $0x0  }
0x14: {  	s2 =	sld [smem:$0x3F98];
	s0 =	simm.s32 @p1 $0x1  }
0x15: {  	[smem:$0x3FB5] =	sst s0;
	s0 =	simm.s32 @!p2 $0x0  }
0x16: {  	s3 =	sld [smem:$0x3FDB];
	s0 =	simm.s32 @p2 $0x1  }
0x17: {  	s4 =	simm.s32 $0x1BF5;
	[smem:$0x3FB7] =	sst s0  }
0x18: {  	s0 =	sld [smem:$0x3F9A];
	_ =	swait.ge [sflag:s4], $0x0  }
0x19: {  	s7 =	sld [smem:$0x3F9B]  }
0x1a: {  	s8 =	sadd.s32 $0xFFFFE003, lr  }
0x1b: {  	s9 =	sadd.s32 $0xFFFFFEF7, lr;
	s5 =	simm.s32 $0xFFFFFFFF;
	p2 =	slt.u32 s8, $0xFFFFF086  }
0x1c: {  	p1 =	slt.u32 s9, $0xF7A;
	s5 =	simm.s32 @!p2 $0x0  }
0x1d: {  	s5 =	simm.s32 @p1 $0x1;
	p0 =	seq.s32 s7, s2  }
0x1e: {  	s7 =	smul.u32 @!p0 $0xF7A, s2;
	p2 =	seq.s32 @!p0 s5, $0x0  }
0x1f: {  	s9 =	smul.u32 $0xF7A, s1;
	s8 =	simm.s32 @!p0 $0x1BF5;
	p2 =	por !p2, p0  }
0x20: {  	[sflag:s8] =	ssyncset.s32 @!p0 $0xFFFFF086;
	s6 =	sadd.s32 @!p0 s3, s7;
	s7 =	simm.s32 @!p0 $0x108  }
0x21: {  	s3 =	sadd.s32 s3, s9;
	s6 =	sadd.s32 @!p0 $0x88, s6;
	s7 =	simm.s32 @p2 $0x1082  }
0x22: {  	[simem:s7], [sflag:s8] =	dma.local @!p0 [hbm:s6], $0xF7A  }
0x23: {  	s9 =	sor.u32 $0xD0000000, s2;
	s6 =	simm.s32 $0x108;
	_ =	swait.ge @!p0 [sflag:s8], $0x0  }
0x24: {  	s3 =	sadd.s32 $0x88, s3;
	s6 =	simm.s32 @!p1 $0x1082;
	[sflag:s4] =	ssyncset.s32 $0xFFFFF086  }
0x25: {  	[simem:s6], [sflag:s4] =	dma.local [hbm:s3], $0xF7A  }
0x26: {  	[smem:$0x3F9B] =	sst s1;
	(tag) =	ssettag s2;
	_ =	strace s9  }
0x27: {  	s1 =	sld [smem:$0x3FAB]  }
0x28: {  	s2 =	sld [smem:$0x3FAC]  }
0x29: {  	s4 =	sld [smem:$0x3FAE]  }
0x2a: {  	p0 =	seq.s32 s5, $0x0;
	s5 =	sld [smem:$0x3FAF]  }
0x2b: {  	s6 =	sld [smem:$0x3FB0]  }
0x2c: {  	s7 =	sld [smem:$0x3FB1]  }
0x2d: {  	s3 =	simm.s32 $0x108;
	s8 =	sld [smem:$0x3FB2]  }
0x2e: {  	s3 =	simm.s32 @!p0 $0x1082;
	s9 =	sld [smem:$0x3FB3]  }
0x2f: {  	lr =	sadd.s32 s0, s3;
	s0 =	sld [smem:$0x3FAA]  }
0x30: {  	s3 =	sld [smem:$0x3FAD]  }
0x31: {  	[smem:$0x3FB6] =	sst s10  }
0x32: {  	s10 =	sld [smem:$0x3FB4];
	_ =	sdelay $0x3  }
0x33: {  	p0 =	seq.s32 s10, $0x1;
	s10 =	sld [smem:$0x3FB6];
	_ =	sdelay $0x3  }
0x34: {  	[smem:$0x3FB6] =	sst s10  }
0x35: {  	s10 =	sld [smem:$0x3FB5];
	_ =	sdelay $0x3  }
0x36: {  	p1 =	seq.s32 s10, $0x1;
	s10 =	sld [smem:$0x3FB6];
	_ =	sdelay $0x3  }
0x37: {  	[smem:$0x3FB6] =	sst s10  }
0x38: {  	s10 =	sld [smem:$0x3FB7]  }
0x39: {  	_ = 	snop;
	(pc) =	sbr.ind lr, $3  }
0x3a: {  	_ = 	snop  }
0x3b: {  	_ = 	snop  }
0x3c: {  	p2 =	seq.s32 s10, $0x1;
	s10 =	sld [smem:$0x3FB6]  }
0x3d: {  	_ =	shalt  }
0x3e: {  	_ =	shalt  }
0x3f: {  	_ =	shalt  }
0x40: {  	_ =	shalt  }
0x41: {  	_ =	shalt  }
0x42: {  	_ =	shalt  }
0x43: {  	_ =	shalt  }
0x44: {  	_ =	shalt  }
0x45: {  	_ =	shalt  }
0x46: {  	_ =	shalt  }
0x47: {  	_ =	shalt  }
0x48: {  	_ =	shalt  }
0x49: {  	_ =	shalt  }
0x4a: {  	_ =	shalt  }
0x4b: {  	_ =	shalt  }
0x4c: {  	_ =	shalt  }
0x4d: {  	_ =	shalt  }
0x4e: {  	_ =	shalt  }
0x4f: {  	_ =	shalt  }
0x50: {  	_ =	shalt  }
0x51: {  	_ =	shalt  }
0x52: {  	_ =	shalt  }
0x53: {  	_ =	shalt  }
0x54: {  	_ =	shalt  }
0x55: {  	_ =	shalt  }
0x56: {  	_ =	shalt  }
0x57: {  	_ =	shalt  }
0x58: {  	_ =	shalt  }
0x59: {  	_ =	shalt  }
0x5a: {  	_ =	shalt  }
0x5b: {  	_ =	shalt  }
0x5c: {  	_ =	shalt  }
0x5d: {  	_ =	shalt  }
0x5e: {  	_ =	shalt  }
0x5f: {  	_ =	shalt  }
0x60: {  	_ =	shalt  }
0x61: {  	_ =	shalt  }
0x62: {  	_ =	shalt  }
0x63: {  	_ =	shalt  }
0x64: {  	_ =	shalt  }
0x65: {  	_ =	shalt  }
0x66: {  	_ =	shalt  }
0x67: {  	_ =	shalt  }
0x68: {  	_ =	shalt  }
0x69: {  	_ =	shalt  }
0x6a: {  	_ =	shalt  }
0x6b: {  	_ =	shalt  }
0x6c: {  	_ =	shalt  }
0x6d: {  	_ =	shalt  }
0x6e: {  	_ =	shalt  }
0x6f: {  	_ =	shalt  }
0x70: {  	_ =	shalt  }
0x71: {  	_ =	shalt  }
0x72: {  	_ =	shalt  }
0x73: {  	_ =	shalt  }
0x74: {  	_ =	shalt  }
0x75: {  	_ =	shalt  }
0x76: {  	_ =	shalt  }
0x77: {  	_ =	shalt  }
0x78: {  	_ =	shalt  }
0x79: {  	_ =	shalt  }
0x7a: {  	_ =	shalt  }
0x7b: {  	_ =	shalt  }
0x7c: {  	_ =	shalt  }
0x7d: {  	_ =	shalt  }
0x7e: {  	_ =	shalt  }
0x7f: {  	_ =	shalt  }
0x80: {  	_ =	shalt  }
0x81: {  	_ =	shalt  }
0x82: {  	_ =	shalt  }
0x83: {  	_ =	shalt  }
0x84: {  	_ =	shalt  }
0x85: {  	_ =	shalt  }
0x86: {  	_ =	shalt  }
0x87: {  	_ =	shalt  }
.Lfunc_end0:
.L_simem_size_0:
called_computation.1_lowered:
.L_overlay_start_0:
0x88: {  	s2 =	sld [smem:$0x3FD9]  }
0x89: {  	s3 =	sld [smem:$0x3FFE];
	_ =	sdelay $0x1  }
0x8a: {  	s1 =	srdreg.scid  }
0x8b: {  	s0 =	sand.u32 $0x1, s1  }
0x8c: {  	s17 =	sshll.u32 s0, $0xA;
	s2 =	sadd.s32 s3, s2  }
0x8d: {  	s2 =	sadd.s32 s2, s17  }
0x8e: {  	[smem:$0x3FC2] =	sst s2  }
0x8f: {  	_ = 	snop  }
0x90: {  	s2 =	sld [smem:$0x3FD0];
	(tm) =	ssettm $0x1  }
0x91: {  	s18 =	sld [smem:$0x3FFB];
	_ =	sdelay $0x3  }
0x92: {  	_ =	strace s18  }
0x93: {  	s3 =	sld [smem:$0x3FFC];
	_ =	sdelay $0x3  }
0x94: {  	_ =	strace s3  }
0x95: {  	s3 =	sld [smem:$0x3FFD];
	_ =	sdelay $0x3  }
0x96: {  	_ =	strace s3  }
0x97: {  	_ =	strace $0x8FFFFFFF  }
0x98: {  	s19 =	sld [smem:$0x3FDB];
	_ =	sdelay $0x1  }
0x99: {  	s4 =	simm.s32 $_scs_section_size  }
0x9a: {  	s5 =	simm.s32 $_size__tile_overlayer_lowered;
	s6 =	simm.s32 $_tile_overlayer_lowered  }
0x9b: {  	s22 =	simm.s32 $0x1BFF;
	s21 =	sshll.u32 s6, $0x1;
	s3 =	sadd.s32 s4, s19  }
0x9c: {  	s7 =	simm.s32 $0x0;
	s20 =	sshll.u32 s5, $0x1;
	s5 =	sadd.s32 s21, s3  }
0x9d: {  	[timem:s7], [sflag:s22] =	dma.local [hbm:s5], s20  }
0x9e: {  	_ =	swait.ge [sflag:s22], s20  }
0x9f: {  	s4 =	ssub.s32 $0x0, s20;
	[sflag:s22] =	ssyncset.done $0x0  }
0xa0: {  	[sflag:s22] =	ssyncadd.s32 s4;
	_ =	sdelay $0x1  }
0xa1: {  	s23 =	simm.s32 $0x1B8B  }
0xa2: {  	_ =	swait.ge [sflag:s23], $0x1  }
0xa3: {  	[sflag:s23] =	ssyncset.done $0x0  }
0xa4: {  	s25 =	simm.s32 $0x1B8E;
	s24 =	sld [smem:$0x3FFE];
	[sflag:s23] =	ssyncadd.s32 $0xFFFFFFFF  }
0xa5: {  	s26 =	simm.s32 $execute0_lowered;
	[smem:$0x3FD2] =	sst s25  }
0xa6: {  	s5 =	sshll.u32 s26, $0x1;
	_ =	strace $0x80000049;
	[dreg:$0x1] =	wrdreg $0xFFFFFFFF  }
0xa7: {  	s28 =	simm.s32 $_size_execute0_lowered;
	s3 =	sadd.s32 s3, s5;
	[dreg:$0x0] =	wrdreg $0x0  }
0xa8: {  	s5 =	sshll.u32 s28, $0x1;
	[dreg:$0x2] =	wrdreg s3  }
0xa9: {  	[dreg:$0x3] =	wrdreg s5  }
0xaa: {  	[dreg:$0x4] =	wrdreg $0xC0  }
0xab: {  	_ =	task [dreg:s7], $0x5FFFF  }
0xac: {  	[dreg:$0x1] =	wrdreg $0xFFFFFFFF  }
0xad: {  	[dreg:$0x0] =	wrdreg $0x60  }
0xae: {  	[dreg:$0x2] =	wrdreg s2  }
0xaf: {  	[dreg:$0x3] =	wrdreg s24  }
0xb0: {  	[dreg:$0x4] =	wrdreg $0x0  }
0xb1: {  	[dreg:$0x5] =	wrdreg $0x9  }
0xb2: {  	_ =	task.clear_ibuf [dreg:s7], $0x6FFFF;
	_ =	strace $0x90000049  }
0xb3: {  	s29 =	simm.s32 $0x9;
	_ =	strace $0x8000004B  }
0xb4: {  	_ =	swait.ge [sflag:s29], $0x1  }
0xb5: {  	[sflag:s29] =	ssyncadd.s32 $0xFFFFFFFF  }
0xb6: {  	_ =	strace $0x9000004B  }
0xb7: {  	_ =	sfence  }
0xb8: {  	s30 =	sld [smem:$0x0];
	_ =	sdelay $0x2  }
0xb9: {  	s31 =	sshll.u32 s1, $0xD;
	s1 =	sshrl.u32 s1, $0x2  }
0xba: {  	s3 =	sand.u32 $0x4000, s31;
	s1 =	sadd.s32 s1, s30  }
0xbb: {  	s0 =	sor.u32 s3, s0;
	s1 =	sshll.u32 s1, $0x11  }
0xbc: {  	s0 =	sor.u32 s1, s0  }
0xbd: {  	s0 =	sadd.s32 $0x8F2B, s0  }
0xbe: {  	[sflag:s0] =	ssyncadd.remote.s32 $0x1  }
0xbf: {  	_ =	sfence.sel $0xFFFF  }
0xc0: {  	[dreg:$0x0] =	wrdreg $0xFFFFFFFF;
	(pc) =	sbr.abs _section_cstart, $3  }
0xc1: {  	[dreg:$0x1] =	wrdreg $0xFFFFFFFF  }
0xc2: {  	_ =	task.clear_ibuf [dreg:s7], $0x2FFFF;
	_ =	strace $0x9FFFFFFF  }
0xc3: {  	(tm) =	ssettm $0x7FFFFFFF  }
tec
execute0_lowered:
.L_overlay_start_1:
0x0: {  	(tag) =	ssettag $0x1  }
0x1: {  	s0 =	rddreg [dreg:$0x0]  }
0x2: {  	s3 =	rddreg [dreg:$0x1]  }
0x3: {  	s1 =	rddreg [dreg:$0x2]  }
0x4: {  	s2 =	simm.s32 $0x0;
	s8 =	srdreg.scid;
	s22 =	stileid.u32  }
0x5: {  	s28 =	simm.s32 $0x1;
	s29 =	simm.s32 $0x2;
	s30 =	simm.s32 $0x15380  }
0x6: {  	s31 =	simm.s32 $0x16700;
	[smem:$0x7FF] =	sst s2;
	s7 =	sadd.s32 $0x2A00, s3  }
0x7: {  	s4 =	sadd.s32 $0xF200, s3;
	s5 =	sadd.s32 $0x37200, s3;
	s21 =	sadd.s32 $0xCA00, s3  }
0x8: {  	s8 =	sand.u32 $0x1, s8;
	s6 =	sadd.s32 $0x5F200, s3;
	s10 =	smul.u32 $0x50000, s22  }
0x9: {  	s3 =	sadd.s32 $0x87200, s3;
	s11 =	smul.u32 $0x5000, s22;
	s25 =	sshll.u32 s22, $0x6  }
0xa: {  	s18 =	smul.u32 $0x2800, s22;
	_ =	strace $0x8000004A;
	[dreg:$0x4] =	wrdreg s21  }
0xb: {  	s22 =	simm.s32 $0x14000;
	[dreg:$0x5] =	wrdreg s6;
	s9 =	ssub.s32 $0x2, s8  }
0xc: {  	[dreg:$0x6] =	wrdreg s3;
	p0 =	sne.s32 s8, $0x0;
	s21 =	simm.s32 $0x3  }
0xd: {  	s23 =	sshrl.u32 s9, $0x1;
	s24 =	sshrl.u32 s10, $0x2;
	s16 =	sshrl.u32 s11, $0x3  }
0xe: {  	s3 =	ssub.s32 s9, s23;
	s20 =	sadd.s32 s24, s1;
	s9 =	sor.u32 $0x1C03, s25  }
0xf: {  	s26 =	sadd.s32 s0, s16;
	s11 =	sadd.s32 s7, s16;
	s13 =	sadd.s32 $0x280, s16  }
0x10: {  	s15 =	sadd.s32 $0x500, s16;
	s17 =	sadd.s32 $0x780, s16;
	s23 =	simm.s32 $0x15400  }
.Ltmp0:
0x11: {  	s24 =	simm.s32 $0x80;
	s25 =	simm.s32 $0x16800;
	(pc) =	sbr.rel .LBB2_1-.Ltmp0, $4  }
0x12: {  	[dreg:$0x7] =	wrdreg s26;
	s12 =	sadd.s32 s0, s13;
	s13 =	sadd.s32 s7, s13  }
0x13: {  	s14 =	sadd.s32 s0, s15;
	s15 =	sadd.s32 s7, s15;
	s16 =	sadd.s32 s0, s17  }
0x14: {  	s17 =	sadd.s32 s7, s17;
	s19 =	smax.u32 s3, $0x1;
	s20 =	sshrl.u32 s20, $0x3  }
0x15: {  	s26 =	simm.s32 $0x1A800;
	s0 =	simm.s32 $0x16780;
	s3 =	simm.s32 $0x0  }
.LBB2_19:
0x16: {  	s2 =	sadd.s32 $0x14080, s7;
	[sflag:s21] =	ssyncadd.s32 $0xFFFFC000  }
0x17: {  	[tilespmem:s26], [sflag:$0x2] =	stream.indirect.gather [hbm4b:s5+s24], $0x80, s2, s24, $0xb8;
	[tilespmem:$0x1E800] =	vst v63  }
0x18: {  	_ =	swait.ge [sflag:s28], $0x4000  }
0x19: {  	[sflag:s28] =	ssyncset.done $0x0  }
0x1a: {  	s6 =	sadd.s32 $0x15400, s7;
	[sflag:s28] =	ssyncadd.s32 $0xFFFFC000  }
0x1b: {  	[spmem:s1] =	stream.indirect.scatter.add.f32 [tilespmem:s25], [sflag:$0x3], $0x80, s6, s24, $0xb8;
	[tilespmem:$0x1E800] =	vst v63  }
0x1c: {  	_ =	swait.ge [sflag:s21], $0x4000  }
0x1d: {  	[sflag:s21] =	ssyncset.done $0x0  }
0x1e: {  	s8 =	sadd.s32 $0x14100, s7;
	[sflag:s21] =	ssyncadd.s32 $0xFFFFC000  }
0x1f: {  	[tilespmem:s25], [sflag:$0x1] =	stream.indirect.gather [hbm4b:s5+s24], $0x80, s8, s24, $0xb8;
	[tilespmem:$0x1E800] =	vst v63  }
0x20: {  	_ =	swait.ge [sflag:s29], $0x4000  }
0x21: {  	[sflag:s29] =	ssyncset.done $0x0  }
0x22: {  	s10 =	sadd.s32 $0x15480, s7;
	[sflag:s29] =	ssyncadd.s32 $0xFFFFC000  }
0x23: {  	[spmem:s1] =	stream.indirect.scatter.add.f32 [tilespmem:s26], [sflag:$0x3], $0x80, s10, s24, $0xb8;
	[tilespmem:$0x1E800] =	vst v63  }
0x24: {  	_ =	swait.ge [sflag:s21], $0x4000  }
0x25: {  	[sflag:s21] =	ssyncset.done $0x0  }
0x26: {  	s7 =	rddreg [dreg:$0x6];
	[sflag:s21] =	ssyncadd.s32 $0xFFFFC000  }
0x27: {  	[tilespmem:s26], [sflag:$0x2] =	stream.indirect.gather [hbm4b:s5+s24], $0x80, s30, s24, $0xb8;
	[tilespmem:$0x1E800] =	vst v63  }
.LBB2_20:
0x28: {  	_ =	swait.ge [sflag:s28], $0x4000  }
0x29: {  	[sflag:s28] =	ssyncset.done $0x0  }
0x2a: {  	[sflag:s28] =	ssyncadd.s32 $0xFFFFC000  }
0x2b: {  	[spmem:s1] =	stream.indirect.scatter.add.f32 [tilespmem:s25], [sflag:$0x3], $0x80, s31, s24, $0xb8;
	[tilespmem:$0x1E800] =	vst v63  }
0x2c: {  	_ =	swait.ge [sflag:s21], $0x4000  }
0x2d: {  	[sflag:s21] =	ssyncset.done $0x0  }
0x2e: {  	[sflag:s21] =	ssyncadd.s32 $0xFFFFC000  }
0x2f: {  	_ =	swait.ge [sflag:s29], $0x4000  }
0x30: {  	[sflag:s29] =	ssyncset.done $0x0  }
0x31: {  	[sflag:s29] =	ssyncadd.s32 $0xFFFFC000  }
0x32: {  	[spmem:s1] =	stream.indirect.scatter.add.f32 [tilespmem:s26], [sflag:$0x3], $0x80, s0, s24, $0xb8;
	[tilespmem:$0x1E800] =	vst v63  }
0x33: {  	_ =	swait.ge [sflag:s21], $0x4000  }
0x34: {  	s3 =	sadd.s32 $0x1, s3;
	[sflag:s21] =	ssyncset.done $0x0  }
0x35: {  	p1 =	sne.s32 s3, s19;
	[sflag:s21] =	ssyncadd.s32 $0xFFFFC000  }
.Ltmp1:
0x36: {  	s2 =	sadd.s32 s7, s18;
	[bflag:$0x0] =	sbarrier.arrive $0xFFFF;
	(pc) =	sbr.rel @!p1 .LBB2_21-.Ltmp1, $4  }
0x37: {  	[hbm:s2], [sflag:s9] =	dma.local [spmem:s20], $0x2800  }
0x38: {  	_ =	swait.ge [sflag:s21], $0x2800  }
0x39: {  	[sflag:s21] =	ssyncset.done $0x0  }
0x3a: {  	[sflag:s21] =	ssyncadd.s32 $0xFFFFD800  }
.LBB2_1:
0x3b: {  	s2 =	rddreg [dreg:$0x4]  }
0x3c: {  	[spmem:s20], [sflag:s9] =	dma.local [hbm:s2], $0x2800  }
0x3d: {  	_ =	swait.ge [sflag:s21], $0x2800  }
0x3e: {  	[sflag:s21] =	ssyncset.done $0x0  }
0x3f: {  	[sflag:s21] =	ssyncadd.s32 $0xFFFFD800  }
0x40: {  	[bflag:$0x0] =	sbarrier.arrive $0xFFFF  }
0x41: {  	s10 =	simm.s32 $0x0;
	s6 =	rddreg [dreg:$0x7]  }
0x42: {  	[tilespmem:s22], [sflag:$0x3] =	stream.linear.gather [hbm4b:s6+s10], $0x1400, $0x38;
	[tilespmem:$0x1E800] =	vst v63  }
0x43: {  	_ =	swait.ge [sflag:s21], $0x1400  }
0x44: {  	[sflag:s21] =	ssyncset.done $0x0  }
.Ltmp2:
0x45: {  	[sflag:s21] =	ssyncadd.s32 $0xFFFFEC00;
	(pc) =	sbr.rel @p0 .LBB2_11-.Ltmp2, $4  }
0x46: {  	[tilespmem:s23], [sflag:$0x3] =	stream.linear.gather [hbm4b:s11+s10], $0x1400, $0x38;
	[tilespmem:$0x1E800] =	vst v63  }
0x47: {  	_ =	swait.ge [sflag:s21], $0x1400  }
0x48: {  	[sflag:s21] =	ssyncset.done $0x0  }
0x49: {  	[sflag:s21] =	ssyncadd.s32 $0xFFFFEC00  }
0x4a: {  	[tilespmem:s25], [sflag:$0x1] =	stream.indirect.gather [hbm4b:s4+s24], $0x80, s22, s24, $0xb8;
	[tilespmem:$0x1E800] =	vst v63  }
0x4b: {  	s7 =	simm.s32 $0x14080  }
0x4c: {  	[tilespmem:s26], [sflag:$0x2] =	stream.indirect.gather [hbm4b:s4+s24], $0x80, s7, s24, $0xb8;
	[tilespmem:$0x1E800] =	vst v63  }
0x4d: {  	_ =	swait.ge [sflag:s28], $0x4000  }
0x4e: {  	[sflag:s28] =	ssyncset.done $0x0  }
0x4f: {  	s6 =	simm.s32 $0x15400;
	[sflag:s28] =	ssyncadd.s32 $0xFFFFC000  }
0x50: {  	[spmem:s1] =	stream.indirect.scatter.add.f32 [tilespmem:s25], [sflag:$0x3], $0x80, s6, s24, $0xb8;
	[tilespmem:$0x1E800] =	vst v63  }
0x51: {  	_ =	swait.ge [sflag:s21], $0x4000  }
0x52: {  	[sflag:s21] =	ssyncset.done $0x0  }
0x53: {  	s8 =	simm.s32 $0x14100;
	[sflag:s21] =	ssyncadd.s32 $0xFFFFC000  }
0x54: {  	[tilespmem:s25], [sflag:$0x1] =	stream.indirect.gather [hbm4b:s4+s24], $0x80, s8, s24, $0xb8;
	[tilespmem:$0x1E800] =	vst v63  }
0x55: {  	_ =	swait.ge [sflag:s29], $0x4000  }
0x56: {  	[sflag:s29] =	ssyncset.done $0x0  }
0x57: {  	s10 =	simm.s32 $0x15480;
	[sflag:s29] =	ssyncadd.s32 $0xFFFFC000  }
0x58: {  	[spmem:s1] =	stream.indirect.scatter.add.f32 [tilespmem:s26], [sflag:$0x3], $0x80, s10, s24, $0xb8;
	[tilespmem:$0x1E800] =	vst v63  }
0x59: {  	_ =	swait.ge [sflag:s21], $0x4000  }
0x5a: {  	s7 =	simm.s32 $0x100;
	s8 =	simm.s32 $0x800;
	[sflag:s21] =	ssyncset.done $0x0  }
.LBB2_3:
0x5b: {  	s2 =	sadd.s32 $0x14080, s7  }
0x5c: {  	[sflag:s21] =	ssyncadd.s32 $0xFFFFC000;
	s6 =	smov.u32 s8;
	s10 =	sadd.s32 $0x400, s8  }
0x5d: {  	[tilespmem:s26], [sflag:$0x2] =	stream.indirect.gather [hbm4b:s4+s24], $0x80, s2, s24, $0xb8;
	[tilespmem:$0x1E800] =	vst v63  }
0x5e: {  	p1 =	sne.s32 s8, $0x4800;
	_ =	swait.ge [sflag:s28], $0x4000  }
0x5f: {  	[sflag:s28] =	ssyncset.done $0x0  }
0x60: {  	s2 =	sadd.s32 $0x15400, s7;
	[sflag:s28] =	ssyncadd.s32 $0xFFFFC000  }
0x61: {  	[spmem:s1] =	stream.indirect.scatter.add.f32 [tilespmem:s25], [sflag:$0x3], $0x80, s2, s24, $0xb8;
	[tilespmem:$0x1E800] =	vst v63  }
0x62: {  	_ =	swait.ge [sflag:s21], $0x4000  }
0x63: {  	[sflag:s21] =	ssyncset.done $0x0  }
0x64: {  	s2 =	sadd.s32 $0x14100, s7;
	[sflag:s21] =	ssyncadd.s32 $0xFFFFC000  }
0x65: {  	[tilespmem:s25], [sflag:$0x1] =	stream.indirect.gather [hbm4b:s4+s24], $0x80, s2, s24, $0xb8;
	[tilespmem:$0x1E800] =	vst v63  }
0x66: {  	_ =	swait.ge [sflag:s29], $0x4000  }
.Ltmp3:
0x67: {  	[sflag:s29] =	ssyncset.done $0x0;
	(pc) =	sbr.rel @p1 .LBB2_3-.Ltmp3, $4  }
0x68: {  	s2 =	sadd.s32 $0x15480, s7;
	[sflag:s29] =	ssyncadd.s32 $0xFFFFC000  }
0x69: {  	[spmem:s1] =	stream.indirect.scatter.add.f32 [tilespmem:s26], [sflag:$0x3], $0x80, s2, s24, $0xb8;
	[tilespmem:$0x1E800] =	vst v63  }
0x6a: {  	_ =	swait.ge [sflag:s21], $0x4000  }
0x6b: {  	s8 =	smov.u32 s10;
	s7 =	sshra.s32 s6, $0x2;
	[sflag:s21] =	ssyncset.done $0x0  }
0x6c: {  	s2 =	sadd.s32 $0x14080, s7;
	[sflag:s21] =	ssyncadd.s32 $0xFFFFC000  }
0x6d: {  	[tilespmem:s26], [sflag:$0x2] =	stream.indirect.gather [hbm4b:s4+s24], $0x80, s2, s24, $0xb8;
	[tilespmem:$0x1E800] =	vst v63  }
0x6e: {  	_ =	swait.ge [sflag:s28], $0x4000  }
0x6f: {  	[sflag:s28] =	ssyncset.done $0x0  }
0x70: {  	s10 =	sadd.s32 $0x15400, s7;
	[sflag:s28] =	ssyncadd.s32 $0xFFFFC000  }
0x71: {  	[spmem:s1] =	stream.indirect.scatter.add.f32 [tilespmem:s25], [sflag:$0x3], $0x80, s10, s24, $0xb8;
	[tilespmem:$0x1E800] =	vst v63  }
0x72: {  	_ =	swait.ge [sflag:s21], $0x4000  }
0x73: {  	[sflag:s21] =	ssyncset.done $0x0  }
0x74: {  	s6 =	sadd.s32 $0x14100, s7;
	[sflag:s21] =	ssyncadd.s32 $0xFFFFC000  }
0x75: {  	[tilespmem:s25], [sflag:$0x1] =	stream.indirect.gather [hbm4b:s4+s24], $0x80, s6, s24, $0xb8;
	[tilespmem:$0x1E800] =	vst v63  }
0x76: {  	_ =	swait.ge [sflag:s29], $0x4000  }
0x77: {  	[sflag:s29] =	ssyncset.done $0x0  }
0x78: {  	s8 =	sadd.s32 $0x15480, s7;
	[sflag:s29] =	ssyncadd.s32 $0xFFFFC000  }
0x79: {  	[spmem:s1] =	stream.indirect.scatter.add.f32 [tilespmem:s26], [sflag:$0x3], $0x80, s8, s24, $0xb8;
	[tilespmem:$0x1E800] =	vst v63  }
0x7a: {  	_ =	swait.ge [sflag:s21], $0x4000  }
0x7b: {  	[sflag:s21] =	ssyncset.done $0x0  }
0x7c: {  	[sflag:s21] =	ssyncadd.s32 $0xFFFFC000  }
0x7d: {  	[tilespmem:s26], [sflag:$0x2] =	stream.indirect.gather [hbm4b:s4+s24], $0x80, s30, s24, $0xb8;
	[tilespmem:$0x1E800] =	vst v63  }
0x7e: {  	_ =	swait.ge [sflag:s28], $0x4000  }
0x7f: {  	[sflag:s28] =	ssyncset.done $0x0  }
0x80: {  	[sflag:s28] =	ssyncadd.s32 $0xFFFFC000  }
0x81: {  	[spmem:s1] =	stream.indirect.scatter.add.f32 [tilespmem:s25], [sflag:$0x3], $0x80, s31, s24, $0xb8;
	[tilespmem:$0x1E800] =	vst v63  }
0x82: {  	_ =	swait.ge [sflag:s21], $0x4000  }
0x83: {  	[sflag:s21] =	ssyncset.done $0x0  }
0x84: {  	[sflag:s21] =	ssyncadd.s32 $0xFFFFC000  }
0x85: {  	_ =	swait.ge [sflag:s29], $0x4000  }
0x86: {  	[sflag:s29] =	ssyncset.done $0x0  }
0x87: {  	[sflag:s29] =	ssyncadd.s32 $0xFFFFC000  }
0x88: {  	[spmem:s1] =	stream.indirect.scatter.add.f32 [tilespmem:s26], [sflag:$0x3], $0x80, s0, s24, $0xb8;
	[tilespmem:$0x1E800] =	vst v63  }
0x89: {  	_ =	swait.ge [sflag:s21], $0x4000  }
0x8a: {  	[sflag:s21] =	ssyncset.done $0x0  }
0x8b: {  	s10 =	simm.s32 $0x0;
	[sflag:s21] =	ssyncadd.s32 $0xFFFFC000  }
0x8c: {  	[tilespmem:s22], [sflag:$0x3] =	stream.linear.gather [hbm4b:s12+s10], $0x1400, $0x38;
	[tilespmem:$0x1E800] =	vst v63  }
0x8d: {  	_ =	swait.ge [sflag:s21], $0x1400  }
0x8e: {  	[sflag:s21] =	ssyncset.done $0x0  }
0x8f: {  	[sflag:s21] =	ssyncadd.s32 $0xFFFFEC00  }
0x90: {  	[tilespmem:s23], [sflag:$0x3] =	stream.linear.gather [hbm4b:s13+s10], $0x1400, $0x38;
	[tilespmem:$0x1E800] =	vst v63  }
0x91: {  	_ =	swait.ge [sflag:s21], $0x1400  }
0x92: {  	[sflag:s21] =	ssyncset.done $0x0  }
0x93: {  	[sflag:s21] =	ssyncadd.s32 $0xFFFFEC00  }
0x94: {  	[tilespmem:s25], [sflag:$0x1] =	stream.indirect.gather [hbm4b:s4+s24], $0x80, s22, s24, $0xb8;
	[tilespmem:$0x1E800] =	vst v63  }
0x95: {  	s6 =	simm.s32 $0x14080  }
0x96: {  	[tilespmem:s26], [sflag:$0x2] =	stream.indirect.gather [hbm4b:s4+s24], $0x80, s6, s24, $0xb8;
	[tilespmem:$0x1E800] =	vst v63  }
0x97: {  	_ =	swait.ge [sflag:s28], $0x4000  }
0x98: {  	[sflag:s28] =	ssyncset.done $0x0  }
0x99: {  	s7 =	simm.s32 $0x15400;
	[sflag:s28] =	ssyncadd.s32 $0xFFFFC000  }
0x9a: {  	[spmem:s1] =	stream.indirect.scatter.add.f32 [tilespmem:s25], [sflag:$0x3], $0x80, s7, s24, $0xb8;
	[tilespmem:$0x1E800] =	vst v63  }
0x9b: {  	_ =	swait.ge [sflag:s21], $0x4000  }
0x9c: {  	[sflag:s21] =	ssyncset.done $0x0  }
0x9d: {  	s8 =	simm.s32 $0x14100;
	[sflag:s21] =	ssyncadd.s32 $0xFFFFC000  }
0x9e: {  	[tilespmem:s25], [sflag:$0x1] =	stream.indirect.gather [hbm4b:s4+s24], $0x80, s8, s24, $0xb8;
	[tilespmem:$0x1E800] =	vst v63  }
0x9f: {  	_ =	swait.ge [sflag:s29], $0x4000  }
0xa0: {  	[sflag:s29] =	ssyncset.done $0x0  }
0xa1: {  	s10 =	simm.s32 $0x15480;
	[sflag:s29] =	ssyncadd.s32 $0xFFFFC000  }
0xa2: {  	[spmem:s1] =	stream.indirect.scatter.add.f32 [tilespmem:s26], [sflag:$0x3], $0x80, s10, s24, $0xb8;
	[tilespmem:$0x1E800] =	vst v63  }
0xa3: {  	_ =	swait.ge [sflag:s21], $0x4000  }
0xa4: {  	s7 =	simm.s32 $0x100;
	s8 =	simm.s32 $0x800;
	[sflag:s21] =	ssyncset.done $0x0  }
.LBB2_5:
0xa5: {  	s2 =	sadd.s32 $0x14080, s7  }
0xa6: {  	[sflag:s21] =	ssyncadd.s32 $0xFFFFC000;
	s6 =	smov.u32 s8;
	s10 =	sadd.s32 $0x400, s8  }
0xa7: {  	[tilespmem:s26], [sflag:$0x2] =	stream.indirect.gather [hbm4b:s4+s24], $0x80, s2, s24, $0xb8;
	[tilespmem:$0x1E800] =	vst v63  }
0xa8: {  	p1 =	sne.s32 s8, $0x4800;
	_ =	swait.ge [sflag:s28], $0x4000  }
0xa9: {  	[sflag:s28] =	ssyncset.done $0x0  }
0xaa: {  	s2 =	sadd.s32 $0x15400, s7;
	[sflag:s28] =	ssyncadd.s32 $0xFFFFC000  }
0xab: {  	[spmem:s1] =	stream.indirect.scatter.add.f32 [tilespmem:s25], [sflag:$0x3], $0x80, s2, s24, $0xb8;
	[tilespmem:$0x1E800] =	vst v63  }
0xac: {  	_ =	swait.ge [sflag:s21], $0x4000  }
0xad: {  	[sflag:s21] =	ssyncset.done $0x0  }
0xae: {  	s2 =	sadd.s32 $0x14100, s7;
	[sflag:s21] =	ssyncadd.s32 $0xFFFFC000  }
0xaf: {  	[tilespmem:s25], [sflag:$0x1] =	stream.indirect.gather [hbm4b:s4+s24], $0x80, s2, s24, $0xb8;
	[tilespmem:$0x1E800] =	vst v63  }
0xb0: {  	_ =	swait.ge [sflag:s29], $0x4000  }
.Ltmp4:
0xb1: {  	[sflag:s29] =	ssyncset.done $0x0;
	(pc) =	sbr.rel @p1 .LBB2_5-.Ltmp4, $4  }
0xb2: {  	s2 =	sadd.s32 $0x15480, s7;
	[sflag:s29] =	ssyncadd.s32 $0xFFFFC000  }
0xb3: {  	[spmem:s1] =	stream.indirect.scatter.add.f32 [tilespmem:s26], [sflag:$0x3], $0x80, s2, s24, $0xb8;
	[tilespmem:$0x1E800] =	vst v63  }
0xb4: {  	_ =	swait.ge [sflag:s21], $0x4000  }
0xb5: {  	s8 =	smov.u32 s10;
	s7 =	sshra.s32 s6, $0x2;
	[sflag:s21] =	ssyncset.done $0x0  }
0xb6: {  	s2 =	sadd.s32 $0x14080, s7;
	[sflag:s21] =	ssyncadd.s32 $0xFFFFC000  }
0xb7: {  	[tilespmem:s26], [sflag:$0x2] =	stream.indirect.gather [hbm4b:s4+s24], $0x80, s2, s24, $0xb8;
	[tilespmem:$0x1E800] =	vst v63  }
0xb8: {  	_ =	swait.ge [sflag:s28], $0x4000  }
0xb9: {  	[sflag:s28] =	ssyncset.done $0x0  }
0xba: {  	s10 =	sadd.s32 $0x15400, s7;
	[sflag:s28] =	ssyncadd.s32 $0xFFFFC000  }
0xbb: {  	[spmem:s1] =	stream.indirect.scatter.add.f32 [tilespmem:s25], [sflag:$0x3], $0x80, s10, s24, $0xb8;
	[tilespmem:$0x1E800] =	vst v63  }
0xbc: {  	_ =	swait.ge [sflag:s21], $0x4000  }
0xbd: {  	[sflag:s21] =	ssyncset.done $0x0  }
0xbe: {  	s6 =	sadd.s32 $0x14100, s7;
	[sflag:s21] =	ssyncadd.s32 $0xFFFFC000  }
0xbf: {  	[tilespmem:s25], [sflag:$0x1] =	stream.indirect.gather [hbm4b:s4+s24], $0x80, s6, s24, $0xb8;
	[tilespmem:$0x1E800] =	vst v63  }
0xc0: {  	_ =	swait.ge [sflag:s29], $0x4000  }
0xc1: {  	[sflag:s29] =	ssyncset.done $0x0  }
0xc2: {  	s8 =	sadd.s32 $0x15480, s7;
	[sflag:s29] =	ssyncadd.s32 $0xFFFFC000  }
0xc3: {  	[spmem:s1] =	stream.indirect.scatter.add.f32 [tilespmem:s26], [sflag:$0x3], $0x80, s8, s24, $0xb8;
	[tilespmem:$0x1E800] =	vst v63  }
0xc4: {  	_ =	swait.ge [sflag:s21], $0x4000  }
0xc5: {  	[sflag:s21] =	ssyncset.done $0x0  }
0xc6: {  	[sflag:s21] =	ssyncadd.s32 $0xFFFFC000  }
0xc7: {  	[tilespmem:s26], [sflag:$0x2] =	stream.indirect.gather [hbm4b:s4+s24], $0x80, s30, s24, $0xb8;
	[tilespmem:$0x1E800] =	vst v63  }
0xc8: {  	_ =	swait.ge [sflag:s28], $0x4000  }
0xc9: {  	[sflag:s28] =	ssyncset.done $0x0  }
0xca: {  	[sflag:s28] =	ssyncadd.s32 $0xFFFFC000  }
0xcb: {  	[spmem:s1] =	stream.indirect.scatter.add.f32 [tilespmem:s25], [sflag:$0x3], $0x80, s31, s24, $0xb8;
	[tilespmem:$0x1E800] =	vst v63  }
0xcc: {  	_ =	swait.ge [sflag:s21], $0x4000  }
0xcd: {  	[sflag:s21] =	ssyncset.done $0x0  }
0xce: {  	[sflag:s21] =	ssyncadd.s32 $0xFFFFC000  }
0xcf: {  	_ =	swait.ge [sflag:s29], $0x4000  }
0xd0: {  	[sflag:s29] =	ssyncset.done $0x0  }
0xd1: {  	[sflag:s29] =	ssyncadd.s32 $0xFFFFC000  }
0xd2: {  	[spmem:s1] =	stream.indirect.scatter.add.f32 [tilespmem:s26], [sflag:$0x3], $0x80, s0, s24, $0xb8;
	[tilespmem:$0x1E800] =	vst v63  }
0xd3: {  	_ =	swait.ge [sflag:s21], $0x4000  }
0xd4: {  	[sflag:s21] =	ssyncset.done $0x0  }
0xd5: {  	s10 =	simm.s32 $0x0;
	[sflag:s21] =	ssyncadd.s32 $0xFFFFC000  }
0xd6: {  	[tilespmem:s22], [sflag:$0x3] =	stream.linear.gather [hbm4b:s14+s10], $0x1400, $0x38;
	[tilespmem:$0x1E800] =	vst v63  }
0xd7: {  	_ =	swait.ge [sflag:s21], $0x1400  }
0xd8: {  	[sflag:s21] =	ssyncset.done $0x0  }
0xd9: {  	[sflag:s21] =	ssyncadd.s32 $0xFFFFEC00  }
0xda: {  	[tilespmem:s23], [sflag:$0x3] =	stream.linear.gather [hbm4b:s15+s10], $0x1400, $0x38;
	[tilespmem:$0x1E800] =	vst v63  }
0xdb: {  	_ =	swait.ge [sflag:s21], $0x1400  }
0xdc: {  	[sflag:s21] =	ssyncset.done $0x0  }
0xdd: {  	[sflag:s21] =	ssyncadd.s32 $0xFFFFEC00  }
0xde: {  	[tilespmem:s25], [sflag:$0x1] =	stream.indirect.gather [hbm4b:s4+s24], $0x80, s22, s24, $0xb8;
	[tilespmem:$0x1E800] =	vst v63  }
0xdf: {  	s6 =	simm.s32 $0x14080  }
0xe0: {  	[tilespmem:s26], [sflag:$0x2] =	stream.indirect.gather [hbm4b:s4+s24], $0x80, s6, s24, $0xb8;
	[tilespmem:$0x1E800] =	vst v63  }
0xe1: {  	_ =	swait.ge [sflag:s28], $0x4000  }
0xe2: {  	[sflag:s28] =	ssyncset.done $0x0  }
0xe3: {  	s7 =	simm.s32 $0x15400;
	[sflag:s28] =	ssyncadd.s32 $0xFFFFC000  }
0xe4: {  	[spmem:s1] =	stream.indirect.scatter.add.f32 [tilespmem:s25], [sflag:$0x3], $0x80, s7, s24, $0xb8;
	[tilespmem:$0x1E800] =	vst v63  }
0xe5: {  	_ =	swait.ge [sflag:s21], $0x4000  }
0xe6: {  	[sflag:s21] =	ssyncset.done $0x0  }
0xe7: {  	s8 =	simm.s32 $0x14100;
	[sflag:s21] =	ssyncadd.s32 $0xFFFFC000  }
0xe8: {  	[tilespmem:s25], [sflag:$0x1] =	stream.indirect.gather [hbm4b:s4+s24], $0x80, s8, s24, $0xb8;
	[tilespmem:$0x1E800] =	vst v63  }
0xe9: {  	_ =	swait.ge [sflag:s29], $0x4000  }
0xea: {  	[sflag:s29] =	ssyncset.done $0x0  }
0xeb: {  	s10 =	simm.s32 $0x15480;
	[sflag:s29] =	ssyncadd.s32 $0xFFFFC000  }
0xec: {  	[spmem:s1] =	stream.indirect.scatter.add.f32 [tilespmem:s26], [sflag:$0x3], $0x80, s10, s24, $0xb8;
	[tilespmem:$0x1E800] =	vst v63  }
0xed: {  	_ =	swait.ge [sflag:s21], $0x4000  }
0xee: {  	s7 =	simm.s32 $0x100;
	s8 =	simm.s32 $0x800;
	[sflag:s21] =	ssyncset.done $0x0  }
.LBB2_7:
0xef: {  	s2 =	sadd.s32 $0x14080, s7  }
0xf0: {  	[sflag:s21] =	ssyncadd.s32 $0xFFFFC000;
	s6 =	smov.u32 s8;
	s10 =	sadd.s32 $0x400, s8  }
0xf1: {  	[tilespmem:s26], [sflag:$0x2] =	stream.indirect.gather [hbm4b:s4+s24], $0x80, s2, s24, $0xb8;
	[tilespmem:$0x1E800] =	vst v63  }
0xf2: {  	p1 =	sne.s32 s8, $0x4800;
	_ =	swait.ge [sflag:s28], $0x4000  }
0xf3: {  	[sflag:s28] =	ssyncset.done $0x0  }
0xf4: {  	s2 =	sadd.s32 $0x15400, s7;
	[sflag:s28] =	ssyncadd.s32 $0xFFFFC000  }
0xf5: {  	[spmem:s1] =	stream.indirect.scatter.add.f32 [tilespmem:s25], [sflag:$0x3], $0x80, s2, s24, $0xb8;
	[tilespmem:$0x1E800] =	vst v63  }
0xf6: {  	_ =	swait.ge [sflag:s21], $0x4000  }
0xf7: {  	[sflag:s21] =	ssyncset.done $0x0  }
0xf8: {  	s2 =	sadd.s32 $0x14100, s7;
	[sflag:s21] =	ssyncadd.s32 $0xFFFFC000  }
0xf9: {  	[tilespmem:s25], [sflag:$0x1] =	stream.indirect.gather [hbm4b:s4+s24], $0x80, s2, s24, $0xb8;
	[tilespmem:$0x1E800] =	vst v63  }
0xfa: {  	_ =	swait.ge [sflag:s29], $0x4000  }
.Ltmp5:
0xfb: {  	[sflag:s29] =	ssyncset.done $0x0;
	(pc) =	sbr.rel @p1 .LBB2_7-.Ltmp5, $4  }
0xfc: {  	s2 =	sadd.s32 $0x15480, s7;
	[sflag:s29] =	ssyncadd.s32 $0xFFFFC000  }
0xfd: {  	[spmem:s1] =	stream.indirect.scatter.add.f32 [tilespmem:s26], [sflag:$0x3], $0x80, s2, s24, $0xb8;
	[tilespmem:$0x1E800] =	vst v63  }
0xfe: {  	_ =	swait.ge [sflag:s21], $0x4000  }
0xff: {  	s8 =	smov.u32 s10;
	s7 =	sshra.s32 s6, $0x2;
	[sflag:s21] =	ssyncset.done $0x0  }
0x100: {  	s2 =	sadd.s32 $0x14080, s7;
	[sflag:s21] =	ssyncadd.s32 $0xFFFFC000  }
0x101: {  	[tilespmem:s26], [sflag:$0x2] =	stream.indirect.gather [hbm4b:s4+s24], $0x80, s2, s24, $0xb8;
	[tilespmem:$0x1E800] =	vst v63  }
0x102: {  	_ =	swait.ge [sflag:s28], $0x4000  }
0x103: {  	[sflag:s28] =	ssyncset.done $0x0  }
0x104: {  	s10 =	sadd.s32 $0x15400, s7;
	[sflag:s28] =	ssyncadd.s32 $0xFFFFC000  }
0x105: {  	[spmem:s1] =	stream.indirect.scatter.add.f32 [tilespmem:s25], [sflag:$0x3], $0x80, s10, s24, $0xb8;
	[tilespmem:$0x1E800] =	vst v63  }
0x106: {  	_ =	swait.ge [sflag:s21], $0x4000  }
0x107: {  	[sflag:s21] =	ssyncset.done $0x0  }
0x108: {  	s6 =	sadd.s32 $0x14100, s7;
	[sflag:s21] =	ssyncadd.s32 $0xFFFFC000  }
0x109: {  	[tilespmem:s25], [sflag:$0x1] =	stream.indirect.gather [hbm4b:s4+s24], $0x80, s6, s24, $0xb8;
	[tilespmem:$0x1E800] =	vst v63  }
0x10a: {  	_ =	swait.ge [sflag:s29], $0x4000  }
0x10b: {  	[sflag:s29] =	ssyncset.done $0x0  }
0x10c: {  	s8 =	sadd.s32 $0x15480, s7;
	[sflag:s29] =	ssyncadd.s32 $0xFFFFC000  }
0x10d: {  	[spmem:s1] =	stream.indirect.scatter.add.f32 [tilespmem:s26], [sflag:$0x3], $0x80, s8, s24, $0xb8;
	[tilespmem:$0x1E800] =	vst v63  }
0x10e: {  	_ =	swait.ge [sflag:s21], $0x4000  }
0x10f: {  	[sflag:s21] =	ssyncset.done $0x0  }
0x110: {  	[sflag:s21] =	ssyncadd.s32 $0xFFFFC000  }
0x111: {  	[tilespmem:s26], [sflag:$0x2] =	stream.indirect.gather [hbm4b:s4+s24], $0x80, s30, s24, $0xb8;
	[tilespmem:$0x1E800] =	vst v63  }
0x112: {  	_ =	swait.ge [sflag:s28], $0x4000  }
0x113: {  	[sflag:s28] =	ssyncset.done $0x0  }
0x114: {  	[sflag:s28] =	ssyncadd.s32 $0xFFFFC000  }
0x115: {  	[spmem:s1] =	stream.indirect.scatter.add.f32 [tilespmem:s25], [sflag:$0x3], $0x80, s31, s24, $0xb8;
	[tilespmem:$0x1E800] =	vst v63  }
0x116: {  	_ =	swait.ge [sflag:s21], $0x4000  }
0x117: {  	[sflag:s21] =	ssyncset.done $0x0  }
0x118: {  	[sflag:s21] =	ssyncadd.s32 $0xFFFFC000  }
0x119: {  	_ =	swait.ge [sflag:s29], $0x4000  }
0x11a: {  	[sflag:s29] =	ssyncset.done $0x0  }
0x11b: {  	[sflag:s29] =	ssyncadd.s32 $0xFFFFC000  }
0x11c: {  	[spmem:s1] =	stream.indirect.scatter.add.f32 [tilespmem:s26], [sflag:$0x3], $0x80, s0, s24, $0xb8;
	[tilespmem:$0x1E800] =	vst v63  }
0x11d: {  	_ =	swait.ge [sflag:s21], $0x4000  }
0x11e: {  	[sflag:s21] =	ssyncset.done $0x0  }
0x11f: {  	s10 =	simm.s32 $0x0;
	[sflag:s21] =	ssyncadd.s32 $0xFFFFC000  }
0x120: {  	[tilespmem:s22], [sflag:$0x3] =	stream.linear.gather [hbm4b:s16+s10], $0x1400, $0x38;
	[tilespmem:$0x1E800] =	vst v63  }
0x121: {  	_ =	swait.ge [sflag:s21], $0x1400  }
0x122: {  	[sflag:s21] =	ssyncset.done $0x0  }
0x123: {  	[sflag:s21] =	ssyncadd.s32 $0xFFFFEC00  }
0x124: {  	[tilespmem:s23], [sflag:$0x3] =	stream.linear.gather [hbm4b:s17+s10], $0x1400, $0x38;
	[tilespmem:$0x1E800] =	vst v63  }
0x125: {  	_ =	swait.ge [sflag:s21], $0x1400  }
0x126: {  	[sflag:s21] =	ssyncset.done $0x0  }
0x127: {  	[sflag:s21] =	ssyncadd.s32 $0xFFFFEC00  }
0x128: {  	[tilespmem:s25], [sflag:$0x1] =	stream.indirect.gather [hbm4b:s4+s24], $0x80, s22, s24, $0xb8;
	[tilespmem:$0x1E800] =	vst v63  }
0x129: {  	s6 =	simm.s32 $0x14080  }
0x12a: {  	[tilespmem:s26], [sflag:$0x2] =	stream.indirect.gather [hbm4b:s4+s24], $0x80, s6, s24, $0xb8;
	[tilespmem:$0x1E800] =	vst v63  }
0x12b: {  	_ =	swait.ge [sflag:s28], $0x4000  }
0x12c: {  	[sflag:s28] =	ssyncset.done $0x0  }
0x12d: {  	s7 =	simm.s32 $0x15400;
	[sflag:s28] =	ssyncadd.s32 $0xFFFFC000  }
0x12e: {  	[spmem:s1] =	stream.indirect.scatter.add.f32 [tilespmem:s25], [sflag:$0x3], $0x80, s7, s24, $0xb8;
	[tilespmem:$0x1E800] =	vst v63  }
0x12f: {  	_ =	swait.ge [sflag:s21], $0x4000  }
0x130: {  	[sflag:s21] =	ssyncset.done $0x0  }
0x131: {  	s8 =	simm.s32 $0x14100;
	[sflag:s21] =	ssyncadd.s32 $0xFFFFC000  }
0x132: {  	[tilespmem:s25], [sflag:$0x1] =	stream.indirect.gather [hbm4b:s4+s24], $0x80, s8, s24, $0xb8;
	[tilespmem:$0x1E800] =	vst v63  }
0x133: {  	_ =	swait.ge [sflag:s29], $0x4000  }
0x134: {  	[sflag:s29] =	ssyncset.done $0x0  }
0x135: {  	s10 =	simm.s32 $0x15480;
	[sflag:s29] =	ssyncadd.s32 $0xFFFFC000  }
0x136: {  	[spmem:s1] =	stream.indirect.scatter.add.f32 [tilespmem:s26], [sflag:$0x3], $0x80, s10, s24, $0xb8;
	[tilespmem:$0x1E800] =	vst v63  }
0x137: {  	_ =	swait.ge [sflag:s21], $0x4000  }
0x138: {  	s7 =	simm.s32 $0x100;
	s8 =	simm.s32 $0x800;
	[sflag:s21] =	ssyncset.done $0x0  }
.LBB2_9:
0x139: {  	s2 =	sadd.s32 $0x14080, s7  }
0x13a: {  	[sflag:s21] =	ssyncadd.s32 $0xFFFFC000;
	s6 =	smov.u32 s8;
	s10 =	sadd.s32 $0x400, s8  }
0x13b: {  	[tilespmem:s26], [sflag:$0x2] =	stream.indirect.gather [hbm4b:s4+s24], $0x80, s2, s24, $0xb8;
	[tilespmem:$0x1E800] =	vst v63  }
0x13c: {  	p1 =	sne.s32 s8, $0x4800;
	_ =	swait.ge [sflag:s28], $0x4000  }
0x13d: {  	[sflag:s28] =	ssyncset.done $0x0  }
0x13e: {  	s2 =	sadd.s32 $0x15400, s7;
	[sflag:s28] =	ssyncadd.s32 $0xFFFFC000  }
0x13f: {  	[spmem:s1] =	stream.indirect.scatter.add.f32 [tilespmem:s25], [sflag:$0x3], $0x80, s2, s24, $0xb8;
	[tilespmem:$0x1E800] =	vst v63  }
0x140: {  	_ =	swait.ge [sflag:s21], $0x4000  }
0x141: {  	[sflag:s21] =	ssyncset.done $0x0  }
0x142: {  	s2 =	sadd.s32 $0x14100, s7;
	[sflag:s21] =	ssyncadd.s32 $0xFFFFC000  }
0x143: {  	[tilespmem:s25], [sflag:$0x1] =	stream.indirect.gather [hbm4b:s4+s24], $0x80, s2, s24, $0xb8;
	[tilespmem:$0x1E800] =	vst v63  }
0x144: {  	_ =	swait.ge [sflag:s29], $0x4000  }
.Ltmp6:
0x145: {  	[sflag:s29] =	ssyncset.done $0x0;
	(pc) =	sbr.rel @p1 .LBB2_9-.Ltmp6, $4  }
0x146: {  	s2 =	sadd.s32 $0x15480, s7;
	[sflag:s29] =	ssyncadd.s32 $0xFFFFC000  }
0x147: {  	[spmem:s1] =	stream.indirect.scatter.add.f32 [tilespmem:s26], [sflag:$0x3], $0x80, s2, s24, $0xb8;
	[tilespmem:$0x1E800] =	vst v63  }
0x148: {  	_ =	swait.ge [sflag:s21], $0x4000  }
0x149: {  	s8 =	smov.u32 s10;
	s7 =	sshra.s32 s6, $0x2;
	[sflag:s21] =	ssyncset.done $0x0  }
0x14a: {  	s2 =	sadd.s32 $0x14080, s7;
	[sflag:s21] =	ssyncadd.s32 $0xFFFFC000  }
0x14b: {  	[tilespmem:s26], [sflag:$0x2] =	stream.indirect.gather [hbm4b:s4+s24], $0x80, s2, s24, $0xb8;
	[tilespmem:$0x1E800] =	vst v63  }
0x14c: {  	_ =	swait.ge [sflag:s28], $0x4000  }
0x14d: {  	[sflag:s28] =	ssyncset.done $0x0  }
0x14e: {  	s6 =	sadd.s32 $0x15400, s7;
	[sflag:s28] =	ssyncadd.s32 $0xFFFFC000  }
0x14f: {  	[spmem:s1] =	stream.indirect.scatter.add.f32 [tilespmem:s25], [sflag:$0x3], $0x80, s6, s24, $0xb8;
	[tilespmem:$0x1E800] =	vst v63  }
0x150: {  	_ =	swait.ge [sflag:s21], $0x4000  }
0x151: {  	[sflag:s21] =	ssyncset.done $0x0  }
0x152: {  	s8 =	sadd.s32 $0x14100, s7;
	[sflag:s21] =	ssyncadd.s32 $0xFFFFC000  }
0x153: {  	[tilespmem:s25], [sflag:$0x1] =	stream.indirect.gather [hbm4b:s4+s24], $0x80, s8, s24, $0xb8;
	[tilespmem:$0x1E800] =	vst v63  }
0x154: {  	_ =	swait.ge [sflag:s29], $0x4000  }
0x155: {  	[sflag:s29] =	ssyncset.done $0x0  }
0x156: {  	s10 =	sadd.s32 $0x15480, s7;
	[sflag:s29] =	ssyncadd.s32 $0xFFFFC000  }
0x157: {  	[spmem:s1] =	stream.indirect.scatter.add.f32 [tilespmem:s26], [sflag:$0x3], $0x80, s10, s24, $0xb8;
	[tilespmem:$0x1E800] =	vst v63  }
.Ltmp7:
0x158: {  	_ = 	snop;
	(pc) =	sbr.rel .LBB2_20-.Ltmp7, $4  }
0x159: {  	_ =	swait.ge [sflag:s21], $0x4000  }
0x15a: {  	[sflag:s21] =	ssyncset.done $0x0  }
0x15b: {  	s7 =	rddreg [dreg:$0x5];
	[sflag:s21] =	ssyncadd.s32 $0xFFFFC000  }
0x15c: {  	[tilespmem:s26], [sflag:$0x2] =	stream.indirect.gather [hbm4b:s4+s24], $0x80, s30, s24, $0xb8;
	[tilespmem:$0x1E800] =	vst v63  }
.LBB2_11:
0x15d: {  	[tilespmem:s25], [sflag:$0x1] =	stream.indirect.gather [hbm4b:s5+s24], $0x80, s22, s24, $0xb8;
	[tilespmem:$0x1E800] =	vst v63  }
0x15e: {  	s2 =	simm.s32 $0x14080  }
0x15f: {  	[tilespmem:s26], [sflag:$0x2] =	stream.indirect.gather [hbm4b:s5+s24], $0x80, s2, s24, $0xb8;
	[tilespmem:$0x1E800] =	vst v63  }
0x160: {  	_ =	swait.ge [sflag:s28], $0x4000  }
0x161: {  	[sflag:s28] =	ssyncset.done $0x0  }
0x162: {  	s7 =	simm.s32 $0x15400;
	[sflag:s28] =	ssyncadd.s32 $0xFFFFC000  }
0x163: {  	[spmem:s1] =	stream.indirect.scatter.add.f32 [tilespmem:s25], [sflag:$0x3], $0x80, s7, s24, $0xb8;
	[tilespmem:$0x1E800] =	vst v63  }
0x164: {  	_ =	swait.ge [sflag:s21], $0x4000  }
0x165: {  	[sflag:s21] =	ssyncset.done $0x0  }
0x166: {  	s8 =	simm.s32 $0x14100;
	[sflag:s21] =	ssyncadd.s32 $0xFFFFC000  }
0x167: {  	[tilespmem:s25], [sflag:$0x1] =	stream.indirect.gather [hbm4b:s5+s24], $0x80, s8, s24, $0xb8;
	[tilespmem:$0x1E800] =	vst v63  }
0x168: {  	_ =	swait.ge [sflag:s29], $0x4000  }
0x169: {  	[sflag:s29] =	ssyncset.done $0x0  }
0x16a: {  	s10 =	simm.s32 $0x15480;
	[sflag:s29] =	ssyncadd.s32 $0xFFFFC000  }
0x16b: {  	[spmem:s1] =	stream.indirect.scatter.add.f32 [tilespmem:s26], [sflag:$0x3], $0x80, s10, s24, $0xb8;
	[tilespmem:$0x1E800] =	vst v63  }
0x16c: {  	_ =	swait.ge [sflag:s21], $0x4000  }
0x16d: {  	s7 =	simm.s32 $0x100;
	s8 =	simm.s32 $0x800;
	[sflag:s21] =	ssyncset.done $0x0  }
.LBB2_12:
0x16e: {  	s2 =	sadd.s32 $0x14080, s7  }
0x16f: {  	[sflag:s21] =	ssyncadd.s32 $0xFFFFC000;
	s6 =	smov.u32 s8;
	s10 =	sadd.s32 $0x400, s8  }
0x170: {  	[tilespmem:s26], [sflag:$0x2] =	stream.indirect.gather [hbm4b:s5+s24], $0x80, s2, s24, $0xb8;
	[tilespmem:$0x1E800] =	vst v63  }
0x171: {  	p1 =	sne.s32 s8, $0x4800;
	_ =	swait.ge [sflag:s28], $0x4000  }
0x172: {  	[sflag:s28] =	ssyncset.done $0x0  }
0x173: {  	s2 =	sadd.s32 $0x15400, s7;
	[sflag:s28] =	ssyncadd.s32 $0xFFFFC000  }
0x174: {  	[spmem:s1] =	stream.indirect.scatter.add.f32 [tilespmem:s25], [sflag:$0x3], $0x80, s2, s24, $0xb8;
	[tilespmem:$0x1E800] =	vst v63  }
0x175: {  	_ =	swait.ge [sflag:s21], $0x4000  }
0x176: {  	[sflag:s21] =	ssyncset.done $0x0  }
0x177: {  	s2 =	sadd.s32 $0x14100, s7;
	[sflag:s21] =	ssyncadd.s32 $0xFFFFC000  }
0x178: {  	[tilespmem:s25], [sflag:$0x1] =	stream.indirect.gather [hbm4b:s5+s24], $0x80, s2, s24, $0xb8;
	[tilespmem:$0x1E800] =	vst v63  }
0x179: {  	_ =	swait.ge [sflag:s29], $0x4000  }
.Ltmp8:
0x17a: {  	[sflag:s29] =	ssyncset.done $0x0;
	(pc) =	sbr.rel @p1 .LBB2_12-.Ltmp8, $4  }
0x17b: {  	s2 =	sadd.s32 $0x15480, s7;
	[sflag:s29] =	ssyncadd.s32 $0xFFFFC000  }
0x17c: {  	[spmem:s1] =	stream.indirect.scatter.add.f32 [tilespmem:s26], [sflag:$0x3], $0x80, s2, s24, $0xb8;
	[tilespmem:$0x1E800] =	vst v63  }
0x17d: {  	_ =	swait.ge [sflag:s21], $0x4000  }
0x17e: {  	s8 =	smov.u32 s10;
	s7 =	sshra.s32 s6, $0x2;
	[sflag:s21] =	ssyncset.done $0x0  }
0x17f: {  	s2 =	sadd.s32 $0x14080, s7;
	[sflag:s21] =	ssyncadd.s32 $0xFFFFC000  }
0x180: {  	[tilespmem:s26], [sflag:$0x2] =	stream.indirect.gather [hbm4b:s5+s24], $0x80, s2, s24, $0xb8;
	[tilespmem:$0x1E800] =	vst v63  }
0x181: {  	_ =	swait.ge [sflag:s28], $0x4000  }
0x182: {  	[sflag:s28] =	ssyncset.done $0x0  }
0x183: {  	s10 =	sadd.s32 $0x15400, s7;
	[sflag:s28] =	ssyncadd.s32 $0xFFFFC000  }
0x184: {  	[spmem:s1] =	stream.indirect.scatter.add.f32 [tilespmem:s25], [sflag:$0x3], $0x80, s10, s24, $0xb8;
	[tilespmem:$0x1E800] =	vst v63  }
0x185: {  	_ =	swait.ge [sflag:s21], $0x4000  }
0x186: {  	[sflag:s21] =	ssyncset.done $0x0  }
0x187: {  	s6 =	sadd.s32 $0x14100, s7;
	[sflag:s21] =	ssyncadd.s32 $0xFFFFC000  }
0x188: {  	[tilespmem:s25], [sflag:$0x1] =	stream.indirect.gather [hbm4b:s5+s24], $0x80, s6, s24, $0xb8;
	[tilespmem:$0x1E800] =	vst v63  }
0x189: {  	_ =	swait.ge [sflag:s29], $0x4000  }
0x18a: {  	[sflag:s29] =	ssyncset.done $0x0  }
0x18b: {  	s8 =	sadd.s32 $0x15480, s7;
	[sflag:s29] =	ssyncadd.s32 $0xFFFFC000  }
0x18c: {  	[spmem:s1] =	stream.indirect.scatter.add.f32 [tilespmem:s26], [sflag:$0x3], $0x80, s8, s24, $0xb8;
	[tilespmem:$0x1E800] =	vst v63  }
0x18d: {  	_ =	swait.ge [sflag:s21], $0x4000  }
0x18e: {  	[sflag:s21] =	ssyncset.done $0x0  }
0x18f: {  	[sflag:s21] =	ssyncadd.s32 $0xFFFFC000  }
0x190: {  	[tilespmem:s26], [sflag:$0x2] =	stream.indirect.gather [hbm4b:s5+s24], $0x80, s30, s24, $0xb8;
	[tilespmem:$0x1E800] =	vst v63  }
0x191: {  	_ =	swait.ge [sflag:s28], $0x4000  }
0x192: {  	[sflag:s28] =	ssyncset.done $0x0  }
0x193: {  	[sflag:s28] =	ssyncadd.s32 $0xFFFFC000  }
0x194: {  	[spmem:s1] =	stream.indirect.scatter.add.f32 [tilespmem:s25], [sflag:$0x3], $0x80, s31, s24, $0xb8;
	[tilespmem:$0x1E800] =	vst v63  }
0x195: {  	_ =	swait.ge [sflag:s21], $0x4000  }
0x196: {  	[sflag:s21] =	ssyncset.done $0x0  }
0x197: {  	[sflag:s21] =	ssyncadd.s32 $0xFFFFC000  }
0x198: {  	_ =	swait.ge [sflag:s29], $0x4000  }
0x199: {  	[sflag:s29] =	ssyncset.done $0x0  }
0x19a: {  	[sflag:s29] =	ssyncadd.s32 $0xFFFFC000  }
0x19b: {  	[spmem:s1] =	stream.indirect.scatter.add.f32 [tilespmem:s26], [sflag:$0x3], $0x80, s0, s24, $0xb8;
	[tilespmem:$0x1E800] =	vst v63  }
0x19c: {  	_ =	swait.ge [sflag:s21], $0x4000  }
0x19d: {  	[sflag:s21] =	ssyncset.done $0x0  }
0x19e: {  	s10 =	simm.s32 $0x0;
	[sflag:s21] =	ssyncadd.s32 $0xFFFFC000  }
0x19f: {  	[tilespmem:s22], [sflag:$0x3] =	stream.linear.gather [hbm4b:s12+s10], $0x1400, $0x38;
	[tilespmem:$0x1E800] =	vst v63  }
0x1a0: {  	_ =	swait.ge [sflag:s21], $0x1400  }
0x1a1: {  	[sflag:s21] =	ssyncset.done $0x0  }
0x1a2: {  	[sflag:s21] =	ssyncadd.s32 $0xFFFFEC00  }
0x1a3: {  	[tilespmem:s23], [sflag:$0x3] =	stream.linear.gather [hbm4b:s13+s10], $0x1400, $0x38;
	[tilespmem:$0x1E800] =	vst v63  }
0x1a4: {  	_ =	swait.ge [sflag:s21], $0x1400  }
0x1a5: {  	[sflag:s21] =	ssyncset.done $0x0  }
0x1a6: {  	[sflag:s21] =	ssyncadd.s32 $0xFFFFEC00  }
0x1a7: {  	[tilespmem:s25], [sflag:$0x1] =	stream.indirect.gather [hbm4b:s5+s24], $0x80, s22, s24, $0xb8;
	[tilespmem:$0x1E800] =	vst v63  }
0x1a8: {  	s6 =	simm.s32 $0x14080  }
0x1a9: {  	[tilespmem:s26], [sflag:$0x2] =	stream.indirect.gather [hbm4b:s5+s24], $0x80, s6, s24, $0xb8;
	[tilespmem:$0x1E800] =	vst v63  }
0x1aa: {  	_ =	swait.ge [sflag:s28], $0x4000  }
0x1ab: {  	[sflag:s28] =	ssyncset.done $0x0  }
0x1ac: {  	s7 =	simm.s32 $0x15400;
	[sflag:s28] =	ssyncadd.s32 $0xFFFFC000  }
0x1ad: {  	[spmem:s1] =	stream.indirect.scatter.add.f32 [tilespmem:s25], [sflag:$0x3], $0x80, s7, s24, $0xb8;
	[tilespmem:$0x1E800] =	vst v63  }
0x1ae: {  	_ =	swait.ge [sflag:s21], $0x4000  }
0x1af: {  	[sflag:s21] =	ssyncset.done $0x0  }
0x1b0: {  	s8 =	simm.s32 $0x14100;
	[sflag:s21] =	ssyncadd.s32 $0xFFFFC000  }
0x1b1: {  	[tilespmem:s25], [sflag:$0x1] =	stream.indirect.gather [hbm4b:s5+s24], $0x80, s8, s24, $0xb8;
	[tilespmem:$0x1E800] =	vst v63  }
0x1b2: {  	_ =	swait.ge [sflag:s29], $0x4000  }
0x1b3: {  	[sflag:s29] =	ssyncset.done $0x0  }
0x1b4: {  	s10 =	simm.s32 $0x15480;
	[sflag:s29] =	ssyncadd.s32 $0xFFFFC000  }
0x1b5: {  	[spmem:s1] =	stream.indirect.scatter.add.f32 [tilespmem:s26], [sflag:$0x3], $0x80, s10, s24, $0xb8;
	[tilespmem:$0x1E800] =	vst v63  }
0x1b6: {  	_ =	swait.ge [sflag:s21], $0x4000  }
0x1b7: {  	s7 =	simm.s32 $0x100;
	s8 =	simm.s32 $0x800;
	[sflag:s21] =	ssyncset.done $0x0  }
.LBB2_14:
0x1b8: {  	s2 =	sadd.s32 $0x14080, s7  }
0x1b9: {  	[sflag:s21] =	ssyncadd.s32 $0xFFFFC000;
	s6 =	smov.u32 s8;
	s10 =	sadd.s32 $0x400, s8  }
0x1ba: {  	[tilespmem:s26], [sflag:$0x2] =	stream.indirect.gather [hbm4b:s5+s24], $0x80, s2, s24, $0xb8;
	[tilespmem:$0x1E800] =	vst v63  }
0x1bb: {  	p1 =	sne.s32 s8, $0x4800;
	_ =	swait.ge [sflag:s28], $0x4000  }
0x1bc: {  	[sflag:s28] =	ssyncset.done $0x0  }
0x1bd: {  	s2 =	sadd.s32 $0x15400, s7;
	[sflag:s28] =	ssyncadd.s32 $0xFFFFC000  }
0x1be: {  	[spmem:s1] =	stream.indirect.scatter.add.f32 [tilespmem:s25], [sflag:$0x3], $0x80, s2, s24, $0xb8;
	[tilespmem:$0x1E800] =	vst v63  }
0x1bf: {  	_ =	swait.ge [sflag:s21], $0x4000  }
0x1c0: {  	[sflag:s21] =	ssyncset.done $0x0  }
0x1c1: {  	s2 =	sadd.s32 $0x14100, s7;
	[sflag:s21] =	ssyncadd.s32 $0xFFFFC000  }
0x1c2: {  	[tilespmem:s25], [sflag:$0x1] =	stream.indirect.gather [hbm4b:s5+s24], $0x80, s2, s24, $0xb8;
	[tilespmem:$0x1E800] =	vst v63  }
0x1c3: {  	_ =	swait.ge [sflag:s29], $0x4000  }
.Ltmp9:
0x1c4: {  	[sflag:s29] =	ssyncset.done $0x0;
	(pc) =	sbr.rel @p1 .LBB2_14-.Ltmp9, $4  }
0x1c5: {  	s2 =	sadd.s32 $0x15480, s7;
	[sflag:s29] =	ssyncadd.s32 $0xFFFFC000  }
0x1c6: {  	[spmem:s1] =	stream.indirect.scatter.add.f32 [tilespmem:s26], [sflag:$0x3], $0x80, s2, s24, $0xb8;
	[tilespmem:$0x1E800] =	vst v63  }
0x1c7: {  	_ =	swait.ge [sflag:s21], $0x4000  }
0x1c8: {  	s8 =	smov.u32 s10;
	s7 =	sshra.s32 s6, $0x2;
	[sflag:s21] =	ssyncset.done $0x0  }
0x1c9: {  	s2 =	sadd.s32 $0x14080, s7;
	[sflag:s21] =	ssyncadd.s32 $0xFFFFC000  }
0x1ca: {  	[tilespmem:s26], [sflag:$0x2] =	stream.indirect.gather [hbm4b:s5+s24], $0x80, s2, s24, $0xb8;
	[tilespmem:$0x1E800] =	vst v63  }
0x1cb: {  	_ =	swait.ge [sflag:s28], $0x4000  }
0x1cc: {  	[sflag:s28] =	ssyncset.done $0x0  }
0x1cd: {  	s10 =	sadd.s32 $0x15400, s7;
	[sflag:s28] =	ssyncadd.s32 $0xFFFFC000  }
0x1ce: {  	[spmem:s1] =	stream.indirect.scatter.add.f32 [tilespmem:s25], [sflag:$0x3], $0x80, s10, s24, $0xb8;
	[tilespmem:$0x1E800] =	vst v63  }
0x1cf: {  	_ =	swait.ge [sflag:s21], $0x4000  }
0x1d0: {  	[sflag:s21] =	ssyncset.done $0x0  }
0x1d1: {  	s6 =	sadd.s32 $0x14100, s7;
	[sflag:s21] =	ssyncadd.s32 $0xFFFFC000  }
0x1d2: {  	[tilespmem:s25], [sflag:$0x1] =	stream.indirect.gather [hbm4b:s5+s24], $0x80, s6, s24, $0xb8;
	[tilespmem:$0x1E800] =	vst v63  }
0x1d3: {  	_ =	swait.ge [sflag:s29], $0x4000  }
0x1d4: {  	[sflag:s29] =	ssyncset.done $0x0  }
0x1d5: {  	s8 =	sadd.s32 $0x15480, s7;
	[sflag:s29] =	ssyncadd.s32 $0xFFFFC000  }
0x1d6: {  	[spmem:s1] =	stream.indirect.scatter.add.f32 [tilespmem:s26], [sflag:$0x3], $0x80, s8, s24, $0xb8;
	[tilespmem:$0x1E800] =	vst v63  }
0x1d7: {  	_ =	swait.ge [sflag:s21], $0x4000  }
0x1d8: {  	[sflag:s21] =	ssyncset.done $0x0  }
0x1d9: {  	[sflag:s21] =	ssyncadd.s32 $0xFFFFC000  }
0x1da: {  	[tilespmem:s26], [sflag:$0x2] =	stream.indirect.gather [hbm4b:s5+s24], $0x80, s30, s24, $0xb8;
	[tilespmem:$0x1E800] =	vst v63  }
0x1db: {  	_ =	swait.ge [sflag:s28], $0x4000  }
0x1dc: {  	[sflag:s28] =	ssyncset.done $0x0  }
0x1dd: {  	[sflag:s28] =	ssyncadd.s32 $0xFFFFC000  }
0x1de: {  	[spmem:s1] =	stream.indirect.scatter.add.f32 [tilespmem:s25], [sflag:$0x3], $0x80, s31, s24, $0xb8;
	[tilespmem:$0x1E800] =	vst v63  }
0x1df: {  	_ =	swait.ge [sflag:s21], $0x4000  }
0x1e0: {  	[sflag:s21] =	ssyncset.done $0x0  }
0x1e1: {  	[sflag:s21] =	ssyncadd.s32 $0xFFFFC000  }
0x1e2: {  	_ =	swait.ge [sflag:s29], $0x4000  }
0x1e3: {  	[sflag:s29] =	ssyncset.done $0x0  }
0x1e4: {  	[sflag:s29] =	ssyncadd.s32 $0xFFFFC000  }
0x1e5: {  	[spmem:s1] =	stream.indirect.scatter.add.f32 [tilespmem:s26], [sflag:$0x3], $0x80, s0, s24, $0xb8;
	[tilespmem:$0x1E800] =	vst v63  }
0x1e6: {  	_ =	swait.ge [sflag:s21], $0x4000  }
0x1e7: {  	[sflag:s21] =	ssyncset.done $0x0  }
0x1e8: {  	s10 =	simm.s32 $0x0;
	[sflag:s21] =	ssyncadd.s32 $0xFFFFC000  }
0x1e9: {  	[tilespmem:s22], [sflag:$0x3] =	stream.linear.gather [hbm4b:s14+s10], $0x1400, $0x38;
	[tilespmem:$0x1E800] =	vst v63  }
0x1ea: {  	_ =	swait.ge [sflag:s21], $0x1400  }
0x1eb: {  	[sflag:s21] =	ssyncset.done $0x0  }
0x1ec: {  	[sflag:s21] =	ssyncadd.s32 $0xFFFFEC00  }
0x1ed: {  	[tilespmem:s23], [sflag:$0x3] =	stream.linear.gather [hbm4b:s15+s10], $0x1400, $0x38;
	[tilespmem:$0x1E800] =	vst v63  }
0x1ee: {  	_ =	swait.ge [sflag:s21], $0x1400  }
0x1ef: {  	[sflag:s21] =	ssyncset.done $0x0  }
0x1f0: {  	[sflag:s21] =	ssyncadd.s32 $0xFFFFEC00  }
0x1f1: {  	[tilespmem:s25], [sflag:$0x1] =	stream.indirect.gather [hbm4b:s5+s24], $0x80, s22, s24, $0xb8;
	[tilespmem:$0x1E800] =	vst v63  }
0x1f2: {  	s6 =	simm.s32 $0x14080  }
0x1f3: {  	[tilespmem:s26], [sflag:$0x2] =	stream.indirect.gather [hbm4b:s5+s24], $0x80, s6, s24, $0xb8;
	[tilespmem:$0x1E800] =	vst v63  }
0x1f4: {  	_ =	swait.ge [sflag:s28], $0x4000  }
0x1f5: {  	[sflag:s28] =	ssyncset.done $0x0  }
0x1f6: {  	s7 =	simm.s32 $0x15400;
	[sflag:s28] =	ssyncadd.s32 $0xFFFFC000  }
0x1f7: {  	[spmem:s1] =	stream.indirect.scatter.add.f32 [tilespmem:s25], [sflag:$0x3], $0x80, s7, s24, $0xb8;
	[tilespmem:$0x1E800] =	vst v63  }
0x1f8: {  	_ =	swait.ge [sflag:s21], $0x4000  }
0x1f9: {  	[sflag:s21] =	ssyncset.done $0x0  }
0x1fa: {  	s8 =	simm.s32 $0x14100;
	[sflag:s21] =	ssyncadd.s32 $0xFFFFC000  }
0x1fb: {  	[tilespmem:s25], [sflag:$0x1] =	stream.indirect.gather [hbm4b:s5+s24], $0x80, s8, s24, $0xb8;
	[tilespmem:$0x1E800] =	vst v63  }
0x1fc: {  	_ =	swait.ge [sflag:s29], $0x4000  }
0x1fd: {  	[sflag:s29] =	ssyncset.done $0x0  }
0x1fe: {  	s10 =	simm.s32 $0x15480;
	[sflag:s29] =	ssyncadd.s32 $0xFFFFC000  }
0x1ff: {  	[spmem:s1] =	stream.indirect.scatter.add.f32 [tilespmem:s26], [sflag:$0x3], $0x80, s10, s24, $0xb8;
	[tilespmem:$0x1E800] =	vst v63  }
0x200: {  	_ =	swait.ge [sflag:s21], $0x4000  }
0x201: {  	s7 =	simm.s32 $0x100;
	s8 =	simm.s32 $0x800;
	[sflag:s21] =	ssyncset.done $0x0  }
.LBB2_16:
0x202: {  	s2 =	sadd.s32 $0x14080, s7  }
0x203: {  	[sflag:s21] =	ssyncadd.s32 $0xFFFFC000;
	s6 =	smov.u32 s8;
	s10 =	sadd.s32 $0x400, s8  }
0x204: {  	[tilespmem:s26], [sflag:$0x2] =	stream.indirect.gather [hbm4b:s5+s24], $0x80, s2, s24, $0xb8;
	[tilespmem:$0x1E800] =	vst v63  }
0x205: {  	p1 =	sne.s32 s8, $0x4800;
	_ =	swait.ge [sflag:s28], $0x4000  }
0x206: {  	[sflag:s28] =	ssyncset.done $0x0  }
0x207: {  	s2 =	sadd.s32 $0x15400, s7;
	[sflag:s28] =	ssyncadd.s32 $0xFFFFC000  }
0x208: {  	[spmem:s1] =	stream.indirect.scatter.add.f32 [tilespmem:s25], [sflag:$0x3], $0x80, s2, s24, $0xb8;
	[tilespmem:$0x1E800] =	vst v63  }
0x209: {  	_ =	swait.ge [sflag:s21], $0x4000  }
0x20a: {  	[sflag:s21] =	ssyncset.done $0x0  }
0x20b: {  	s2 =	sadd.s32 $0x14100, s7;
	[sflag:s21] =	ssyncadd.s32 $0xFFFFC000  }
0x20c: {  	[tilespmem:s25], [sflag:$0x1] =	stream.indirect.gather [hbm4b:s5+s24], $0x80, s2, s24, $0xb8;
	[tilespmem:$0x1E800] =	vst v63  }
0x20d: {  	_ =	swait.ge [sflag:s29], $0x4000  }
.Ltmp10:
0x20e: {  	[sflag:s29] =	ssyncset.done $0x0;
	(pc) =	sbr.rel @p1 .LBB2_16-.Ltmp10, $4  }
0x20f: {  	s2 =	sadd.s32 $0x15480, s7;
	[sflag:s29] =	ssyncadd.s32 $0xFFFFC000  }
0x210: {  	[spmem:s1] =	stream.indirect.scatter.add.f32 [tilespmem:s26], [sflag:$0x3], $0x80, s2, s24, $0xb8;
	[tilespmem:$0x1E800] =	vst v63  }
0x211: {  	_ =	swait.ge [sflag:s21], $0x4000  }
0x212: {  	s8 =	smov.u32 s10;
	s7 =	sshra.s32 s6, $0x2;
	[sflag:s21] =	ssyncset.done $0x0  }
0x213: {  	s2 =	sadd.s32 $0x14080, s7;
	[sflag:s21] =	ssyncadd.s32 $0xFFFFC000  }
0x214: {  	[tilespmem:s26], [sflag:$0x2] =	stream.indirect.gather [hbm4b:s5+s24], $0x80, s2, s24, $0xb8;
	[tilespmem:$0x1E800] =	vst v63  }
0x215: {  	_ =	swait.ge [sflag:s28], $0x4000  }
0x216: {  	[sflag:s28] =	ssyncset.done $0x0  }
0x217: {  	s10 =	sadd.s32 $0x15400, s7;
	[sflag:s28] =	ssyncadd.s32 $0xFFFFC000  }
0x218: {  	[spmem:s1] =	stream.indirect.scatter.add.f32 [tilespmem:s25], [sflag:$0x3], $0x80, s10, s24, $0xb8;
	[tilespmem:$0x1E800] =	vst v63  }
0x219: {  	_ =	swait.ge [sflag:s21], $0x4000  }
0x21a: {  	[sflag:s21] =	ssyncset.done $0x0  }
0x21b: {  	s6 =	sadd.s32 $0x14100, s7;
	[sflag:s21] =	ssyncadd.s32 $0xFFFFC000  }
0x21c: {  	[tilespmem:s25], [sflag:$0x1] =	stream.indirect.gather [hbm4b:s5+s24], $0x80, s6, s24, $0xb8;
	[tilespmem:$0x1E800] =	vst v63  }
0x21d: {  	_ =	swait.ge [sflag:s29], $0x4000  }
0x21e: {  	[sflag:s29] =	ssyncset.done $0x0  }
0x21f: {  	s8 =	sadd.s32 $0x15480, s7;
	[sflag:s29] =	ssyncadd.s32 $0xFFFFC000  }
0x220: {  	[spmem:s1] =	stream.indirect.scatter.add.f32 [tilespmem:s26], [sflag:$0x3], $0x80, s8, s24, $0xb8;
	[tilespmem:$0x1E800] =	vst v63  }
0x221: {  	_ =	swait.ge [sflag:s21], $0x4000  }
0x222: {  	[sflag:s21] =	ssyncset.done $0x0  }
0x223: {  	[sflag:s21] =	ssyncadd.s32 $0xFFFFC000  }
0x224: {  	[tilespmem:s26], [sflag:$0x2] =	stream.indirect.gather [hbm4b:s5+s24], $0x80, s30, s24, $0xb8;
	[tilespmem:$0x1E800] =	vst v63  }
0x225: {  	_ =	swait.ge [sflag:s28], $0x4000  }
0x226: {  	[sflag:s28] =	ssyncset.done $0x0  }
0x227: {  	[sflag:s28] =	ssyncadd.s32 $0xFFFFC000  }
0x228: {  	[spmem:s1] =	stream.indirect.scatter.add.f32 [tilespmem:s25], [sflag:$0x3], $0x80, s31, s24, $0xb8;
	[tilespmem:$0x1E800] =	vst v63  }
0x229: {  	_ =	swait.ge [sflag:s21], $0x4000  }
0x22a: {  	[sflag:s21] =	ssyncset.done $0x0  }
0x22b: {  	[sflag:s21] =	ssyncadd.s32 $0xFFFFC000  }
0x22c: {  	_ =	swait.ge [sflag:s29], $0x4000  }
0x22d: {  	[sflag:s29] =	ssyncset.done $0x0  }
0x22e: {  	[sflag:s29] =	ssyncadd.s32 $0xFFFFC000  }
0x22f: {  	[spmem:s1] =	stream.indirect.scatter.add.f32 [tilespmem:s26], [sflag:$0x3], $0x80, s0, s24, $0xb8;
	[tilespmem:$0x1E800] =	vst v63  }
0x230: {  	_ =	swait.ge [sflag:s21], $0x4000  }
0x231: {  	[sflag:s21] =	ssyncset.done $0x0  }
0x232: {  	s10 =	simm.s32 $0x0;
	[sflag:s21] =	ssyncadd.s32 $0xFFFFC000  }
0x233: {  	[tilespmem:s22], [sflag:$0x3] =	stream.linear.gather [hbm4b:s16+s10], $0x1400, $0x38;
	[tilespmem:$0x1E800] =	vst v63  }
0x234: {  	_ =	swait.ge [sflag:s21], $0x1400  }
0x235: {  	[sflag:s21] =	ssyncset.done $0x0  }
0x236: {  	[sflag:s21] =	ssyncadd.s32 $0xFFFFEC00  }
0x237: {  	[tilespmem:s23], [sflag:$0x3] =	stream.linear.gather [hbm4b:s17+s10], $0x1400, $0x38;
	[tilespmem:$0x1E800] =	vst v63  }
0x238: {  	_ =	swait.ge [sflag:s21], $0x1400  }
0x239: {  	[sflag:s21] =	ssyncset.done $0x0  }
0x23a: {  	[sflag:s21] =	ssyncadd.s32 $0xFFFFEC00  }
0x23b: {  	[tilespmem:s25], [sflag:$0x1] =	stream.indirect.gather [hbm4b:s5+s24], $0x80, s22, s24, $0xb8;
	[tilespmem:$0x1E800] =	vst v63  }
0x23c: {  	s6 =	simm.s32 $0x14080  }
0x23d: {  	[tilespmem:s26], [sflag:$0x2] =	stream.indirect.gather [hbm4b:s5+s24], $0x80, s6, s24, $0xb8;
	[tilespmem:$0x1E800] =	vst v63  }
0x23e: {  	_ =	swait.ge [sflag:s28], $0x4000  }
0x23f: {  	[sflag:s28] =	ssyncset.done $0x0  }
0x240: {  	s7 =	simm.s32 $0x15400;
	[sflag:s28] =	ssyncadd.s32 $0xFFFFC000  }
0x241: {  	[spmem:s1] =	stream.indirect.scatter.add.f32 [tilespmem:s25], [sflag:$0x3], $0x80, s7, s24, $0xb8;
	[tilespmem:$0x1E800] =	vst v63  }
0x242: {  	_ =	swait.ge [sflag:s21], $0x4000  }
0x243: {  	[sflag:s21] =	ssyncset.done $0x0  }
0x244: {  	s8 =	simm.s32 $0x14100;
	[sflag:s21] =	ssyncadd.s32 $0xFFFFC000  }
0x245: {  	[tilespmem:s25], [sflag:$0x1] =	stream.indirect.gather [hbm4b:s5+s24], $0x80, s8, s24, $0xb8;
	[tilespmem:$0x1E800] =	vst v63  }
0x246: {  	_ =	swait.ge [sflag:s29], $0x4000  }
0x247: {  	[sflag:s29] =	ssyncset.done $0x0  }
0x248: {  	s10 =	simm.s32 $0x15480;
	[sflag:s29] =	ssyncadd.s32 $0xFFFFC000  }
0x249: {  	[spmem:s1] =	stream.indirect.scatter.add.f32 [tilespmem:s26], [sflag:$0x3], $0x80, s10, s24, $0xb8;
	[tilespmem:$0x1E800] =	vst v63  }
0x24a: {  	_ =	swait.ge [sflag:s21], $0x4000  }
0x24b: {  	s7 =	simm.s32 $0x100;
	s8 =	simm.s32 $0x800;
	[sflag:s21] =	ssyncset.done $0x0  }
.LBB2_18:
0x24c: {  	s2 =	sadd.s32 $0x14080, s7  }
0x24d: {  	[sflag:s21] =	ssyncadd.s32 $0xFFFFC000;
	s6 =	smov.u32 s8;
	s10 =	sadd.s32 $0x400, s8  }
0x24e: {  	[tilespmem:s26], [sflag:$0x2] =	stream.indirect.gather [hbm4b:s5+s24], $0x80, s2, s24, $0xb8;
	[tilespmem:$0x1E800] =	vst v63  }
0x24f: {  	p1 =	sne.s32 s8, $0x4800;
	_ =	swait.ge [sflag:s28], $0x4000  }
0x250: {  	[sflag:s28] =	ssyncset.done $0x0  }
0x251: {  	s2 =	sadd.s32 $0x15400, s7;
	[sflag:s28] =	ssyncadd.s32 $0xFFFFC000  }
0x252: {  	[spmem:s1] =	stream.indirect.scatter.add.f32 [tilespmem:s25], [sflag:$0x3], $0x80, s2, s24, $0xb8;
	[tilespmem:$0x1E800] =	vst v63  }
0x253: {  	_ =	swait.ge [sflag:s21], $0x4000  }
0x254: {  	[sflag:s21] =	ssyncset.done $0x0  }
0x255: {  	s2 =	sadd.s32 $0x14100, s7;
	[sflag:s21] =	ssyncadd.s32 $0xFFFFC000  }
0x256: {  	[tilespmem:s25], [sflag:$0x1] =	stream.indirect.gather [hbm4b:s5+s24], $0x80, s2, s24, $0xb8;
	[tilespmem:$0x1E800] =	vst v63  }
0x257: {  	_ =	swait.ge [sflag:s29], $0x4000  }
.Ltmp11:
0x258: {  	[sflag:s29] =	ssyncset.done $0x0;
	(pc) =	sbr.rel @p1 .LBB2_18-.Ltmp11, $4  }
0x259: {  	s2 =	sadd.s32 $0x15480, s7;
	[sflag:s29] =	ssyncadd.s32 $0xFFFFC000  }
0x25a: {  	[spmem:s1] =	stream.indirect.scatter.add.f32 [tilespmem:s26], [sflag:$0x3], $0x80, s2, s24, $0xb8;
	[tilespmem:$0x1E800] =	vst v63  }
0x25b: {  	_ =	swait.ge [sflag:s21], $0x4000  }
0x25c: {  	s8 =	smov.u32 s10;
	s7 =	sshra.s32 s6, $0x2;
	[sflag:s21] =	ssyncset.done $0x0  }
.Ltmp12:
0x25d: {  	_ = 	snop;
	(pc) =	sbr.rel .LBB2_19-.Ltmp12, $1  }
0x25e: {  	_ =	sdelay $0x3  }
.LBB2_21:
0x25f: {  	_ =	sfence.sel $0x180000  }
0x260: {  	[bflag:$0x0] =	sbarrier.arrive $0xFFFF  }
0x261: {  	_ =	strace $0x9000004A  }
0x262: {  	s0 =	stileid.u32;
	[bflag:$0x2] =	sbarrier.arrive $0xFFFF  }
0x263: {  	p0 =	sne.s32 s0, $0x0;
	s0 =	rddreg [dreg:$0x3]  }
0x264: {  	s0 =	sadd.s32 @!p0 $0x100000, s0  }
0x265: {  	[sflag:s0] =	ssyncadd.tile.s32 @!p0 $0x1;
	_ =	shalt  }
.Lfunc_end2:
_tile_overlayer_lowered:
.L_overlay_start_2:
0x266: {  	(tag) =	ssettag $0x2  }
0x267: {  	s0 =	rddreg [dreg:$0x0];
	s2 =	stileid.u32  }
0x268: {  	s1 =	rddreg [dreg:$0x1];
	p0 =	sne.s32 s2, $0x0  }
0x269: {  	s3 =	rddreg [dreg:$0x2];
	[bflag:$0x3] =	sbarrier.arrive $0xFFFF;
	s2 =	simm.s32 @!p0 $0x1C03  }
0x26a: {  	[timem:s3], [sflag:s2] =	dma.local @!p0 [hbm:s0], s1  }
0x26b: {  	s0 =	simm.s32 @!p0 $0x3  }
0x26c: {  	_ =	swait.ge @!p0 [sflag:s0], s1  }
0x26d: {  	s1 =	ssub.s32 @!p0 $0x0, s1;
	[sflag:s0] =	ssyncset.done @!p0 $0x0  }
0x26e: {  	[sflag:s0] =	ssyncadd.s32 @!p0 s1  }
0x26f: {  	[bflag:$0x3] =	sbarrier.arrive $0xFFFF  }
0x270: {  	_ =	shalt  }

// kernel: kernel.14.cloned.1.call-start
scs
__scs_entry_jumppad:
0x0: {  	(pc) =	sbr.rel $0x88, $3  }
0x1: {  	(tag) =	ssettag $0x0;
	lr =	simm.s32 $0x1  }
0x2: {  	[smem:$0x3F9B] =	sst lr;
	_ =	strace $0xD0000000  }
0x3: {  	_ = 	snop  }
0x4: {  	_ = 	snop  }
0x5: {  	_ = 	snop  }
0x6: {  	_ = 	snop  }
0x7: {  	_ = 	snop  }
__scs_overlays_trampoline_lowered:
0x8: {  	[smem:$0x3FAA] =	sst s0  }
0x9: {  	[smem:$0x3FAB] =	sst s1  }
0xa: {  	[smem:$0x3FAC] =	sst s2  }
0xb: {  	[smem:$0x3FAD] =	sst s3  }
0xc: {  	[smem:$0x3FAE] =	sst s4  }
0xd: {  	[smem:$0x3FAF] =	sst s5  }
0xe: {  	[smem:$0x3FB0] =	sst s6  }
0xf: {  	[smem:$0x3FB1] =	sst s7  }
0x10: {  	[smem:$0x3FB2] =	sst s8  }
0x11: {  	[smem:$0x3FB3] =	sst s9;
	s0 =	simm.s32 @!p0 $0x0  }
0x12: {  	s1 =	sld [smem:$0x3F99];
	s0 =	simm.s32 @p0 $0x1  }
0x13: {  	[smem:$0x3FB4] =	sst s0;
	s0 =	simm.s32 @!p1 $0x0  }
0x14: {  	s2 =	sld [smem:$0x3F98];
	s0 =	simm.s32 @p1 $0x1  }
0x15: {  	[smem:$0x3FB5] =	sst s0;
	s0 =	simm.s32 @!p2 $0x0  }
0x16: {  	s3 =	sld [smem:$0x3FDB];
	s0 =	simm.s32 @p2 $0x1  }
0x17: {  	s4 =	simm.s32 $0x1BF5;
	[smem:$0x3FB7] =	sst s0  }
0x18: {  	s0 =	sld [smem:$0x3F9A];
	_ =	swait.ge [sflag:s4], $0x0  }
0x19: {  	s7 =	sld [smem:$0x3F9B]  }
0x1a: {  	s8 =	sadd.s32 $0xFFFFE003, lr  }
0x1b: {  	s9 =	sadd.s32 $0xFFFFFEF7, lr;
	s5 =	simm.s32 $0xFFFFFFFF;
	p2 =	slt.u32 s8, $0xFFFFF086  }
0x1c: {  	p1 =	slt.u32 s9, $0xF7A;
	s5 =	simm.s32 @!p2 $0x0  }
0x1d: {  	s5 =	simm.s32 @p1 $0x1;
	p0 =	seq.s32 s7, s2  }
0x1e: {  	s7 =	smul.u32 @!p0 $0xF7A, s2;
	p2 =	seq.s32 @!p0 s5, $0x0  }
0x1f: {  	s9 =	smul.u32 $0xF7A, s1;
	s8 =	simm.s32 @!p0 $0x1BF5;
	p2 =	por !p2, p0  }
0x20: {  	[sflag:s8] =	ssyncset.s32 @!p0 $0xFFFFF086;
	s6 =	sadd.s32 @!p0 s3, s7;
	s7 =	simm.s32 @!p0 $0x108  }
0x21: {  	s3 =	sadd.s32 s3, s9;
	s6 =	sadd.s32 @!p0 $0x88, s6;
	s7 =	simm.s32 @p2 $0x1082  }
0x22: {  	[simem:s7], [sflag:s8] =	dma.local @!p0 [hbm:s6], $0xF7A  }
0x23: {  	s9 =	sor.u32 $0xD0000000, s2;
	s6 =	simm.s32 $0x108;
	_ =	swait.ge @!p0 [sflag:s8], $0x0  }
0x24: {  	s3 =	sadd.s32 $0x88, s3;
	s6 =	simm.s32 @!p1 $0x1082;
	[sflag:s4] =	ssyncset.s32 $0xFFFFF086  }
0x25: {  	[simem:s6], [sflag:s4] =	dma.local [hbm:s3], $0xF7A  }
0x26: {  	[smem:$0x3F9B] =	sst s1;
	(tag) =	ssettag s2;
	_ =	strace s9  }
0x27: {  	s1 =	sld [smem:$0x3FAB]  }
0x28: {  	s2 =	sld [smem:$0x3FAC]  }
0x29: {  	s4 =	sld [smem:$0x3FAE]  }
0x2a: {  	p0 =	seq.s32 s5, $0x0;
	s5 =	sld [smem:$0x3FAF]  }
0x2b: {  	s6 =	sld [smem:$0x3FB0]  }
0x2c: {  	s7 =	sld [smem:$0x3FB1]  }
0x2d: {  	s3 =	simm.s32 $0x108;
	s8 =	sld [smem:$0x3FB2]  }
0x2e: {  	s3 =	simm.s32 @!p0 $0x1082;
	s9 =	sld [smem:$0x3FB3]  }
0x2f: {  	lr =	sadd.s32 s0, s3;
	s0 =	sld [smem:$0x3FAA]  }
0x30: {  	s3 =	sld [smem:$0x3FAD]  }
0x31: {  	[smem:$0x3FB6] =	sst s10  }
0x32: {  	s10 =	sld [smem:$0x3FB4];
	_ =	sdelay $0x3  }
0x33: {  	p0 =	seq.s32 s10, $0x1;
	s10 =	sld [smem:$0x3FB6];
	_ =	sdelay $0x3  }
0x34: {  	[smem:$0x3FB6] =	sst s10  }
0x35: {  	s10 =	sld [smem:$0x3FB5];
	_ =	sdelay $0x3  }
0x36: {  	p1 =	seq.s32 s10, $0x1;
	s10 =	sld [smem:$0x3FB6];
	_ =	sdelay $0x3  }
0x37: {  	[smem:$0x3FB6] =	sst s10  }
0x38: {  	s10 =	sld [smem:$0x3FB7]  }
0x39: {  	_ = 	snop;
	(pc) =	sbr.ind lr, $3  }
0x3a: {  	_ = 	snop  }
0x3b: {  	_ = 	snop  }
0x3c: {  	p2 =	seq.s32 s10, $0x1;
	s10 =	sld [smem:$0x3FB6]  }
0x3d: {  	_ =	shalt  }
0x3e: {  	_ =	shalt  }
0x3f: {  	_ =	shalt  }
0x40: {  	_ =	shalt  }
0x41: {  	_ =	shalt  }
0x42: {  	_ =	shalt  }
0x43: {  	_ =	shalt  }
0x44: {  	_ =	shalt  }
0x45: {  	_ =	shalt  }
0x46: {  	_ =	shalt  }
0x47: {  	_ =	shalt  }
0x48: {  	_ =	shalt  }
0x49: {  	_ =	shalt  }
0x4a: {  	_ =	shalt  }
0x4b: {  	_ =	shalt  }
0x4c: {  	_ =	shalt  }
0x4d: {  	_ =	shalt  }
0x4e: {  	_ =	shalt  }
0x4f: {  	_ =	shalt  }
0x50: {  	_ =	shalt  }
0x51: {  	_ =	shalt  }
0x52: {  	_ =	shalt  }
0x53: {  	_ =	shalt  }
0x54: {  	_ =	shalt  }
0x55: {  	_ =	shalt  }
0x56: {  	_ =	shalt  }
0x57: {  	_ =	shalt  }
0x58: {  	_ =	shalt  }
0x59: {  	_ =	shalt  }
0x5a: {  	_ =	shalt  }
0x5b: {  	_ =	shalt  }
0x5c: {  	_ =	shalt  }
0x5d: {  	_ =	shalt  }
0x5e: {  	_ =	shalt  }
0x5f: {  	_ =	shalt  }
0x60: {  	_ =	shalt  }
0x61: {  	_ =	shalt  }
0x62: {  	_ =	shalt  }
0x63: {  	_ =	shalt  }
0x64: {  	_ =	shalt  }
0x65: {  	_ =	shalt  }
0x66: {  	_ =	shalt  }
0x67: {  	_ =	shalt  }
0x68: {  	_ =	shalt  }
0x69: {  	_ =	shalt  }
0x6a: {  	_ =	shalt  }
0x6b: {  	_ =	shalt  }
0x6c: {  	_ =	shalt  }
0x6d: {  	_ =	shalt  }
0x6e: {  	_ =	shalt  }
0x6f: {  	_ =	shalt  }
0x70: {  	_ =	shalt  }
0x71: {  	_ =	shalt  }
0x72: {  	_ =	shalt  }
0x73: {  	_ =	shalt  }
0x74: {  	_ =	shalt  }
0x75: {  	_ =	shalt  }
0x76: {  	_ =	shalt  }
0x77: {  	_ =	shalt  }
0x78: {  	_ =	shalt  }
0x79: {  	_ =	shalt  }
0x7a: {  	_ =	shalt  }
0x7b: {  	_ =	shalt  }
0x7c: {  	_ =	shalt  }
0x7d: {  	_ =	shalt  }
0x7e: {  	_ =	shalt  }
0x7f: {  	_ =	shalt  }
0x80: {  	_ =	shalt  }
0x81: {  	_ =	shalt  }
0x82: {  	_ =	shalt  }
0x83: {  	_ =	shalt  }
0x84: {  	_ =	shalt  }
0x85: {  	_ =	shalt  }
0x86: {  	_ =	shalt  }
0x87: {  	_ =	shalt  }
.Lfunc_end0:
.L_simem_size_0:
called_computation.2_lowered:
.L_overlay_start_0:
0x88: {  	s2 =	sld [smem:$0x3FD9]  }
0x89: {  	s3 =	sld [smem:$0x3FFE];
	_ =	sdelay $0x1  }
0x8a: {  	s1 =	srdreg.scid  }
0x8b: {  	s0 =	sand.u32 $0x1, s1  }
0x8c: {  	s17 =	sshll.u32 s0, $0xA;
	s2 =	sadd.s32 s3, s2  }
0x8d: {  	s2 =	sadd.s32 s2, s17  }
0x8e: {  	[smem:$0x3FC2] =	sst s2  }
0x8f: {  	_ = 	snop  }
0x90: {  	s2 =	sld [smem:$0x3FD0];
	(tm) =	ssettm $0x1  }
0x91: {  	s18 =	sld [smem:$0x3FFB];
	_ =	sdelay $0x3  }
0x92: {  	_ =	strace s18  }
0x93: {  	s3 =	sld [smem:$0x3FFC];
	_ =	sdelay $0x3  }
0x94: {  	_ =	strace s3  }
0x95: {  	s3 =	sld [smem:$0x3FFD];
	_ =	sdelay $0x3  }
0x96: {  	_ =	strace s3  }
0x97: {  	_ =	strace $0x8FFFFFFF  }
0x98: {  	s19 =	sld [smem:$0x3FDB];
	_ =	sdelay $0x1  }
0x99: {  	s4 =	simm.s32 $_scs_section_size  }
0x9a: {  	s5 =	simm.s32 $_size__tile_overlayer_lowered;
	s6 =	simm.s32 $_tile_overlayer_lowered  }
0x9b: {  	s22 =	simm.s32 $0x1BFF;
	s21 =	sshll.u32 s6, $0x1;
	s3 =	sadd.s32 s4, s19  }
0x9c: {  	s7 =	simm.s32 $0x0;
	s20 =	sshll.u32 s5, $0x1;
	s5 =	sadd.s32 s21, s3  }
0x9d: {  	[timem:s7], [sflag:s22] =	dma.local [hbm:s5], s20  }
0x9e: {  	_ =	swait.ge [sflag:s22], s20  }
0x9f: {  	s4 =	ssub.s32 $0x0, s20;
	[sflag:s22] =	ssyncset.done $0x0  }
0xa0: {  	[sflag:s22] =	ssyncadd.s32 s4;
	_ =	sdelay $0x1  }
0xa1: {  	s23 =	simm.s32 $0x1B8B  }
0xa2: {  	_ =	swait.ge [sflag:s23], $0x1  }
0xa3: {  	[sflag:s23] =	ssyncset.done $0x0  }
0xa4: {  	s25 =	simm.s32 $0x1B8E;
	s24 =	sld [smem:$0x3FFE];
	[sflag:s23] =	ssyncadd.s32 $0xFFFFFFFF  }
0xa5: {  	s26 =	simm.s32 $execute0_lowered;
	[smem:$0x3FD2] =	sst s25  }
0xa6: {  	s5 =	sshll.u32 s26, $0x1;
	_ =	strace $0x8000004C;
	[dreg:$0x1] =	wrdreg $0xFFFFFFFF  }
0xa7: {  	s28 =	simm.s32 $_size_execute0_lowered;
	s3 =	sadd.s32 s3, s5;
	[dreg:$0x0] =	wrdreg $0x0  }
0xa8: {  	s5 =	sshll.u32 s28, $0x1;
	[dreg:$0x2] =	wrdreg s3  }
0xa9: {  	[dreg:$0x3] =	wrdreg s5  }
0xaa: {  	[dreg:$0x4] =	wrdreg $0xC0  }
0xab: {  	_ =	task [dreg:s7], $0x5FFFF  }
0xac: {  	[dreg:$0x1] =	wrdreg $0xFFFFFFFF  }
0xad: {  	[dreg:$0x0] =	wrdreg $0x60  }
0xae: {  	[dreg:$0x2] =	wrdreg s24  }
0xaf: {  	[dreg:$0x3] =	wrdreg s2  }
0xb0: {  	[dreg:$0x4] =	wrdreg $0x0  }
0xb1: {  	[dreg:$0x5] =	wrdreg $0x9  }
0xb2: {  	_ =	task.clear_ibuf [dreg:s7], $0x6FFFF;
	_ =	strace $0x9000004C  }
0xb3: {  	s29 =	simm.s32 $0x9;
	_ =	strace $0x8000004E  }
0xb4: {  	_ =	swait.ge [sflag:s29], $0x1  }
0xb5: {  	[sflag:s29] =	ssyncadd.s32 $0xFFFFFFFF  }
0xb6: {  	_ =	strace $0x9000004E  }
0xb7: {  	_ =	sfence  }
0xb8: {  	s30 =	sld [smem:$0x0];
	_ =	sdelay $0x2  }
0xb9: {  	s31 =	sshll.u32 s1, $0xD;
	s1 =	sshrl.u32 s1, $0x2  }
0xba: {  	s3 =	sand.u32 $0x4000, s31;
	s1 =	sadd.s32 s1, s30  }
0xbb: {  	s0 =	sor.u32 s3, s0;
	s1 =	sshll.u32 s1, $0x11  }
0xbc: {  	s0 =	sor.u32 s1, s0  }
0xbd: {  	s0 =	sadd.s32 $0x8F2B, s0  }
0xbe: {  	[sflag:s0] =	ssyncadd.remote.s32 $0x1  }
0xbf: {  	_ =	sfence.sel $0xFFFF  }
0xc0: {  	[dreg:$0x0] =	wrdreg $0xFFFFFFFF;
	(pc) =	sbr.abs _section_cstart, $3  }
0xc1: {  	[dreg:$0x1] =	wrdreg $0xFFFFFFFF  }
0xc2: {  	_ =	task.clear_ibuf [dreg:s7], $0x2FFFF;
	_ =	strace $0x9FFFFFFF  }
0xc3: {  	(tm) =	ssettm $0x7FFFFFFF  }
tec
execute0_lowered:
.L_overlay_start_1:
0x0: {  	(tag) =	ssettag $0x1  }
0x1: {  	s7 =	rddreg [dreg:$0x0]  }
0x2: {  	s1 =	rddreg [dreg:$0x1]  }
0x3: {  	s2 =	rddreg [dreg:$0x2]  }
0x4: {  	s3 =	simm.s32 $0x0;
	s4 =	srdreg.scid;
	s0 =	stileid.u32  }
0x5: {  	s18 =	simm.s32 $0xB400;
	s19 =	simm.s32 $0x80;
	s20 =	simm.s32 $0xC800  }
0x6: {  	s21 =	simm.s32 $0x10800;
	s22 =	simm.s32 $0x1;
	s23 =	simm.s32 $0x2  }
0x7: {  	s24 =	simm.s32 $0xB380;
	s25 =	simm.s32 $0xC700;
	s26 =	simm.s32 $0xC780  }
0x8: {  	s28 =	simm.s32 $0x0;
	[smem:$0x7FF] =	sst s3;
	s11 =	sadd.s32 $0xB9200, s7  }
0x9: {  	s12 =	sadd.s32 $0xAF200, s7;
	s5 =	sadd.s32 $0x2A00, s7;
	s15 =	sand.u32 $0x1, s4  }
0xa: {  	s6 =	sadd.s32 $0x52A00, s7;
	s10 =	smul.u32 $0x28000, s0;
	s7 =	sadd.s32 $0x66A00, s7  }
0xb: {  	s30 =	sshll.u32 s0, $0x6;
	_ =	strace $0x8000004D;
	s8 =	sshll.u32 s15, $0x4  }
0xc: {  	s9 =	ssub.s32 $0x2, s15;
	p0 =	sne.s32 s15, $0x0;
	s8 =	sor.u32 s0, s8  }
0xd: {  	s13 =	sshrl.u32 s9, $0x1;
	s29 =	sshrl.u32 s10, $0x2;
	s14 =	smul.u32 $0x2800, s8  }
.Ltmp0:
0xe: {  	s16 =	ssub.s32 s9, s13;
	s17 =	sadd.s32 s29, s2;
	(pc) =	sbr.rel .LBB2_1-.Ltmp0, $4  }
0xf: {  	s8 =	sor.u32 $0x1C03, s30;
	s15 =	sshrl.u32 s17, $0x3;
	s17 =	simm.s32 $0xA000  }
0x10: {  	s31 =	sshrl.u32 s14, $0x3;
	s14 =	smax.u32 s16, $0x1;
	s16 =	simm.s32 $0x3  }
0x11: {  	s9 =	sadd.s32 s11, s31;
	s10 =	sadd.s32 s12, s31;
	s13 =	sadd.s32 $0x280, s31  }
0x12: {  	s11 =	sadd.s32 s11, s13;
	s12 =	sadd.s32 s12, s13;
	s13 =	smul.u32 $0x1400, s0  }
.LBB2_11:
0x13: {  	s0 =	sadd.s32 $0xA080, s29;
	[sflag:s16] =	ssyncadd.s32 $0xFFFFC000  }
0x14: {  	[tilespmem:s21], [sflag:$0x2] =	stream.indirect.gather [hbm4b:s5+s19], $0x80, s0, s19, $0xb8;
	[tilespmem:$0x14800] =	vst v63  }
0x15: {  	_ =	swait.ge [sflag:s22], $0x4000  }
0x16: {  	[sflag:s22] =	ssyncset.done $0x0  }
0x17: {  	s4 =	sadd.s32 $0xB400, s29;
	[sflag:s22] =	ssyncadd.s32 $0xFFFFC000  }
0x18: {  	[spmem:s2] =	stream.indirect.scatter.add.f32 [tilespmem:s20], [sflag:$0x3], $0x80, s4, s19, $0xb8;
	[tilespmem:$0x14800] =	vst v63  }
0x19: {  	_ =	swait.ge [sflag:s16], $0x4000  }
0x1a: {  	[sflag:s16] =	ssyncset.done $0x0  }
0x1b: {  	s30 =	sadd.s32 $0xA100, s29;
	[sflag:s16] =	ssyncadd.s32 $0xFFFFC000  }
0x1c: {  	[tilespmem:s20], [sflag:$0x1] =	stream.indirect.gather [hbm4b:s5+s19], $0x80, s30, s19, $0xb8;
	[tilespmem:$0x14800] =	vst v63  }
0x1d: {  	_ =	swait.ge [sflag:s23], $0x4000  }
0x1e: {  	[sflag:s23] =	ssyncset.done $0x0  }
0x1f: {  	s31 =	sadd.s32 $0xB480, s29;
	[sflag:s23] =	ssyncadd.s32 $0xFFFFC000  }
0x20: {  	[spmem:s2] =	stream.indirect.scatter.add.f32 [tilespmem:s21], [sflag:$0x3], $0x80, s31, s19, $0xb8;
	[tilespmem:$0x14800] =	vst v63  }
0x21: {  	_ =	swait.ge [sflag:s16], $0x4000  }
0x22: {  	[sflag:s16] =	ssyncset.done $0x0  }
0x23: {  	s29 =	smov.u32 s7;
	[sflag:s16] =	ssyncadd.s32 $0xFFFFC000  }
.LBB2_12:
0x24: {  	[tilespmem:s21], [sflag:$0x2] =	stream.indirect.gather [hbm4b:s5+s19], $0x80, s24, s19, $0xb8;
	[tilespmem:$0x14800] =	vst v63  }
0x25: {  	_ =	swait.ge [sflag:s22], $0x4000  }
0x26: {  	[sflag:s22] =	ssyncset.done $0x0  }
0x27: {  	[sflag:s22] =	ssyncadd.s32 $0xFFFFC000  }
0x28: {  	[spmem:s2] =	stream.indirect.scatter.add.f32 [tilespmem:s20], [sflag:$0x3], $0x80, s25, s19, $0xb8;
	[tilespmem:$0x14800] =	vst v63  }
0x29: {  	_ =	swait.ge [sflag:s16], $0x4000  }
0x2a: {  	[sflag:s16] =	ssyncset.done $0x0  }
0x2b: {  	[sflag:s16] =	ssyncadd.s32 $0xFFFFC000  }
0x2c: {  	_ =	swait.ge [sflag:s23], $0x4000  }
0x2d: {  	[sflag:s23] =	ssyncset.done $0x0  }
0x2e: {  	[sflag:s23] =	ssyncadd.s32 $0xFFFFC000  }
0x2f: {  	[spmem:s2] =	stream.indirect.scatter.add.f32 [tilespmem:s21], [sflag:$0x3], $0x80, s26, s19, $0xb8;
	[tilespmem:$0x14800] =	vst v63  }
0x30: {  	_ =	swait.ge [sflag:s16], $0x4000  }
0x31: {  	s28 =	sadd.s32 $0x1, s28;
	[sflag:s16] =	ssyncset.done $0x0  }
0x32: {  	p1 =	sne.s32 s28, s14;
	[sflag:s16] =	ssyncadd.s32 $0xFFFFC000  }
.Ltmp1:
0x33: {  	s0 =	sadd.s32 s29, s13;
	[bflag:$0x0] =	sbarrier.arrive $0xFFFF;
	(pc) =	sbr.rel @!p1 .LBB2_13-.Ltmp1, $4  }
0x34: {  	[hbm:s0], [sflag:s8] =	dma.local [spmem:s15], $0x1400  }
0x35: {  	_ =	swait.ge [sflag:s16], $0x1400  }
0x36: {  	[sflag:s16] =	ssyncset.done $0x0  }
0x37: {  	[sflag:s16] =	ssyncadd.s32 $0xFFFFEC00  }
.LBB2_1:
0x38: {  	[spmem:s15], [sflag:s8] =	dma.local [hbm:s1], $0x1400  }
0x39: {  	_ =	swait.ge [sflag:s16], $0x1400  }
0x3a: {  	[sflag:s16] =	ssyncset.done $0x0  }
0x3b: {  	[sflag:s16] =	ssyncadd.s32 $0xFFFFEC00  }
0x3c: {  	[bflag:$0x0] =	sbarrier.arrive $0xFFFF  }
0x3d: {  	[tilespmem:s17], [sflag:$0x3] =	stream.linear.gather [hbm4b:s9+s3], $0x1400, $0x38;
	[tilespmem:$0x14800] =	vst v63  }
0x3e: {  	_ =	swait.ge [sflag:s16], $0x1400  }
0x3f: {  	[sflag:s16] =	ssyncset.done $0x0  }
0x40: {  	[sflag:s16] =	ssyncadd.s32 $0xFFFFEC00  }
0x41: {  	[tilespmem:s18], [sflag:$0x3] =	stream.linear.gather [hbm4b:s10+s3], $0x1400, $0x38;
	[tilespmem:$0x14800] =	vst v63  }
.Ltmp2:
0x42: {  	_ = 	snop;
	(pc) =	sbr.rel @p0 .LBB2_7-.Ltmp2, $4  }
0x43: {  	_ =	swait.ge [sflag:s16], $0x1400  }
0x44: {  	[sflag:s16] =	ssyncset.done $0x0  }
0x45: {  	[sflag:s16] =	ssyncadd.s32 $0xFFFFEC00  }
0x46: {  	[tilespmem:s20], [sflag:$0x1] =	stream.indirect.gather [hbm4b:s5+s19], $0x80, s17, s19, $0xb8;
	[tilespmem:$0x14800] =	vst v63  }
0x47: {  	s29 =	simm.s32 $0xA080  }
0x48: {  	[tilespmem:s21], [sflag:$0x2] =	stream.indirect.gather [hbm4b:s5+s19], $0x80, s29, s19, $0xb8;
	[tilespmem:$0x14800] =	vst v63  }
0x49: {  	_ =	swait.ge [sflag:s22], $0x4000  }
0x4a: {  	[sflag:s22] =	ssyncset.done $0x0  }
0x4b: {  	s29 =	simm.s32 $0xB400;
	[sflag:s22] =	ssyncadd.s32 $0xFFFFC000  }
0x4c: {  	[spmem:s2] =	stream.indirect.scatter.add.f32 [tilespmem:s20], [sflag:$0x3], $0x80, s29, s19, $0xb8;
	[tilespmem:$0x14800] =	vst v63  }
0x4d: {  	_ =	swait.ge [sflag:s16], $0x4000  }
0x4e: {  	[sflag:s16] =	ssyncset.done $0x0  }
0x4f: {  	s29 =	simm.s32 $0xA100;
	[sflag:s16] =	ssyncadd.s32 $0xFFFFC000  }
0x50: {  	[tilespmem:s20], [sflag:$0x1] =	stream.indirect.gather [hbm4b:s5+s19], $0x80, s29, s19, $0xb8;
	[tilespmem:$0x14800] =	vst v63  }
0x51: {  	_ =	swait.ge [sflag:s23], $0x4000  }
0x52: {  	[sflag:s23] =	ssyncset.done $0x0  }
0x53: {  	s29 =	simm.s32 $0xB480;
	[sflag:s23] =	ssyncadd.s32 $0xFFFFC000  }
0x54: {  	[spmem:s2] =	stream.indirect.scatter.add.f32 [tilespmem:s21], [sflag:$0x3], $0x80, s29, s19, $0xb8;
	[tilespmem:$0x14800] =	vst v63  }
0x55: {  	_ =	swait.ge [sflag:s16], $0x4000  }
0x56: {  	s30 =	simm.s32 $0x800;
	s29 =	simm.s32 $0x100;
	[sflag:s16] =	ssyncset.done $0x0  }
.LBB2_3:
0x57: {  	s31 =	sadd.s32 $0xA080, s29  }
0x58: {  	[sflag:s16] =	ssyncadd.s32 $0xFFFFC000;
	s0 =	smov.u32 s30;
	s4 =	sadd.s32 $0x400, s30  }
0x59: {  	[tilespmem:s21], [sflag:$0x2] =	stream.indirect.gather [hbm4b:s5+s19], $0x80, s31, s19, $0xb8;
	[tilespmem:$0x14800] =	vst v63  }
0x5a: {  	p1 =	sne.s32 s30, $0x4800;
	_ =	swait.ge [sflag:s22], $0x4000  }
0x5b: {  	[sflag:s22] =	ssyncset.done $0x0  }
0x5c: {  	s30 =	sadd.s32 $0xB400, s29;
	[sflag:s22] =	ssyncadd.s32 $0xFFFFC000  }
0x5d: {  	[spmem:s2] =	stream.indirect.scatter.add.f32 [tilespmem:s20], [sflag:$0x3], $0x80, s30, s19, $0xb8;
	[tilespmem:$0x14800] =	vst v63  }
0x5e: {  	_ =	swait.ge [sflag:s16], $0x4000  }
0x5f: {  	[sflag:s16] =	ssyncset.done $0x0  }
0x60: {  	s30 =	sadd.s32 $0xA100, s29;
	[sflag:s16] =	ssyncadd.s32 $0xFFFFC000  }
0x61: {  	[tilespmem:s20], [sflag:$0x1] =	stream.indirect.gather [hbm4b:s5+s19], $0x80, s30, s19, $0xb8;
	[tilespmem:$0x14800] =	vst v63  }
0x62: {  	_ =	swait.ge [sflag:s23], $0x4000  }
.Ltmp3:
0x63: {  	[sflag:s23] =	ssyncset.done $0x0;
	(pc) =	sbr.rel @p1 .LBB2_3-.Ltmp3, $4  }
0x64: {  	s29 =	sadd.s32 $0xB480, s29;
	[sflag:s23] =	ssyncadd.s32 $0xFFFFC000  }
0x65: {  	[spmem:s2] =	stream.indirect.scatter.add.f32 [tilespmem:s21], [sflag:$0x3], $0x80, s29, s19, $0xb8;
	[tilespmem:$0x14800] =	vst v63  }
0x66: {  	_ =	swait.ge [sflag:s16], $0x4000  }
0x67: {  	s30 =	smov.u32 s4;
	s29 =	sshra.s32 s0, $0x2;
	[sflag:s16] =	ssyncset.done $0x0  }
0x68: {  	s0 =	sadd.s32 $0xA080, s29;
	[sflag:s16] =	ssyncadd.s32 $0xFFFFC000  }
0x69: {  	[tilespmem:s21], [sflag:$0x2] =	stream.indirect.gather [hbm4b:s5+s19], $0x80, s0, s19, $0xb8;
	[tilespmem:$0x14800] =	vst v63  }
0x6a: {  	_ =	swait.ge [sflag:s22], $0x4000  }
0x6b: {  	[sflag:s22] =	ssyncset.done $0x0  }
0x6c: {  	s4 =	sadd.s32 $0xB400, s29;
	[sflag:s22] =	ssyncadd.s32 $0xFFFFC000  }
0x6d: {  	[spmem:s2] =	stream.indirect.scatter.add.f32 [tilespmem:s20], [sflag:$0x3], $0x80, s4, s19, $0xb8;
	[tilespmem:$0x14800] =	vst v63  }
0x6e: {  	_ =	swait.ge [sflag:s16], $0x4000  }
0x6f: {  	[sflag:s16] =	ssyncset.done $0x0  }
0x70: {  	s31 =	sadd.s32 $0xA100, s29;
	[sflag:s16] =	ssyncadd.s32 $0xFFFFC000  }
0x71: {  	[tilespmem:s20], [sflag:$0x1] =	stream.indirect.gather [hbm4b:s5+s19], $0x80, s31, s19, $0xb8;
	[tilespmem:$0x14800] =	vst v63  }
0x72: {  	_ =	swait.ge [sflag:s23], $0x4000  }
0x73: {  	[sflag:s23] =	ssyncset.done $0x0  }
0x74: {  	s4 =	sadd.s32 $0xB480, s29;
	[sflag:s23] =	ssyncadd.s32 $0xFFFFC000  }
0x75: {  	[spmem:s2] =	stream.indirect.scatter.add.f32 [tilespmem:s21], [sflag:$0x3], $0x80, s4, s19, $0xb8;
	[tilespmem:$0x14800] =	vst v63  }
0x76: {  	_ =	swait.ge [sflag:s16], $0x4000  }
0x77: {  	[sflag:s16] =	ssyncset.done $0x0  }
0x78: {  	[sflag:s16] =	ssyncadd.s32 $0xFFFFC000  }
0x79: {  	[tilespmem:s21], [sflag:$0x2] =	stream.indirect.gather [hbm4b:s5+s19], $0x80, s24, s19, $0xb8;
	[tilespmem:$0x14800] =	vst v63  }
0x7a: {  	_ =	swait.ge [sflag:s22], $0x4000  }
0x7b: {  	[sflag:s22] =	ssyncset.done $0x0  }
0x7c: {  	[sflag:s22] =	ssyncadd.s32 $0xFFFFC000  }
0x7d: {  	[spmem:s2] =	stream.indirect.scatter.add.f32 [tilespmem:s20], [sflag:$0x3], $0x80, s25, s19, $0xb8;
	[tilespmem:$0x14800] =	vst v63  }
0x7e: {  	_ =	swait.ge [sflag:s16], $0x4000  }
0x7f: {  	[sflag:s16] =	ssyncset.done $0x0  }
0x80: {  	[sflag:s16] =	ssyncadd.s32 $0xFFFFC000  }
0x81: {  	_ =	swait.ge [sflag:s23], $0x4000  }
0x82: {  	[sflag:s23] =	ssyncset.done $0x0  }
0x83: {  	[sflag:s23] =	ssyncadd.s32 $0xFFFFC000  }
0x84: {  	[spmem:s2] =	stream.indirect.scatter.add.f32 [tilespmem:s21], [sflag:$0x3], $0x80, s26, s19, $0xb8;
	[tilespmem:$0x14800] =	vst v63  }
0x85: {  	_ =	swait.ge [sflag:s16], $0x4000  }
0x86: {  	[sflag:s16] =	ssyncset.done $0x0  }
0x87: {  	s31 =	simm.s32 $0x0;
	[sflag:s16] =	ssyncadd.s32 $0xFFFFC000  }
0x88: {  	[tilespmem:s17], [sflag:$0x3] =	stream.linear.gather [hbm4b:s11+s31], $0x1400, $0x38;
	[tilespmem:$0x14800] =	vst v63  }
0x89: {  	_ =	swait.ge [sflag:s16], $0x1400  }
0x8a: {  	[sflag:s16] =	ssyncset.done $0x0  }
0x8b: {  	[sflag:s16] =	ssyncadd.s32 $0xFFFFEC00  }
0x8c: {  	[tilespmem:s18], [sflag:$0x3] =	stream.linear.gather [hbm4b:s12+s31], $0x1400, $0x38;
	[tilespmem:$0x14800] =	vst v63  }
0x8d: {  	_ =	swait.ge [sflag:s16], $0x1400  }
0x8e: {  	[sflag:s16] =	ssyncset.done $0x0  }
0x8f: {  	[sflag:s16] =	ssyncadd.s32 $0xFFFFEC00  }
0x90: {  	[tilespmem:s20], [sflag:$0x1] =	stream.indirect.gather [hbm4b:s5+s19], $0x80, s17, s19, $0xb8;
	[tilespmem:$0x14800] =	vst v63  }
0x91: {  	s4 =	simm.s32 $0xA080  }
0x92: {  	[tilespmem:s21], [sflag:$0x2] =	stream.indirect.gather [hbm4b:s5+s19], $0x80, s4, s19, $0xb8;
	[tilespmem:$0x14800] =	vst v63  }
0x93: {  	_ =	swait.ge [sflag:s22], $0x4000  }
0x94: {  	[sflag:s22] =	ssyncset.done $0x0  }
0x95: {  	s31 =	simm.s32 $0xB400;
	[sflag:s22] =	ssyncadd.s32 $0xFFFFC000  }
0x96: {  	[spmem:s2] =	stream.indirect.scatter.add.f32 [tilespmem:s20], [sflag:$0x3], $0x80, s31, s19, $0xb8;
	[tilespmem:$0x14800] =	vst v63  }
0x97: {  	_ =	swait.ge [sflag:s16], $0x4000  }
0x98: {  	[sflag:s16] =	ssyncset.done $0x0  }
0x99: {  	s4 =	simm.s32 $0xA100;
	[sflag:s16] =	ssyncadd.s32 $0xFFFFC000  }
0x9a: {  	[tilespmem:s20], [sflag:$0x1] =	stream.indirect.gather [hbm4b:s5+s19], $0x80, s4, s19, $0xb8;
	[tilespmem:$0x14800] =	vst v63  }
0x9b: {  	_ =	swait.ge [sflag:s23], $0x4000  }
0x9c: {  	[sflag:s23] =	ssyncset.done $0x0  }
0x9d: {  	s31 =	simm.s32 $0xB480;
	[sflag:s23] =	ssyncadd.s32 $0xFFFFC000  }
0x9e: {  	[spmem:s2] =	stream.indirect.scatter.add.f32 [tilespmem:s21], [sflag:$0x3], $0x80, s31, s19, $0xb8;
	[tilespmem:$0x14800] =	vst v63  }
0x9f: {  	_ =	swait.ge [sflag:s16], $0x4000  }
0xa0: {  	s30 =	simm.s32 $0x800;
	s29 =	simm.s32 $0x100;
	[sflag:s16] =	ssyncset.done $0x0  }
.LBB2_5:
0xa1: {  	s0 =	sadd.s32 $0xA080, s29  }
0xa2: {  	[sflag:s16] =	ssyncadd.s32 $0xFFFFC000;
	s4 =	smov.u32 s30;
	s31 =	sadd.s32 $0x400, s30  }
0xa3: {  	[tilespmem:s21], [sflag:$0x2] =	stream.indirect.gather [hbm4b:s5+s19], $0x80, s0, s19, $0xb8;
	[tilespmem:$0x14800] =	vst v63  }
0xa4: {  	p1 =	seq.s32 s30, $0x4800;
	_ =	swait.ge [sflag:s22], $0x4000  }
0xa5: {  	[sflag:s22] =	ssyncset.done $0x0  }
0xa6: {  	s0 =	sadd.s32 $0xB400, s29;
	[sflag:s22] =	ssyncadd.s32 $0xFFFFC000  }
0xa7: {  	[spmem:s2] =	stream.indirect.scatter.add.f32 [tilespmem:s20], [sflag:$0x3], $0x80, s0, s19, $0xb8;
	[tilespmem:$0x14800] =	vst v63  }
0xa8: {  	_ =	swait.ge [sflag:s16], $0x4000  }
0xa9: {  	[sflag:s16] =	ssyncset.done $0x0  }
0xaa: {  	s0 =	sadd.s32 $0xA100, s29;
	[sflag:s16] =	ssyncadd.s32 $0xFFFFC000  }
0xab: {  	[tilespmem:s20], [sflag:$0x1] =	stream.indirect.gather [hbm4b:s5+s19], $0x80, s0, s19, $0xb8;
	[tilespmem:$0x14800] =	vst v63  }
0xac: {  	_ =	swait.ge [sflag:s23], $0x4000  }
.Ltmp4:
0xad: {  	[sflag:s23] =	ssyncset.done $0x0;
	(pc) =	sbr.rel @!p1 .LBB2_5-.Ltmp4, $4  }
0xae: {  	s0 =	sadd.s32 $0xB480, s29;
	[sflag:s23] =	ssyncadd.s32 $0xFFFFC000  }
0xaf: {  	[spmem:s2] =	stream.indirect.scatter.add.f32 [tilespmem:s21], [sflag:$0x3], $0x80, s0, s19, $0xb8;
	[tilespmem:$0x14800] =	vst v63  }
0xb0: {  	_ =	swait.ge [sflag:s16], $0x4000  }
0xb1: {  	s30 =	smov.u32 s31;
	s29 =	sshra.s32 s4, $0x2;
	[sflag:s16] =	ssyncset.done $0x0  }
0xb2: {  	s0 =	sadd.s32 $0xA080, s29;
	[sflag:s16] =	ssyncadd.s32 $0xFFFFC000  }
0xb3: {  	[tilespmem:s21], [sflag:$0x2] =	stream.indirect.gather [hbm4b:s5+s19], $0x80, s0, s19, $0xb8;
	[tilespmem:$0x14800] =	vst v63  }
0xb4: {  	_ =	swait.ge [sflag:s22], $0x4000  }
0xb5: {  	[sflag:s22] =	ssyncset.done $0x0  }
0xb6: {  	s4 =	sadd.s32 $0xB400, s29;
	[sflag:s22] =	ssyncadd.s32 $0xFFFFC000  }
0xb7: {  	[spmem:s2] =	stream.indirect.scatter.add.f32 [tilespmem:s20], [sflag:$0x3], $0x80, s4, s19, $0xb8;
	[tilespmem:$0x14800] =	vst v63  }
0xb8: {  	_ =	swait.ge [sflag:s16], $0x4000  }
0xb9: {  	[sflag:s16] =	ssyncset.done $0x0  }
0xba: {  	s30 =	sadd.s32 $0xA100, s29;
	[sflag:s16] =	ssyncadd.s32 $0xFFFFC000  }
0xbb: {  	[tilespmem:s20], [sflag:$0x1] =	stream.indirect.gather [hbm4b:s5+s19], $0x80, s30, s19, $0xb8;
	[tilespmem:$0x14800] =	vst v63  }
0xbc: {  	_ =	swait.ge [sflag:s23], $0x4000  }
0xbd: {  	[sflag:s23] =	ssyncset.done $0x0  }
.Ltmp5:
0xbe: {  	s31 =	sadd.s32 $0xB480, s29;
	[sflag:s23] =	ssyncadd.s32 $0xFFFFC000;
	(pc) =	sbr.rel .LBB2_12-.Ltmp5, $4  }
0xbf: {  	[spmem:s2] =	stream.indirect.scatter.add.f32 [tilespmem:s21], [sflag:$0x3], $0x80, s31, s19, $0xb8;
	[tilespmem:$0x14800] =	vst v63  }
0xc0: {  	_ =	swait.ge [sflag:s16], $0x4000  }
0xc1: {  	[sflag:s16] =	ssyncset.done $0x0  }
0xc2: {  	s29 =	smov.u32 s6;
	[sflag:s16] =	ssyncadd.s32 $0xFFFFC000  }
.LBB2_7:
0xc3: {  	s0 =	simm.s32 $0xA080  }
0xc4: {  	[tilespmem:s21], [sflag:$0x2] =	stream.indirect.gather [hbm4b:s5+s19], $0x80, s0, s19, $0xb8;
	[tilespmem:$0x14800] =	vst v63  }
0xc5: {  	_ =	swait.ge [sflag:s22], $0x4000  }
0xc6: {  	[sflag:s22] =	ssyncset.done $0x0  }
0xc7: {  	s31 =	simm.s32 $0xB400;
	[sflag:s22] =	ssyncadd.s32 $0xFFFFC000  }
0xc8: {  	[spmem:s2] =	stream.indirect.scatter.add.f32 [tilespmem:s20], [sflag:$0x3], $0x80, s31, s19, $0xb8;
	[tilespmem:$0x14800] =	vst v63  }
0xc9: {  	_ =	swait.ge [sflag:s16], $0x4000  }
0xca: {  	[sflag:s16] =	ssyncset.done $0x0  }
0xcb: {  	s4 =	simm.s32 $0xA100;
	[sflag:s16] =	ssyncadd.s32 $0xFFFFC000  }
0xcc: {  	[tilespmem:s20], [sflag:$0x1] =	stream.indirect.gather [hbm4b:s5+s19], $0x80, s4, s19, $0xb8;
	[tilespmem:$0x14800] =	vst v63  }
0xcd: {  	_ =	swait.ge [sflag:s23], $0x4000  }
0xce: {  	[sflag:s23] =	ssyncset.done $0x0  }
0xcf: {  	s31 =	simm.s32 $0xB480;
	[sflag:s23] =	ssyncadd.s32 $0xFFFFC000  }
0xd0: {  	[spmem:s2] =	stream.indirect.scatter.add.f32 [tilespmem:s21], [sflag:$0x3], $0x80, s31, s19, $0xb8;
	[tilespmem:$0x14800] =	vst v63  }
0xd1: {  	_ =	swait.ge [sflag:s16], $0x4000  }
0xd2: {  	s30 =	simm.s32 $0x800;
	s29 =	simm.s32 $0x100;
	[sflag:s16] =	ssyncset.done $0x0  }
.LBB2_8:
0xd3: {  	s0 =	sadd.s32 $0xA080, s29  }
0xd4: {  	[sflag:s16] =	ssyncadd.s32 $0xFFFFC000;
	s4 =	smov.u32 s30;
	s31 =	sadd.s32 $0x400, s30  }
0xd5: {  	[tilespmem:s21], [sflag:$0x2] =	stream.indirect.gather [hbm4b:s5+s19], $0x80, s0, s19, $0xb8;
	[tilespmem:$0x14800] =	vst v63  }
0xd6: {  	p1 =	sne.s32 s30, $0x4800;
	_ =	swait.ge [sflag:s22], $0x4000  }
0xd7: {  	[sflag:s22] =	ssyncset.done $0x0  }
0xd8: {  	s0 =	sadd.s32 $0xB400, s29;
	[sflag:s22] =	ssyncadd.s32 $0xFFFFC000  }
0xd9: {  	[spmem:s2] =	stream.indirect.scatter.add.f32 [tilespmem:s20], [sflag:$0x3], $0x80, s0, s19, $0xb8;
	[tilespmem:$0x14800] =	vst v63  }
0xda: {  	_ =	swait.ge [sflag:s16], $0x4000  }
0xdb: {  	[sflag:s16] =	ssyncset.done $0x0  }
0xdc: {  	s0 =	sadd.s32 $0xA100, s29;
	[sflag:s16] =	ssyncadd.s32 $0xFFFFC000  }
0xdd: {  	[tilespmem:s20], [sflag:$0x1] =	stream.indirect.gather [hbm4b:s5+s19], $0x80, s0, s19, $0xb8;
	[tilespmem:$0x14800] =	vst v63  }
0xde: {  	_ =	swait.ge [sflag:s23], $0x4000  }
.Ltmp6:
0xdf: {  	[sflag:s23] =	ssyncset.done $0x0;
	(pc) =	sbr.rel @p1 .LBB2_8-.Ltmp6, $4  }
0xe0: {  	s0 =	sadd.s32 $0xB480, s29;
	[sflag:s23] =	ssyncadd.s32 $0xFFFFC000  }
0xe1: {  	[spmem:s2] =	stream.indirect.scatter.add.f32 [tilespmem:s21], [sflag:$0x3], $0x80, s0, s19, $0xb8;
	[tilespmem:$0x14800] =	vst v63  }
0xe2: {  	_ =	swait.ge [sflag:s16], $0x4000  }
0xe3: {  	s30 =	smov.u32 s31;
	s29 =	sshra.s32 s4, $0x2;
	[sflag:s16] =	ssyncset.done $0x0  }
0xe4: {  	s0 =	sadd.s32 $0xA080, s29;
	[sflag:s16] =	ssyncadd.s32 $0xFFFFC000  }
0xe5: {  	[tilespmem:s21], [sflag:$0x2] =	stream.indirect.gather [hbm4b:s5+s19], $0x80, s0, s19, $0xb8;
	[tilespmem:$0x14800] =	vst v63  }
0xe6: {  	_ =	swait.ge [sflag:s22], $0x4000  }
0xe7: {  	[sflag:s22] =	ssyncset.done $0x0  }
0xe8: {  	s4 =	sadd.s32 $0xB400, s29;
	[sflag:s22] =	ssyncadd.s32 $0xFFFFC000  }
0xe9: {  	[spmem:s2] =	stream.indirect.scatter.add.f32 [tilespmem:s20], [sflag:$0x3], $0x80, s4, s19, $0xb8;
	[tilespmem:$0x14800] =	vst v63  }
0xea: {  	_ =	swait.ge [sflag:s16], $0x4000  }
0xeb: {  	[sflag:s16] =	ssyncset.done $0x0  }
0xec: {  	s31 =	sadd.s32 $0xA100, s29;
	[sflag:s16] =	ssyncadd.s32 $0xFFFFC000  }
0xed: {  	[tilespmem:s20], [sflag:$0x1] =	stream.indirect.gather [hbm4b:s5+s19], $0x80, s31, s19, $0xb8;
	[tilespmem:$0x14800] =	vst v63  }
0xee: {  	_ =	swait.ge [sflag:s23], $0x4000  }
0xef: {  	[sflag:s23] =	ssyncset.done $0x0  }
0xf0: {  	s4 =	sadd.s32 $0xB480, s29;
	[sflag:s23] =	ssyncadd.s32 $0xFFFFC000  }
0xf1: {  	[spmem:s2] =	stream.indirect.scatter.add.f32 [tilespmem:s21], [sflag:$0x3], $0x80, s4, s19, $0xb8;
	[tilespmem:$0x14800] =	vst v63  }
0xf2: {  	_ =	swait.ge [sflag:s16], $0x4000  }
0xf3: {  	[sflag:s16] =	ssyncset.done $0x0  }
0xf4: {  	[sflag:s16] =	ssyncadd.s32 $0xFFFFC000  }
0xf5: {  	[tilespmem:s21], [sflag:$0x2] =	stream.indirect.gather [hbm4b:s5+s19], $0x80, s24, s19, $0xb8;
	[tilespmem:$0x14800] =	vst v63  }
0xf6: {  	_ =	swait.ge [sflag:s22], $0x4000  }
0xf7: {  	[sflag:s22] =	ssyncset.done $0x0  }
0xf8: {  	[sflag:s22] =	ssyncadd.s32 $0xFFFFC000  }
0xf9: {  	[spmem:s2] =	stream.indirect.scatter.add.f32 [tilespmem:s20], [sflag:$0x3], $0x80, s25, s19, $0xb8;
	[tilespmem:$0x14800] =	vst v63  }
0xfa: {  	_ =	swait.ge [sflag:s16], $0x4000  }
0xfb: {  	[sflag:s16] =	ssyncset.done $0x0  }
0xfc: {  	[sflag:s16] =	ssyncadd.s32 $0xFFFFC000  }
0xfd: {  	_ =	swait.ge [sflag:s23], $0x4000  }
0xfe: {  	[sflag:s23] =	ssyncset.done $0x0  }
0xff: {  	[sflag:s23] =	ssyncadd.s32 $0xFFFFC000  }
0x100: {  	[spmem:s2] =	stream.indirect.scatter.add.f32 [tilespmem:s21], [sflag:$0x3], $0x80, s26, s19, $0xb8;
	[tilespmem:$0x14800] =	vst v63  }
0x101: {  	_ =	swait.ge [sflag:s16], $0x4000  }
0x102: {  	[sflag:s16] =	ssyncset.done $0x0  }
0x103: {  	s31 =	simm.s32 $0x0;
	[sflag:s16] =	ssyncadd.s32 $0xFFFFC000  }
0x104: {  	[tilespmem:s17], [sflag:$0x3] =	stream.linear.gather [hbm4b:s11+s31], $0x1400, $0x38;
	[tilespmem:$0x14800] =	vst v63  }
0x105: {  	_ =	swait.ge [sflag:s16], $0x1400  }
0x106: {  	[sflag:s16] =	ssyncset.done $0x0  }
0x107: {  	[sflag:s16] =	ssyncadd.s32 $0xFFFFEC00  }
0x108: {  	[tilespmem:s18], [sflag:$0x3] =	stream.linear.gather [hbm4b:s12+s31], $0x1400, $0x38;
	[tilespmem:$0x14800] =	vst v63  }
0x109: {  	_ =	swait.ge [sflag:s16], $0x1400  }
0x10a: {  	[sflag:s16] =	ssyncset.done $0x0  }
0x10b: {  	[sflag:s16] =	ssyncadd.s32 $0xFFFFEC00  }
0x10c: {  	[tilespmem:s20], [sflag:$0x1] =	stream.indirect.gather [hbm4b:s5+s19], $0x80, s17, s19, $0xb8;
	[tilespmem:$0x14800] =	vst v63  }
0x10d: {  	s4 =	simm.s32 $0xA080  }
0x10e: {  	[tilespmem:s21], [sflag:$0x2] =	stream.indirect.gather [hbm4b:s5+s19], $0x80, s4, s19, $0xb8;
	[tilespmem:$0x14800] =	vst v63  }
0x10f: {  	_ =	swait.ge [sflag:s22], $0x4000  }
0x110: {  	[sflag:s22] =	ssyncset.done $0x0  }
0x111: {  	s31 =	simm.s32 $0xB400;
	[sflag:s22] =	ssyncadd.s32 $0xFFFFC000  }
0x112: {  	[spmem:s2] =	stream.indirect.scatter.add.f32 [tilespmem:s20], [sflag:$0x3], $0x80, s31, s19, $0xb8;
	[tilespmem:$0x14800] =	vst v63  }
0x113: {  	_ =	swait.ge [sflag:s16], $0x4000  }
0x114: {  	[sflag:s16] =	ssyncset.done $0x0  }
0x115: {  	s4 =	simm.s32 $0xA100;
	[sflag:s16] =	ssyncadd.s32 $0xFFFFC000  }
0x116: {  	[tilespmem:s20], [sflag:$0x1] =	stream.indirect.gather [hbm4b:s5+s19], $0x80, s4, s19, $0xb8;
	[tilespmem:$0x14800] =	vst v63  }
0x117: {  	_ =	swait.ge [sflag:s23], $0x4000  }
0x118: {  	[sflag:s23] =	ssyncset.done $0x0  }
0x119: {  	s31 =	simm.s32 $0xB480;
	[sflag:s23] =	ssyncadd.s32 $0xFFFFC000  }
0x11a: {  	[spmem:s2] =	stream.indirect.scatter.add.f32 [tilespmem:s21], [sflag:$0x3], $0x80, s31, s19, $0xb8;
	[tilespmem:$0x14800] =	vst v63  }
0x11b: {  	_ =	swait.ge [sflag:s16], $0x4000  }
0x11c: {  	s30 =	simm.s32 $0x800;
	s29 =	simm.s32 $0x100;
	[sflag:s16] =	ssyncset.done $0x0  }
.LBB2_10:
0x11d: {  	s0 =	sadd.s32 $0xA080, s29  }
0x11e: {  	[sflag:s16] =	ssyncadd.s32 $0xFFFFC000;
	s4 =	smov.u32 s30;
	s31 =	sadd.s32 $0x400, s30  }
0x11f: {  	[tilespmem:s21], [sflag:$0x2] =	stream.indirect.gather [hbm4b:s5+s19], $0x80, s0, s19, $0xb8;
	[tilespmem:$0x14800] =	vst v63  }
0x120: {  	p1 =	sne.s32 s30, $0x4800;
	_ =	swait.ge [sflag:s22], $0x4000  }
0x121: {  	[sflag:s22] =	ssyncset.done $0x0  }
0x122: {  	s0 =	sadd.s32 $0xB400, s29;
	[sflag:s22] =	ssyncadd.s32 $0xFFFFC000  }
0x123: {  	[spmem:s2] =	stream.indirect.scatter.add.f32 [tilespmem:s20], [sflag:$0x3], $0x80, s0, s19, $0xb8;
	[tilespmem:$0x14800] =	vst v63  }
0x124: {  	_ =	swait.ge [sflag:s16], $0x4000  }
0x125: {  	[sflag:s16] =	ssyncset.done $0x0  }
0x126: {  	s0 =	sadd.s32 $0xA100, s29;
	[sflag:s16] =	ssyncadd.s32 $0xFFFFC000  }
0x127: {  	[tilespmem:s20], [sflag:$0x1] =	stream.indirect.gather [hbm4b:s5+s19], $0x80, s0, s19, $0xb8;
	[tilespmem:$0x14800] =	vst v63  }
0x128: {  	_ =	swait.ge [sflag:s23], $0x4000  }
.Ltmp7:
0x129: {  	[sflag:s23] =	ssyncset.done $0x0;
	(pc) =	sbr.rel @p1 .LBB2_10-.Ltmp7, $4  }
0x12a: {  	s0 =	sadd.s32 $0xB480, s29;
	[sflag:s23] =	ssyncadd.s32 $0xFFFFC000  }
0x12b: {  	[spmem:s2] =	stream.indirect.scatter.add.f32 [tilespmem:s21], [sflag:$0x3], $0x80, s0, s19, $0xb8;
	[tilespmem:$0x14800] =	vst v63  }
0x12c: {  	_ =	swait.ge [sflag:s16], $0x4000  }
0x12d: {  	s30 =	smov.u32 s31;
	s29 =	sshra.s32 s4, $0x2;
	[sflag:s16] =	ssyncset.done $0x0  }
.Ltmp8:
0x12e: {  	_ = 	snop;
	(pc) =	sbr.rel .LBB2_11-.Ltmp8, $1  }
0x12f: {  	_ =	sdelay $0x3  }
.LBB2_13:
0x130: {  	_ =	sfence.sel $0x180000  }
0x131: {  	[bflag:$0x0] =	sbarrier.arrive $0xFFFF  }
0x132: {  	_ =	strace $0x9000004D  }
0x133: {  	s0 =	stileid.u32;
	[bflag:$0x2] =	sbarrier.arrive $0xFFFF  }
0x134: {  	p0 =	sne.s32 s0, $0x0;
	s0 =	rddreg [dreg:$0x3]  }
0x135: {  	s0 =	sadd.s32 @!p0 $0x100000, s0  }
0x136: {  	[sflag:s0] =	ssyncadd.tile.s32 @!p0 $0x1;
	_ =	shalt  }
.Lfunc_end2:
_tile_overlayer_lowered:
.L_overlay_start_2:
0x137: {  	(tag) =	ssettag $0x2  }
0x138: {  	s0 =	rddreg [dreg:$0x0];
	s2 =	stileid.u32  }
0x139: {  	s1 =	rddreg [dreg:$0x1];
	p0 =	sne.s32 s2, $0x0  }
0x13a: {  	s3 =	rddreg [dreg:$0x2];
	[bflag:$0x3] =	sbarrier.arrive $0xFFFF;
	s2 =	simm.s32 @!p0 $0x1C03  }
0x13b: {  	[timem:s3], [sflag:s2] =	dma.local @!p0 [hbm:s0], s1  }
0x13c: {  	s0 =	simm.s32 @!p0 $0x3  }
0x13d: {  	_ =	swait.ge @!p0 [sflag:s0], s1  }
0x13e: {  	s1 =	ssub.s32 @!p0 $0x0, s1;
	[sflag:s0] =	ssyncset.done @!p0 $0x0  }
0x13f: {  	[sflag:s0] =	ssyncadd.s32 @!p0 s1  }
0x140: {  	[bflag:$0x3] =	sbarrier.arrive $0xFFFF  }
0x141: {  	_ =	shalt  }

// kernel: kernel.8.cloned.1.call-start
scs
__scs_entry_jumppad:
0x0: {  	(pc) =	sbr.rel $0x88, $3  }
0x1: {  	(tag) =	ssettag $0x0;
	lr =	simm.s32 $0x1  }
0x2: {  	[smem:$0x3F9B] =	sst lr;
	_ =	strace $0xD0000000  }
0x3: {  	_ = 	snop  }
0x4: {  	_ = 	snop  }
0x5: {  	_ = 	snop  }
0x6: {  	_ = 	snop  }
0x7: {  	_ = 	snop  }
__scs_overlays_trampoline_lowered:
0x8: {  	[smem:$0x3FAA] =	sst s0  }
0x9: {  	[smem:$0x3FAB] =	sst s1  }
0xa: {  	[smem:$0x3FAC] =	sst s2  }
0xb: {  	[smem:$0x3FAD] =	sst s3  }
0xc: {  	[smem:$0x3FAE] =	sst s4  }
0xd: {  	[smem:$0x3FAF] =	sst s5  }
0xe: {  	[smem:$0x3FB0] =	sst s6  }
0xf: {  	[smem:$0x3FB1] =	sst s7  }
0x10: {  	[smem:$0x3FB2] =	sst s8  }
0x11: {  	[smem:$0x3FB3] =	sst s9;
	s0 =	simm.s32 @!p0 $0x0  }
0x12: {  	s1 =	sld [smem:$0x3F99];
	s0 =	simm.s32 @p0 $0x1  }
0x13: {  	[smem:$0x3FB4] =	sst s0;
	s0 =	simm.s32 @!p1 $0x0  }
0x14: {  	s2 =	sld [smem:$0x3F98];
	s0 =	simm.s32 @p1 $0x1  }
0x15: {  	[smem:$0x3FB5] =	sst s0;
	s0 =	simm.s32 @!p2 $0x0  }
0x16: {  	s3 =	sld [smem:$0x3FDB];
	s0 =	simm.s32 @p2 $0x1  }
0x17: {  	s4 =	simm.s32 $0x1BF5;
	[smem:$0x3FB7] =	sst s0  }
0x18: {  	s0 =	sld [smem:$0x3F9A];
	_ =	swait.ge [sflag:s4], $0x0  }
0x19: {  	s7 =	sld [smem:$0x3F9B]  }
0x1a: {  	s8 =	sadd.s32 $0xFFFFE003, lr  }
0x1b: {  	s9 =	sadd.s32 $0xFFFFFEF7, lr;
	s5 =	simm.s32 $0xFFFFFFFF;
	p2 =	slt.u32 s8, $0xFFFFF086  }
0x1c: {  	p1 =	slt.u32 s9, $0xF7A;
	s5 =	simm.s32 @!p2 $0x0  }
0x1d: {  	s5 =	simm.s32 @p1 $0x1;
	p0 =	seq.s32 s7, s2  }
0x1e: {  	s7 =	smul.u32 @!p0 $0xF7A, s2;
	p2 =	seq.s32 @!p0 s5, $0x0  }
0x1f: {  	s9 =	smul.u32 $0xF7A, s1;
	s8 =	simm.s32 @!p0 $0x1BF5;
	p2 =	por !p2, p0  }
0x20: {  	[sflag:s8] =	ssyncset.s32 @!p0 $0xFFFFF086;
	s6 =	sadd.s32 @!p0 s3, s7;
	s7 =	simm.s32 @!p0 $0x108  }
0x21: {  	s3 =	sadd.s32 s3, s9;
	s6 =	sadd.s32 @!p0 $0x88, s6;
	s7 =	simm.s32 @p2 $0x1082  }
0x22: {  	[simem:s7], [sflag:s8] =	dma.local @!p0 [hbm:s6], $0xF7A  }
0x23: {  	s9 =	sor.u32 $0xD0000000, s2;
	s6 =	simm.s32 $0x108;
	_ =	swait.ge @!p0 [sflag:s8], $0x0  }
0x24: {  	s3 =	sadd.s32 $0x88, s3;
	s6 =	simm.s32 @!p1 $0x1082;
	[sflag:s4] =	ssyncset.s32 $0xFFFFF086  }
0x25: {  	[simem:s6], [sflag:s4] =	dma.local [hbm:s3], $0xF7A  }
0x26: {  	[smem:$0x3F9B] =	sst s1;
	(tag) =	ssettag s2;
	_ =	strace s9  }
0x27: {  	s1 =	sld [smem:$0x3FAB]  }
0x28: {  	s2 =	sld [smem:$0x3FAC]  }
0x29: {  	s4 =	sld [smem:$0x3FAE]  }
0x2a: {  	p0 =	seq.s32 s5, $0x0;
	s5 =	sld [smem:$0x3FAF]  }
0x2b: {  	s6 =	sld [smem:$0x3FB0]  }
0x2c: {  	s7 =	sld [smem:$0x3FB1]  }
0x2d: {  	s3 =	simm.s32 $0x108;
	s8 =	sld [smem:$0x3FB2]  }
0x2e: {  	s3 =	simm.s32 @!p0 $0x1082;
	s9 =	sld [smem:$0x3FB3]  }
0x2f: {  	lr =	sadd.s32 s0, s3;
	s0 =	sld [smem:$0x3FAA]  }
0x30: {  	s3 =	sld [smem:$0x3FAD]  }
0x31: {  	[smem:$0x3FB6] =	sst s10  }
0x32: {  	s10 =	sld [smem:$0x3FB4];
	_ =	sdelay $0x3  }
0x33: {  	p0 =	seq.s32 s10, $0x1;
	s10 =	sld [smem:$0x3FB6];
	_ =	sdelay $0x3  }
0x34: {  	[smem:$0x3FB6] =	sst s10  }
0x35: {  	s10 =	sld [smem:$0x3FB5];
	_ =	sdelay $0x3  }
0x36: {  	p1 =	seq.s32 s10, $0x1;
	s10 =	sld [smem:$0x3FB6];
	_ =	sdelay $0x3  }
0x37: {  	[smem:$0x3FB6] =	sst s10  }
0x38: {  	s10 =	sld [smem:$0x3FB7]  }
0x39: {  	_ = 	snop;
	(pc) =	sbr.ind lr, $3  }
0x3a: {  	_ = 	snop  }
0x3b: {  	_ = 	snop  }
0x3c: {  	p2 =	seq.s32 s10, $0x1;
	s10 =	sld [smem:$0x3FB6]  }
0x3d: {  	_ =	shalt  }
0x3e: {  	_ =	shalt  }
0x3f: {  	_ =	shalt  }
0x40: {  	_ =	shalt  }
0x41: {  	_ =	shalt  }
0x42: {  	_ =	shalt  }
0x43: {  	_ =	shalt  }
0x44: {  	_ =	shalt  }
0x45: {  	_ =	shalt  }
0x46: {  	_ =	shalt  }
0x47: {  	_ =	shalt  }
0x48: {  	_ =	shalt  }
0x49: {  	_ =	shalt  }
0x4a: {  	_ =	shalt  }
0x4b: {  	_ =	shalt  }
0x4c: {  	_ =	shalt  }
0x4d: {  	_ =	shalt  }
0x4e: {  	_ =	shalt  }
0x4f: {  	_ =	shalt  }
0x50: {  	_ =	shalt  }
0x51: {  	_ =	shalt  }
0x52: {  	_ =	shalt  }
0x53: {  	_ =	shalt  }
0x54: {  	_ =	shalt  }
0x55: {  	_ =	shalt  }
0x56: {  	_ =	shalt  }
0x57: {  	_ =	shalt  }
0x58: {  	_ =	shalt  }
0x59: {  	_ =	shalt  }
0x5a: {  	_ =	shalt  }
0x5b: {  	_ =	shalt  }
0x5c: {  	_ =	shalt  }
0x5d: {  	_ =	shalt  }
0x5e: {  	_ =	shalt  }
0x5f: {  	_ =	shalt  }
0x60: {  	_ =	shalt  }
0x61: {  	_ =	shalt  }
0x62: {  	_ =	shalt  }
0x63: {  	_ =	shalt  }
0x64: {  	_ =	shalt  }
0x65: {  	_ =	shalt  }
0x66: {  	_ =	shalt  }
0x67: {  	_ =	shalt  }
0x68: {  	_ =	shalt  }
0x69: {  	_ =	shalt  }
0x6a: {  	_ =	shalt  }
0x6b: {  	_ =	shalt  }
0x6c: {  	_ =	shalt  }
0x6d: {  	_ =	shalt  }
0x6e: {  	_ =	shalt  }
0x6f: {  	_ =	shalt  }
0x70: {  	_ =	shalt  }
0x71: {  	_ =	shalt  }
0x72: {  	_ =	shalt  }
0x73: {  	_ =	shalt  }
0x74: {  	_ =	shalt  }
0x75: {  	_ =	shalt  }
0x76: {  	_ =	shalt  }
0x77: {  	_ =	shalt  }
0x78: {  	_ =	shalt  }
0x79: {  	_ =	shalt  }
0x7a: {  	_ =	shalt  }
0x7b: {  	_ =	shalt  }
0x7c: {  	_ =	shalt  }
0x7d: {  	_ =	shalt  }
0x7e: {  	_ =	shalt  }
0x7f: {  	_ =	shalt  }
0x80: {  	_ =	shalt  }
0x81: {  	_ =	shalt  }
0x82: {  	_ =	shalt  }
0x83: {  	_ =	shalt  }
0x84: {  	_ =	shalt  }
0x85: {  	_ =	shalt  }
0x86: {  	_ =	shalt  }
0x87: {  	_ =	shalt  }
.Lfunc_end0:
.L_simem_size_0:
called_computation_lowered:
.L_overlay_start_0:
0x88: {  	s2 =	sld [smem:$0x3FD9]  }
0x89: {  	s3 =	sld [smem:$0x3FFE];
	_ =	sdelay $0x1  }
0x8a: {  	s1 =	srdreg.scid  }
0x8b: {  	s0 =	sand.u32 $0x1, s1  }
0x8c: {  	s16 =	sshll.u32 s0, $0xA;
	s2 =	sadd.s32 s3, s2  }
0x8d: {  	s2 =	sadd.s32 s2, s16  }
0x8e: {  	[smem:$0x3FC2] =	sst s2  }
0x8f: {  	_ = 	snop  }
0x90: {  	(tm) =	ssettm $0x1  }
0x91: {  	s17 =	sld [smem:$0x3FFB];
	_ =	sdelay $0x3  }
0x92: {  	_ =	strace s17  }
0x93: {  	s2 =	sld [smem:$0x3FFC];
	_ =	sdelay $0x3  }
0x94: {  	_ =	strace s2  }
0x95: {  	s2 =	sld [smem:$0x3FFD];
	_ =	sdelay $0x3  }
0x96: {  	_ =	strace s2  }
0x97: {  	_ =	strace $0x8FFFFFFF  }
0x98: {  	s18 =	sld [smem:$0x3FDB];
	_ =	sdelay $0x1  }
0x99: {  	s19 =	simm.s32 $_scs_section_size  }
0x9a: {  	s4 =	simm.s32 $_size__tile_overlayer_lowered;
	s5 =	simm.s32 $_tile_overlayer_lowered  }
0x9b: {  	s22 =	simm.s32 $0x1BFF;
	s21 =	sshll.u32 s5, $0x1;
	s2 =	sadd.s32 s19, s18  }
0x9c: {  	s6 =	simm.s32 $0x0;
	s20 =	sshll.u32 s4, $0x1;
	s4 =	sadd.s32 s21, s2  }
0x9d: {  	[timem:s6], [sflag:s22] =	dma.local [hbm:s4], s20  }
0x9e: {  	_ =	swait.ge [sflag:s22], s20  }
0x9f: {  	s3 =	ssub.s32 $0x0, s20;
	[sflag:s22] =	ssyncset.done $0x0  }
0xa0: {  	[sflag:s22] =	ssyncadd.s32 s3;
	_ =	sdelay $0x1  }
0xa1: {  	s23 =	simm.s32 $0x1B8B  }
0xa2: {  	_ =	swait.ge [sflag:s23], $0x1  }
0xa3: {  	[sflag:s23] =	ssyncset.done $0x0  }
0xa4: {  	s25 =	simm.s32 $0x1B8E;
	s24 =	sld [smem:$0x3FFE];
	[sflag:s23] =	ssyncadd.s32 $0xFFFFFFFF  }
0xa5: {  	s26 =	simm.s32 $execute0_lowered;
	[smem:$0x3FD2] =	sst s25  }
0xa6: {  	s4 =	sshll.u32 s26, $0x1;
	_ =	strace $0x80000046;
	[dreg:$0x1] =	wrdreg $0xFFFFFFFF  }
0xa7: {  	s28 =	simm.s32 $_size_execute0_lowered;
	s2 =	sadd.s32 s2, s4;
	[dreg:$0x0] =	wrdreg $0x0  }
0xa8: {  	s4 =	sshll.u32 s28, $0x1;
	[dreg:$0x2] =	wrdreg s2  }
0xa9: {  	[dreg:$0x3] =	wrdreg s4  }
0xaa: {  	[dreg:$0x4] =	wrdreg $0xC0  }
0xab: {  	_ =	task [dreg:s6], $0x5FFFF  }
0xac: {  	[dreg:$0x1] =	wrdreg $0xFFFFFFFF  }
0xad: {  	[dreg:$0x0] =	wrdreg $0x60  }
0xae: {  	[dreg:$0x2] =	wrdreg s24  }
0xaf: {  	[dreg:$0x3] =	wrdreg $0x0  }
0xb0: {  	[dreg:$0x4] =	wrdreg $0x9  }
0xb1: {  	_ =	task.clear_ibuf [dreg:s6], $0x5FFFF;
	_ =	strace $0x90000046  }
0xb2: {  	s29 =	simm.s32 $0x9;
	_ =	strace $0x80000048  }
0xb3: {  	_ =	swait.ge [sflag:s29], $0x1  }
0xb4: {  	[sflag:s29] =	ssyncadd.s32 $0xFFFFFFFF  }
0xb5: {  	_ =	strace $0x90000048  }
0xb6: {  	_ =	sfence  }
0xb7: {  	s30 =	sld [smem:$0x0];
	_ =	sdelay $0x2  }
0xb8: {  	s31 =	sshll.u32 s1, $0xD;
	s1 =	sshrl.u32 s1, $0x2  }
0xb9: {  	s3 =	sand.u32 $0x4000, s31;
	s1 =	sadd.s32 s1, s30  }
0xba: {  	s0 =	sor.u32 s3, s0;
	s1 =	sshll.u32 s1, $0x11  }
0xbb: {  	s0 =	sor.u32 s1, s0  }
0xbc: {  	s0 =	sadd.s32 $0x8F2B, s0  }
0xbd: {  	[sflag:s0] =	ssyncadd.remote.s32 $0x1  }
0xbe: {  	_ =	sfence.sel $0xFFFF  }
0xbf: {  	[dreg:$0x0] =	wrdreg $0xFFFFFFFF;
	(pc) =	sbr.abs _section_cstart, $3  }
0xc0: {  	[dreg:$0x1] =	wrdreg $0xFFFFFFFF  }
0xc1: {  	_ =	task.clear_ibuf [dreg:s6], $0x2FFFF;
	_ =	strace $0x9FFFFFFF  }
0xc2: {  	(tm) =	ssettm $0x7FFFFFFF  }
0xc3: {  	_ =	shalt  }
tec
execute0_lowered:
.L_overlay_start_1:
0x0: {  	(tag) =	ssettag $0x1  }
0x1: {  	s6 =	rddreg [dreg:$0x0]  }
0x2: {  	s0 =	srdreg.scid;
	s2 =	rddreg [dreg:$0x1];
	s3 =	simm.s32 $0x0  }
0x3: {  	s13 =	simm.s32 $0x14000;
	s5 =	sand.u32 $0x1, s0;
	s0 =	stileid.u32  }
0x4: {  	s14 =	simm.s32 $0x80;
	s15 =	simm.s32 $0x1;
	s7 =	smul.u32 $0x2800, s0  }
0x5: {  	s16 =	simm.s32 $0x0;
	[smem:$0x7FF] =	sst s3;
	s8 =	smul.u32 $0x28000, s5  }
0x6: {  	s1 =	sshll.u32 s5, $0x4;
	s28 =	ssub.s32 $0x2, s5;
	s10 =	smul.u32 $0x50000, s0  }
0x7: {  	s5 =	sadd.s32 $0xCA00, s6;
	s31 =	sshll.u32 s0, $0x6;
	s1 =	sor.u32 s0, s1  }
0x8: {  	s29 =	sshrl.u32 s28, $0x1;
	s4 =	smul.u32 $0x500, s1;
	s1 =	rddreg [dreg:$0x2]  }
0x9: {  	_ =	strace $0x80000047;
	s7 =	sadd.s32 s7, s8;
	s30 =	sshrl.u32 s10, $0x2  }
0xa: {  	s12 =	ssub.s32 s28, s29;
	s11 =	sadd.s32 s7, s6;
	s10 =	sadd.s32 s30, s2  }
0xb: {  	s9 =	sadd.s32 s4, s6;
	s4 =	sadd.s32 $0xF200, s6;
	s6 =	sor.u32 $0x1C02, s31  }
0xc: {  	s8 =	sadd.s32 $0xFA00, s11;
	s10 =	sshrl.u32 s10, $0x3;
	s11 =	simm.s32 $0x2  }
0xd: {  	s7 =	sadd.s32 $0x2A00, s9;
	s9 =	smax.u32 s12, $0x1;
	s12 =	simm.s32 $0x16800  }
.LBB2_1:
0xe: {  	[spmem:s10], [sflag:s6] =	dma.local [hbm:s5], $0x2800  }
0xf: {  	_ =	swait.ge [sflag:s11], $0x2800  }
0x10: {  	[sflag:s11] =	ssyncset.done $0x0  }
0x11: {  	[sflag:s11] =	ssyncadd.s32 $0xFFFFD800  }
0x12: {  	[tilespmem:s12], [sflag:$0x2] =	stream.linear.gather [hbm4b:s4+s3], $0x4000, $0x38;
	[tilespmem:$0x1A800] =	vst v63  }
0x13: {  	_ =	swait.ge [sflag:s11], $0x4000  }
0x14: {  	[sflag:s11] =	ssyncset.done $0x0  }
0x15: {  	[sflag:s11] =	ssyncadd.s32 $0xFFFFC000  }
0x16: {  	[tilespmem:s13], [sflag:$0x2] =	stream.linear.gather [hbm4b:s7+s3], $0x2800, $0x38;
	[tilespmem:$0x1A800] =	vst v63  }
0x17: {  	_ =	swait.ge [sflag:s11], $0x2800  }
0x18: {  	[sflag:s11] =	ssyncset.done $0x0  }
0x19: {  	[sflag:s11] =	ssyncadd.s32 $0xFFFFD800  }
0x1a: {  	s17 =	simm.s32 $0x14000;
	[bflag:$0x0] =	sbarrier.arrive $0xFFFF  }
0x1b: {  	[spmem:s2] =	stream.indirect.scatter.add.f32 [tilespmem:s12], [sflag:$0x1], $0x80, s17, s14, $0xb8;
	[tilespmem:$0x1A800] =	vst v63  }
0x1c: {  	s24 =	simm.s32 $0x14080  }
0x1d: {  	[spmem:s2] =	stream.indirect.scatter.add.f32 [tilespmem:s12], [sflag:$0x1], $0x80, s24, s14, $0xb8;
	[tilespmem:$0x1A800] =	vst v63  }
0x1e: {  	s25 =	simm.s32 $0x14100  }
0x1f: {  	[spmem:s2] =	stream.indirect.scatter.add.f32 [tilespmem:s12], [sflag:$0x1], $0x80, s25, s14, $0xb8;
	[tilespmem:$0x1A800] =	vst v63  }
0x20: {  	s26 =	simm.s32 $0x14180  }
0x21: {  	[spmem:s2] =	stream.indirect.scatter.add.f32 [tilespmem:s12], [sflag:$0x1], $0x80, s26, s14, $0xb8;
	[tilespmem:$0x1A800] =	vst v63  }
0x22: {  	s28 =	simm.s32 $0x14200  }
0x23: {  	[spmem:s2] =	stream.indirect.scatter.add.f32 [tilespmem:s12], [sflag:$0x1], $0x80, s28, s14, $0xb8;
	[tilespmem:$0x1A800] =	vst v63  }
0x24: {  	s29 =	simm.s32 $0x14280  }
0x25: {  	[spmem:s2] =	stream.indirect.scatter.add.f32 [tilespmem:s12], [sflag:$0x1], $0x80, s29, s14, $0xb8;
	[tilespmem:$0x1A800] =	vst v63  }
0x26: {  	s30 =	simm.s32 $0x14300  }
0x27: {  	[spmem:s2] =	stream.indirect.scatter.add.f32 [tilespmem:s12], [sflag:$0x1], $0x80, s30, s14, $0xb8;
	[tilespmem:$0x1A800] =	vst v63  }
0x28: {  	s31 =	simm.s32 $0x14380  }
0x29: {  	[spmem:s2] =	stream.indirect.scatter.add.f32 [tilespmem:s12], [sflag:$0x1], $0x80, s31, s14, $0xb8;
	[tilespmem:$0x1A800] =	vst v63  }
0x2a: {  	_ =	swait.ge [sflag:s15], $0x4000  }
0x2b: {  	[sflag:s15] =	ssyncset.done $0x0  }
0x2c: {  	[sflag:s15] =	ssyncadd.s32 $0xFFFFC000  }
0x2d: {  	_ =	swait.ge [sflag:s15], $0x4000  }
0x2e: {  	[sflag:s15] =	ssyncset.done $0x0  }
0x2f: {  	[sflag:s15] =	ssyncadd.s32 $0xFFFFC000  }
0x30: {  	_ =	swait.ge [sflag:s15], $0x4000  }
0x31: {  	[sflag:s15] =	ssyncset.done $0x0  }
0x32: {  	[sflag:s15] =	ssyncadd.s32 $0xFFFFC000  }
0x33: {  	_ =	swait.ge [sflag:s15], $0x4000  }
0x34: {  	[sflag:s15] =	ssyncset.done $0x0  }
0x35: {  	[sflag:s15] =	ssyncadd.s32 $0xFFFFC000  }
0x36: {  	_ =	swait.ge [sflag:s15], $0x4000  }
0x37: {  	[sflag:s15] =	ssyncset.done $0x0  }
0x38: {  	[sflag:s15] =	ssyncadd.s32 $0xFFFFC000  }
0x39: {  	_ =	swait.ge [sflag:s15], $0x4000  }
0x3a: {  	[sflag:s15] =	ssyncset.done $0x0  }
0x3b: {  	[sflag:s15] =	ssyncadd.s32 $0xFFFFC000  }
0x3c: {  	_ =	swait.ge [sflag:s15], $0x4000  }
0x3d: {  	[sflag:s15] =	ssyncset.done $0x0  }
0x3e: {  	[sflag:s15] =	ssyncadd.s32 $0xFFFFC000  }
0x3f: {  	_ =	swait.ge [sflag:s15], $0x4000  }
0x40: {  	s20 =	simm.s32 $0x2000;
	s19 =	simm.s32 $0x400;
	[sflag:s15] =	ssyncset.done $0x0  }
.LBB2_2:
0x41: {  	s21 =	sadd.s32 $0x14000, s19  }
0x42: {  	[sflag:s15] =	ssyncadd.s32 $0xFFFFC000;
	s18 =	smov.u32 s20;
	s17 =	sadd.s32 $0x1000, s20  }
0x43: {  	[spmem:s2] =	stream.indirect.scatter.add.f32 [tilespmem:s12], [sflag:$0x1], $0x80, s21, s14, $0xb8;
	[tilespmem:$0x1A800] =	vst v63  }
0x44: {  	p0 =	sne.s32 s20, $0x9000;
	s20 =	sadd.s32 $0x14080, s19  }
0x45: {  	[spmem:s2] =	stream.indirect.scatter.add.f32 [tilespmem:s12], [sflag:$0x1], $0x80, s20, s14, $0xb8;
	[tilespmem:$0x1A800] =	vst v63  }
0x46: {  	s20 =	sadd.s32 $0x14100, s19  }
0x47: {  	[spmem:s2] =	stream.indirect.scatter.add.f32 [tilespmem:s12], [sflag:$0x1], $0x80, s20, s14, $0xb8;
	[tilespmem:$0x1A800] =	vst v63  }
0x48: {  	s20 =	sadd.s32 $0x14180, s19  }
0x49: {  	[spmem:s2] =	stream.indirect.scatter.add.f32 [tilespmem:s12], [sflag:$0x1], $0x80, s20, s14, $0xb8;
	[tilespmem:$0x1A800] =	vst v63  }
0x4a: {  	s20 =	sadd.s32 $0x14200, s19  }
0x4b: {  	[spmem:s2] =	stream.indirect.scatter.add.f32 [tilespmem:s12], [sflag:$0x1], $0x80, s20, s14, $0xb8;
	[tilespmem:$0x1A800] =	vst v63  }
0x4c: {  	s20 =	sadd.s32 $0x14280, s19  }
0x4d: {  	[spmem:s2] =	stream.indirect.scatter.add.f32 [tilespmem:s12], [sflag:$0x1], $0x80, s20, s14, $0xb8;
	[tilespmem:$0x1A800] =	vst v63  }
0x4e: {  	s20 =	sadd.s32 $0x14300, s19  }
0x4f: {  	[spmem:s2] =	stream.indirect.scatter.add.f32 [tilespmem:s12], [sflag:$0x1], $0x80, s20, s14, $0xb8;
	[tilespmem:$0x1A800] =	vst v63  }
0x50: {  	s19 =	sadd.s32 $0x14380, s19  }
0x51: {  	[spmem:s2] =	stream.indirect.scatter.add.f32 [tilespmem:s12], [sflag:$0x1], $0x80, s19, s14, $0xb8;
	[tilespmem:$0x1A800] =	vst v63  }
0x52: {  	_ =	swait.ge [sflag:s15], $0x4000  }
0x53: {  	[sflag:s15] =	ssyncset.done $0x0  }
0x54: {  	[sflag:s15] =	ssyncadd.s32 $0xFFFFC000  }
0x55: {  	_ =	swait.ge [sflag:s15], $0x4000  }
0x56: {  	[sflag:s15] =	ssyncset.done $0x0  }
0x57: {  	[sflag:s15] =	ssyncadd.s32 $0xFFFFC000  }
0x58: {  	_ =	swait.ge [sflag:s15], $0x4000  }
0x59: {  	[sflag:s15] =	ssyncset.done $0x0  }
0x5a: {  	[sflag:s15] =	ssyncadd.s32 $0xFFFFC000  }
0x5b: {  	_ =	swait.ge [sflag:s15], $0x4000  }
0x5c: {  	[sflag:s15] =	ssyncset.done $0x0  }
0x5d: {  	[sflag:s15] =	ssyncadd.s32 $0xFFFFC000  }
0x5e: {  	_ =	swait.ge [sflag:s15], $0x4000  }
0x5f: {  	[sflag:s15] =	ssyncset.done $0x0  }
0x60: {  	[sflag:s15] =	ssyncadd.s32 $0xFFFFC000  }
0x61: {  	_ =	swait.ge [sflag:s15], $0x4000  }
0x62: {  	[sflag:s15] =	ssyncset.done $0x0  }
0x63: {  	[sflag:s15] =	ssyncadd.s32 $0xFFFFC000  }
.Ltmp0:
0x64: {  	_ =	swait.ge [sflag:s15], $0x4000;
	(pc) =	sbr.rel @p0 .LBB2_2-.Ltmp0, $4  }
0x65: {  	[sflag:s15] =	ssyncset.done $0x0  }
0x66: {  	[sflag:s15] =	ssyncadd.s32 $0xFFFFC000  }
0x67: {  	_ =	swait.ge [sflag:s15], $0x4000  }
0x68: {  	s20 =	smov.u32 s17;
	s19 =	sshra.s32 s18, $0x2;
	[sflag:s15] =	ssyncset.done $0x0  }
0x69: {  	s17 =	sadd.s32 $0x14000, s19;
	[sflag:s15] =	ssyncadd.s32 $0xFFFFC000  }
0x6a: {  	[spmem:s2] =	stream.indirect.scatter.add.f32 [tilespmem:s12], [sflag:$0x1], $0x80, s17, s14, $0xb8;
	[tilespmem:$0x1A800] =	vst v63  }
0x6b: {  	s24 =	sadd.s32 $0x14080, s19  }
0x6c: {  	[spmem:s2] =	stream.indirect.scatter.add.f32 [tilespmem:s12], [sflag:$0x1], $0x80, s24, s14, $0xb8;
	[tilespmem:$0x1A800] =	vst v63  }
0x6d: {  	s25 =	sadd.s32 $0x14100, s19  }
0x6e: {  	[spmem:s2] =	stream.indirect.scatter.add.f32 [tilespmem:s12], [sflag:$0x1], $0x80, s25, s14, $0xb8;
	[tilespmem:$0x1A800] =	vst v63  }
0x6f: {  	s26 =	sadd.s32 $0x14180, s19  }
0x70: {  	[spmem:s2] =	stream.indirect.scatter.add.f32 [tilespmem:s12], [sflag:$0x1], $0x80, s26, s14, $0xb8;
	[tilespmem:$0x1A800] =	vst v63  }
0x71: {  	s28 =	sadd.s32 $0x14200, s19  }
0x72: {  	[spmem:s2] =	stream.indirect.scatter.add.f32 [tilespmem:s12], [sflag:$0x1], $0x80, s28, s14, $0xb8;
	[tilespmem:$0x1A800] =	vst v63  }
0x73: {  	s29 =	sadd.s32 $0x14280, s19  }
0x74: {  	[spmem:s2] =	stream.indirect.scatter.add.f32 [tilespmem:s12], [sflag:$0x1], $0x80, s29, s14, $0xb8;
	[tilespmem:$0x1A800] =	vst v63  }
0x75: {  	s30 =	sadd.s32 $0x14300, s19  }
0x76: {  	[spmem:s2] =	stream.indirect.scatter.add.f32 [tilespmem:s12], [sflag:$0x1], $0x80, s30, s14, $0xb8;
	[tilespmem:$0x1A800] =	vst v63  }
0x77: {  	s31 =	sadd.s32 $0x14380, s19  }
0x78: {  	[spmem:s2] =	stream.indirect.scatter.add.f32 [tilespmem:s12], [sflag:$0x1], $0x80, s31, s14, $0xb8;
	[tilespmem:$0x1A800] =	vst v63  }
0x79: {  	_ =	swait.ge [sflag:s15], $0x4000  }
0x7a: {  	[sflag:s15] =	ssyncset.done $0x0  }
0x7b: {  	[sflag:s15] =	ssyncadd.s32 $0xFFFFC000  }
0x7c: {  	_ =	swait.ge [sflag:s15], $0x4000  }
0x7d: {  	[sflag:s15] =	ssyncset.done $0x0  }
0x7e: {  	[sflag:s15] =	ssyncadd.s32 $0xFFFFC000  }
0x7f: {  	_ =	swait.ge [sflag:s15], $0x4000  }
0x80: {  	[sflag:s15] =	ssyncset.done $0x0  }
0x81: {  	[sflag:s15] =	ssyncadd.s32 $0xFFFFC000  }
0x82: {  	_ =	swait.ge [sflag:s15], $0x4000  }
0x83: {  	[sflag:s15] =	ssyncset.done $0x0  }
0x84: {  	[sflag:s15] =	ssyncadd.s32 $0xFFFFC000  }
0x85: {  	_ =	swait.ge [sflag:s15], $0x4000  }
0x86: {  	[sflag:s15] =	ssyncset.done $0x0  }
0x87: {  	[sflag:s15] =	ssyncadd.s32 $0xFFFFC000  }
0x88: {  	_ =	swait.ge [sflag:s15], $0x4000  }
0x89: {  	[sflag:s15] =	ssyncset.done $0x0  }
0x8a: {  	[sflag:s15] =	ssyncadd.s32 $0xFFFFC000  }
0x8b: {  	_ =	swait.ge [sflag:s15], $0x4000  }
0x8c: {  	[sflag:s15] =	ssyncset.done $0x0  }
0x8d: {  	[sflag:s15] =	ssyncadd.s32 $0xFFFFC000  }
0x8e: {  	_ =	swait.ge [sflag:s15], $0x4000  }
0x8f: {  	s16 =	sadd.s32 $0x1, s16;
	[sflag:s15] =	ssyncset.done $0x0  }
0x90: {  	p0 =	sne.s32 s16, s9;
	[sflag:s15] =	ssyncadd.s32 $0xFFFFC000  }
.Ltmp1:
0x91: {  	[bflag:$0x0] =	sbarrier.arrive $0xFFFF;
	(pc) =	sbr.rel @p0 .LBB2_1-.Ltmp1, $4  }
0x92: {  	[hbm:s8], [sflag:s6] =	dma.local [spmem:s10], $0x2800  }
0x93: {  	_ =	swait.ge [sflag:s11], $0x2800  }
0x94: {  	[sflag:s11] =	ssyncset.done $0x0  }
0x95: {  	[sflag:s11] =	ssyncadd.s32 $0xFFFFD800  }
0x96: {  	_ =	sfence.sel $0x180000  }
0x97: {  	[bflag:$0x0] =	sbarrier.arrive $0xFFFF  }
0x98: {  	p0 =	sne.s32 s0, $0x0;
	_ =	strace $0x90000047  }
0x99: {  	s0 =	sadd.s32 @!p0 $0x100000, s1;
	[bflag:$0x2] =	sbarrier.arrive $0xFFFF  }
0x9a: {  	[sflag:s0] =	ssyncadd.tile.s32 @!p0 $0x1;
	_ =	shalt  }
.Lfunc_end2:
_tile_overlayer_lowered:
.L_overlay_start_2:
0x9b: {  	(tag) =	ssettag $0x2  }
0x9c: {  	s0 =	rddreg [dreg:$0x0];
	s2 =	stileid.u32  }
0x9d: {  	s1 =	rddreg [dreg:$0x1];
	p0 =	sne.s32 s2, $0x0  }
0x9e: {  	s3 =	rddreg [dreg:$0x2];
	[bflag:$0x3] =	sbarrier.arrive $0xFFFF;
	s2 =	simm.s32 @!p0 $0x1C02  }
0x9f: {  	[timem:s3], [sflag:s2] =	dma.local @!p0 [hbm:s0], s1  }
0xa0: {  	s0 =	simm.s32 @!p0 $0x2  }
0xa1: {  	_ =	swait.ge @!p0 [sflag:s0], s1  }
0xa2: {  	s1 =	ssub.s32 @!p0 $0x0, s1;
	[sflag:s0] =	ssyncset.done @!p0 $0x0  }
0xa3: {  	[sflag:s0] =	ssyncadd.s32 @!p0 s1  }
0xa4: {  	[bflag:$0x3] =	sbarrier.arrive $0xFFFF  }
0xa5: {  	_ =	shalt  }

</sc_bundles>
